<compile_context>
chip_gen: v7x
topology: tpu7x:2x2x1
jax: 0.10.2.dev20260603
libtpu: 0.0.44.dev20260713+nightly
codegen_flags: <defaults>
</compile_context>

<pallas_src>
import functools

import jax
import jax.numpy as jnp
from jax import lax
from jax.experimental import pallas as pl
from jax.experimental.pallas import tpu as pltpu
from jax.experimental.pallas import tpu_sc as plsc

N = 10000
E = 160000
D = 128
DE = 16
DU = 16
B = 64
NSLOT = 8
NCONV = 4

NW = 32
CH = 64
CPW = 80
EPAD = NW * CH * CPW
NTRASH = 8
NP8 = N + NTRASH

ROWS = 1000
NT = N // ROWS
EROWS = 2048
ET = EPAD // EROWS
RZA = 624
RZB = N - 15 * RZA

_f32 = jnp.float32


def _dot(a, b):
    return jnp.dot(a, b, preferred_element_type=_f32)


def _dot_exact(a, b):
    return jnp.dot(a, b, preferred_element_type=_f32,
                   precision=lax.Precision.HIGHEST)



def _pad_w3(w3):
    return jnp.pad(w3, ((0, 0), (0, 127)))


def _lin_body(x_ref, w_ref, b_ref, o_ref):
    o_ref[...] = _dot(x_ref[...], w_ref[...]) + b_ref[...]


def _node_lin(x, w, b):
    return pl.pallas_call(
        _lin_body,
        grid=(NT,),
        in_specs=[pl.BlockSpec((ROWS, D), lambda i: (i, 0)),
                  pl.BlockSpec((D, D), lambda i: (0, 0)),
                  pl.BlockSpec((1, D), lambda i: (0, 0))],
        out_specs=pl.BlockSpec((ROWS, D), lambda i: (i, 0)),
        out_shape=jax.ShapeDtypeStruct((N, D), _f32),
        interpret=False,
    )(x, w, b)


def _pre_body(x_ref, b2_ref, wsrc_ref, wdst_ref, u_ref, wub_ref, bm_ref,
              xs_ref, xd2_ref):
    x = x_ref[...]
    xs_ref[...] = _dot(x, wsrc_ref[...])
    ub = _dot(u_ref[...], wub_ref[...])
    bo = (b2_ref[...] == lax.broadcasted_iota(jnp.int32, (1, B), 1)
          ).astype(_f32)
    xd2_ref[...] = (_dot(x, wdst_ref[...]) + _dot_exact(bo, ub)
                    + bm_ref[...])


def _pre_node(x, batch2, wsrc, wdst, u, wub, bm):
    return pl.pallas_call(
        _pre_body,
        grid=(NT,),
        in_specs=[pl.BlockSpec((ROWS, D), lambda i: (i, 0)),
                  pl.BlockSpec((ROWS, 1), lambda i: (i, 0)),
                  pl.BlockSpec((D, D), lambda i: (0, 0)),
                  pl.BlockSpec((D, D), lambda i: (0, 0)),
                  pl.BlockSpec((B, DU), lambda i: (0, 0)),
                  pl.BlockSpec((DU, D), lambda i: (0, 0)),
                  pl.BlockSpec((1, D), lambda i: (0, 0))],
        out_specs=[pl.BlockSpec((ROWS, D), lambda i: (i, 0)),
                   pl.BlockSpec((ROWS, D), lambda i: (i, 0))],
        out_shape=[jax.ShapeDtypeStruct((N, D), _f32),
                   jax.ShapeDtypeStruct((NP8, D), _f32)],
        interpret=False,
    )(x, batch2, wsrc, wdst, u, wub, bm)


def _eb2_body(ea_ref, es_ref, wme_ref, cs_ref, o_ref):
    so = (es_ref[...] == lax.broadcasted_iota(jnp.int32, (1, NSLOT), 1)
          ).astype(_f32)
    o_ref[...] = (_dot(ea_ref[...], wme_ref[...])
                  + _dot_exact(so, cs_ref[...]))


def _edge_pre(eap, esp, wme, cslot):
    return pl.pallas_call(
        _eb2_body,
        grid=(ET,),
        in_specs=[pl.BlockSpec((EROWS, DE), lambda i: (i, 0)),
                  pl.BlockSpec((EROWS, 1), lambda i: (i, 0)),
                  pl.BlockSpec((DE, D), lambda i: (0, 0)),
                  pl.BlockSpec((NSLOT, D), lambda i: (0, 0))],
        out_specs=pl.BlockSpec((EROWS, D), lambda i: (i, 0)),
        out_shape=jax.ShapeDtypeStruct((EPAD, D), _f32),
        interpret=False,
    )(eap, esp, wme, cslot)


def _upd_body(residual, x_ref, a0_ref, a1_ref, res_ref, w1_ref, w2_ref,
              bu_ref, o_ref):
    agg = a0_ref[...] + a1_ref[...]
    o = _dot(x_ref[...], w1_ref[...]) + _dot(agg, w2_ref[...]) + bu_ref[...]
    if residual:
        o = o + res_ref[...]
    o_ref[...] = jnp.maximum(o, 0.0)


def _update(x, a0, a1, res, w1, w2, bu, residual):
    return pl.pallas_call(
        functools.partial(_upd_body, residual),
        grid=(NT,),
        in_specs=[pl.BlockSpec((ROWS, D), lambda i: (i, 0)),
                  pl.BlockSpec((ROWS, D), lambda i: (i, 0)),
                  pl.BlockSpec((ROWS, D), lambda i: (i, 0)),
                  pl.BlockSpec((ROWS, D), lambda i: (i, 0)),
                  pl.BlockSpec((D, D), lambda i: (0, 0)),
                  pl.BlockSpec((D, D), lambda i: (0, 0)),
                  pl.BlockSpec((1, D), lambda i: (0, 0))],
        out_specs=pl.BlockSpec((ROWS, D), lambda i: (i, 0)),
        out_shape=jax.ShapeDtypeStruct((N, D), _f32),
        interpret=False,
    )(x, a0, a1, res, w1, w2, bu)


def _head_body(x_ref, gw1, gb1, gw2, gb2, gw3, nw1, nb1, nw2, nb2, nw3,
               g_ref, h_ref):
    x = x_ref[...]
    t = jnp.maximum(_dot(x, gw1[...]) + gb1[...], 0.0)
    t = jnp.maximum(_dot(t, gw2[...]) + gb2[...], 0.0)
    g_ref[...] = _dot(t, gw3[...])
    t = jnp.maximum(_dot(x, nw1[...]) + nb1[...], 0.0)
    t = jnp.maximum(_dot(t, nw2[...]) + nb2[...], 0.0)
    h_ref[...] = _dot(t, nw3[...])


def _heads(x, gw1, gb1, gw2, gb2, gw3, nw1, nb1, nw2, nb2, nw3):
    wb = lambda r, c: pl.BlockSpec((r, c), lambda i: (0, 0))
    return pl.pallas_call(
        _head_body,
        grid=(NT,),
        in_specs=[pl.BlockSpec((ROWS, D), lambda i: (i, 0)),
                  wb(D, 128), wb(1, 128), wb(128, 128), wb(1, 128),
                  wb(128, 128),
                  wb(D, 128), wb(1, 128), wb(128, 128), wb(1, 128),
                  wb(128, 128)],
        out_specs=[pl.BlockSpec((ROWS, D), lambda i: (i, 0)),
                   pl.BlockSpec((ROWS, D), lambda i: (i, 0))],
        out_shape=[jax.ShapeDtypeStruct((N, D), _f32),
                   jax.ShapeDtypeStruct((N, D), _f32)],
        interpret=False,
    )(x, gw1, gb1, gw2, gb2, gw3, nw1, nb1, nw2, nb2, nw3)


def _pool_body(g_ref, h_ref, b2_ref, gb3_ref, nb3_ref, o_ref,
               gmax_s, num_s, den_s):
    p = pl.program_id(0)
    t = pl.program_id(1)
    bo = b2_ref[...] == lax.broadcasted_iota(jnp.int32, (1, B), 1)

    @pl.when((p == 0) & (t == 0))
    def _():
        gmax_s[...] = jnp.full((1, B), -1e30, _f32)
        num_s[...] = jnp.zeros((1, B), _f32)
        den_s[...] = jnp.zeros((1, B), _f32)

    g = g_ref[...][:, 0:1]

    @pl.when(p == 0)
    def _():
        pm = jnp.max(jnp.where(bo, g, -1e30), axis=0, keepdims=True)
        gmax_s[...] = jnp.maximum(gmax_s[...], pm)

    @pl.when(p == 1)
    def _():
        bof = bo.astype(_f32)
        gm = jnp.sum(bof * gmax_s[...], axis=1, keepdims=True)
        ge = jnp.exp(g - gm)
        den_p = jnp.sum(bof * ge, axis=0, keepdims=True)
        num_p = jnp.sum(bof * (ge * h_ref[...][:, 0:1]), axis=0,
                        keepdims=True)
        num_s[...] = num_s[...] + num_p
        den_s[...] = den_s[...] + den_p

    @pl.when((p == 1) & (t == NT - 1))
    def _():
        den = den_s[...]
        o_ref[...] = jnp.where(den > 0.5,
                               num_s[...] / jnp.maximum(den, 1e-20)
                               + nb3_ref[...] + gb3_ref[...] * 0.0,
                               0.0)


def _pool(g, h, batch2, gb3, nb3):
    return pl.pallas_call(
        _pool_body,
        grid=(2, NT),
        in_specs=[pl.BlockSpec((ROWS, D), lambda p, t: (t, 0)),
                  pl.BlockSpec((ROWS, D), lambda p, t: (t, 0)),
                  pl.BlockSpec((ROWS, 1), lambda p, t: (t, 0)),
                  pl.BlockSpec((1, 1), lambda p, t: (0, 0)),
                  pl.BlockSpec((1, 1), lambda p, t: (0, 0))],
        out_specs=pl.BlockSpec((1, B), lambda p, t: (0, 0)),
        out_shape=jax.ShapeDtypeStruct((1, B), _f32),
        scratch_shapes=[pltpu.VMEM((1, B), _f32),
                        pltpu.VMEM((1, B), _f32),
                        pltpu.VMEM((1, B), _f32)],
        interpret=False,
    )(g, h, batch2, gb3, nb3)



def _sc_body(xs_hbm, xd2_hbm, eb2_hbm, src_hbm, dst_hbm, zeros_hbm, out_hbm,
             srcv0, srcv1, dstv0, dstv1, bufa0, bufa1, bufb0, bufb1,
             bufe0, bufe1, shared, sema0, sema1, semb0, semb1, seme0,
             seme1):
    srcv = (srcv0, srcv1)
    dstv = (dstv0, dstv1)
    bufa = (bufa0, bufa1)
    bufb = (bufb0, bufb1)
    bufe = (bufe0, bufe1)
    sema = (sema0, sema1)
    semb = (semb0, semb1)
    seme = (seme0, seme1)
    c = lax.axis_index("c")
    s = lax.axis_index("s")
    wid = s * 2 + c

    @pl.when(s < 15)
    def _():
        o = pl.multiple_of(s * RZA, 8)
        pltpu.sync_copy(zeros_hbm.at[pl.ds(o, RZA)],
                        shared.at[pl.ds(o, RZA)])

    @pl.when(s == 15)
    def _():
        pltpu.sync_copy(zeros_hbm.at[pl.ds(15 * RZA, RZB)],
                        shared.at[pl.ds(15 * RZA, RZB)])

    plsc.subcore_barrier()

    ebase = wid * (CPW * CH)

    def issue(k, b):
        off = pl.multiple_of(ebase + k * CH, CH)
        pltpu.sync_copy(src_hbm.at[pl.ds(off, CH)], srcv[b])
        pltpu.sync_copy(dst_hbm.at[pl.ds(off, CH)], dstv[b])
        pltpu.async_copy(xs_hbm.at[srcv[b]], bufa[b], sema[b])
        pltpu.async_copy(xd2_hbm.at[dstv[b]], bufb[b], semb[b])
        pltpu.async_copy(eb2_hbm.at[pl.ds(off, CH)], bufe[b], seme[b])

    def finish(b):
        pltpu.make_async_copy(eb2_hbm.at[pl.ds(0, CH)], bufa[b],
                              sema[b]).wait()
        pltpu.make_async_copy(eb2_hbm.at[pl.ds(0, CH)], bufb[b],
                              semb[b]).wait()
        pltpu.make_async_copy(eb2_hbm.at[pl.ds(0, CH)], bufe[b],
                              seme[b]).wait()

        def inner(e, carry2):
            for d2 in range(D // 16):
                sl = pl.ds(d2 * 16, 16)
                v = bufa[b][e, sl] + bufb[b][e, sl] + bufe[b][e, sl]
                bufe[b][e, sl] = jnp.maximum(v, 0.0)
            return carry2

        lax.fori_loop(0, CH, inner, 0)
        pltpu.sync_copy(bufe[b], shared.at[dstv[b]], add=True)

    issue(0, 0)

    def pair(i, carry):
        k0 = i * 2
        issue(k0 + 1, 1)
        finish(0)

        @pl.when(k0 + 2 < CPW)
        def _():
            issue(k0 + 2, 0)

        finish(1)
        return carry

    lax.fori_loop(0, CPW // 2, pair, 0)
    plsc.subcore_barrier()

    @pl.when(s < 15)
    def _():
        o = pl.multiple_of(s * RZA, 8)
        pltpu.sync_copy(shared.at[pl.ds(o, RZA)],
                        out_hbm.at[c, pl.ds(o, RZA)])

    @pl.when(s == 15)
    def _():
        pltpu.sync_copy(shared.at[pl.ds(15 * RZA, RZB)],
                        out_hbm.at[c, pl.ds(15 * RZA, RZB)])


@functools.cache
def _sc_edges_fn():
    return pl.kernel(
        _sc_body,
        out_type=jax.ShapeDtypeStruct((2, N, D), _f32),
        mesh=plsc.VectorSubcoreMesh(core_axis_name="c",
                                    subcore_axis_name="s"),
        scratch_types=([pltpu.VMEM((CH,), jnp.int32)] * 4
                       + [pltpu.VMEM((CH, D), _f32)] * 6
                       + [pltpu.VMEM_SHARED((NP8, D), _f32)]
                       + [pltpu.SemaphoreType.DMA] * 6),
    )


def _sc_edges(*args):
    return _sc_edges_fn()(*args)



def kernel(node_attr, edge_index, edge_slot, edge_attr, u, batch,
           node_lin_W, node_lin_b, conv_Wm, conv_bm, conv_slot, conv_Wu,
           conv_bu, gate_W1, gate_b1, gate_W2, gate_b2, gate_W3, gate_b3,
           nn_W1, nn_b1, nn_W2, nn_b2, nn_W3, nn_b3):
    src = edge_index[0]
    dst = edge_index[1]
    pad = EPAD - E
    srcp = jnp.concatenate([src, jnp.zeros((pad,), jnp.int32)])
    dstp = jnp.concatenate([dst, jnp.full((pad,), N, jnp.int32)])
    eap = jnp.concatenate([edge_attr, jnp.zeros((pad, DE), _f32)])
    esp = jnp.concatenate([edge_slot, jnp.zeros((pad,), jnp.int32)]
                          ).reshape(EPAD, 1)
    batch2 = batch.reshape(N, 1)
    zeros = jnp.zeros((N, D), _f32)

    x = _node_lin(node_attr, node_lin_W, node_lin_b.reshape(1, D))

    def conv(i, xin, res, residual):
        wm = conv_Wm[i]
        eb2 = _edge_pre(eap, esp, wm[2 * D:2 * D + DE], conv_slot[i])
        xs, xd2p = _pre_node(xin, batch2, wm[:D], wm[D:2 * D], u,
                             wm[2 * D + DE:], conv_bm[i].reshape(1, D))
        agg2 = _sc_edges(xs, xd2p, eb2, srcp, dstp, zeros)
        wu = conv_Wu[i]
        return _update(xin, agg2[0], agg2[1], res, wu[:D], wu[D:],
                       conv_bu[i].reshape(1, D), residual)

    ci = 0
    for _ in range(2):
        h = conv(ci, x, x, False)
        x = conv(ci + 1, h, x, True)
        ci += 2

    g, hv = _heads(x, gate_W1, gate_b1.reshape(1, 128), gate_W2,
                   gate_b2.reshape(1, 128), _pad_w3(gate_W3),
                   nn_W1, nn_b1.reshape(1, 128), nn_W2,
                   nn_b2.reshape(1, 128), _pad_w3(nn_W3))
    out = _pool(g, hv, batch2, gate_b3.reshape(1, 1), nn_b3.reshape(1, 1))
    return out.reshape(B, 1)

# --- scband reference (transcript-rebuilt; emitter-appended) ---
"""Pipeline reference for scband-shnet-5463198401370 (READ-ONLY COPY).

The authoritative reference and input builder live on the scoring server;
editing this copy changes nothing except your own understanding.
"""

import jax, jax.numpy as jnp
import numpy as np

N = 10000
E = 160000
D = 128
DE = 16
DU = 16
B = 64
NSLOT = 8
NCONV = 4


def setup_inputs(seed: int = 0):
    key = jax.random.key(seed)
    ks = jax.random.split(key, 20)
    s = 0.05
    inp = {}
    inp['node_attr'] = jax.random.normal(ks[0], (N, D), dtype=jnp.float32)
    inp['edge_index'] = jax.random.randint(ks[1], (2, E), 0, N, dtype=jnp.int32)
    inp['edge_slot'] = jax.random.randint(ks[2], (E,), 0, NSLOT, dtype=jnp.int32)
    inp['edge_attr'] = jax.random.normal(ks[3], (E, DE), dtype=jnp.float32)
    inp['u'] = jax.random.normal(ks[4], (B, DU), dtype=jnp.float32)
    inp['batch'] = jnp.sort(jax.random.randint(ks[5], (N,), 0, B, dtype=jnp.int32))
    inp['node_lin_W'] = jax.random.normal(ks[6], (D, D), dtype=jnp.float32) * s
    inp['node_lin_b'] = jnp.zeros((D,), dtype=jnp.float32)
    inp['conv_Wm'] = jax.random.normal(ks[7], (NCONV, 2 * D + DE + DU, D), dtype=jnp.float32) * s
    inp['conv_bm'] = jnp.zeros((NCONV, D), dtype=jnp.float32)
    inp['conv_slot'] = jax.random.normal(ks[8], (NCONV, NSLOT, D), dtype=jnp.float32) * s
    inp['conv_Wu'] = jax.random.normal(ks[9], (NCONV, 2 * D, D), dtype=jnp.float32) * s
    inp['conv_bu'] = jnp.zeros((NCONV, D), dtype=jnp.float32)
    inp['gate_W1'] = jax.random.normal(ks[10], (D, 128), dtype=jnp.float32) * s
    inp['gate_b1'] = jnp.zeros((128,), dtype=jnp.float32)
    inp['gate_W2'] = jax.random.normal(ks[11], (128, 128), dtype=jnp.float32) * s
    inp['gate_b2'] = jnp.zeros((128,), dtype=jnp.float32)
    inp['gate_W3'] = jax.random.normal(ks[12], (128, 1), dtype=jnp.float32) * s
    inp['gate_b3'] = jnp.zeros((1,), dtype=jnp.float32)
    inp['nn_W1'] = jax.random.normal(ks[13], (D, 128), dtype=jnp.float32) * s
    inp['nn_b1'] = jnp.zeros((128,), dtype=jnp.float32)
    inp['nn_W2'] = jax.random.normal(ks[14], (128, 128), dtype=jnp.float32) * s
    inp['nn_b2'] = jnp.zeros((128,), dtype=jnp.float32)
    inp['nn_W3'] = jax.random.normal(ks[15], (128, 1), dtype=jnp.float32) * s
    inp['nn_b3'] = jnp.zeros((1,), dtype=jnp.float32)
    return inp


def _mlp(x, W1, b1, W2, b2, W3, b3):
    h = jax.nn.relu(x @ W1 + b1)
    h = jax.nn.relu(h @ W2 + b2)
    return h @ W3 + b3


def reference(node_attr, edge_index, edge_slot, edge_attr, u, batch,
              node_lin_W, node_lin_b, conv_Wm, conv_bm, conv_slot, conv_Wu, conv_bu,
              gate_W1, gate_b1, gate_W2, gate_b2, gate_W3, gate_b3,
              nn_W1, nn_b1, nn_W2, nn_b2, nn_W3, nn_b3):
    src = edge_index[0]
    dst = edge_index[1]

    def conv(i, x):
        feat = jnp.concatenate([x[src], x[dst], edge_attr, u[batch[dst]]], axis=1)
        m = jax.nn.relu(feat @ conv_Wm[i] + conv_bm[i] + conv_slot[i][edge_slot])
        agg = jax.ops.segment_sum(m, dst, num_segments=N)
        return jnp.concatenate([x, agg], axis=1) @ conv_Wu[i] + conv_bu[i]

    x = node_attr @ node_lin_W + node_lin_b
    ci = 0
    for _ in range(2):  # args['layers'] ResBlocks, each with 2 graph convs
        h = jax.nn.relu(conv(ci, x))
        h = conv(ci + 1, h)
        x = jax.nn.relu(h + x)
        ci += 2

    gate = _mlp(x, gate_W1, gate_b1, gate_W2, gate_b2, gate_W3, gate_b3)[:, 0]
    hv = _mlp(x, nn_W1, nn_b1, nn_W2, nn_b2, nn_W3, nn_b3)
    gmax = jax.ops.segment_max(gate, batch, num_segments=B)
    ge = jnp.exp(gate - gmax[batch])
    den = jax.ops.segment_sum(ge, batch, num_segments=B)
    alpha = ge / den[batch]
    out = jax.ops.segment_sum(alpha[:, None] * hv, batch, num_segments=B)
    return out

if __name__ == "__main__":
    import jax
    _d = setup_inputs()
    print(jax.jit(kernel)(*tuple(_d.values())))

</pallas_src>

<mosaic_0001>
#map = affine_map<(d0, d1) -> (0, 0)>
#map1 = affine_map<(d0, d1) -> (0)>
#map2 = affine_map<(d0, d1) -> (0, 0, 0)>
module attributes {stable_mosaic.version = 14 : i64} {
  func.func @_sc_body(%arg0: i32, %arg1: i32, %arg2: memref<10000x128xf32, #tpu.memory_space<hbm>>, %arg3: memref<10008x128xf32, #tpu.memory_space<hbm>>, %arg4: memref<163840x128xf32, #tpu.memory_space<hbm>>, %arg5: memref<163840xi32, #tpu.memory_space<hbm>>, %arg6: memref<163840xi32, #tpu.memory_space<hbm>>, %arg7: memref<10000x128xf32, #tpu.memory_space<hbm>>, %arg8: memref<2x10000x128xf32, #tpu.memory_space<hbm>>, %arg9: memref<64xi32, #tpu.memory_space<vmem>>, %arg10: memref<64xi32, #tpu.memory_space<vmem>>, %arg11: memref<64xi32, #tpu.memory_space<vmem>>, %arg12: memref<64xi32, #tpu.memory_space<vmem>>, %arg13: memref<64x128xf32, #tpu.memory_space<vmem>>, %arg14: memref<64x128xf32, #tpu.memory_space<vmem>>, %arg15: memref<64x128xf32, #tpu.memory_space<vmem>>, %arg16: memref<64x128xf32, #tpu.memory_space<vmem>>, %arg17: memref<64x128xf32, #tpu.memory_space<vmem>>, %arg18: memref<64x128xf32, #tpu.memory_space<vmem>>, %arg19: memref<10008x128xf32, #tpu.memory_space<vmem_shared>>, %arg20: memref<!tpu.dma_semaphore, #tpu.memory_space<semaphore_mem>>, %arg21: memref<!tpu.dma_semaphore, #tpu.memory_space<semaphore_mem>>, %arg22: memref<!tpu.dma_semaphore, #tpu.memory_space<semaphore_mem>>, %arg23: memref<!tpu.dma_semaphore, #tpu.memory_space<semaphore_mem>>, %arg24: memref<!tpu.dma_semaphore, #tpu.memory_space<semaphore_mem>>, %arg25: memref<!tpu.dma_semaphore, #tpu.memory_space<semaphore_mem>>) attributes {dimension_semantics = [#tpu.dimension_semantics<core_parallel>, #tpu.dimension_semantics<subcore_parallel>], iteration_bounds = array<i64: 2, 16>, scalar_prefetch = 0 : i64, scratch_operands = 17 : i64, tpu.core_type = #tpu.core_type<sc_vector_subcore>, window_params = [{transform_indices = #map}, {transform_indices = #map}, {transform_indices = #map}, {transform_indices = #map1}, {transform_indices = #map1}, {transform_indices = #map}, {transform_indices = #map2}]} {
    %mul3A = arith.constant 2 : i32
    %mul3A_0 = arith.muli %arg1, %mul3A : i32
    %add3A = arith.addi %mul3A_0, %arg0 : i32
    %lt3A = arith.constant 15 : i32
    %lt3A_1 = arith.cmpi slt, %arg1, %lt3A : i32
    %convert_element_type3A = arith.extui %lt3A_1 : i1 to i32
    %cond3A = arith.constant 0 : i32
    %cond3A_2 = arith.cmpi ne, %convert_element_type3A, %cond3A : i32
    scf.if %cond3A_2 {
      %mul3A_36 = arith.constant 624 : i32
      %mul3A_37 = arith.muli %arg1, %mul3A_36 : i32
      %multiple_of3A_38 = tpu.assume_multiple %mul3A_37, 8 : i32
      "tpu.region"() ({
        %run_scoped3A = tpu.sem_alloc : memref<!tpu.dma_semaphore, #tpu.memory_space<semaphore_mem>>
        %dma_start3A_39 = arith.constant 0 : i32
        %dma_start3A_40 = tpu.memref_slice %arg19[%multiple_of3A_38, %dma_start3A_39] : memref<10008x128xf32, #tpu.memory_space<vmem_shared>> -> memref<624x128xf32, #tpu.memory_space<vmem_shared>>
        %dma_start3A_41 = arith.constant 0 : i32
        %dma_start3A_42 = tpu.memref_slice %arg7[%multiple_of3A_38, %dma_start3A_41] : memref<10000x128xf32, #tpu.memory_space<hbm>> -> memref<624x128xf32, #tpu.memory_space<hbm>>
        tpu.enqueue_dma source(%dma_start3A_42 : memref<624x128xf32, #tpu.memory_space<hbm>>) target(%dma_start3A_40 : memref<624x128xf32, #tpu.memory_space<vmem_shared>>) target_semaphore(%run_scoped3A : memref<!tpu.dma_semaphore, #tpu.memory_space<semaphore_mem>>)
        %dma_wait3A = arith.constant 0 : i32
        %dma_wait3A_43 = tpu.memref_slice %arg19[%multiple_of3A_38, %dma_wait3A] : memref<10008x128xf32, #tpu.memory_space<vmem_shared>> -> memref<624x128xf32, #tpu.memory_space<vmem_shared>>
        %dma_wait3A_44 = arith.constant 0 : i32
        %dma_wait3A_45 = tpu.memref_slice %arg7[%multiple_of3A_38, %dma_wait3A_44] : memref<10000x128xf32, #tpu.memory_space<hbm>> -> memref<624x128xf32, #tpu.memory_space<hbm>>
        tpu.wait_dma2 semaphore(%run_scoped3A : memref<!tpu.dma_semaphore, #tpu.memory_space<semaphore_mem>>) src(%dma_wait3A_45 : memref<624x128xf32, #tpu.memory_space<hbm>>) dst(%dma_wait3A_43 : memref<624x128xf32, #tpu.memory_space<vmem_shared>>)
        tpu.yield
      }) : () -> ()
    } else {
    }
    %eq3A = arith.constant 15 : i32
    %eq3A_3 = arith.cmpi eq, %arg1, %eq3A : i32
    %convert_element_type3A_4 = arith.extui %eq3A_3 : i1 to i32
    %cond3A_5 = arith.constant 0 : i32
    %cond3A_6 = arith.cmpi ne, %convert_element_type3A_4, %cond3A_5 : i32
    scf.if %cond3A_6 {
      "tpu.region"() ({
        %run_scoped3A = tpu.sem_alloc : memref<!tpu.dma_semaphore, #tpu.memory_space<semaphore_mem>>
        %dma_start3A_36 = arith.constant 9360 : i32
        %dma_start3A_37 = arith.constant 0 : i32
        %dma_start3A_38 = tpu.memref_slice %arg19[%dma_start3A_36, %dma_start3A_37] : memref<10008x128xf32, #tpu.memory_space<vmem_shared>> -> memref<640x128xf32, #tpu.memory_space<vmem_shared>>
        %dma_start3A_39 = arith.constant 9360 : i32
        %dma_start3A_40 = arith.constant 0 : i32
        %dma_start3A_41 = tpu.memref_slice %arg7[%dma_start3A_39, %dma_start3A_40] : memref<10000x128xf32, #tpu.memory_space<hbm>> -> memref<640x128xf32, #tpu.memory_space<hbm>>
        tpu.enqueue_dma source(%dma_start3A_41 : memref<640x128xf32, #tpu.memory_space<hbm>>) target(%dma_start3A_38 : memref<640x128xf32, #tpu.memory_space<vmem_shared>>) target_semaphore(%run_scoped3A : memref<!tpu.dma_semaphore, #tpu.memory_space<semaphore_mem>>)
        %dma_wait3A = arith.constant 9360 : i32
        %dma_wait3A_42 = arith.constant 0 : i32
        %dma_wait3A_43 = tpu.memref_slice %arg19[%dma_wait3A, %dma_wait3A_42] : memref<10008x128xf32, #tpu.memory_space<vmem_shared>> -> memref<640x128xf32, #tpu.memory_space<vmem_shared>>
        %dma_wait3A_44 = arith.constant 9360 : i32
        %dma_wait3A_45 = arith.constant 0 : i32
        %dma_wait3A_46 = tpu.memref_slice %arg7[%dma_wait3A_44, %dma_wait3A_45] : memref<10000x128xf32, #tpu.memory_space<hbm>> -> memref<640x128xf32, #tpu.memory_space<hbm>>
        tpu.wait_dma2 semaphore(%run_scoped3A : memref<!tpu.dma_semaphore, #tpu.memory_space<semaphore_mem>>) src(%dma_wait3A_46 : memref<640x128xf32, #tpu.memory_space<hbm>>) dst(%dma_wait3A_43 : memref<640x128xf32, #tpu.memory_space<vmem_shared>>)
        tpu.yield
      }) : () -> ()
    } else {
    }
    %barrier3A = arith.constant 0 : index
    tpu.barrier barrier_id(%barrier3A)
    %mul3A_7 = arith.constant 5120 : i32
    %mul3A_8 = arith.muli %add3A, %mul3A_7 : i32
    %add3A_9 = arith.constant 0 : i32
    %add3A_10 = arith.addi %mul3A_8, %add3A_9 : i32
    %multiple_of3A = tpu.assume_multiple %add3A_10, 64 : i32
    "tpu.region"() ({
      %run_scoped3A = tpu.sem_alloc : memref<!tpu.dma_semaphore, #tpu.memory_space<semaphore_mem>>
      %dma_start3A_36 = tpu.memref_slice %arg5[%multiple_of3A] : memref<163840xi32, #tpu.memory_space<hbm>> -> memref<64xi32, #tpu.memory_space<hbm>>
      %dma_start3A_37 = tpu.memref_slice %arg5[%multiple_of3A] : memref<163840xi32, #tpu.memory_space<hbm>> -> memref<64xi32, #tpu.memory_space<hbm>>
      tpu.enqueue_dma source(%dma_start3A_37 : memref<64xi32, #tpu.memory_space<hbm>>) target(%arg9 : memref<64xi32, #tpu.memory_space<vmem>>) target_semaphore(%run_scoped3A : memref<!tpu.dma_semaphore, #tpu.memory_space<semaphore_mem>>)
      %dma_wait3A = tpu.memref_slice %arg5[%multiple_of3A] : memref<163840xi32, #tpu.memory_space<hbm>> -> memref<64xi32, #tpu.memory_space<hbm>>
      %dma_wait3A_38 = tpu.memref_slice %arg5[%multiple_of3A] : memref<163840xi32, #tpu.memory_space<hbm>> -> memref<64xi32, #tpu.memory_space<hbm>>
      tpu.wait_dma2 semaphore(%run_scoped3A : memref<!tpu.dma_semaphore, #tpu.memory_space<semaphore_mem>>) src(%dma_wait3A_38 : memref<64xi32, #tpu.memory_space<hbm>>) dst(%arg9 : memref<64xi32, #tpu.memory_space<vmem>>)
      tpu.yield
    }) : () -> ()
    "tpu.region"() ({
      %run_scoped3A = tpu.sem_alloc : memref<!tpu.dma_semaphore, #tpu.memory_space<semaphore_mem>>
      %dma_start3A_36 = tpu.memref_slice %arg6[%multiple_of3A] : memref<163840xi32, #tpu.memory_space<hbm>> -> memref<64xi32, #tpu.memory_space<hbm>>
      %dma_start3A_37 = tpu.memref_slice %arg6[%multiple_of3A] : memref<163840xi32, #tpu.memory_space<hbm>> -> memref<64xi32, #tpu.memory_space<hbm>>
      tpu.enqueue_dma source(%dma_start3A_37 : memref<64xi32, #tpu.memory_space<hbm>>) target(%arg11 : memref<64xi32, #tpu.memory_space<vmem>>) target_semaphore(%run_scoped3A : memref<!tpu.dma_semaphore, #tpu.memory_space<semaphore_mem>>)
      %dma_wait3A = tpu.memref_slice %arg6[%multiple_of3A] : memref<163840xi32, #tpu.memory_space<hbm>> -> memref<64xi32, #tpu.memory_space<hbm>>
      %dma_wait3A_38 = tpu.memref_slice %arg6[%multiple_of3A] : memref<163840xi32, #tpu.memory_space<hbm>> -> memref<64xi32, #tpu.memory_space<hbm>>
      tpu.wait_dma2 semaphore(%run_scoped3A : memref<!tpu.dma_semaphore, #tpu.memory_space<semaphore_mem>>) src(%dma_wait3A_38 : memref<64xi32, #tpu.memory_space<hbm>>) dst(%arg11 : memref<64xi32, #tpu.memory_space<vmem>>)
      tpu.yield
    }) : () -> ()
    %dma_start3A = arith.constant 0 : i32
    %dma_start3A_11 = arith.constant 0 : i32
    %dma_start3A_12 = tpu.memref_slice %arg2[%dma_start3A, %dma_start3A_11] : memref<10000x128xf32, #tpu.memory_space<hbm>> -> memref<10000x128xf32, #tpu.memory_space<hbm>>
    tpu.enqueue_indirect_dma source(%dma_start3A_12 : memref<10000x128xf32, #tpu.memory_space<hbm>>) target(%arg13 : memref<64x128xf32, #tpu.memory_space<vmem>>) offsets(%arg9 : memref<64xi32, #tpu.memory_space<vmem>>) semaphore(%arg20 : memref<!tpu.dma_semaphore, #tpu.memory_space<semaphore_mem>>)
    %dma_start3A_13 = arith.constant 0 : i32
    %dma_start3A_14 = arith.constant 0 : i32
    %dma_start3A_15 = tpu.memref_slice %arg3[%dma_start3A_13, %dma_start3A_14] : memref<10008x128xf32, #tpu.memory_space<hbm>> -> memref<10008x128xf32, #tpu.memory_space<hbm>>
    tpu.enqueue_indirect_dma source(%dma_start3A_15 : memref<10008x128xf32, #tpu.memory_space<hbm>>) target(%arg15 : memref<64x128xf32, #tpu.memory_space<vmem>>) offsets(%arg11 : memref<64xi32, #tpu.memory_space<vmem>>) semaphore(%arg22 : memref<!tpu.dma_semaphore, #tpu.memory_space<semaphore_mem>>)
    %dma_start3A_16 = arith.constant 0 : i32
    %dma_start3A_17 = tpu.memref_slice %arg4[%multiple_of3A, %dma_start3A_16] : memref<163840x128xf32, #tpu.memory_space<hbm>> -> memref<64x128xf32, #tpu.memory_space<hbm>>
    %dma_start3A_18 = arith.constant 0 : i32
    %dma_start3A_19 = tpu.memref_slice %arg4[%multiple_of3A, %dma_start3A_18] : memref<163840x128xf32, #tpu.memory_space<hbm>> -> memref<64x128xf32, #tpu.memory_space<hbm>>
    tpu.enqueue_dma source(%dma_start3A_19 : memref<64x128xf32, #tpu.memory_space<hbm>>) target(%arg17 : memref<64x128xf32, #tpu.memory_space<vmem>>) target_semaphore(%arg24 : memref<!tpu.dma_semaphore, #tpu.memory_space<semaphore_mem>>)
    %scan3A = arith.constant 0 : i32
    %scan3A_20 = arith.constant 0 : i32
    %scan3A_21 = arith.constant 40 : i32
    %scan3A_22 = arith.addi %scan3A_20, %scan3A_21 : i32
    %scan3A_23 = arith.constant 1 : i32
    scf.for %scan3A_36 = %scan3A_20 to %scan3A_22 step %scan3A_23  : i32 {
      %mul3A_37 = arith.constant 2 : i32
      %mul3A_38 = arith.muli %scan3A_36, %mul3A_37 : i32
      %add3A_39 = arith.constant 1 : i32
      %add3A_40 = arith.addi %mul3A_38, %add3A_39 : i32
      %mul3A_41 = arith.constant 64 : i32
      %mul3A_42 = arith.muli %add3A_40, %mul3A_41 : i32
      %add3A_43 = arith.addi %mul3A_8, %mul3A_42 : i32
      %multiple_of3A_44 = tpu.assume_multiple %add3A_43, 64 : i32
      "tpu.region"() ({
        %run_scoped3A = tpu.sem_alloc : memref<!tpu.dma_semaphore, #tpu.memory_space<semaphore_mem>>
        %dma_start3A_109 = tpu.memref_slice %arg5[%multiple_of3A_44] : memref<163840xi32, #tpu.memory_space<hbm>> -> memref<64xi32, #tpu.memory_space<hbm>>
        %dma_start3A_110 = tpu.memref_slice %arg5[%multiple_of3A_44] : memref<163840xi32, #tpu.memory_space<hbm>> -> memref<64xi32, #tpu.memory_space<hbm>>
        tpu.enqueue_dma source(%dma_start3A_110 : memref<64xi32, #tpu.memory_space<hbm>>) target(%arg10 : memref<64xi32, #tpu.memory_space<vmem>>) target_semaphore(%run_scoped3A : memref<!tpu.dma_semaphore, #tpu.memory_space<semaphore_mem>>)
        %dma_wait3A_111 = tpu.memref_slice %arg5[%multiple_of3A_44] : memref<163840xi32, #tpu.memory_space<hbm>> -> memref<64xi32, #tpu.memory_space<hbm>>
        %dma_wait3A_112 = tpu.memref_slice %arg5[%multiple_of3A_44] : memref<163840xi32, #tpu.memory_space<hbm>> -> memref<64xi32, #tpu.memory_space<hbm>>
        tpu.wait_dma2 semaphore(%run_scoped3A : memref<!tpu.dma_semaphore, #tpu.memory_space<semaphore_mem>>) src(%dma_wait3A_112 : memref<64xi32, #tpu.memory_space<hbm>>) dst(%arg10 : memref<64xi32, #tpu.memory_space<vmem>>)
        tpu.yield
      }) : () -> ()
      "tpu.region"() ({
        %run_scoped3A = tpu.sem_alloc : memref<!tpu.dma_semaphore, #tpu.memory_space<semaphore_mem>>
        %dma_start3A_109 = tpu.memref_slice %arg6[%multiple_of3A_44] : memref<163840xi32, #tpu.memory_space<hbm>> -> memref<64xi32, #tpu.memory_space<hbm>>
        %dma_start3A_110 = tpu.memref_slice %arg6[%multiple_of3A_44] : memref<163840xi32, #tpu.memory_space<hbm>> -> memref<64xi32, #tpu.memory_space<hbm>>
        tpu.enqueue_dma source(%dma_start3A_110 : memref<64xi32, #tpu.memory_space<hbm>>) target(%arg12 : memref<64xi32, #tpu.memory_space<vmem>>) target_semaphore(%run_scoped3A : memref<!tpu.dma_semaphore, #tpu.memory_space<semaphore_mem>>)
        %dma_wait3A_111 = tpu.memref_slice %arg6[%multiple_of3A_44] : memref<163840xi32, #tpu.memory_space<hbm>> -> memref<64xi32, #tpu.memory_space<hbm>>
        %dma_wait3A_112 = tpu.memref_slice %arg6[%multiple_of3A_44] : memref<163840xi32, #tpu.memory_space<hbm>> -> memref<64xi32, #tpu.memory_space<hbm>>
        tpu.wait_dma2 semaphore(%run_scoped3A : memref<!tpu.dma_semaphore, #tpu.memory_space<semaphore_mem>>) src(%dma_wait3A_112 : memref<64xi32, #tpu.memory_space<hbm>>) dst(%arg12 : memref<64xi32, #tpu.memory_space<vmem>>)
        tpu.yield
      }) : () -> ()
      %dma_start3A_45 = arith.constant 0 : i32
      %dma_start3A_46 = arith.constant 0 : i32
      %dma_start3A_47 = tpu.memref_slice %arg2[%dma_start3A_45, %dma_start3A_46] : memref<10000x128xf32, #tpu.memory_space<hbm>> -> memref<10000x128xf32, #tpu.memory_space<hbm>>
      tpu.enqueue_indirect_dma source(%dma_start3A_47 : memref<10000x128xf32, #tpu.memory_space<hbm>>) target(%arg14 : memref<64x128xf32, #tpu.memory_space<vmem>>) offsets(%arg10 : memref<64xi32, #tpu.memory_space<vmem>>) semaphore(%arg21 : memref<!tpu.dma_semaphore, #tpu.memory_space<semaphore_mem>>)
      %dma_start3A_48 = arith.constant 0 : i32
      %dma_start3A_49 = arith.constant 0 : i32
      %dma_start3A_50 = tpu.memref_slice %arg3[%dma_start3A_48, %dma_start3A_49] : memref<10008x128xf32, #tpu.memory_space<hbm>> -> memref<10008x128xf32, #tpu.memory_space<hbm>>
      tpu.enqueue_indirect_dma source(%dma_start3A_50 : memref<10008x128xf32, #tpu.memory_space<hbm>>) target(%arg16 : memref<64x128xf32, #tpu.memory_space<vmem>>) offsets(%arg12 : memref<64xi32, #tpu.memory_space<vmem>>) semaphore(%arg23 : memref<!tpu.dma_semaphore, #tpu.memory_space<semaphore_mem>>)
      %dma_start3A_51 = arith.constant 0 : i32
      %dma_start3A_52 = tpu.memref_slice %arg4[%multiple_of3A_44, %dma_start3A_51] : memref<163840x128xf32, #tpu.memory_space<hbm>> -> memref<64x128xf32, #tpu.memory_space<hbm>>
      %dma_start3A_53 = arith.constant 0 : i32
      %dma_start3A_54 = tpu.memref_slice %arg4[%multiple_of3A_44, %dma_start3A_53] : memref<163840x128xf32, #tpu.memory_space<hbm>> -> memref<64x128xf32, #tpu.memory_space<hbm>>
      tpu.enqueue_dma source(%dma_start3A_54 : memref<64x128xf32, #tpu.memory_space<hbm>>) target(%arg18 : memref<64x128xf32, #tpu.memory_space<vmem>>) target_semaphore(%arg25 : memref<!tpu.dma_semaphore, #tpu.memory_space<semaphore_mem>>)
      %dma_wait3A = arith.constant 0 : i32
      %dma_wait3A_55 = arith.constant 0 : i32
      %dma_wait3A_56 = tpu.memref_slice %arg4[%dma_wait3A, %dma_wait3A_55] : memref<163840x128xf32, #tpu.memory_space<hbm>> -> memref<64x128xf32, #tpu.memory_space<hbm>>
      %dma_wait3A_57 = arith.constant 0 : i32
      %dma_wait3A_58 = arith.constant 0 : i32
      %dma_wait3A_59 = tpu.memref_slice %arg4[%dma_wait3A_57, %dma_wait3A_58] : memref<163840x128xf32, #tpu.memory_space<hbm>> -> memref<64x128xf32, #tpu.memory_space<hbm>>
      tpu.wait_dma2 semaphore(%arg20 : memref<!tpu.dma_semaphore, #tpu.memory_space<semaphore_mem>>) src(%dma_wait3A_59 : memref<64x128xf32, #tpu.memory_space<hbm>>) dst(%arg13 : memref<64x128xf32, #tpu.memory_space<vmem>>)
      %dma_wait3A_60 = arith.constant 0 : i32
      %dma_wait3A_61 = arith.constant 0 : i32
      %dma_wait3A_62 = tpu.memref_slice %arg4[%dma_wait3A_60, %dma_wait3A_61] : memref<163840x128xf32, #tpu.memory_space<hbm>> -> memref<64x128xf32, #tpu.memory_space<hbm>>
      %dma_wait3A_63 = arith.constant 0 : i32
      %dma_wait3A_64 = arith.constant 0 : i32
      %dma_wait3A_65 = tpu.memref_slice %arg4[%dma_wait3A_63, %dma_wait3A_64] : memref<163840x128xf32, #tpu.memory_space<hbm>> -> memref<64x128xf32, #tpu.memory_space<hbm>>
      tpu.wait_dma2 semaphore(%arg22 : memref<!tpu.dma_semaphore, #tpu.memory_space<semaphore_mem>>) src(%dma_wait3A_65 : memref<64x128xf32, #tpu.memory_space<hbm>>) dst(%arg15 : memref<64x128xf32, #tpu.memory_space<vmem>>)
      %dma_wait3A_66 = arith.constant 0 : i32
      %dma_wait3A_67 = arith.constant 0 : i32
      %dma_wait3A_68 = tpu.memref_slice %arg4[%dma_wait3A_66, %dma_wait3A_67] : memref<163840x128xf32, #tpu.memory_space<hbm>> -> memref<64x128xf32, #tpu.memory_space<hbm>>
      %dma_wait3A_69 = arith.constant 0 : i32
      %dma_wait3A_70 = arith.constant 0 : i32
      %dma_wait3A_71 = tpu.memref_slice %arg4[%dma_wait3A_69, %dma_wait3A_70] : memref<163840x128xf32, #tpu.memory_space<hbm>> -> memref<64x128xf32, #tpu.memory_space<hbm>>
      tpu.wait_dma2 semaphore(%arg24 : memref<!tpu.dma_semaphore, #tpu.memory_space<semaphore_mem>>) src(%dma_wait3A_71 : memref<64x128xf32, #tpu.memory_space<hbm>>) dst(%arg17 : memref<64x128xf32, #tpu.memory_space<vmem>>)
      %scan3A_72 = arith.constant 0 : i32
      %scan3A_73 = arith.constant 0 : i32
      %scan3A_74 = arith.constant 64 : i32
      %scan3A_75 = arith.addi %scan3A_73, %scan3A_74 : i32
      %scan3A_76 = arith.constant 1 : i32
      scf.for %scan3A_109 = %scan3A_73 to %scan3A_75 step %scan3A_76  : i32 {
        %get3A = arith.index_cast %scan3A_109 : i32 to index
        %get3A_110 = arith.constant 0 : index
        %get3A_111 = tpu.vector_load %arg13[%get3A, %get3A_110] {strides = array<i32>} : memref<64x128xf32, #tpu.memory_space<vmem>>, vector<1x16xf32>,
        %get3A_112 = vector.shape_cast %get3A_111 : vector<1x16xf32> to vector<16xf32>
        %get3A_113 = arith.index_cast %scan3A_109 : i32 to index
        %get3A_114 = arith.constant 0 : index
        %get3A_115 = tpu.vector_load %arg15[%get3A_113, %get3A_114] {strides = array<i32>} : memref<64x128xf32, #tpu.memory_space<vmem>>, vector<1x16xf32>,
        %get3A_116 = vector.shape_cast %get3A_115 : vector<1x16xf32> to vector<16xf32>
        %add3A_117 = arith.addf %get3A_112, %get3A_116 : vector<16xf32>
        %get3A_118 = arith.index_cast %scan3A_109 : i32 to index
        %get3A_119 = arith.constant 0 : index
        %get3A_120 = tpu.vector_load %arg17[%get3A_118, %get3A_119] {strides = array<i32>} : memref<64x128xf32, #tpu.memory_space<vmem>>, vector<1x16xf32>,
        %get3A_121 = vector.shape_cast %get3A_120 : vector<1x16xf32> to vector<16xf32>
        %add3A_122 = arith.addf %add3A_117, %get3A_121 : vector<16xf32>
        %max3A = arith.constant 0.000000e+00 : f32
        %max3A_123 = vector.broadcast %max3A : f32 to vector<16xf32>
        %max3A_124 = arith.maximumf %add3A_122, %max3A_123 : vector<16xf32>
        %swap3A = arith.index_cast %scan3A_109 : i32 to index
        %swap3A_125 = arith.constant 0 : index
        %swap3A_126 = tpu.vector_load %arg17[%swap3A, %swap3A_125] {strides = array<i32>} : memref<64x128xf32, #tpu.memory_space<vmem>>, vector<1x16xf32>,
        %swap3A_127 = vector.shape_cast %swap3A_126 : vector<1x16xf32> to vector<16xf32>
        %swap3A_128 = vector.shape_cast %max3A_124 : vector<16xf32> to vector<1x16xf32>
        tpu.vector_store %arg17[%swap3A, %swap3A_125], %swap3A_128 {strides = array<i32>} : memref<64x128xf32, #tpu.memory_space<vmem>>, vector<1x16xf32>,
        %get3A_129 = arith.index_cast %scan3A_109 : i32 to index
        %get3A_130 = arith.constant 16 : index
        %get3A_131 = tpu.vector_load %arg13[%get3A_129, %get3A_130] {strides = array<i32>} : memref<64x128xf32, #tpu.memory_space<vmem>>, vector<1x16xf32>,
        %get3A_132 = vector.shape_cast %get3A_131 : vector<1x16xf32> to vector<16xf32>
        %get3A_133 = arith.index_cast %scan3A_109 : i32 to index
        %get3A_134 = arith.constant 16 : index
        %get3A_135 = tpu.vector_load %arg15[%get3A_133, %get3A_134] {strides = array<i32>} : memref<64x128xf32, #tpu.memory_space<vmem>>, vector<1x16xf32>,
        %get3A_136 = vector.shape_cast %get3A_135 : vector<1x16xf32> to vector<16xf32>
        %add3A_137 = arith.addf %get3A_132, %get3A_136 : vector<16xf32>
        %get3A_138 = arith.index_cast %scan3A_109 : i32 to index
        %get3A_139 = arith.constant 16 : index
        %get3A_140 = tpu.vector_load %arg17[%get3A_138, %get3A_139] {strides = array<i32>} : memref<64x128xf32, #tpu.memory_space<vmem>>, vector<1x16xf32>,
        %get3A_141 = vector.shape_cast %get3A_140 : vector<1x16xf32> to vector<16xf32>
        %add3A_142 = arith.addf %add3A_137, %get3A_141 : vector<16xf32>
        %max3A_143 = arith.constant 0.000000e+00 : f32
        %max3A_144 = vector.broadcast %max3A_143 : f32 to vector<16xf32>
        %max3A_145 = arith.maximumf %add3A_142, %max3A_144 : vector<16xf32>
        %swap3A_146 = arith.index_cast %scan3A_109 : i32 to index
        %swap3A_147 = arith.constant 16 : index
        %swap3A_148 = tpu.vector_load %arg17[%swap3A_146, %swap3A_147] {strides = array<i32>} : memref<64x128xf32, #tpu.memory_space<vmem>>, vector<1x16xf32>,
        %swap3A_149 = vector.shape_cast %swap3A_148 : vector<1x16xf32> to vector<16xf32>
        %swap3A_150 = vector.shape_cast %max3A_145 : vector<16xf32> to vector<1x16xf32>
        tpu.vector_store %arg17[%swap3A_146, %swap3A_147], %swap3A_150 {strides = array<i32>} : memref<64x128xf32, #tpu.memory_space<vmem>>, vector<1x16xf32>,
        %get3A_151 = arith.index_cast %scan3A_109 : i32 to index
        %get3A_152 = arith.constant 32 : index
        %get3A_153 = tpu.vector_load %arg13[%get3A_151, %get3A_152] {strides = array<i32>} : memref<64x128xf32, #tpu.memory_space<vmem>>, vector<1x16xf32>,
        %get3A_154 = vector.shape_cast %get3A_153 : vector<1x16xf32> to vector<16xf32>
        %get3A_155 = arith.index_cast %scan3A_109 : i32 to index
        %get3A_156 = arith.constant 32 : index
        %get3A_157 = tpu.vector_load %arg15[%get3A_155, %get3A_156] {strides = array<i32>} : memref<64x128xf32, #tpu.memory_space<vmem>>, vector<1x16xf32>,
        %get3A_158 = vector.shape_cast %get3A_157 : vector<1x16xf32> to vector<16xf32>
        %add3A_159 = arith.addf %get3A_154, %get3A_158 : vector<16xf32>
        %get3A_160 = arith.index_cast %scan3A_109 : i32 to index
        %get3A_161 = arith.constant 32 : index
        %get3A_162 = tpu.vector_load %arg17[%get3A_160, %get3A_161] {strides = array<i32>} : memref<64x128xf32, #tpu.memory_space<vmem>>, vector<1x16xf32>,
        %get3A_163 = vector.shape_cast %get3A_162 : vector<1x16xf32> to vector<16xf32>
        %add3A_164 = arith.addf %add3A_159, %get3A_163 : vector<16xf32>
        %max3A_165 = arith.constant 0.000000e+00 : f32
        %max3A_166 = vector.broadcast %max3A_165 : f32 to vector<16xf32>
        %max3A_167 = arith.maximumf %add3A_164, %max3A_166 : vector<16xf32>
        %swap3A_168 = arith.index_cast %scan3A_109 : i32 to index
        %swap3A_169 = arith.constant 32 : index
        %swap3A_170 = tpu.vector_load %arg17[%swap3A_168, %swap3A_169] {strides = array<i32>} : memref<64x128xf32, #tpu.memory_space<vmem>>, vector<1x16xf32>,
        %swap3A_171 = vector.shape_cast %swap3A_170 : vector<1x16xf32> to vector<16xf32>
        %swap3A_172 = vector.shape_cast %max3A_167 : vector<16xf32> to vector<1x16xf32>
        tpu.vector_store %arg17[%swap3A_168, %swap3A_169], %swap3A_172 {strides = array<i32>} : memref<64x128xf32, #tpu.memory_space<vmem>>, vector<1x16xf32>,
        %get3A_173 = arith.index_cast %scan3A_109 : i32 to index
        %get3A_174 = arith.constant 48 : index
        %get3A_175 = tpu.vector_load %arg13[%get3A_173, %get3A_174] {strides = array<i32>} : memref<64x128xf32, #tpu.memory_space<vmem>>, vector<1x16xf32>,
        %get3A_176 = vector.shape_cast %get3A_175 : vector<1x16xf32> to vector<16xf32>
        %get3A_177 = arith.index_cast %scan3A_109 : i32 to index
        %get3A_178 = arith.constant 48 : index
        %get3A_179 = tpu.vector_load %arg15[%get3A_177, %get3A_178] {strides = array<i32>} : memref<64x128xf32, #tpu.memory_space<vmem>>, vector<1x16xf32>,
        %get3A_180 = vector.shape_cast %get3A_179 : vector<1x16xf32> to vector<16xf32>
        %add3A_181 = arith.addf %get3A_176, %get3A_180 : vector<16xf32>
        %get3A_182 = arith.index_cast %scan3A_109 : i32 to index
        %get3A_183 = arith.constant 48 : index
        %get3A_184 = tpu.vector_load %arg17[%get3A_182, %get3A_183] {strides = array<i32>} : memref<64x128xf32, #tpu.memory_space<vmem>>, vector<1x16xf32>,
        %get3A_185 = vector.shape_cast %get3A_184 : vector<1x16xf32> to vector<16xf32>
        %add3A_186 = arith.addf %add3A_181, %get3A_185 : vector<16xf32>
        %max3A_187 = arith.constant 0.000000e+00 : f32
        %max3A_188 = vector.broadcast %max3A_187 : f32 to vector<16xf32>
        %max3A_189 = arith.maximumf %add3A_186, %max3A_188 : vector<16xf32>
        %swap3A_190 = arith.index_cast %scan3A_109 : i32 to index
        %swap3A_191 = arith.constant 48 : index
        %swap3A_192 = tpu.vector_load %arg17[%swap3A_190, %swap3A_191] {strides = array<i32>} : memref<64x128xf32, #tpu.memory_space<vmem>>, vector<1x16xf32>,
        %swap3A_193 = vector.shape_cast %swap3A_192 : vector<1x16xf32> to vector<16xf32>
        %swap3A_194 = vector.shape_cast %max3A_189 : vector<16xf32> to vector<1x16xf32>
        tpu.vector_store %arg17[%swap3A_190, %swap3A_191], %swap3A_194 {strides = array<i32>} : memref<64x128xf32, #tpu.memory_space<vmem>>, vector<1x16xf32>,
        %get3A_195 = arith.index_cast %scan3A_109 : i32 to index
        %get3A_196 = arith.constant 64 : index
        %get3A_197 = tpu.vector_load %arg13[%get3A_195, %get3A_196] {strides = array<i32>} : memref<64x128xf32, #tpu.memory_space<vmem>>, vector<1x16xf32>,
        %get3A_198 = vector.shape_cast %get3A_197 : vector<1x16xf32> to vector<16xf32>
        %get3A_199 = arith.index_cast %scan3A_109 : i32 to index
        %get3A_200 = arith.constant 64 : index
        %get3A_201 = tpu.vector_load %arg15[%get3A_199, %get3A_200] {strides = array<i32>} : memref<64x128xf32, #tpu.memory_space<vmem>>, vector<1x16xf32>,
        %get3A_202 = vector.shape_cast %get3A_201 : vector<1x16xf32> to vector<16xf32>
        %add3A_203 = arith.addf %get3A_198, %get3A_202 : vector<16xf32>
        %get3A_204 = arith.index_cast %scan3A_109 : i32 to index
        %get3A_205 = arith.constant 64 : index
        %get3A_206 = tpu.vector_load %arg17[%get3A_204, %get3A_205] {strides = array<i32>} : memref<64x128xf32, #tpu.memory_space<vmem>>, vector<1x16xf32>,
        %get3A_207 = vector.shape_cast %get3A_206 : vector<1x16xf32> to vector<16xf32>
        %add3A_208 = arith.addf %add3A_203, %get3A_207 : vector<16xf32>
        %max3A_209 = arith.constant 0.000000e+00 : f32
        %max3A_210 = vector.broadcast %max3A_209 : f32 to vector<16xf32>
        %max3A_211 = arith.maximumf %add3A_208, %max3A_210 : vector<16xf32>
        %swap3A_212 = arith.index_cast %scan3A_109 : i32 to index
        %swap3A_213 = arith.constant 64 : index
        %swap3A_214 = tpu.vector_load %arg17[%swap3A_212, %swap3A_213] {strides = array<i32>} : memref<64x128xf32, #tpu.memory_space<vmem>>, vector<1x16xf32>,
        %swap3A_215 = vector.shape_cast %swap3A_214 : vector<1x16xf32> to vector<16xf32>
        %swap3A_216 = vector.shape_cast %max3A_211 : vector<16xf32> to vector<1x16xf32>
        tpu.vector_store %arg17[%swap3A_212, %swap3A_213], %swap3A_216 {strides = array<i32>} : memref<64x128xf32, #tpu.memory_space<vmem>>, vector<1x16xf32>,
        %get3A_217 = arith.index_cast %scan3A_109 : i32 to index
        %get3A_218 = arith.constant 80 : index
        %get3A_219 = tpu.vector_load %arg13[%get3A_217, %get3A_218] {strides = array<i32>} : memref<64x128xf32, #tpu.memory_space<vmem>>, vector<1x16xf32>,
        %get3A_220 = vector.shape_cast %get3A_219 : vector<1x16xf32> to vector<16xf32>
        %get3A_221 = arith.index_cast %scan3A_109 : i32 to index
        %get3A_222 = arith.constant 80 : index
        %get3A_223 = tpu.vector_load %arg15[%get3A_221, %get3A_222] {strides = array<i32>} : memref<64x128xf32, #tpu.memory_space<vmem>>, vector<1x16xf32>,
        %get3A_224 = vector.shape_cast %get3A_223 : vector<1x16xf32> to vector<16xf32>
        %add3A_225 = arith.addf %get3A_220, %get3A_224 : vector<16xf32>
        %get3A_226 = arith.index_cast %scan3A_109 : i32 to index
        %get3A_227 = arith.constant 80 : index
        %get3A_228 = tpu.vector_load %arg17[%get3A_226, %get3A_227] {strides = array<i32>} : memref<64x128xf32, #tpu.memory_space<vmem>>, vector<1x16xf32>,
        %get3A_229 = vector.shape_cast %get3A_228 : vector<1x16xf32> to vector<16xf32>
        %add3A_230 = arith.addf %add3A_225, %get3A_229 : vector<16xf32>
        %max3A_231 = arith.constant 0.000000e+00 : f32
        %max3A_232 = vector.broadcast %max3A_231 : f32 to vector<16xf32>
        %max3A_233 = arith.maximumf %add3A_230, %max3A_232 : vector<16xf32>
        %swap3A_234 = arith.index_cast %scan3A_109 : i32 to index
        %swap3A_235 = arith.constant 80 : index
        %swap3A_236 = tpu.vector_load %arg17[%swap3A_234, %swap3A_235] {strides = array<i32>} : memref<64x128xf32, #tpu.memory_space<vmem>>, vector<1x16xf32>,
        %swap3A_237 = vector.shape_cast %swap3A_236 : vector<1x16xf32> to vector<16xf32>
        %swap3A_238 = vector.shape_cast %max3A_233 : vector<16xf32> to vector<1x16xf32>
        tpu.vector_store %arg17[%swap3A_234, %swap3A_235], %swap3A_238 {strides = array<i32>} : memref<64x128xf32, #tpu.memory_space<vmem>>, vector<1x16xf32>,
        %get3A_239 = arith.index_cast %scan3A_109 : i32 to index
        %get3A_240 = arith.constant 96 : index
        %get3A_241 = tpu.vector_load %arg13[%get3A_239, %get3A_240] {strides = array<i32>} : memref<64x128xf32, #tpu.memory_space<vmem>>, vector<1x16xf32>,
        %get3A_242 = vector.shape_cast %get3A_241 : vector<1x16xf32> to vector<16xf32>
        %get3A_243 = arith.index_cast %scan3A_109 : i32 to index
        %get3A_244 = arith.constant 96 : index
        %get3A_245 = tpu.vector_load %arg15[%get3A_243, %get3A_244] {strides = array<i32>} : memref<64x128xf32, #tpu.memory_space<vmem>>, vector<1x16xf32>,
        %get3A_246 = vector.shape_cast %get3A_245 : vector<1x16xf32> to vector<16xf32>
        %add3A_247 = arith.addf %get3A_242, %get3A_246 : vector<16xf32>
        %get3A_248 = arith.index_cast %scan3A_109 : i32 to index
        %get3A_249 = arith.constant 96 : index
        %get3A_250 = tpu.vector_load %arg17[%get3A_248, %get3A_249] {strides = array<i32>} : memref<64x128xf32, #tpu.memory_space<vmem>>, vector<1x16xf32>,
        %get3A_251 = vector.shape_cast %get3A_250 : vector<1x16xf32> to vector<16xf32>
        %add3A_252 = arith.addf %add3A_247, %get3A_251 : vector<16xf32>
        %max3A_253 = arith.constant 0.000000e+00 : f32
        %max3A_254 = vector.broadcast %max3A_253 : f32 to vector<16xf32>
        %max3A_255 = arith.maximumf %add3A_252, %max3A_254 : vector<16xf32>
        %swap3A_256 = arith.index_cast %scan3A_109 : i32 to index
        %swap3A_257 = arith.constant 96 : index
        %swap3A_258 = tpu.vector_load %arg17[%swap3A_256, %swap3A_257] {strides = array<i32>} : memref<64x128xf32, #tpu.memory_space<vmem>>, vector<1x16xf32>,
        %swap3A_259 = vector.shape_cast %swap3A_258 : vector<1x16xf32> to vector<16xf32>
        %swap3A_260 = vector.shape_cast %max3A_255 : vector<16xf32> to vector<1x16xf32>
        tpu.vector_store %arg17[%swap3A_256, %swap3A_257], %swap3A_260 {strides = array<i32>} : memref<64x128xf32, #tpu.memory_space<vmem>>, vector<1x16xf32>,
        %get3A_261 = arith.index_cast %scan3A_109 : i32 to index
        %get3A_262 = arith.constant 112 : index
        %get3A_263 = tpu.vector_load %arg13[%get3A_261, %get3A_262] {strides = array<i32>} : memref<64x128xf32, #tpu.memory_space<vmem>>, vector<1x16xf32>,
        %get3A_264 = vector.shape_cast %get3A_263 : vector<1x16xf32> to vector<16xf32>
        %get3A_265 = arith.index_cast %scan3A_109 : i32 to index
        %get3A_266 = arith.constant 112 : index
        %get3A_267 = tpu.vector_load %arg15[%get3A_265, %get3A_266] {strides = array<i32>} : memref<64x128xf32, #tpu.memory_space<vmem>>, vector<1x16xf32>,
        %get3A_268 = vector.shape_cast %get3A_267 : vector<1x16xf32> to vector<16xf32>
        %add3A_269 = arith.addf %get3A_264, %get3A_268 : vector<16xf32>
        %get3A_270 = arith.index_cast %scan3A_109 : i32 to index
        %get3A_271 = arith.constant 112 : index
        %get3A_272 = tpu.vector_load %arg17[%get3A_270, %get3A_271] {strides = array<i32>} : memref<64x128xf32, #tpu.memory_space<vmem>>, vector<1x16xf32>,
        %get3A_273 = vector.shape_cast %get3A_272 : vector<1x16xf32> to vector<16xf32>
        %add3A_274 = arith.addf %add3A_269, %get3A_273 : vector<16xf32>
        %max3A_275 = arith.constant 0.000000e+00 : f32
        %max3A_276 = vector.broadcast %max3A_275 : f32 to vector<16xf32>
        %max3A_277 = arith.maximumf %add3A_274, %max3A_276 : vector<16xf32>
        %swap3A_278 = arith.index_cast %scan3A_109 : i32 to index
        %swap3A_279 = arith.constant 112 : index
        %swap3A_280 = tpu.vector_load %arg17[%swap3A_278, %swap3A_279] {strides = array<i32>} : memref<64x128xf32, #tpu.memory_space<vmem>>, vector<1x16xf32>,
        %swap3A_281 = vector.shape_cast %swap3A_280 : vector<1x16xf32> to vector<16xf32>
        %swap3A_282 = vector.shape_cast %max3A_277 : vector<16xf32> to vector<1x16xf32>
        tpu.vector_store %arg17[%swap3A_278, %swap3A_279], %swap3A_282 {strides = array<i32>} : memref<64x128xf32, #tpu.memory_space<vmem>>, vector<1x16xf32>,
      }
      %scan3A_77 = arith.constant 64 : i32
      "tpu.region"() ({
        %run_scoped3A = tpu.sem_alloc : memref<!tpu.dma_semaphore, #tpu.memory_space<semaphore_mem>>
        %dma_start3A_109 = arith.constant 0 : i32
        %dma_start3A_110 = arith.constant 0 : i32
        %dma_start3A_111 = tpu.memref_slice %arg19[%dma_start3A_109, %dma_start3A_110] : memref<10008x128xf32, #tpu.memory_space<vmem_shared>> -> memref<10008x128xf32, #tpu.memory_space<vmem_shared>>
        tpu.enqueue_indirect_dma source(%arg17 : memref<64x128xf32, #tpu.memory_space<vmem>>) target(%dma_start3A_111 : memref<10008x128xf32, #tpu.memory_space<vmem_shared>>) offsets(%arg11 : memref<64xi32, #tpu.memory_space<vmem>>) semaphore(%run_scoped3A : memref<!tpu.dma_semaphore, #tpu.memory_space<semaphore_mem>>) {add = true}
        %dma_wait3A_112 = arith.constant 0 : i32
        %dma_wait3A_113 = arith.constant 0 : i32
        %dma_wait3A_114 = tpu.memref_slice %arg19[%dma_wait3A_112, %dma_wait3A_113] : memref<10008x128xf32, #tpu.memory_space<vmem_shared>> -> memref<10008x128xf32, #tpu.memory_space<vmem_shared>>
        tpu.wait_indirect_dma semaphore(%run_scoped3A : memref<!tpu.dma_semaphore, #tpu.memory_space<semaphore_mem>>) src(%arg17 : memref<64x128xf32, #tpu.memory_space<vmem>>) dst(%dma_wait3A_114 : memref<10008x128xf32, #tpu.memory_space<vmem_shared>>)
        tpu.yield
      }) : () -> ()
      %add3A_78 = arith.constant 2 : i32
      %add3A_79 = arith.addi %mul3A_38, %add3A_78 : i32
      %lt3A_80 = arith.constant 80 : i32
      %lt3A_81 = arith.cmpi slt, %add3A_79, %lt3A_80 : i32
      %convert_element_type3A_82 = arith.extui %lt3A_81 : i1 to i32
      %cond3A_83 = arith.constant 0 : i32
      %cond3A_84 = arith.cmpi ne, %convert_element_type3A_82, %cond3A_83 : i32
      scf.if %cond3A_84 {
        %add3A_109 = arith.constant 2 : i32
        %add3A_110 = arith.addi %mul3A_38, %add3A_109 : i32
        %mul3A_111 = arith.constant 64 : i32
        %mul3A_112 = arith.muli %add3A_110, %mul3A_111 : i32
        %add3A_113 = arith.addi %mul3A_8, %mul3A_112 : i32
        %multiple_of3A_114 = tpu.assume_multiple %add3A_113, 64 : i32
        "tpu.region"() ({
          %run_scoped3A = tpu.sem_alloc : memref<!tpu.dma_semaphore, #tpu.memory_space<semaphore_mem>>
          %dma_start3A_125 = tpu.memref_slice %arg5[%multiple_of3A_114] : memref<163840xi32, #tpu.memory_space<hbm>> -> memref<64xi32, #tpu.memory_space<hbm>>
          %dma_start3A_126 = tpu.memref_slice %arg5[%multiple_of3A_114] : memref<163840xi32, #tpu.memory_space<hbm>> -> memref<64xi32, #tpu.memory_space<hbm>>
          tpu.enqueue_dma source(%dma_start3A_126 : memref<64xi32, #tpu.memory_space<hbm>>) target(%arg9 : memref<64xi32, #tpu.memory_space<vmem>>) target_semaphore(%run_scoped3A : memref<!tpu.dma_semaphore, #tpu.memory_space<semaphore_mem>>)
          %dma_wait3A_127 = tpu.memref_slice %arg5[%multiple_of3A_114] : memref<163840xi32, #tpu.memory_space<hbm>> -> memref<64xi32, #tpu.memory_space<hbm>>
          %dma_wait3A_128 = tpu.memref_slice %arg5[%multiple_of3A_114] : memref<163840xi32, #tpu.memory_space<hbm>> -> memref<64xi32, #tpu.memory_space<hbm>>
          tpu.wait_dma2 semaphore(%run_scoped3A : memref<!tpu.dma_semaphore, #tpu.memory_space<semaphore_mem>>) src(%dma_wait3A_128 : memref<64xi32, #tpu.memory_space<hbm>>) dst(%arg9 : memref<64xi32, #tpu.memory_space<vmem>>)
          tpu.yield
        }) : () -> ()
        "tpu.region"() ({
          %run_scoped3A = tpu.sem_alloc : memref<!tpu.dma_semaphore, #tpu.memory_space<semaphore_mem>>
          %dma_start3A_125 = tpu.memref_slice %arg6[%multiple_of3A_114] : memref<163840xi32, #tpu.memory_space<hbm>> -> memref<64xi32, #tpu.memory_space<hbm>>
          %dma_start3A_126 = tpu.memref_slice %arg6[%multiple_of3A_114] : memref<163840xi32, #tpu.memory_space<hbm>> -> memref<64xi32, #tpu.memory_space<hbm>>
          tpu.enqueue_dma source(%dma_start3A_126 : memref<64xi32, #tpu.memory_space<hbm>>) target(%arg11 : memref<64xi32, #tpu.memory_space<vmem>>) target_semaphore(%run_scoped3A : memref<!tpu.dma_semaphore, #tpu.memory_space<semaphore_mem>>)
          %dma_wait3A_127 = tpu.memref_slice %arg6[%multiple_of3A_114] : memref<163840xi32, #tpu.memory_space<hbm>> -> memref<64xi32, #tpu.memory_space<hbm>>
          %dma_wait3A_128 = tpu.memref_slice %arg6[%multiple_of3A_114] : memref<163840xi32, #tpu.memory_space<hbm>> -> memref<64xi32, #tpu.memory_space<hbm>>
          tpu.wait_dma2 semaphore(%run_scoped3A : memref<!tpu.dma_semaphore, #tpu.memory_space<semaphore_mem>>) src(%dma_wait3A_128 : memref<64xi32, #tpu.memory_space<hbm>>) dst(%arg11 : memref<64xi32, #tpu.memory_space<vmem>>)
          tpu.yield
        }) : () -> ()
        %dma_start3A_115 = arith.constant 0 : i32
        %dma_start3A_116 = arith.constant 0 : i32
        %dma_start3A_117 = tpu.memref_slice %arg2[%dma_start3A_115, %dma_start3A_116] : memref<10000x128xf32, #tpu.memory_space<hbm>> -> memref<10000x128xf32, #tpu.memory_space<hbm>>
        tpu.enqueue_indirect_dma source(%dma_start3A_117 : memref<10000x128xf32, #tpu.memory_space<hbm>>) target(%arg13 : memref<64x128xf32, #tpu.memory_space<vmem>>) offsets(%arg9 : memref<64xi32, #tpu.memory_space<vmem>>) semaphore(%arg20 : memref<!tpu.dma_semaphore, #tpu.memory_space<semaphore_mem>>)
        %dma_start3A_118 = arith.constant 0 : i32
        %dma_start3A_119 = arith.constant 0 : i32
        %dma_start3A_120 = tpu.memref_slice %arg3[%dma_start3A_118, %dma_start3A_119] : memref<10008x128xf32, #tpu.memory_space<hbm>> -> memref<10008x128xf32, #tpu.memory_space<hbm>>
        tpu.enqueue_indirect_dma source(%dma_start3A_120 : memref<10008x128xf32, #tpu.memory_space<hbm>>) target(%arg15 : memref<64x128xf32, #tpu.memory_space<vmem>>) offsets(%arg11 : memref<64xi32, #tpu.memory_space<vmem>>) semaphore(%arg22 : memref<!tpu.dma_semaphore, #tpu.memory_space<semaphore_mem>>)
        %dma_start3A_121 = arith.constant 0 : i32
        %dma_start3A_122 = tpu.memref_slice %arg4[%multiple_of3A_114, %dma_start3A_121] : memref<163840x128xf32, #tpu.memory_space<hbm>> -> memref<64x128xf32, #tpu.memory_space<hbm>>
        %dma_start3A_123 = arith.constant 0 : i32
        %dma_start3A_124 = tpu.memref_slice %arg4[%multiple_of3A_114, %dma_start3A_123] : memref<163840x128xf32, #tpu.memory_space<hbm>> -> memref<64x128xf32, #tpu.memory_space<hbm>>
        tpu.enqueue_dma source(%dma_start3A_124 : memref<64x128xf32, #tpu.memory_space<hbm>>) target(%arg17 : memref<64x128xf32, #tpu.memory_space<vmem>>) target_semaphore(%arg24 : memref<!tpu.dma_semaphore, #tpu.memory_space<semaphore_mem>>)
      } else {
      }
      %dma_wait3A_85 = arith.constant 0 : i32
      %dma_wait3A_86 = arith.constant 0 : i32
      %dma_wait3A_87 = tpu.memref_slice %arg4[%dma_wait3A_85, %dma_wait3A_86] : memref<163840x128xf32, #tpu.memory_space<hbm>> -> memref<64x128xf32, #tpu.memory_space<hbm>>
      %dma_wait3A_88 = arith.constant 0 : i32
      %dma_wait3A_89 = arith.constant 0 : i32
      %dma_wait3A_90 = tpu.memref_slice %arg4[%dma_wait3A_88, %dma_wait3A_89] : memref<163840x128xf32, #tpu.memory_space<hbm>> -> memref<64x128xf32, #tpu.memory_space<hbm>>
      tpu.wait_dma2 semaphore(%arg21 : memref<!tpu.dma_semaphore, #tpu.memory_space<semaphore_mem>>) src(%dma_wait3A_90 : memref<64x128xf32, #tpu.memory_space<hbm>>) dst(%arg14 : memref<64x128xf32, #tpu.memory_space<vmem>>)
      %dma_wait3A_91 = arith.constant 0 : i32
      %dma_wait3A_92 = arith.constant 0 : i32
      %dma_wait3A_93 = tpu.memref_slice %arg4[%dma_wait3A_91, %dma_wait3A_92] : memref<163840x128xf32, #tpu.memory_space<hbm>> -> memref<64x128xf32, #tpu.memory_space<hbm>>
      %dma_wait3A_94 = arith.constant 0 : i32
      %dma_wait3A_95 = arith.constant 0 : i32
      %dma_wait3A_96 = tpu.memref_slice %arg4[%dma_wait3A_94, %dma_wait3A_95] : memref<163840x128xf32, #tpu.memory_space<hbm>> -> memref<64x128xf32, #tpu.memory_space<hbm>>
      tpu.wait_dma2 semaphore(%arg23 : memref<!tpu.dma_semaphore, #tpu.memory_space<semaphore_mem>>) src(%dma_wait3A_96 : memref<64x128xf32, #tpu.memory_space<hbm>>) dst(%arg16 : memref<64x128xf32, #tpu.memory_space<vmem>>)
      %dma_wait3A_97 = arith.constant 0 : i32
      %dma_wait3A_98 = arith.constant 0 : i32
      %dma_wait3A_99 = tpu.memref_slice %arg4[%dma_wait3A_97, %dma_wait3A_98] : memref<163840x128xf32, #tpu.memory_space<hbm>> -> memref<64x128xf32, #tpu.memory_space<hbm>>
      %dma_wait3A_100 = arith.constant 0 : i32
      %dma_wait3A_101 = arith.constant 0 : i32
      %dma_wait3A_102 = tpu.memref_slice %arg4[%dma_wait3A_100, %dma_wait3A_101] : memref<163840x128xf32, #tpu.memory_space<hbm>> -> memref<64x128xf32, #tpu.memory_space<hbm>>
      tpu.wait_dma2 semaphore(%arg25 : memref<!tpu.dma_semaphore, #tpu.memory_space<semaphore_mem>>) src(%dma_wait3A_102 : memref<64x128xf32, #tpu.memory_space<hbm>>) dst(%arg18 : memref<64x128xf32, #tpu.memory_space<vmem>>)
      %scan3A_103 = arith.constant 0 : i32
      %scan3A_104 = arith.constant 0 : i32
      %scan3A_105 = arith.constant 64 : i32
      %scan3A_106 = arith.addi %scan3A_104, %scan3A_105 : i32
      %scan3A_107 = arith.constant 1 : i32
      scf.for %scan3A_109 = %scan3A_104 to %scan3A_106 step %scan3A_107  : i32 {
        %get3A = arith.index_cast %scan3A_109 : i32 to index
        %get3A_110 = arith.constant 0 : index
        %get3A_111 = tpu.vector_load %arg14[%get3A, %get3A_110] {strides = array<i32>} : memref<64x128xf32, #tpu.memory_space<vmem>>, vector<1x16xf32>,
        %get3A_112 = vector.shape_cast %get3A_111 : vector<1x16xf32> to vector<16xf32>
        %get3A_113 = arith.index_cast %scan3A_109 : i32 to index
        %get3A_114 = arith.constant 0 : index
        %get3A_115 = tpu.vector_load %arg16[%get3A_113, %get3A_114] {strides = array<i32>} : memref<64x128xf32, #tpu.memory_space<vmem>>, vector<1x16xf32>,
        %get3A_116 = vector.shape_cast %get3A_115 : vector<1x16xf32> to vector<16xf32>
        %add3A_117 = arith.addf %get3A_112, %get3A_116 : vector<16xf32>
        %get3A_118 = arith.index_cast %scan3A_109 : i32 to index
        %get3A_119 = arith.constant 0 : index
        %get3A_120 = tpu.vector_load %arg18[%get3A_118, %get3A_119] {strides = array<i32>} : memref<64x128xf32, #tpu.memory_space<vmem>>, vector<1x16xf32>,
        %get3A_121 = vector.shape_cast %get3A_120 : vector<1x16xf32> to vector<16xf32>
        %add3A_122 = arith.addf %add3A_117, %get3A_121 : vector<16xf32>
        %max3A = arith.constant 0.000000e+00 : f32
        %max3A_123 = vector.broadcast %max3A : f32 to vector<16xf32>
        %max3A_124 = arith.maximumf %add3A_122, %max3A_123 : vector<16xf32>
        %swap3A = arith.index_cast %scan3A_109 : i32 to index
        %swap3A_125 = arith.constant 0 : index
        %swap3A_126 = tpu.vector_load %arg18[%swap3A, %swap3A_125] {strides = array<i32>} : memref<64x128xf32, #tpu.memory_space<vmem>>, vector<1x16xf32>,
        %swap3A_127 = vector.shape_cast %swap3A_126 : vector<1x16xf32> to vector<16xf32>
        %swap3A_128 = vector.shape_cast %max3A_124 : vector<16xf32> to vector<1x16xf32>
        tpu.vector_store %arg18[%swap3A, %swap3A_125], %swap3A_128 {strides = array<i32>} : memref<64x128xf32, #tpu.memory_space<vmem>>, vector<1x16xf32>,
        %get3A_129 = arith.index_cast %scan3A_109 : i32 to index
        %get3A_130 = arith.constant 16 : index
        %get3A_131 = tpu.vector_load %arg14[%get3A_129, %get3A_130] {strides = array<i32>} : memref<64x128xf32, #tpu.memory_space<vmem>>, vector<1x16xf32>,
        %get3A_132 = vector.shape_cast %get3A_131 : vector<1x16xf32> to vector<16xf32>
        %get3A_133 = arith.index_cast %scan3A_109 : i32 to index
        %get3A_134 = arith.constant 16 : index
        %get3A_135 = tpu.vector_load %arg16[%get3A_133, %get3A_134] {strides = array<i32>} : memref<64x128xf32, #tpu.memory_space<vmem>>, vector<1x16xf32>,
        %get3A_136 = vector.shape_cast %get3A_135 : vector<1x16xf32> to vector<16xf32>
        %add3A_137 = arith.addf %get3A_132, %get3A_136 : vector<16xf32>
        %get3A_138 = arith.index_cast %scan3A_109 : i32 to index
        %get3A_139 = arith.constant 16 : index
        %get3A_140 = tpu.vector_load %arg18[%get3A_138, %get3A_139] {strides = array<i32>} : memref<64x128xf32, #tpu.memory_space<vmem>>, vector<1x16xf32>,
        %get3A_141 = vector.shape_cast %get3A_140 : vector<1x16xf32> to vector<16xf32>
        %add3A_142 = arith.addf %add3A_137, %get3A_141 : vector<16xf32>
        %max3A_143 = arith.constant 0.000000e+00 : f32
        %max3A_144 = vector.broadcast %max3A_143 : f32 to vector<16xf32>
        %max3A_145 = arith.maximumf %add3A_142, %max3A_144 : vector<16xf32>
        %swap3A_146 = arith.index_cast %scan3A_109 : i32 to index
        %swap3A_147 = arith.constant 16 : index
        %swap3A_148 = tpu.vector_load %arg18[%swap3A_146, %swap3A_147] {strides = array<i32>} : memref<64x128xf32, #tpu.memory_space<vmem>>, vector<1x16xf32>,
        %swap3A_149 = vector.shape_cast %swap3A_148 : vector<1x16xf32> to vector<16xf32>
        %swap3A_150 = vector.shape_cast %max3A_145 : vector<16xf32> to vector<1x16xf32>
        tpu.vector_store %arg18[%swap3A_146, %swap3A_147], %swap3A_150 {strides = array<i32>} : memref<64x128xf32, #tpu.memory_space<vmem>>, vector<1x16xf32>,
        %get3A_151 = arith.index_cast %scan3A_109 : i32 to index
        %get3A_152 = arith.constant 32 : index
        %get3A_153 = tpu.vector_load %arg14[%get3A_151, %get3A_152] {strides = array<i32>} : memref<64x128xf32, #tpu.memory_space<vmem>>, vector<1x16xf32>,
        %get3A_154 = vector.shape_cast %get3A_153 : vector<1x16xf32> to vector<16xf32>
        %get3A_155 = arith.index_cast %scan3A_109 : i32 to index
        %get3A_156 = arith.constant 32 : index
        %get3A_157 = tpu.vector_load %arg16[%get3A_155, %get3A_156] {strides = array<i32>} : memref<64x128xf32, #tpu.memory_space<vmem>>, vector<1x16xf32>,
        %get3A_158 = vector.shape_cast %get3A_157 : vector<1x16xf32> to vector<16xf32>
        %add3A_159 = arith.addf %get3A_154, %get3A_158 : vector<16xf32>
        %get3A_160 = arith.index_cast %scan3A_109 : i32 to index
        %get3A_161 = arith.constant 32 : index
        %get3A_162 = tpu.vector_load %arg18[%get3A_160, %get3A_161] {strides = array<i32>} : memref<64x128xf32, #tpu.memory_space<vmem>>, vector<1x16xf32>,
        %get3A_163 = vector.shape_cast %get3A_162 : vector<1x16xf32> to vector<16xf32>
        %add3A_164 = arith.addf %add3A_159, %get3A_163 : vector<16xf32>
        %max3A_165 = arith.constant 0.000000e+00 : f32
        %max3A_166 = vector.broadcast %max3A_165 : f32 to vector<16xf32>
        %max3A_167 = arith.maximumf %add3A_164, %max3A_166 : vector<16xf32>
        %swap3A_168 = arith.index_cast %scan3A_109 : i32 to index
        %swap3A_169 = arith.constant 32 : index
        %swap3A_170 = tpu.vector_load %arg18[%swap3A_168, %swap3A_169] {strides = array<i32>} : memref<64x128xf32, #tpu.memory_space<vmem>>, vector<1x16xf32>,
        %swap3A_171 = vector.shape_cast %swap3A_170 : vector<1x16xf32> to vector<16xf32>
        %swap3A_172 = vector.shape_cast %max3A_167 : vector<16xf32> to vector<1x16xf32>
        tpu.vector_store %arg18[%swap3A_168, %swap3A_169], %swap3A_172 {strides = array<i32>} : memref<64x128xf32, #tpu.memory_space<vmem>>, vector<1x16xf32>,
        %get3A_173 = arith.index_cast %scan3A_109 : i32 to index
        %get3A_174 = arith.constant 48 : index
        %get3A_175 = tpu.vector_load %arg14[%get3A_173, %get3A_174] {strides = array<i32>} : memref<64x128xf32, #tpu.memory_space<vmem>>, vector<1x16xf32>,
        %get3A_176 = vector.shape_cast %get3A_175 : vector<1x16xf32> to vector<16xf32>
        %get3A_177 = arith.index_cast %scan3A_109 : i32 to index
        %get3A_178 = arith.constant 48 : index
        %get3A_179 = tpu.vector_load %arg16[%get3A_177, %get3A_178] {strides = array<i32>} : memref<64x128xf32, #tpu.memory_space<vmem>>, vector<1x16xf32>,
        %get3A_180 = vector.shape_cast %get3A_179 : vector<1x16xf32> to vector<16xf32>
        %add3A_181 = arith.addf %get3A_176, %get3A_180 : vector<16xf32>
        %get3A_182 = arith.index_cast %scan3A_109 : i32 to index
        %get3A_183 = arith.constant 48 : index
        %get3A_184 = tpu.vector_load %arg18[%get3A_182, %get3A_183] {strides = array<i32>} : memref<64x128xf32, #tpu.memory_space<vmem>>, vector<1x16xf32>,
        %get3A_185 = vector.shape_cast %get3A_184 : vector<1x16xf32> to vector<16xf32>
        %add3A_186 = arith.addf %add3A_181, %get3A_185 : vector<16xf32>
        %max3A_187 = arith.constant 0.000000e+00 : f32
        %max3A_188 = vector.broadcast %max3A_187 : f32 to vector<16xf32>
        %max3A_189 = arith.maximumf %add3A_186, %max3A_188 : vector<16xf32>
        %swap3A_190 = arith.index_cast %scan3A_109 : i32 to index
        %swap3A_191 = arith.constant 48 : index
        %swap3A_192 = tpu.vector_load %arg18[%swap3A_190, %swap3A_191] {strides = array<i32>} : memref<64x128xf32, #tpu.memory_space<vmem>>, vector<1x16xf32>,
        %swap3A_193 = vector.shape_cast %swap3A_192 : vector<1x16xf32> to vector<16xf32>
        %swap3A_194 = vector.shape_cast %max3A_189 : vector<16xf32> to vector<1x16xf32>
        tpu.vector_store %arg18[%swap3A_190, %swap3A_191], %swap3A_194 {strides = array<i32>} : memref<64x128xf32, #tpu.memory_space<vmem>>, vector<1x16xf32>,
        %get3A_195 = arith.index_cast %scan3A_109 : i32 to index
        %get3A_196 = arith.constant 64 : index
        %get3A_197 = tpu.vector_load %arg14[%get3A_195, %get3A_196] {strides = array<i32>} : memref<64x128xf32, #tpu.memory_space<vmem>>, vector<1x16xf32>,
        %get3A_198 = vector.shape_cast %get3A_197 : vector<1x16xf32> to vector<16xf32>
        %get3A_199 = arith.index_cast %scan3A_109 : i32 to index
        %get3A_200 = arith.constant 64 : index
        %get3A_201 = tpu.vector_load %arg16[%get3A_199, %get3A_200] {strides = array<i32>} : memref<64x128xf32, #tpu.memory_space<vmem>>, vector<1x16xf32>,
        %get3A_202 = vector.shape_cast %get3A_201 : vector<1x16xf32> to vector<16xf32>
        %add3A_203 = arith.addf %get3A_198, %get3A_202 : vector<16xf32>
        %get3A_204 = arith.index_cast %scan3A_109 : i32 to index
        %get3A_205 = arith.constant 64 : index
        %get3A_206 = tpu.vector_load %arg18[%get3A_204, %get3A_205] {strides = array<i32>} : memref<64x128xf32, #tpu.memory_space<vmem>>, vector<1x16xf32>,
        %get3A_207 = vector.shape_cast %get3A_206 : vector<1x16xf32> to vector<16xf32>
        %add3A_208 = arith.addf %add3A_203, %get3A_207 : vector<16xf32>
        %max3A_209 = arith.constant 0.000000e+00 : f32
        %max3A_210 = vector.broadcast %max3A_209 : f32 to vector<16xf32>
        %max3A_211 = arith.maximumf %add3A_208, %max3A_210 : vector<16xf32>
        %swap3A_212 = arith.index_cast %scan3A_109 : i32 to index
        %swap3A_213 = arith.constant 64 : index
        %swap3A_214 = tpu.vector_load %arg18[%swap3A_212, %swap3A_213] {strides = array<i32>} : memref<64x128xf32, #tpu.memory_space<vmem>>, vector<1x16xf32>,
        %swap3A_215 = vector.shape_cast %swap3A_214 : vector<1x16xf32> to vector<16xf32>
        %swap3A_216 = vector.shape_cast %max3A_211 : vector<16xf32> to vector<1x16xf32>
        tpu.vector_store %arg18[%swap3A_212, %swap3A_213], %swap3A_216 {strides = array<i32>} : memref<64x128xf32, #tpu.memory_space<vmem>>, vector<1x16xf32>,
        %get3A_217 = arith.index_cast %scan3A_109 : i32 to index
        %get3A_218 = arith.constant 80 : index
        %get3A_219 = tpu.vector_load %arg14[%get3A_217, %get3A_218] {strides = array<i32>} : memref<64x128xf32, #tpu.memory_space<vmem>>, vector<1x16xf32>,
        %get3A_220 = vector.shape_cast %get3A_219 : vector<1x16xf32> to vector<16xf32>
        %get3A_221 = arith.index_cast %scan3A_109 : i32 to index
        %get3A_222 = arith.constant 80 : index
        %get3A_223 = tpu.vector_load %arg16[%get3A_221, %get3A_222] {strides = array<i32>} : memref<64x128xf32, #tpu.memory_space<vmem>>, vector<1x16xf32>,
        %get3A_224 = vector.shape_cast %get3A_223 : vector<1x16xf32> to vector<16xf32>
        %add3A_225 = arith.addf %get3A_220, %get3A_224 : vector<16xf32>
        %get3A_226 = arith.index_cast %scan3A_109 : i32 to index
        %get3A_227 = arith.constant 80 : index
        %get3A_228 = tpu.vector_load %arg18[%get3A_226, %get3A_227] {strides = array<i32>} : memref<64x128xf32, #tpu.memory_space<vmem>>, vector<1x16xf32>,
        %get3A_229 = vector.shape_cast %get3A_228 : vector<1x16xf32> to vector<16xf32>
        %add3A_230 = arith.addf %add3A_225, %get3A_229 : vector<16xf32>
        %max3A_231 = arith.constant 0.000000e+00 : f32
        %max3A_232 = vector.broadcast %max3A_231 : f32 to vector<16xf32>
        %max3A_233 = arith.maximumf %add3A_230, %max3A_232 : vector<16xf32>
        %swap3A_234 = arith.index_cast %scan3A_109 : i32 to index
        %swap3A_235 = arith.constant 80 : index
        %swap3A_236 = tpu.vector_load %arg18[%swap3A_234, %swap3A_235] {strides = array<i32>} : memref<64x128xf32, #tpu.memory_space<vmem>>, vector<1x16xf32>,
        %swap3A_237 = vector.shape_cast %swap3A_236 : vector<1x16xf32> to vector<16xf32>
        %swap3A_238 = vector.shape_cast %max3A_233 : vector<16xf32> to vector<1x16xf32>
        tpu.vector_store %arg18[%swap3A_234, %swap3A_235], %swap3A_238 {strides = array<i32>} : memref<64x128xf32, #tpu.memory_space<vmem>>, vector<1x16xf32>,
        %get3A_239 = arith.index_cast %scan3A_109 : i32 to index
        %get3A_240 = arith.constant 96 : index
        %get3A_241 = tpu.vector_load %arg14[%get3A_239, %get3A_240] {strides = array<i32>} : memref<64x128xf32, #tpu.memory_space<vmem>>, vector<1x16xf32>,
        %get3A_242 = vector.shape_cast %get3A_241 : vector<1x16xf32> to vector<16xf32>
        %get3A_243 = arith.index_cast %scan3A_109 : i32 to index
        %get3A_244 = arith.constant 96 : index
        %get3A_245 = tpu.vector_load %arg16[%get3A_243, %get3A_244] {strides = array<i32>} : memref<64x128xf32, #tpu.memory_space<vmem>>, vector<1x16xf32>,
        %get3A_246 = vector.shape_cast %get3A_245 : vector<1x16xf32> to vector<16xf32>
        %add3A_247 = arith.addf %get3A_242, %get3A_246 : vector<16xf32>
        %get3A_248 = arith.index_cast %scan3A_109 : i32 to index
        %get3A_249 = arith.constant 96 : index
        %get3A_250 = tpu.vector_load %arg18[%get3A_248, %get3A_249] {strides = array<i32>} : memref<64x128xf32, #tpu.memory_space<vmem>>, vector<1x16xf32>,
        %get3A_251 = vector.shape_cast %get3A_250 : vector<1x16xf32> to vector<16xf32>
        %add3A_252 = arith.addf %add3A_247, %get3A_251 : vector<16xf32>
        %max3A_253 = arith.constant 0.000000e+00 : f32
        %max3A_254 = vector.broadcast %max3A_253 : f32 to vector<16xf32>
        %max3A_255 = arith.maximumf %add3A_252, %max3A_254 : vector<16xf32>
        %swap3A_256 = arith.index_cast %scan3A_109 : i32 to index
        %swap3A_257 = arith.constant 96 : index
        %swap3A_258 = tpu.vector_load %arg18[%swap3A_256, %swap3A_257] {strides = array<i32>} : memref<64x128xf32, #tpu.memory_space<vmem>>, vector<1x16xf32>,
        %swap3A_259 = vector.shape_cast %swap3A_258 : vector<1x16xf32> to vector<16xf32>
        %swap3A_260 = vector.shape_cast %max3A_255 : vector<16xf32> to vector<1x16xf32>
        tpu.vector_store %arg18[%swap3A_256, %swap3A_257], %swap3A_260 {strides = array<i32>} : memref<64x128xf32, #tpu.memory_space<vmem>>, vector<1x16xf32>,
        %get3A_261 = arith.index_cast %scan3A_109 : i32 to index
        %get3A_262 = arith.constant 112 : index
        %get3A_263 = tpu.vector_load %arg14[%get3A_261, %get3A_262] {strides = array<i32>} : memref<64x128xf32, #tpu.memory_space<vmem>>, vector<1x16xf32>,
        %get3A_264 = vector.shape_cast %get3A_263 : vector<1x16xf32> to vector<16xf32>
        %get3A_265 = arith.index_cast %scan3A_109 : i32 to index
        %get3A_266 = arith.constant 112 : index
        %get3A_267 = tpu.vector_load %arg16[%get3A_265, %get3A_266] {strides = array<i32>} : memref<64x128xf32, #tpu.memory_space<vmem>>, vector<1x16xf32>,
        %get3A_268 = vector.shape_cast %get3A_267 : vector<1x16xf32> to vector<16xf32>
        %add3A_269 = arith.addf %get3A_264, %get3A_268 : vector<16xf32>
        %get3A_270 = arith.index_cast %scan3A_109 : i32 to index
        %get3A_271 = arith.constant 112 : index
        %get3A_272 = tpu.vector_load %arg18[%get3A_270, %get3A_271] {strides = array<i32>} : memref<64x128xf32, #tpu.memory_space<vmem>>, vector<1x16xf32>,
        %get3A_273 = vector.shape_cast %get3A_272 : vector<1x16xf32> to vector<16xf32>
        %add3A_274 = arith.addf %add3A_269, %get3A_273 : vector<16xf32>
        %max3A_275 = arith.constant 0.000000e+00 : f32
        %max3A_276 = vector.broadcast %max3A_275 : f32 to vector<16xf32>
        %max3A_277 = arith.maximumf %add3A_274, %max3A_276 : vector<16xf32>
        %swap3A_278 = arith.index_cast %scan3A_109 : i32 to index
        %swap3A_279 = arith.constant 112 : index
        %swap3A_280 = tpu.vector_load %arg18[%swap3A_278, %swap3A_279] {strides = array<i32>} : memref<64x128xf32, #tpu.memory_space<vmem>>, vector<1x16xf32>,
        %swap3A_281 = vector.shape_cast %swap3A_280 : vector<1x16xf32> to vector<16xf32>
        %swap3A_282 = vector.shape_cast %max3A_277 : vector<16xf32> to vector<1x16xf32>
        tpu.vector_store %arg18[%swap3A_278, %swap3A_279], %swap3A_282 {strides = array<i32>} : memref<64x128xf32, #tpu.memory_space<vmem>>, vector<1x16xf32>,
      }
      %scan3A_108 = arith.constant 64 : i32
      "tpu.region"() ({
        %run_scoped3A = tpu.sem_alloc : memref<!tpu.dma_semaphore, #tpu.memory_space<semaphore_mem>>
        %dma_start3A_109 = arith.constant 0 : i32
        %dma_start3A_110 = arith.constant 0 : i32
        %dma_start3A_111 = tpu.memref_slice %arg19[%dma_start3A_109, %dma_start3A_110] : memref<10008x128xf32, #tpu.memory_space<vmem_shared>> -> memref<10008x128xf32, #tpu.memory_space<vmem_shared>>
        tpu.enqueue_indirect_dma source(%arg18 : memref<64x128xf32, #tpu.memory_space<vmem>>) target(%dma_start3A_111 : memref<10008x128xf32, #tpu.memory_space<vmem_shared>>) offsets(%arg12 : memref<64xi32, #tpu.memory_space<vmem>>) semaphore(%run_scoped3A : memref<!tpu.dma_semaphore, #tpu.memory_space<semaphore_mem>>) {add = true}
        %dma_wait3A_112 = arith.constant 0 : i32
        %dma_wait3A_113 = arith.constant 0 : i32
        %dma_wait3A_114 = tpu.memref_slice %arg19[%dma_wait3A_112, %dma_wait3A_113] : memref<10008x128xf32, #tpu.memory_space<vmem_shared>> -> memref<10008x128xf32, #tpu.memory_space<vmem_shared>>
        tpu.wait_indirect_dma semaphore(%run_scoped3A : memref<!tpu.dma_semaphore, #tpu.memory_space<semaphore_mem>>) src(%arg18 : memref<64x128xf32, #tpu.memory_space<vmem>>) dst(%dma_wait3A_114 : memref<10008x128xf32, #tpu.memory_space<vmem_shared>>)
        tpu.yield
      }) : () -> ()
    }
    %scan3A_24 = arith.constant 40 : i32
    %barrier3A_25 = arith.constant 0 : index
    tpu.barrier barrier_id(%barrier3A_25)
    %lt3A_26 = arith.constant 15 : i32
    %lt3A_27 = arith.cmpi slt, %arg1, %lt3A_26 : i32
    %convert_element_type3A_28 = arith.extui %lt3A_27 : i1 to i32
    %cond3A_29 = arith.constant 0 : i32
    %cond3A_30 = arith.cmpi ne, %convert_element_type3A_28, %cond3A_29 : i32
    scf.if %cond3A_30 {
      %mul3A_36 = arith.constant 624 : i32
      %mul3A_37 = arith.muli %arg1, %mul3A_36 : i32
      %multiple_of3A_38 = tpu.assume_multiple %mul3A_37, 8 : i32
      "tpu.region"() ({
        %run_scoped3A = tpu.sem_alloc : memref<!tpu.dma_semaphore, #tpu.memory_space<semaphore_mem>>
        %dma_start3A_39 = arith.constant 0 : i32
        %dma_start3A_40 = tpu.memref_slice %arg8[%arg0, %multiple_of3A_38, %dma_start3A_39] : memref<2x10000x128xf32, #tpu.memory_space<hbm>> -> memref<1x624x128xf32, #tpu.memory_space<hbm>>
        %dma_start3A_41 = tpu.memref_squeeze %dma_start3A_40 : memref<1x624x128xf32, #tpu.memory_space<hbm>> -> memref<624x128xf32, #tpu.memory_space<hbm>>
        %dma_start3A_42 = arith.constant 0 : i32
        %dma_start3A_43 = tpu.memref_slice %arg19[%multiple_of3A_38, %dma_start3A_42] : memref<10008x128xf32, #tpu.memory_space<vmem_shared>> -> memref<624x128xf32, #tpu.memory_space<vmem_shared>>
        tpu.enqueue_dma source(%dma_start3A_43 : memref<624x128xf32, #tpu.memory_space<vmem_shared>>) target(%dma_start3A_41 : memref<624x128xf32, #tpu.memory_space<hbm>>) target_semaphore(%run_scoped3A : memref<!tpu.dma_semaphore, #tpu.memory_space<semaphore_mem>>)
        %dma_wait3A = arith.constant 0 : i32
        %dma_wait3A_44 = tpu.memref_slice %arg8[%arg0, %multiple_of3A_38, %dma_wait3A] : memref<2x10000x128xf32, #tpu.memory_space<hbm>> -> memref<1x624x128xf32, #tpu.memory_space<hbm>>
        %dma_wait3A_45 = tpu.memref_squeeze %dma_wait3A_44 : memref<1x624x128xf32, #tpu.memory_space<hbm>> -> memref<624x128xf32, #tpu.memory_space<hbm>>
        %dma_wait3A_46 = arith.constant 0 : i32
        %dma_wait3A_47 = tpu.memref_slice %arg19[%multiple_of3A_38, %dma_wait3A_46] : memref<10008x128xf32, #tpu.memory_space<vmem_shared>> -> memref<624x128xf32, #tpu.memory_space<vmem_shared>>
        tpu.wait_dma2 semaphore(%run_scoped3A : memref<!tpu.dma_semaphore, #tpu.memory_space<semaphore_mem>>) src(%dma_wait3A_47 : memref<624x128xf32, #tpu.memory_space<vmem_shared>>) dst(%dma_wait3A_45 : memref<624x128xf32, #tpu.memory_space<hbm>>)
        tpu.yield
      }) : () -> ()
    } else {
    }
    %eq3A_31 = arith.constant 15 : i32
    %eq3A_32 = arith.cmpi eq, %arg1, %eq3A_31 : i32
    %convert_element_type3A_33 = arith.extui %eq3A_32 : i1 to i32
    %cond3A_34 = arith.constant 0 : i32
    %cond3A_35 = arith.cmpi ne, %convert_element_type3A_33, %cond3A_34 : i32
    scf.if %cond3A_35 {
      "tpu.region"() ({
        %run_scoped3A = tpu.sem_alloc : memref<!tpu.dma_semaphore, #tpu.memory_space<semaphore_mem>>
        %dma_start3A_36 = arith.constant 9360 : i32
        %dma_start3A_37 = arith.constant 0 : i32
        %dma_start3A_38 = tpu.memref_slice %arg8[%arg0, %dma_start3A_36, %dma_start3A_37] : memref<2x10000x128xf32, #tpu.memory_space<hbm>> -> memref<1x640x128xf32, #tpu.memory_space<hbm>>
        %dma_start3A_39 = tpu.memref_squeeze %dma_start3A_38 : memref<1x640x128xf32, #tpu.memory_space<hbm>> -> memref<640x128xf32, #tpu.memory_space<hbm>>
        %dma_start3A_40 = arith.constant 9360 : i32
        %dma_start3A_41 = arith.constant 0 : i32
        %dma_start3A_42 = tpu.memref_slice %arg19[%dma_start3A_40, %dma_start3A_41] : memref<10008x128xf32, #tpu.memory_space<vmem_shared>> -> memref<640x128xf32, #tpu.memory_space<vmem_shared>>
        tpu.enqueue_dma source(%dma_start3A_42 : memref<640x128xf32, #tpu.memory_space<vmem_shared>>) target(%dma_start3A_39 : memref<640x128xf32, #tpu.memory_space<hbm>>) target_semaphore(%run_scoped3A : memref<!tpu.dma_semaphore, #tpu.memory_space<semaphore_mem>>)
        %dma_wait3A = arith.constant 9360 : i32
        %dma_wait3A_43 = arith.constant 0 : i32
        %dma_wait3A_44 = tpu.memref_slice %arg8[%arg0, %dma_wait3A, %dma_wait3A_43] : memref<2x10000x128xf32, #tpu.memory_space<hbm>> -> memref<1x640x128xf32, #tpu.memory_space<hbm>>
        %dma_wait3A_45 = tpu.memref_squeeze %dma_wait3A_44 : memref<1x640x128xf32, #tpu.memory_space<hbm>> -> memref<640x128xf32, #tpu.memory_space<hbm>>
        %dma_wait3A_46 = arith.constant 9360 : i32
        %dma_wait3A_47 = arith.constant 0 : i32
        %dma_wait3A_48 = tpu.memref_slice %arg19[%dma_wait3A_46, %dma_wait3A_47] : memref<10008x128xf32, #tpu.memory_space<vmem_shared>> -> memref<640x128xf32, #tpu.memory_space<vmem_shared>>
        tpu.wait_dma2 semaphore(%run_scoped3A : memref<!tpu.dma_semaphore, #tpu.memory_space<semaphore_mem>>) src(%dma_wait3A_48 : memref<640x128xf32, #tpu.memory_space<vmem_shared>>) dst(%dma_wait3A_45 : memref<640x128xf32, #tpu.memory_space<hbm>>)
        tpu.yield
      }) : () -> ()
    } else {
    }
    return
  }
}

#map = affine_map<(d0, d1) -> (0, 0)>
#map1 = affine_map<(d0, d1) -> (0)>
#map2 = affine_map<(d0, d1) -> (0, 0, 0)>
module attributes {stable_mosaic.version = 14 : i64} {
  func.func @_sc_body(%arg0: i32, %arg1: i32, %arg2: memref<10000x128xf32, #tpu.memory_space<hbm>>, %arg3: memref<10008x128xf32, #tpu.memory_space<hbm>>, %arg4: memref<163840x128xf32, #tpu.memory_space<hbm>>, %arg5: memref<163840xi32, #tpu.memory_space<hbm>>, %arg6: memref<163840xi32, #tpu.memory_space<hbm>>, %arg7: memref<10000x128xf32, #tpu.memory_space<hbm>>, %arg8: memref<2x10000x128xf32, #tpu.memory_space<hbm>>, %arg9: memref<64xi32, #tpu.memory_space<vmem>>, %arg10: memref<64xi32, #tpu.memory_space<vmem>>, %arg11: memref<64xi32, #tpu.memory_space<vmem>>, %arg12: memref<64xi32, #tpu.memory_space<vmem>>, %arg13: memref<64x128xf32, #tpu.memory_space<vmem>>, %arg14: memref<64x128xf32, #tpu.memory_space<vmem>>, %arg15: memref<64x128xf32, #tpu.memory_space<vmem>>, %arg16: memref<64x128xf32, #tpu.memory_space<vmem>>, %arg17: memref<64x128xf32, #tpu.memory_space<vmem>>, %arg18: memref<64x128xf32, #tpu.memory_space<vmem>>, %arg19: memref<10008x128xf32, #tpu.memory_space<vmem_shared>>, %arg20: memref<!tpu.dma_semaphore, #tpu.memory_space<semaphore_mem>>, %arg21: memref<!tpu.dma_semaphore, #tpu.memory_space<semaphore_mem>>, %arg22: memref<!tpu.dma_semaphore, #tpu.memory_space<semaphore_mem>>, %arg23: memref<!tpu.dma_semaphore, #tpu.memory_space<semaphore_mem>>, %arg24: memref<!tpu.dma_semaphore, #tpu.memory_space<semaphore_mem>>, %arg25: memref<!tpu.dma_semaphore, #tpu.memory_space<semaphore_mem>>) attributes {dimension_semantics = [#tpu.dimension_semantics<core_parallel>, #tpu.dimension_semantics<subcore_parallel>], iteration_bounds = array<i64: 2, 16>, scalar_prefetch = 0 : i64, scratch_operands = 17 : i64, tpu.core_type = #tpu.core_type<sc_vector_subcore>, window_params = [{transform_indices = #map}, {transform_indices = #map}, {transform_indices = #map}, {transform_indices = #map1}, {transform_indices = #map1}, {transform_indices = #map}, {transform_indices = #map2}]} {
    %mul3A = arith.constant 2 : i32
    %mul3A_0 = arith.muli %arg1, %mul3A : i32
    %add3A = arith.addi %mul3A_0, %arg0 : i32
    %lt3A = arith.constant 15 : i32
    %lt3A_1 = arith.cmpi slt, %arg1, %lt3A : i32
    %convert_element_type3A = arith.extui %lt3A_1 : i1 to i32
    %cond3A = arith.constant 0 : i32
    %cond3A_2 = arith.cmpi ne, %convert_element_type3A, %cond3A : i32
    scf.if %cond3A_2 {
      %mul3A_36 = arith.constant 624 : i32
      %mul3A_37 = arith.muli %arg1, %mul3A_36 : i32
      %multiple_of3A_38 = tpu.assume_multiple %mul3A_37, 8 : i32
      "tpu.region"() ({
        %run_scoped3A = tpu.sem_alloc : memref<!tpu.dma_semaphore, #tpu.memory_space<semaphore_mem>>
        %dma_start3A_39 = arith.constant 0 : i32
        %dma_start3A_40 = tpu.memref_slice %arg19[%multiple_of3A_38, %dma_start3A_39] : memref<10008x128xf32, #tpu.memory_space<vmem_shared>> -> memref<624x128xf32, #tpu.memory_space<vmem_shared>>
        %dma_start3A_41 = arith.constant 0 : i32
        %dma_start3A_42 = tpu.memref_slice %arg7[%multiple_of3A_38, %dma_start3A_41] : memref<10000x128xf32, #tpu.memory_space<hbm>> -> memref<624x128xf32, #tpu.memory_space<hbm>>
        tpu.enqueue_dma source(%dma_start3A_42 : memref<624x128xf32, #tpu.memory_space<hbm>>) target(%dma_start3A_40 : memref<624x128xf32, #tpu.memory_space<vmem_shared>>) target_semaphore(%run_scoped3A : memref<!tpu.dma_semaphore, #tpu.memory_space<semaphore_mem>>)
        %dma_wait3A = arith.constant 0 : i32
        %dma_wait3A_43 = tpu.memref_slice %arg19[%multiple_of3A_38, %dma_wait3A] : memref<10008x128xf32, #tpu.memory_space<vmem_shared>> -> memref<624x128xf32, #tpu.memory_space<vmem_shared>>
        %dma_wait3A_44 = arith.constant 0 : i32
        %dma_wait3A_45 = tpu.memref_slice %arg7[%multiple_of3A_38, %dma_wait3A_44] : memref<10000x128xf32, #tpu.memory_space<hbm>> -> memref<624x128xf32, #tpu.memory_space<hbm>>
        tpu.wait_dma2 semaphore(%run_scoped3A : memref<!tpu.dma_semaphore, #tpu.memory_space<semaphore_mem>>) src(%dma_wait3A_45 : memref<624x128xf32, #tpu.memory_space<hbm>>) dst(%dma_wait3A_43 : memref<624x128xf32, #tpu.memory_space<vmem_shared>>)
        tpu.yield
      }) : () -> ()
    } else {
    }
    %eq3A = arith.constant 15 : i32
    %eq3A_3 = arith.cmpi eq, %arg1, %eq3A : i32
    %convert_element_type3A_4 = arith.extui %eq3A_3 : i1 to i32
    %cond3A_5 = arith.constant 0 : i32
    %cond3A_6 = arith.cmpi ne, %convert_element_type3A_4, %cond3A_5 : i32
    scf.if %cond3A_6 {
      "tpu.region"() ({
        %run_scoped3A = tpu.sem_alloc : memref<!tpu.dma_semaphore, #tpu.memory_space<semaphore_mem>>
        %dma_start3A_36 = arith.constant 9360 : i32
        %dma_start3A_37 = arith.constant 0 : i32
        %dma_start3A_38 = tpu.memref_slice %arg19[%dma_start3A_36, %dma_start3A_37] : memref<10008x128xf32, #tpu.memory_space<vmem_shared>> -> memref<640x128xf32, #tpu.memory_space<vmem_shared>>
        %dma_start3A_39 = arith.constant 9360 : i32
        %dma_start3A_40 = arith.constant 0 : i32
        %dma_start3A_41 = tpu.memref_slice %arg7[%dma_start3A_39, %dma_start3A_40] : memref<10000x128xf32, #tpu.memory_space<hbm>> -> memref<640x128xf32, #tpu.memory_space<hbm>>
        tpu.enqueue_dma source(%dma_start3A_41 : memref<640x128xf32, #tpu.memory_space<hbm>>) target(%dma_start3A_38 : memref<640x128xf32, #tpu.memory_space<vmem_shared>>) target_semaphore(%run_scoped3A : memref<!tpu.dma_semaphore, #tpu.memory_space<semaphore_mem>>)
        %dma_wait3A = arith.constant 9360 : i32
        %dma_wait3A_42 = arith.constant 0 : i32
        %dma_wait3A_43 = tpu.memref_slice %arg19[%dma_wait3A, %dma_wait3A_42] : memref<10008x128xf32, #tpu.memory_space<vmem_shared>> -> memref<640x128xf32, #tpu.memory_space<vmem_shared>>
        %dma_wait3A_44 = arith.constant 9360 : i32
        %dma_wait3A_45 = arith.constant 0 : i32
        %dma_wait3A_46 = tpu.memref_slice %arg7[%dma_wait3A_44, %dma_wait3A_45] : memref<10000x128xf32, #tpu.memory_space<hbm>> -> memref<640x128xf32, #tpu.memory_space<hbm>>
        tpu.wait_dma2 semaphore(%run_scoped3A : memref<!tpu.dma_semaphore, #tpu.memory_space<semaphore_mem>>) src(%dma_wait3A_46 : memref<640x128xf32, #tpu.memory_space<hbm>>) dst(%dma_wait3A_43 : memref<640x128xf32, #tpu.memory_space<vmem_shared>>)
        tpu.yield
      }) : () -> ()
    } else {
    }
    %barrier3A = arith.constant 0 : index
    tpu.barrier barrier_id(%barrier3A)
    %mul3A_7 = arith.constant 5120 : i32
    %mul3A_8 = arith.muli %add3A, %mul3A_7 : i32
    %add3A_9 = arith.constant 0 : i32
    %add3A_10 = arith.addi %mul3A_8, %add3A_9 : i32
    %multiple_of3A = tpu.assume_multiple %add3A_10, 64 : i32
    "tpu.region"() ({
      %run_scoped3A = tpu.sem_alloc : memref<!tpu.dma_semaphore, #tpu.memory_space<semaphore_mem>>
      %dma_start3A_36 = tpu.memref_slice %arg5[%multiple_of3A] : memref<163840xi32, #tpu.memory_space<hbm>> -> memref<64xi32, #tpu.memory_space<hbm>>
      %dma_start3A_37 = tpu.memref_slice %arg5[%multiple_of3A] : memref<163840xi32, #tpu.memory_space<hbm>> -> memref<64xi32, #tpu.memory_space<hbm>>
      tpu.enqueue_dma source(%dma_start3A_37 : memref<64xi32, #tpu.memory_space<hbm>>) target(%arg9 : memref<64xi32, #tpu.memory_space<vmem>>) target_semaphore(%run_scoped3A : memref<!tpu.dma_semaphore, #tpu.memory_space<semaphore_mem>>)
      %dma_wait3A = tpu.memref_slice %arg5[%multiple_of3A] : memref<163840xi32, #tpu.memory_space<hbm>> -> memref<64xi32, #tpu.memory_space<hbm>>
      %dma_wait3A_38 = tpu.memref_slice %arg5[%multiple_of3A] : memref<163840xi32, #tpu.memory_space<hbm>> -> memref<64xi32, #tpu.memory_space<hbm>>
      tpu.wait_dma2 semaphore(%run_scoped3A : memref<!tpu.dma_semaphore, #tpu.memory_space<semaphore_mem>>) src(%dma_wait3A_38 : memref<64xi32, #tpu.memory_space<hbm>>) dst(%arg9 : memref<64xi32, #tpu.memory_space<vmem>>)
      tpu.yield
    }) : () -> ()
    "tpu.region"() ({
      %run_scoped3A = tpu.sem_alloc : memref<!tpu.dma_semaphore, #tpu.memory_space<semaphore_mem>>
      %dma_start3A_36 = tpu.memref_slice %arg6[%multiple_of3A] : memref<163840xi32, #tpu.memory_space<hbm>> -> memref<64xi32, #tpu.memory_space<hbm>>
      %dma_start3A_37 = tpu.memref_slice %arg6[%multiple_of3A] : memref<163840xi32, #tpu.memory_space<hbm>> -> memref<64xi32, #tpu.memory_space<hbm>>
      tpu.enqueue_dma source(%dma_start3A_37 : memref<64xi32, #tpu.memory_space<hbm>>) target(%arg11 : memref<64xi32, #tpu.memory_space<vmem>>) target_semaphore(%run_scoped3A : memref<!tpu.dma_semaphore, #tpu.memory_space<semaphore_mem>>)
      %dma_wait3A = tpu.memref_slice %arg6[%multiple_of3A] : memref<163840xi32, #tpu.memory_space<hbm>> -> memref<64xi32, #tpu.memory_space<hbm>>
      %dma_wait3A_38 = tpu.memref_slice %arg6[%multiple_of3A] : memref<163840xi32, #tpu.memory_space<hbm>> -> memref<64xi32, #tpu.memory_space<hbm>>
      tpu.wait_dma2 semaphore(%run_scoped3A : memref<!tpu.dma_semaphore, #tpu.memory_space<semaphore_mem>>) src(%dma_wait3A_38 : memref<64xi32, #tpu.memory_space<hbm>>) dst(%arg11 : memref<64xi32, #tpu.memory_space<vmem>>)
      tpu.yield
    }) : () -> ()
    %dma_start3A = arith.constant 0 : i32
    %dma_start3A_11 = arith.constant 0 : i32
    %dma_start3A_12 = tpu.memref_slice %arg2[%dma_start3A, %dma_start3A_11] : memref<10000x128xf32, #tpu.memory_space<hbm>> -> memref<10000x128xf32, #tpu.memory_space<hbm>>
    tpu.enqueue_indirect_dma source(%dma_start3A_12 : memref<10000x128xf32, #tpu.memory_space<hbm>>) target(%arg13 : memref<64x128xf32, #tpu.memory_space<vmem>>) offsets(%arg9 : memref<64xi32, #tpu.memory_space<vmem>>) semaphore(%arg20 : memref<!tpu.dma_semaphore, #tpu.memory_space<semaphore_mem>>)
    %dma_start3A_13 = arith.constant 0 : i32
    %dma_start3A_14 = arith.constant 0 : i32
    %dma_start3A_15 = tpu.memref_slice %arg3[%dma_start3A_13, %dma_start3A_14] : memref<10008x128xf32, #tpu.memory_space<hbm>> -> memref<10008x128xf32, #tpu.memory_space<hbm>>
    tpu.enqueue_indirect_dma source(%dma_start3A_15 : memref<10008x128xf32, #tpu.memory_space<hbm>>) target(%arg15 : memref<64x128xf32, #tpu.memory_space<vmem>>) offsets(%arg11 : memref<64xi32, #tpu.memory_space<vmem>>) semaphore(%arg22 : memref<!tpu.dma_semaphore, #tpu.memory_space<semaphore_mem>>)
    %dma_start3A_16 = arith.constant 0 : i32
    %dma_start3A_17 = tpu.memref_slice %arg4[%multiple_of3A, %dma_start3A_16] : memref<163840x128xf32, #tpu.memory_space<hbm>> -> memref<64x128xf32, #tpu.memory_space<hbm>>
    %dma_start3A_18 = arith.constant 0 : i32
    %dma_start3A_19 = tpu.memref_slice %arg4[%multiple_of3A, %dma_start3A_18] : memref<163840x128xf32, #tpu.memory_space<hbm>> -> memref<64x128xf32, #tpu.memory_space<hbm>>
    tpu.enqueue_dma source(%dma_start3A_19 : memref<64x128xf32, #tpu.memory_space<hbm>>) target(%arg17 : memref<64x128xf32, #tpu.memory_space<vmem>>) target_semaphore(%arg24 : memref<!tpu.dma_semaphore, #tpu.memory_space<semaphore_mem>>)
    %scan3A = arith.constant 0 : i32
    %scan3A_20 = arith.constant 0 : i32
    %scan3A_21 = arith.constant 40 : i32
    %scan3A_22 = arith.addi %scan3A_20, %scan3A_21 : i32
    %scan3A_23 = arith.constant 1 : i32
    scf.for %scan3A_36 = %scan3A_20 to %scan3A_22 step %scan3A_23  : i32 {
      %mul3A_37 = arith.constant 2 : i32
      %mul3A_38 = arith.muli %scan3A_36, %mul3A_37 : i32
      %add3A_39 = arith.constant 1 : i32
      %add3A_40 = arith.addi %mul3A_38, %add3A_39 : i32
      %mul3A_41 = arith.constant 64 : i32
      %mul3A_42 = arith.muli %add3A_40, %mul3A_41 : i32
      %add3A_43 = arith.addi %mul3A_8, %mul3A_42 : i32
      %multiple_of3A_44 = tpu.assume_multiple %add3A_43, 64 : i32
      "tpu.region"() ({
        %run_scoped3A = tpu.sem_alloc : memref<!tpu.dma_semaphore, #tpu.memory_space<semaphore_mem>>
        %dma_start3A_109 = tpu.memref_slice %arg5[%multiple_of3A_44] : memref<163840xi32, #tpu.memory_space<hbm>> -> memref<64xi32, #tpu.memory_space<hbm>>
        %dma_start3A_110 = tpu.memref_slice %arg5[%multiple_of3A_44] : memref<163840xi32, #tpu.memory_space<hbm>> -> memref<64xi32, #tpu.memory_space<hbm>>
        tpu.enqueue_dma source(%dma_start3A_110 : memref<64xi32, #tpu.memory_space<hbm>>) target(%arg10 : memref<64xi32, #tpu.memory_space<vmem>>) target_semaphore(%run_scoped3A : memref<!tpu.dma_semaphore, #tpu.memory_space<semaphore_mem>>)
        %dma_wait3A_111 = tpu.memref_slice %arg5[%multiple_of3A_44] : memref<163840xi32, #tpu.memory_space<hbm>> -> memref<64xi32, #tpu.memory_space<hbm>>
        %dma_wait3A_112 = tpu.memref_slice %arg5[%multiple_of3A_44] : memref<163840xi32, #tpu.memory_space<hbm>> -> memref<64xi32, #tpu.memory_space<hbm>>
        tpu.wait_dma2 semaphore(%run_scoped3A : memref<!tpu.dma_semaphore, #tpu.memory_space<semaphore_mem>>) src(%dma_wait3A_112 : memref<64xi32, #tpu.memory_space<hbm>>) dst(%arg10 : memref<64xi32, #tpu.memory_space<vmem>>)
        tpu.yield
      }) : () -> ()
      "tpu.region"() ({
        %run_scoped3A = tpu.sem_alloc : memref<!tpu.dma_semaphore, #tpu.memory_space<semaphore_mem>>
        %dma_start3A_109 = tpu.memref_slice %arg6[%multiple_of3A_44] : memref<163840xi32, #tpu.memory_space<hbm>> -> memref<64xi32, #tpu.memory_space<hbm>>
        %dma_start3A_110 = tpu.memref_slice %arg6[%multiple_of3A_44] : memref<163840xi32, #tpu.memory_space<hbm>> -> memref<64xi32, #tpu.memory_space<hbm>>
        tpu.enqueue_dma source(%dma_start3A_110 : memref<64xi32, #tpu.memory_space<hbm>>) target(%arg12 : memref<64xi32, #tpu.memory_space<vmem>>) target_semaphore(%run_scoped3A : memref<!tpu.dma_semaphore, #tpu.memory_space<semaphore_mem>>)
        %dma_wait3A_111 = tpu.memref_slice %arg6[%multiple_of3A_44] : memref<163840xi32, #tpu.memory_space<hbm>> -> memref<64xi32, #tpu.memory_space<hbm>>
        %dma_wait3A_112 = tpu.memref_slice %arg6[%multiple_of3A_44] : memref<163840xi32, #tpu.memory_space<hbm>> -> memref<64xi32, #tpu.memory_space<hbm>>
        tpu.wait_dma2 semaphore(%run_scoped3A : memref<!tpu.dma_semaphore, #tpu.memory_space<semaphore_mem>>) src(%dma_wait3A_112 : memref<64xi32, #tpu.memory_space<hbm>>) dst(%arg12 : memref<64xi32, #tpu.memory_space<vmem>>)
        tpu.yield
      }) : () -> ()
      %dma_start3A_45 = arith.constant 0 : i32
      %dma_start3A_46 = arith.constant 0 : i32
      %dma_start3A_47 = tpu.memref_slice %arg2[%dma_start3A_45, %dma_start3A_46] : memref<10000x128xf32, #tpu.memory_space<hbm>> -> memref<10000x128xf32, #tpu.memory_space<hbm>>
      tpu.enqueue_indirect_dma source(%dma_start3A_47 : memref<10000x128xf32, #tpu.memory_space<hbm>>) target(%arg14 : memref<64x128xf32, #tpu.memory_space<vmem>>) offsets(%arg10 : memref<64xi32, #tpu.memory_space<vmem>>) semaphore(%arg21 : memref<!tpu.dma_semaphore, #tpu.memory_space<semaphore_mem>>)
      %dma_start3A_48 = arith.constant 0 : i32
      %dma_start3A_49 = arith.constant 0 : i32
      %dma_start3A_50 = tpu.memref_slice %arg3[%dma_start3A_48, %dma_start3A_49] : memref<10008x128xf32, #tpu.memory_space<hbm>> -> memref<10008x128xf32, #tpu.memory_space<hbm>>
      tpu.enqueue_indirect_dma source(%dma_start3A_50 : memref<10008x128xf32, #tpu.memory_space<hbm>>) target(%arg16 : memref<64x128xf32, #tpu.memory_space<vmem>>) offsets(%arg12 : memref<64xi32, #tpu.memory_space<vmem>>) semaphore(%arg23 : memref<!tpu.dma_semaphore, #tpu.memory_space<semaphore_mem>>)
      %dma_start3A_51 = arith.constant 0 : i32
      %dma_start3A_52 = tpu.memref_slice %arg4[%multiple_of3A_44, %dma_start3A_51] : memref<163840x128xf32, #tpu.memory_space<hbm>> -> memref<64x128xf32, #tpu.memory_space<hbm>>
      %dma_start3A_53 = arith.constant 0 : i32
      %dma_start3A_54 = tpu.memref_slice %arg4[%multiple_of3A_44, %dma_start3A_53] : memref<163840x128xf32, #tpu.memory_space<hbm>> -> memref<64x128xf32, #tpu.memory_space<hbm>>
      tpu.enqueue_dma source(%dma_start3A_54 : memref<64x128xf32, #tpu.memory_space<hbm>>) target(%arg18 : memref<64x128xf32, #tpu.memory_space<vmem>>) target_semaphore(%arg25 : memref<!tpu.dma_semaphore, #tpu.memory_space<semaphore_mem>>)
      %dma_wait3A = arith.constant 0 : i32
      %dma_wait3A_55 = arith.constant 0 : i32
      %dma_wait3A_56 = tpu.memref_slice %arg4[%dma_wait3A, %dma_wait3A_55] : memref<163840x128xf32, #tpu.memory_space<hbm>> -> memref<64x128xf32, #tpu.memory_space<hbm>>
      %dma_wait3A_57 = arith.constant 0 : i32
      %dma_wait3A_58 = arith.constant 0 : i32
      %dma_wait3A_59 = tpu.memref_slice %arg4[%dma_wait3A_57, %dma_wait3A_58] : memref<163840x128xf32, #tpu.memory_space<hbm>> -> memref<64x128xf32, #tpu.memory_space<hbm>>
      tpu.wait_dma2 semaphore(%arg20 : memref<!tpu.dma_semaphore, #tpu.memory_space<semaphore_mem>>) src(%dma_wait3A_59 : memref<64x128xf32, #tpu.memory_space<hbm>>) dst(%arg13 : memref<64x128xf32, #tpu.memory_space<vmem>>)
      %dma_wait3A_60 = arith.constant 0 : i32
      %dma_wait3A_61 = arith.constant 0 : i32
      %dma_wait3A_62 = tpu.memref_slice %arg4[%dma_wait3A_60, %dma_wait3A_61] : memref<163840x128xf32, #tpu.memory_space<hbm>> -> memref<64x128xf32, #tpu.memory_space<hbm>>
      %dma_wait3A_63 = arith.constant 0 : i32
      %dma_wait3A_64 = arith.constant 0 : i32
      %dma_wait3A_65 = tpu.memref_slice %arg4[%dma_wait3A_63, %dma_wait3A_64] : memref<163840x128xf32, #tpu.memory_space<hbm>> -> memref<64x128xf32, #tpu.memory_space<hbm>>
      tpu.wait_dma2 semaphore(%arg22 : memref<!tpu.dma_semaphore, #tpu.memory_space<semaphore_mem>>) src(%dma_wait3A_65 : memref<64x128xf32, #tpu.memory_space<hbm>>) dst(%arg15 : memref<64x128xf32, #tpu.memory_space<vmem>>)
      %dma_wait3A_66 = arith.constant 0 : i32
      %dma_wait3A_67 = arith.constant 0 : i32
      %dma_wait3A_68 = tpu.memref_slice %arg4[%dma_wait3A_66, %dma_wait3A_67] : memref<163840x128xf32, #tpu.memory_space<hbm>> -> memref<64x128xf32, #tpu.memory_space<hbm>>
      %dma_wait3A_69 = arith.constant 0 : i32
      %dma_wait3A_70 = arith.constant 0 : i32
      %dma_wait3A_71 = tpu.memref_slice %arg4[%dma_wait3A_69, %dma_wait3A_70] : memref<163840x128xf32, #tpu.memory_space<hbm>> -> memref<64x128xf32, #tpu.memory_space<hbm>>
      tpu.wait_dma2 semaphore(%arg24 : memref<!tpu.dma_semaphore, #tpu.memory_space<semaphore_mem>>) src(%dma_wait3A_71 : memref<64x128xf32, #tpu.memory_space<hbm>>) dst(%arg17 : memref<64x128xf32, #tpu.memory_space<vmem>>)
      %scan3A_72 = arith.constant 0 : i32
      %scan3A_73 = arith.constant 0 : i32
      %scan3A_74 = arith.constant 64 : i32
      %scan3A_75 = arith.addi %scan3A_73, %scan3A_74 : i32
      %scan3A_76 = arith.constant 1 : i32
      scf.for %scan3A_109 = %scan3A_73 to %scan3A_75 step %scan3A_76  : i32 {
        %get3A = arith.index_cast %scan3A_109 : i32 to index
        %get3A_110 = arith.constant 0 : index
        %get3A_111 = tpu.vector_load %arg13[%get3A, %get3A_110] {strides = array<i32>} : memref<64x128xf32, #tpu.memory_space<vmem>>, vector<1x16xf32>,
        %get3A_112 = vector.shape_cast %get3A_111 : vector<1x16xf32> to vector<16xf32>
        %get3A_113 = arith.index_cast %scan3A_109 : i32 to index
        %get3A_114 = arith.constant 0 : index
        %get3A_115 = tpu.vector_load %arg15[%get3A_113, %get3A_114] {strides = array<i32>} : memref<64x128xf32, #tpu.memory_space<vmem>>, vector<1x16xf32>,
        %get3A_116 = vector.shape_cast %get3A_115 : vector<1x16xf32> to vector<16xf32>
        %add3A_117 = arith.addf %get3A_112, %get3A_116 : vector<16xf32>
        %get3A_118 = arith.index_cast %scan3A_109 : i32 to index
        %get3A_119 = arith.constant 0 : index
        %get3A_120 = tpu.vector_load %arg17[%get3A_118, %get3A_119] {strides = array<i32>} : memref<64x128xf32, #tpu.memory_space<vmem>>, vector<1x16xf32>,
        %get3A_121 = vector.shape_cast %get3A_120 : vector<1x16xf32> to vector<16xf32>
        %add3A_122 = arith.addf %add3A_117, %get3A_121 : vector<16xf32>
        %max3A = arith.constant 0.000000e+00 : f32
        %max3A_123 = vector.broadcast %max3A : f32 to vector<16xf32>
        %max3A_124 = arith.maximumf %add3A_122, %max3A_123 : vector<16xf32>
        %swap3A = arith.index_cast %scan3A_109 : i32 to index
        %swap3A_125 = arith.constant 0 : index
        %swap3A_126 = tpu.vector_load %arg17[%swap3A, %swap3A_125] {strides = array<i32>} : memref<64x128xf32, #tpu.memory_space<vmem>>, vector<1x16xf32>,
        %swap3A_127 = vector.shape_cast %swap3A_126 : vector<1x16xf32> to vector<16xf32>
        %swap3A_128 = vector.shape_cast %max3A_124 : vector<16xf32> to vector<1x16xf32>
        tpu.vector_store %arg17[%swap3A, %swap3A_125], %swap3A_128 {strides = array<i32>} : memref<64x128xf32, #tpu.memory_space<vmem>>, vector<1x16xf32>,
        %get3A_129 = arith.index_cast %scan3A_109 : i32 to index
        %get3A_130 = arith.constant 16 : index
        %get3A_131 = tpu.vector_load %arg13[%get3A_129, %get3A_130] {strides = array<i32>} : memref<64x128xf32, #tpu.memory_space<vmem>>, vector<1x16xf32>,
        %get3A_132 = vector.shape_cast %get3A_131 : vector<1x16xf32> to vector<16xf32>
        %get3A_133 = arith.index_cast %scan3A_109 : i32 to index
        %get3A_134 = arith.constant 16 : index
        %get3A_135 = tpu.vector_load %arg15[%get3A_133, %get3A_134] {strides = array<i32>} : memref<64x128xf32, #tpu.memory_space<vmem>>, vector<1x16xf32>,
        %get3A_136 = vector.shape_cast %get3A_135 : vector<1x16xf32> to vector<16xf32>
        %add3A_137 = arith.addf %get3A_132, %get3A_136 : vector<16xf32>
        %get3A_138 = arith.index_cast %scan3A_109 : i32 to index
        %get3A_139 = arith.constant 16 : index
        %get3A_140 = tpu.vector_load %arg17[%get3A_138, %get3A_139] {strides = array<i32>} : memref<64x128xf32, #tpu.memory_space<vmem>>, vector<1x16xf32>,
        %get3A_141 = vector.shape_cast %get3A_140 : vector<1x16xf32> to vector<16xf32>
        %add3A_142 = arith.addf %add3A_137, %get3A_141 : vector<16xf32>
        %max3A_143 = arith.constant 0.000000e+00 : f32
        %max3A_144 = vector.broadcast %max3A_143 : f32 to vector<16xf32>
        %max3A_145 = arith.maximumf %add3A_142, %max3A_144 : vector<16xf32>
        %swap3A_146 = arith.index_cast %scan3A_109 : i32 to index
        %swap3A_147 = arith.constant 16 : index
        %swap3A_148 = tpu.vector_load %arg17[%swap3A_146, %swap3A_147] {strides = array<i32>} : memref<64x128xf32, #tpu.memory_space<vmem>>, vector<1x16xf32>,
        %swap3A_149 = vector.shape_cast %swap3A_148 : vector<1x16xf32> to vector<16xf32>
        %swap3A_150 = vector.shape_cast %max3A_145 : vector<16xf32> to vector<1x16xf32>
        tpu.vector_store %arg17[%swap3A_146, %swap3A_147], %swap3A_150 {strides = array<i32>} : memref<64x128xf32, #tpu.memory_space<vmem>>, vector<1x16xf32>,
        %get3A_151 = arith.index_cast %scan3A_109 : i32 to index
        %get3A_152 = arith.constant 32 : index
        %get3A_153 = tpu.vector_load %arg13[%get3A_151, %get3A_152] {strides = array<i32>} : memref<64x128xf32, #tpu.memory_space<vmem>>, vector<1x16xf32>,
        %get3A_154 = vector.shape_cast %get3A_153 : vector<1x16xf32> to vector<16xf32>
        %get3A_155 = arith.index_cast %scan3A_109 : i32 to index
        %get3A_156 = arith.constant 32 : index
        %get3A_157 = tpu.vector_load %arg15[%get3A_155, %get3A_156] {strides = array<i32>} : memref<64x128xf32, #tpu.memory_space<vmem>>, vector<1x16xf32>,
        %get3A_158 = vector.shape_cast %get3A_157 : vector<1x16xf32> to vector<16xf32>
        %add3A_159 = arith.addf %get3A_154, %get3A_158 : vector<16xf32>
        %get3A_160 = arith.index_cast %scan3A_109 : i32 to index
        %get3A_161 = arith.constant 32 : index
        %get3A_162 = tpu.vector_load %arg17[%get3A_160, %get3A_161] {strides = array<i32>} : memref<64x128xf32, #tpu.memory_space<vmem>>, vector<1x16xf32>,
        %get3A_163 = vector.shape_cast %get3A_162 : vector<1x16xf32> to vector<16xf32>
        %add3A_164 = arith.addf %add3A_159, %get3A_163 : vector<16xf32>
        %max3A_165 = arith.constant 0.000000e+00 : f32
        %max3A_166 = vector.broadcast %max3A_165 : f32 to vector<16xf32>
        %max3A_167 = arith.maximumf %add3A_164, %max3A_166 : vector<16xf32>
        %swap3A_168 = arith.index_cast %scan3A_109 : i32 to index
        %swap3A_169 = arith.constant 32 : index
        %swap3A_170 = tpu.vector_load %arg17[%swap3A_168, %swap3A_169] {strides = array<i32>} : memref<64x128xf32, #tpu.memory_space<vmem>>, vector<1x16xf32>,
        %swap3A_171 = vector.shape_cast %swap3A_170 : vector<1x16xf32> to vector<16xf32>
        %swap3A_172 = vector.shape_cast %max3A_167 : vector<16xf32> to vector<1x16xf32>
        tpu.vector_store %arg17[%swap3A_168, %swap3A_169], %swap3A_172 {strides = array<i32>} : memref<64x128xf32, #tpu.memory_space<vmem>>, vector<1x16xf32>,
        %get3A_173 = arith.index_cast %scan3A_109 : i32 to index
        %get3A_174 = arith.constant 48 : index
        %get3A_175 = tpu.vector_load %arg13[%get3A_173, %get3A_174] {strides = array<i32>} : memref<64x128xf32, #tpu.memory_space<vmem>>, vector<1x16xf32>,
        %get3A_176 = vector.shape_cast %get3A_175 : vector<1x16xf32> to vector<16xf32>
        %get3A_177 = arith.index_cast %scan3A_109 : i32 to index
        %get3A_178 = arith.constant 48 : index
        %get3A_179 = tpu.vector_load %arg15[%get3A_177, %get3A_178] {strides = array<i32>} : memref<64x128xf32, #tpu.memory_space<vmem>>, vector<1x16xf32>,
        %get3A_180 = vector.shape_cast %get3A_179 : vector<1x16xf32> to vector<16xf32>
        %add3A_181 = arith.addf %get3A_176, %get3A_180 : vector<16xf32>
        %get3A_182 = arith.index_cast %scan3A_109 : i32 to index
        %get3A_183 = arith.constant 48 : index
        %get3A_184 = tpu.vector_load %arg17[%get3A_182, %get3A_183] {strides = array<i32>} : memref<64x128xf32, #tpu.memory_space<vmem>>, vector<1x16xf32>,
        %get3A_185 = vector.shape_cast %get3A_184 : vector<1x16xf32> to vector<16xf32>
        %add3A_186 = arith.addf %add3A_181, %get3A_185 : vector<16xf32>
        %max3A_187 = arith.constant 0.000000e+00 : f32
        %max3A_188 = vector.broadcast %max3A_187 : f32 to vector<16xf32>
        %max3A_189 = arith.maximumf %add3A_186, %max3A_188 : vector<16xf32>
        %swap3A_190 = arith.index_cast %scan3A_109 : i32 to index
        %swap3A_191 = arith.constant 48 : index
        %swap3A_192 = tpu.vector_load %arg17[%swap3A_190, %swap3A_191] {strides = array<i32>} : memref<64x128xf32, #tpu.memory_space<vmem>>, vector<1x16xf32>,
        %swap3A_193 = vector.shape_cast %swap3A_192 : vector<1x16xf32> to vector<16xf32>
        %swap3A_194 = vector.shape_cast %max3A_189 : vector<16xf32> to vector<1x16xf32>
        tpu.vector_store %arg17[%swap3A_190, %swap3A_191], %swap3A_194 {strides = array<i32>} : memref<64x128xf32, #tpu.memory_space<vmem>>, vector<1x16xf32>,
        %get3A_195 = arith.index_cast %scan3A_109 : i32 to index
        %get3A_196 = arith.constant 64 : index
        %get3A_197 = tpu.vector_load %arg13[%get3A_195, %get3A_196] {strides = array<i32>} : memref<64x128xf32, #tpu.memory_space<vmem>>, vector<1x16xf32>,
        %get3A_198 = vector.shape_cast %get3A_197 : vector<1x16xf32> to vector<16xf32>
        %get3A_199 = arith.index_cast %scan3A_109 : i32 to index
        %get3A_200 = arith.constant 64 : index
        %get3A_201 = tpu.vector_load %arg15[%get3A_199, %get3A_200] {strides = array<i32>} : memref<64x128xf32, #tpu.memory_space<vmem>>, vector<1x16xf32>,
        %get3A_202 = vector.shape_cast %get3A_201 : vector<1x16xf32> to vector<16xf32>
        %add3A_203 = arith.addf %get3A_198, %get3A_202 : vector<16xf32>
        %get3A_204 = arith.index_cast %scan3A_109 : i32 to index
        %get3A_205 = arith.constant 64 : index
        %get3A_206 = tpu.vector_load %arg17[%get3A_204, %get3A_205] {strides = array<i32>} : memref<64x128xf32, #tpu.memory_space<vmem>>, vector<1x16xf32>,
        %get3A_207 = vector.shape_cast %get3A_206 : vector<1x16xf32> to vector<16xf32>
        %add3A_208 = arith.addf %add3A_203, %get3A_207 : vector<16xf32>
        %max3A_209 = arith.constant 0.000000e+00 : f32
        %max3A_210 = vector.broadcast %max3A_209 : f32 to vector<16xf32>
        %max3A_211 = arith.maximumf %add3A_208, %max3A_210 : vector<16xf32>
        %swap3A_212 = arith.index_cast %scan3A_109 : i32 to index
        %swap3A_213 = arith.constant 64 : index
        %swap3A_214 = tpu.vector_load %arg17[%swap3A_212, %swap3A_213] {strides = array<i32>} : memref<64x128xf32, #tpu.memory_space<vmem>>, vector<1x16xf32>,
        %swap3A_215 = vector.shape_cast %swap3A_214 : vector<1x16xf32> to vector<16xf32>
        %swap3A_216 = vector.shape_cast %max3A_211 : vector<16xf32> to vector<1x16xf32>
        tpu.vector_store %arg17[%swap3A_212, %swap3A_213], %swap3A_216 {strides = array<i32>} : memref<64x128xf32, #tpu.memory_space<vmem>>, vector<1x16xf32>,
        %get3A_217 = arith.index_cast %scan3A_109 : i32 to index
        %get3A_218 = arith.constant 80 : index
        %get3A_219 = tpu.vector_load %arg13[%get3A_217, %get3A_218] {strides = array<i32>} : memref<64x128xf32, #tpu.memory_space<vmem>>, vector<1x16xf32>,
        %get3A_220 = vector.shape_cast %get3A_219 : vector<1x16xf32> to vector<16xf32>
        %get3A_221 = arith.index_cast %scan3A_109 : i32 to index
        %get3A_222 = arith.constant 80 : index
        %get3A_223 = tpu.vector_load %arg15[%get3A_221, %get3A_222] {strides = array<i32>} : memref<64x128xf32, #tpu.memory_space<vmem>>, vector<1x16xf32>,
        %get3A_224 = vector.shape_cast %get3A_223 : vector<1x16xf32> to vector<16xf32>
        %add3A_225 = arith.addf %get3A_220, %get3A_224 : vector<16xf32>
        %get3A_226 = arith.index_cast %scan3A_109 : i32 to index
        %get3A_227 = arith.constant 80 : index
        %get3A_228 = tpu.vector_load %arg17[%get3A_226, %get3A_227] {strides = array<i32>} : memref<64x128xf32, #tpu.memory_space<vmem>>, vector<1x16xf32>,
        %get3A_229 = vector.shape_cast %get3A_228 : vector<1x16xf32> to vector<16xf32>
        %add3A_230 = arith.addf %add3A_225, %get3A_229 : vector<16xf32>
        %max3A_231 = arith.constant 0.000000e+00 : f32
        %max3A_232 = vector.broadcast %max3A_231 : f32 to vector<16xf32>
        %max3A_233 = arith.maximumf %add3A_230, %max3A_232 : vector<16xf32>
        %swap3A_234 = arith.index_cast %scan3A_109 : i32 to index
        %swap3A_235 = arith.constant 80 : index
        %swap3A_236 = tpu.vector_load %arg17[%swap3A_234, %swap3A_235] {strides = array<i32>} : memref<64x128xf32, #tpu.memory_space<vmem>>, vector<1x16xf32>,
        %swap3A_237 = vector.shape_cast %swap3A_236 : vector<1x16xf32> to vector<16xf32>
        %swap3A_238 = vector.shape_cast %max3A_233 : vector<16xf32> to vector<1x16xf32>
        tpu.vector_store %arg17[%swap3A_234, %swap3A_235], %swap3A_238 {strides = array<i32>} : memref<64x128xf32, #tpu.memory_space<vmem>>, vector<1x16xf32>,
        %get3A_239 = arith.index_cast %scan3A_109 : i32 to index
        %get3A_240 = arith.constant 96 : index
        %get3A_241 = tpu.vector_load %arg13[%get3A_239, %get3A_240] {strides = array<i32>} : memref<64x128xf32, #tpu.memory_space<vmem>>, vector<1x16xf32>,
        %get3A_242 = vector.shape_cast %get3A_241 : vector<1x16xf32> to vector<16xf32>
        %get3A_243 = arith.index_cast %scan3A_109 : i32 to index
        %get3A_244 = arith.constant 96 : index
        %get3A_245 = tpu.vector_load %arg15[%get3A_243, %get3A_244] {strides = array<i32>} : memref<64x128xf32, #tpu.memory_space<vmem>>, vector<1x16xf32>,
        %get3A_246 = vector.shape_cast %get3A_245 : vector<1x16xf32> to vector<16xf32>
        %add3A_247 = arith.addf %get3A_242, %get3A_246 : vector<16xf32>
        %get3A_248 = arith.index_cast %scan3A_109 : i32 to index
        %get3A_249 = arith.constant 96 : index
        %get3A_250 = tpu.vector_load %arg17[%get3A_248, %get3A_249] {strides = array<i32>} : memref<64x128xf32, #tpu.memory_space<vmem>>, vector<1x16xf32>,
        %get3A_251 = vector.shape_cast %get3A_250 : vector<1x16xf32> to vector<16xf32>
        %add3A_252 = arith.addf %add3A_247, %get3A_251 : vector<16xf32>
        %max3A_253 = arith.constant 0.000000e+00 : f32
        %max3A_254 = vector.broadcast %max3A_253 : f32 to vector<16xf32>
        %max3A_255 = arith.maximumf %add3A_252, %max3A_254 : vector<16xf32>
        %swap3A_256 = arith.index_cast %scan3A_109 : i32 to index
        %swap3A_257 = arith.constant 96 : index
        %swap3A_258 = tpu.vector_load %arg17[%swap3A_256, %swap3A_257] {strides = array<i32>} : memref<64x128xf32, #tpu.memory_space<vmem>>, vector<1x16xf32>,
        %swap3A_259 = vector.shape_cast %swap3A_258 : vector<1x16xf32> to vector<16xf32>
        %swap3A_260 = vector.shape_cast %max3A_255 : vector<16xf32> to vector<1x16xf32>
        tpu.vector_store %arg17[%swap3A_256, %swap3A_257], %swap3A_260 {strides = array<i32>} : memref<64x128xf32, #tpu.memory_space<vmem>>, vector<1x16xf32>,
        %get3A_261 = arith.index_cast %scan3A_109 : i32 to index
        %get3A_262 = arith.constant 112 : index
        %get3A_263 = tpu.vector_load %arg13[%get3A_261, %get3A_262] {strides = array<i32>} : memref<64x128xf32, #tpu.memory_space<vmem>>, vector<1x16xf32>,
        %get3A_264 = vector.shape_cast %get3A_263 : vector<1x16xf32> to vector<16xf32>
        %get3A_265 = arith.index_cast %scan3A_109 : i32 to index
        %get3A_266 = arith.constant 112 : index
        %get3A_267 = tpu.vector_load %arg15[%get3A_265, %get3A_266] {strides = array<i32>} : memref<64x128xf32, #tpu.memory_space<vmem>>, vector<1x16xf32>,
        %get3A_268 = vector.shape_cast %get3A_267 : vector<1x16xf32> to vector<16xf32>
        %add3A_269 = arith.addf %get3A_264, %get3A_268 : vector<16xf32>
        %get3A_270 = arith.index_cast %scan3A_109 : i32 to index
        %get3A_271 = arith.constant 112 : index
        %get3A_272 = tpu.vector_load %arg17[%get3A_270, %get3A_271] {strides = array<i32>} : memref<64x128xf32, #tpu.memory_space<vmem>>, vector<1x16xf32>,
        %get3A_273 = vector.shape_cast %get3A_272 : vector<1x16xf32> to vector<16xf32>
        %add3A_274 = arith.addf %add3A_269, %get3A_273 : vector<16xf32>
        %max3A_275 = arith.constant 0.000000e+00 : f32
        %max3A_276 = vector.broadcast %max3A_275 : f32 to vector<16xf32>
        %max3A_277 = arith.maximumf %add3A_274, %max3A_276 : vector<16xf32>
        %swap3A_278 = arith.index_cast %scan3A_109 : i32 to index
        %swap3A_279 = arith.constant 112 : index
        %swap3A_280 = tpu.vector_load %arg17[%swap3A_278, %swap3A_279] {strides = array<i32>} : memref<64x128xf32, #tpu.memory_space<vmem>>, vector<1x16xf32>,
        %swap3A_281 = vector.shape_cast %swap3A_280 : vector<1x16xf32> to vector<16xf32>
        %swap3A_282 = vector.shape_cast %max3A_277 : vector<16xf32> to vector<1x16xf32>
        tpu.vector_store %arg17[%swap3A_278, %swap3A_279], %swap3A_282 {strides = array<i32>} : memref<64x128xf32, #tpu.memory_space<vmem>>, vector<1x16xf32>,
      }
      %scan3A_77 = arith.constant 64 : i32
      "tpu.region"() ({
        %run_scoped3A = tpu.sem_alloc : memref<!tpu.dma_semaphore, #tpu.memory_space<semaphore_mem>>
        %dma_start3A_109 = arith.constant 0 : i32
        %dma_start3A_110 = arith.constant 0 : i32
        %dma_start3A_111 = tpu.memref_slice %arg19[%dma_start3A_109, %dma_start3A_110] : memref<10008x128xf32, #tpu.memory_space<vmem_shared>> -> memref<10008x128xf32, #tpu.memory_space<vmem_shared>>
        tpu.enqueue_indirect_dma source(%arg17 : memref<64x128xf32, #tpu.memory_space<vmem>>) target(%dma_start3A_111 : memref<10008x128xf32, #tpu.memory_space<vmem_shared>>) offsets(%arg11 : memref<64xi32, #tpu.memory_space<vmem>>) semaphore(%run_scoped3A : memref<!tpu.dma_semaphore, #tpu.memory_space<semaphore_mem>>) {add = true}
        %dma_wait3A_112 = arith.constant 0 : i32
        %dma_wait3A_113 = arith.constant 0 : i32
        %dma_wait3A_114 = tpu.memref_slice %arg19[%dma_wait3A_112, %dma_wait3A_113] : memref<10008x128xf32, #tpu.memory_space<vmem_shared>> -> memref<10008x128xf32, #tpu.memory_space<vmem_shared>>
        tpu.wait_indirect_dma semaphore(%run_scoped3A : memref<!tpu.dma_semaphore, #tpu.memory_space<semaphore_mem>>) src(%arg17 : memref<64x128xf32, #tpu.memory_space<vmem>>) dst(%dma_wait3A_114 : memref<10008x128xf32, #tpu.memory_space<vmem_shared>>)
        tpu.yield
      }) : () -> ()
      %add3A_78 = arith.constant 2 : i32
      %add3A_79 = arith.addi %mul3A_38, %add3A_78 : i32
      %lt3A_80 = arith.constant 80 : i32
      %lt3A_81 = arith.cmpi slt, %add3A_79, %lt3A_80 : i32
      %convert_element_type3A_82 = arith.extui %lt3A_81 : i1 to i32
      %cond3A_83 = arith.constant 0 : i32
      %cond3A_84 = arith.cmpi ne, %convert_element_type3A_82, %cond3A_83 : i32
      scf.if %cond3A_84 {
        %add3A_109 = arith.constant 2 : i32
        %add3A_110 = arith.addi %mul3A_38, %add3A_109 : i32
        %mul3A_111 = arith.constant 64 : i32
        %mul3A_112 = arith.muli %add3A_110, %mul3A_111 : i32
        %add3A_113 = arith.addi %mul3A_8, %mul3A_112 : i32
        %multiple_of3A_114 = tpu.assume_multiple %add3A_113, 64 : i32
        "tpu.region"() ({
          %run_scoped3A = tpu.sem_alloc : memref<!tpu.dma_semaphore, #tpu.memory_space<semaphore_mem>>
          %dma_start3A_125 = tpu.memref_slice %arg5[%multiple_of3A_114] : memref<163840xi32, #tpu.memory_space<hbm>> -> memref<64xi32, #tpu.memory_space<hbm>>
          %dma_start3A_126 = tpu.memref_slice %arg5[%multiple_of3A_114] : memref<163840xi32, #tpu.memory_space<hbm>> -> memref<64xi32, #tpu.memory_space<hbm>>
          tpu.enqueue_dma source(%dma_start3A_126 : memref<64xi32, #tpu.memory_space<hbm>>) target(%arg9 : memref<64xi32, #tpu.memory_space<vmem>>) target_semaphore(%run_scoped3A : memref<!tpu.dma_semaphore, #tpu.memory_space<semaphore_mem>>)
          %dma_wait3A_127 = tpu.memref_slice %arg5[%multiple_of3A_114] : memref<163840xi32, #tpu.memory_space<hbm>> -> memref<64xi32, #tpu.memory_space<hbm>>
          %dma_wait3A_128 = tpu.memref_slice %arg5[%multiple_of3A_114] : memref<163840xi32, #tpu.memory_space<hbm>> -> memref<64xi32, #tpu.memory_space<hbm>>
          tpu.wait_dma2 semaphore(%run_scoped3A : memref<!tpu.dma_semaphore, #tpu.memory_space<semaphore_mem>>) src(%dma_wait3A_128 : memref<64xi32, #tpu.memory_space<hbm>>) dst(%arg9 : memref<64xi32, #tpu.memory_space<vmem>>)
          tpu.yield
        }) : () -> ()
        "tpu.region"() ({
          %run_scoped3A = tpu.sem_alloc : memref<!tpu.dma_semaphore, #tpu.memory_space<semaphore_mem>>
          %dma_start3A_125 = tpu.memref_slice %arg6[%multiple_of3A_114] : memref<163840xi32, #tpu.memory_space<hbm>> -> memref<64xi32, #tpu.memory_space<hbm>>
          %dma_start3A_126 = tpu.memref_slice %arg6[%multiple_of3A_114] : memref<163840xi32, #tpu.memory_space<hbm>> -> memref<64xi32, #tpu.memory_space<hbm>>
          tpu.enqueue_dma source(%dma_start3A_126 : memref<64xi32, #tpu.memory_space<hbm>>) target(%arg11 : memref<64xi32, #tpu.memory_space<vmem>>) target_semaphore(%run_scoped3A : memref<!tpu.dma_semaphore, #tpu.memory_space<semaphore_mem>>)
          %dma_wait3A_127 = tpu.memref_slice %arg6[%multiple_of3A_114] : memref<163840xi32, #tpu.memory_space<hbm>> -> memref<64xi32, #tpu.memory_space<hbm>>
          %dma_wait3A_128 = tpu.memref_slice %arg6[%multiple_of3A_114] : memref<163840xi32, #tpu.memory_space<hbm>> -> memref<64xi32, #tpu.memory_space<hbm>>
          tpu.wait_dma2 semaphore(%run_scoped3A : memref<!tpu.dma_semaphore, #tpu.memory_space<semaphore_mem>>) src(%dma_wait3A_128 : memref<64xi32, #tpu.memory_space<hbm>>) dst(%arg11 : memref<64xi32, #tpu.memory_space<vmem>>)
          tpu.yield
        }) : () -> ()
        %dma_start3A_115 = arith.constant 0 : i32
        %dma_start3A_116 = arith.constant 0 : i32
        %dma_start3A_117 = tpu.memref_slice %arg2[%dma_start3A_115, %dma_start3A_116] : memref<10000x128xf32, #tpu.memory_space<hbm>> -> memref<10000x128xf32, #tpu.memory_space<hbm>>
        tpu.enqueue_indirect_dma source(%dma_start3A_117 : memref<10000x128xf32, #tpu.memory_space<hbm>>) target(%arg13 : memref<64x128xf32, #tpu.memory_space<vmem>>) offsets(%arg9 : memref<64xi32, #tpu.memory_space<vmem>>) semaphore(%arg20 : memref<!tpu.dma_semaphore, #tpu.memory_space<semaphore_mem>>)
        %dma_start3A_118 = arith.constant 0 : i32
        %dma_start3A_119 = arith.constant 0 : i32
        %dma_start3A_120 = tpu.memref_slice %arg3[%dma_start3A_118, %dma_start3A_119] : memref<10008x128xf32, #tpu.memory_space<hbm>> -> memref<10008x128xf32, #tpu.memory_space<hbm>>
        tpu.enqueue_indirect_dma source(%dma_start3A_120 : memref<10008x128xf32, #tpu.memory_space<hbm>>) target(%arg15 : memref<64x128xf32, #tpu.memory_space<vmem>>) offsets(%arg11 : memref<64xi32, #tpu.memory_space<vmem>>) semaphore(%arg22 : memref<!tpu.dma_semaphore, #tpu.memory_space<semaphore_mem>>)
        %dma_start3A_121 = arith.constant 0 : i32
        %dma_start3A_122 = tpu.memref_slice %arg4[%multiple_of3A_114, %dma_start3A_121] : memref<163840x128xf32, #tpu.memory_space<hbm>> -> memref<64x128xf32, #tpu.memory_space<hbm>>
        %dma_start3A_123 = arith.constant 0 : i32
        %dma_start3A_124 = tpu.memref_slice %arg4[%multiple_of3A_114, %dma_start3A_123] : memref<163840x128xf32, #tpu.memory_space<hbm>> -> memref<64x128xf32, #tpu.memory_space<hbm>>
        tpu.enqueue_dma source(%dma_start3A_124 : memref<64x128xf32, #tpu.memory_space<hbm>>) target(%arg17 : memref<64x128xf32, #tpu.memory_space<vmem>>) target_semaphore(%arg24 : memref<!tpu.dma_semaphore, #tpu.memory_space<semaphore_mem>>)
      } else {
      }
      %dma_wait3A_85 = arith.constant 0 : i32
      %dma_wait3A_86 = arith.constant 0 : i32
      %dma_wait3A_87 = tpu.memref_slice %arg4[%dma_wait3A_85, %dma_wait3A_86] : memref<163840x128xf32, #tpu.memory_space<hbm>> -> memref<64x128xf32, #tpu.memory_space<hbm>>
      %dma_wait3A_88 = arith.constant 0 : i32
      %dma_wait3A_89 = arith.constant 0 : i32
      %dma_wait3A_90 = tpu.memref_slice %arg4[%dma_wait3A_88, %dma_wait3A_89] : memref<163840x128xf32, #tpu.memory_space<hbm>> -> memref<64x128xf32, #tpu.memory_space<hbm>>
      tpu.wait_dma2 semaphore(%arg21 : memref<!tpu.dma_semaphore, #tpu.memory_space<semaphore_mem>>) src(%dma_wait3A_90 : memref<64x128xf32, #tpu.memory_space<hbm>>) dst(%arg14 : memref<64x128xf32, #tpu.memory_space<vmem>>)
      %dma_wait3A_91 = arith.constant 0 : i32
      %dma_wait3A_92 = arith.constant 0 : i32
      %dma_wait3A_93 = tpu.memref_slice %arg4[%dma_wait3A_91, %dma_wait3A_92] : memref<163840x128xf32, #tpu.memory_space<hbm>> -> memref<64x128xf32, #tpu.memory_space<hbm>>
      %dma_wait3A_94 = arith.constant 0 : i32
      %dma_wait3A_95 = arith.constant 0 : i32
      %dma_wait3A_96 = tpu.memref_slice %arg4[%dma_wait3A_94, %dma_wait3A_95] : memref<163840x128xf32, #tpu.memory_space<hbm>> -> memref<64x128xf32, #tpu.memory_space<hbm>>
      tpu.wait_dma2 semaphore(%arg23 : memref<!tpu.dma_semaphore, #tpu.memory_space<semaphore_mem>>) src(%dma_wait3A_96 : memref<64x128xf32, #tpu.memory_space<hbm>>) dst(%arg16 : memref<64x128xf32, #tpu.memory_space<vmem>>)
      %dma_wait3A_97 = arith.constant 0 : i32
      %dma_wait3A_98 = arith.constant 0 : i32
      %dma_wait3A_99 = tpu.memref_slice %arg4[%dma_wait3A_97, %dma_wait3A_98] : memref<163840x128xf32, #tpu.memory_space<hbm>> -> memref<64x128xf32, #tpu.memory_space<hbm>>
      %dma_wait3A_100 = arith.constant 0 : i32
      %dma_wait3A_101 = arith.constant 0 : i32
      %dma_wait3A_102 = tpu.memref_slice %arg4[%dma_wait3A_100, %dma_wait3A_101] : memref<163840x128xf32, #tpu.memory_space<hbm>> -> memref<64x128xf32, #tpu.memory_space<hbm>>
      tpu.wait_dma2 semaphore(%arg25 : memref<!tpu.dma_semaphore, #tpu.memory_space<semaphore_mem>>) src(%dma_wait3A_102 : memref<64x128xf32, #tpu.memory_space<hbm>>) dst(%arg18 : memref<64x128xf32, #tpu.memory_space<vmem>>)
      %scan3A_103 = arith.constant 0 : i32
      %scan3A_104 = arith.constant 0 : i32
      %scan3A_105 = arith.constant 64 : i32
      %scan3A_106 = arith.addi %scan3A_104, %scan3A_105 : i32
      %scan3A_107 = arith.constant 1 : i32
      scf.for %scan3A_109 = %scan3A_104 to %scan3A_106 step %scan3A_107  : i32 {
        %get3A = arith.index_cast %scan3A_109 : i32 to index
        %get3A_110 = arith.constant 0 : index
        %get3A_111 = tpu.vector_load %arg14[%get3A, %get3A_110] {strides = array<i32>} : memref<64x128xf32, #tpu.memory_space<vmem>>, vector<1x16xf32>,
        %get3A_112 = vector.shape_cast %get3A_111 : vector<1x16xf32> to vector<16xf32>
        %get3A_113 = arith.index_cast %scan3A_109 : i32 to index
        %get3A_114 = arith.constant 0 : index
        %get3A_115 = tpu.vector_load %arg16[%get3A_113, %get3A_114] {strides = array<i32>} : memref<64x128xf32, #tpu.memory_space<vmem>>, vector<1x16xf32>,
        %get3A_116 = vector.shape_cast %get3A_115 : vector<1x16xf32> to vector<16xf32>
        %add3A_117 = arith.addf %get3A_112, %get3A_116 : vector<16xf32>
        %get3A_118 = arith.index_cast %scan3A_109 : i32 to index
        %get3A_119 = arith.constant 0 : index
        %get3A_120 = tpu.vector_load %arg18[%get3A_118, %get3A_119] {strides = array<i32>} : memref<64x128xf32, #tpu.memory_space<vmem>>, vector<1x16xf32>,
        %get3A_121 = vector.shape_cast %get3A_120 : vector<1x16xf32> to vector<16xf32>
        %add3A_122 = arith.addf %add3A_117, %get3A_121 : vector<16xf32>
        %max3A = arith.constant 0.000000e+00 : f32
        %max3A_123 = vector.broadcast %max3A : f32 to vector<16xf32>
        %max3A_124 = arith.maximumf %add3A_122, %max3A_123 : vector<16xf32>
        %swap3A = arith.index_cast %scan3A_109 : i32 to index
        %swap3A_125 = arith.constant 0 : index
        %swap3A_126 = tpu.vector_load %arg18[%swap3A, %swap3A_125] {strides = array<i32>} : memref<64x128xf32, #tpu.memory_space<vmem>>, vector<1x16xf32>,
        %swap3A_127 = vector.shape_cast %swap3A_126 : vector<1x16xf32> to vector<16xf32>
        %swap3A_128 = vector.shape_cast %max3A_124 : vector<16xf32> to vector<1x16xf32>
        tpu.vector_store %arg18[%swap3A, %swap3A_125], %swap3A_128 {strides = array<i32>} : memref<64x128xf32, #tpu.memory_space<vmem>>, vector<1x16xf32>,
        %get3A_129 = arith.index_cast %scan3A_109 : i32 to index
        %get3A_130 = arith.constant 16 : index
        %get3A_131 = tpu.vector_load %arg14[%get3A_129, %get3A_130] {strides = array<i32>} : memref<64x128xf32, #tpu.memory_space<vmem>>, vector<1x16xf32>,
        %get3A_132 = vector.shape_cast %get3A_131 : vector<1x16xf32> to vector<16xf32>
        %get3A_133 = arith.index_cast %scan3A_109 : i32 to index
        %get3A_134 = arith.constant 16 : index
        %get3A_135 = tpu.vector_load %arg16[%get3A_133, %get3A_134] {strides = array<i32>} : memref<64x128xf32, #tpu.memory_space<vmem>>, vector<1x16xf32>,
        %get3A_136 = vector.shape_cast %get3A_135 : vector<1x16xf32> to vector<16xf32>
        %add3A_137 = arith.addf %get3A_132, %get3A_136 : vector<16xf32>
        %get3A_138 = arith.index_cast %scan3A_109 : i32 to index
        %get3A_139 = arith.constant 16 : index
        %get3A_140 = tpu.vector_load %arg18[%get3A_138, %get3A_139] {strides = array<i32>} : memref<64x128xf32, #tpu.memory_space<vmem>>, vector<1x16xf32>,
        %get3A_141 = vector.shape_cast %get3A_140 : vector<1x16xf32> to vector<16xf32>
        %add3A_142 = arith.addf %add3A_137, %get3A_141 : vector<16xf32>
        %max3A_143 = arith.constant 0.000000e+00 : f32
        %max3A_144 = vector.broadcast %max3A_143 : f32 to vector<16xf32>
        %max3A_145 = arith.maximumf %add3A_142, %max3A_144 : vector<16xf32>
        %swap3A_146 = arith.index_cast %scan3A_109 : i32 to index
        %swap3A_147 = arith.constant 16 : index
        %swap3A_148 = tpu.vector_load %arg18[%swap3A_146, %swap3A_147] {strides = array<i32>} : memref<64x128xf32, #tpu.memory_space<vmem>>, vector<1x16xf32>,
        %swap3A_149 = vector.shape_cast %swap3A_148 : vector<1x16xf32> to vector<16xf32>
        %swap3A_150 = vector.shape_cast %max3A_145 : vector<16xf32> to vector<1x16xf32>
        tpu.vector_store %arg18[%swap3A_146, %swap3A_147], %swap3A_150 {strides = array<i32>} : memref<64x128xf32, #tpu.memory_space<vmem>>, vector<1x16xf32>,
        %get3A_151 = arith.index_cast %scan3A_109 : i32 to index
        %get3A_152 = arith.constant 32 : index
        %get3A_153 = tpu.vector_load %arg14[%get3A_151, %get3A_152] {strides = array<i32>} : memref<64x128xf32, #tpu.memory_space<vmem>>, vector<1x16xf32>,
        %get3A_154 = vector.shape_cast %get3A_153 : vector<1x16xf32> to vector<16xf32>
        %get3A_155 = arith.index_cast %scan3A_109 : i32 to index
        %get3A_156 = arith.constant 32 : index
        %get3A_157 = tpu.vector_load %arg16[%get3A_155, %get3A_156] {strides = array<i32>} : memref<64x128xf32, #tpu.memory_space<vmem>>, vector<1x16xf32>,
        %get3A_158 = vector.shape_cast %get3A_157 : vector<1x16xf32> to vector<16xf32>
        %add3A_159 = arith.addf %get3A_154, %get3A_158 : vector<16xf32>
        %get3A_160 = arith.index_cast %scan3A_109 : i32 to index
        %get3A_161 = arith.constant 32 : index
        %get3A_162 = tpu.vector_load %arg18[%get3A_160, %get3A_161] {strides = array<i32>} : memref<64x128xf32, #tpu.memory_space<vmem>>, vector<1x16xf32>,
        %get3A_163 = vector.shape_cast %get3A_162 : vector<1x16xf32> to vector<16xf32>
        %add3A_164 = arith.addf %add3A_159, %get3A_163 : vector<16xf32>
        %max3A_165 = arith.constant 0.000000e+00 : f32
        %max3A_166 = vector.broadcast %max3A_165 : f32 to vector<16xf32>
        %max3A_167 = arith.maximumf %add3A_164, %max3A_166 : vector<16xf32>
        %swap3A_168 = arith.index_cast %scan3A_109 : i32 to index
        %swap3A_169 = arith.constant 32 : index
        %swap3A_170 = tpu.vector_load %arg18[%swap3A_168, %swap3A_169] {strides = array<i32>} : memref<64x128xf32, #tpu.memory_space<vmem>>, vector<1x16xf32>,
        %swap3A_171 = vector.shape_cast %swap3A_170 : vector<1x16xf32> to vector<16xf32>
        %swap3A_172 = vector.shape_cast %max3A_167 : vector<16xf32> to vector<1x16xf32>
        tpu.vector_store %arg18[%swap3A_168, %swap3A_169], %swap3A_172 {strides = array<i32>} : memref<64x128xf32, #tpu.memory_space<vmem>>, vector<1x16xf32>,
        %get3A_173 = arith.index_cast %scan3A_109 : i32 to index
        %get3A_174 = arith.constant 48 : index
        %get3A_175 = tpu.vector_load %arg14[%get3A_173, %get3A_174] {strides = array<i32>} : memref<64x128xf32, #tpu.memory_space<vmem>>, vector<1x16xf32>,
        %get3A_176 = vector.shape_cast %get3A_175 : vector<1x16xf32> to vector<16xf32>
        %get3A_177 = arith.index_cast %scan3A_109 : i32 to index
        %get3A_178 = arith.constant 48 : index
        %get3A_179 = tpu.vector_load %arg16[%get3A_177, %get3A_178] {strides = array<i32>} : memref<64x128xf32, #tpu.memory_space<vmem>>, vector<1x16xf32>,
        %get3A_180 = vector.shape_cast %get3A_179 : vector<1x16xf32> to vector<16xf32>
        %add3A_181 = arith.addf %get3A_176, %get3A_180 : vector<16xf32>
        %get3A_182 = arith.index_cast %scan3A_109 : i32 to index
        %get3A_183 = arith.constant 48 : index
        %get3A_184 = tpu.vector_load %arg18[%get3A_182, %get3A_183] {strides = array<i32>} : memref<64x128xf32, #tpu.memory_space<vmem>>, vector<1x16xf32>,
        %get3A_185 = vector.shape_cast %get3A_184 : vector<1x16xf32> to vector<16xf32>
        %add3A_186 = arith.addf %add3A_181, %get3A_185 : vector<16xf32>
        %max3A_187 = arith.constant 0.000000e+00 : f32
        %max3A_188 = vector.broadcast %max3A_187 : f32 to vector<16xf32>
        %max3A_189 = arith.maximumf %add3A_186, %max3A_188 : vector<16xf32>
        %swap3A_190 = arith.index_cast %scan3A_109 : i32 to index
        %swap3A_191 = arith.constant 48 : index
        %swap3A_192 = tpu.vector_load %arg18[%swap3A_190, %swap3A_191] {strides = array<i32>} : memref<64x128xf32, #tpu.memory_space<vmem>>, vector<1x16xf32>,
        %swap3A_193 = vector.shape_cast %swap3A_192 : vector<1x16xf32> to vector<16xf32>
        %swap3A_194 = vector.shape_cast %max3A_189 : vector<16xf32> to vector<1x16xf32>
        tpu.vector_store %arg18[%swap3A_190, %swap3A_191], %swap3A_194 {strides = array<i32>} : memref<64x128xf32, #tpu.memory_space<vmem>>, vector<1x16xf32>,
        %get3A_195 = arith.index_cast %scan3A_109 : i32 to index
        %get3A_196 = arith.constant 64 : index
        %get3A_197 = tpu.vector_load %arg14[%get3A_195, %get3A_196] {strides = array<i32>} : memref<64x128xf32, #tpu.memory_space<vmem>>, vector<1x16xf32>,
        %get3A_198 = vector.shape_cast %get3A_197 : vector<1x16xf32> to vector<16xf32>
        %get3A_199 = arith.index_cast %scan3A_109 : i32 to index
        %get3A_200 = arith.constant 64 : index
        %get3A_201 = tpu.vector_load %arg16[%get3A_199, %get3A_200] {strides = array<i32>} : memref<64x128xf32, #tpu.memory_space<vmem>>, vector<1x16xf32>,
        %get3A_202 = vector.shape_cast %get3A_201 : vector<1x16xf32> to vector<16xf32>
        %add3A_203 = arith.addf %get3A_198, %get3A_202 : vector<16xf32>
        %get3A_204 = arith.index_cast %scan3A_109 : i32 to index
        %get3A_205 = arith.constant 64 : index
        %get3A_206 = tpu.vector_load %arg18[%get3A_204, %get3A_205] {strides = array<i32>} : memref<64x128xf32, #tpu.memory_space<vmem>>, vector<1x16xf32>,
        %get3A_207 = vector.shape_cast %get3A_206 : vector<1x16xf32> to vector<16xf32>
        %add3A_208 = arith.addf %add3A_203, %get3A_207 : vector<16xf32>
        %max3A_209 = arith.constant 0.000000e+00 : f32
        %max3A_210 = vector.broadcast %max3A_209 : f32 to vector<16xf32>
        %max3A_211 = arith.maximumf %add3A_208, %max3A_210 : vector<16xf32>
        %swap3A_212 = arith.index_cast %scan3A_109 : i32 to index
        %swap3A_213 = arith.constant 64 : index
        %swap3A_214 = tpu.vector_load %arg18[%swap3A_212, %swap3A_213] {strides = array<i32>} : memref<64x128xf32, #tpu.memory_space<vmem>>, vector<1x16xf32>,
        %swap3A_215 = vector.shape_cast %swap3A_214 : vector<1x16xf32> to vector<16xf32>
        %swap3A_216 = vector.shape_cast %max3A_211 : vector<16xf32> to vector<1x16xf32>
        tpu.vector_store %arg18[%swap3A_212, %swap3A_213], %swap3A_216 {strides = array<i32>} : memref<64x128xf32, #tpu.memory_space<vmem>>, vector<1x16xf32>,
        %get3A_217 = arith.index_cast %scan3A_109 : i32 to index
        %get3A_218 = arith.constant 80 : index
        %get3A_219 = tpu.vector_load %arg14[%get3A_217, %get3A_218] {strides = array<i32>} : memref<64x128xf32, #tpu.memory_space<vmem>>, vector<1x16xf32>,
        %get3A_220 = vector.shape_cast %get3A_219 : vector<1x16xf32> to vector<16xf32>
        %get3A_221 = arith.index_cast %scan3A_109 : i32 to index
        %get3A_222 = arith.constant 80 : index
        %get3A_223 = tpu.vector_load %arg16[%get3A_221, %get3A_222] {strides = array<i32>} : memref<64x128xf32, #tpu.memory_space<vmem>>, vector<1x16xf32>,
        %get3A_224 = vector.shape_cast %get3A_223 : vector<1x16xf32> to vector<16xf32>
        %add3A_225 = arith.addf %get3A_220, %get3A_224 : vector<16xf32>
        %get3A_226 = arith.index_cast %scan3A_109 : i32 to index
        %get3A_227 = arith.constant 80 : index
        %get3A_228 = tpu.vector_load %arg18[%get3A_226, %get3A_227] {strides = array<i32>} : memref<64x128xf32, #tpu.memory_space<vmem>>, vector<1x16xf32>,
        %get3A_229 = vector.shape_cast %get3A_228 : vector<1x16xf32> to vector<16xf32>
        %add3A_230 = arith.addf %add3A_225, %get3A_229 : vector<16xf32>
        %max3A_231 = arith.constant 0.000000e+00 : f32
        %max3A_232 = vector.broadcast %max3A_231 : f32 to vector<16xf32>
        %max3A_233 = arith.maximumf %add3A_230, %max3A_232 : vector<16xf32>
        %swap3A_234 = arith.index_cast %scan3A_109 : i32 to index
        %swap3A_235 = arith.constant 80 : index
        %swap3A_236 = tpu.vector_load %arg18[%swap3A_234, %swap3A_235] {strides = array<i32>} : memref<64x128xf32, #tpu.memory_space<vmem>>, vector<1x16xf32>,
        %swap3A_237 = vector.shape_cast %swap3A_236 : vector<1x16xf32> to vector<16xf32>
        %swap3A_238 = vector.shape_cast %max3A_233 : vector<16xf32> to vector<1x16xf32>
        tpu.vector_store %arg18[%swap3A_234, %swap3A_235], %swap3A_238 {strides = array<i32>} : memref<64x128xf32, #tpu.memory_space<vmem>>, vector<1x16xf32>,
        %get3A_239 = arith.index_cast %scan3A_109 : i32 to index
        %get3A_240 = arith.constant 96 : index
        %get3A_241 = tpu.vector_load %arg14[%get3A_239, %get3A_240] {strides = array<i32>} : memref<64x128xf32, #tpu.memory_space<vmem>>, vector<1x16xf32>,
        %get3A_242 = vector.shape_cast %get3A_241 : vector<1x16xf32> to vector<16xf32>
        %get3A_243 = arith.index_cast %scan3A_109 : i32 to index
        %get3A_244 = arith.constant 96 : index
        %get3A_245 = tpu.vector_load %arg16[%get3A_243, %get3A_244] {strides = array<i32>} : memref<64x128xf32, #tpu.memory_space<vmem>>, vector<1x16xf32>,
        %get3A_246 = vector.shape_cast %get3A_245 : vector<1x16xf32> to vector<16xf32>
        %add3A_247 = arith.addf %get3A_242, %get3A_246 : vector<16xf32>
        %get3A_248 = arith.index_cast %scan3A_109 : i32 to index
        %get3A_249 = arith.constant 96 : index
        %get3A_250 = tpu.vector_load %arg18[%get3A_248, %get3A_249] {strides = array<i32>} : memref<64x128xf32, #tpu.memory_space<vmem>>, vector<1x16xf32>,
        %get3A_251 = vector.shape_cast %get3A_250 : vector<1x16xf32> to vector<16xf32>
        %add3A_252 = arith.addf %add3A_247, %get3A_251 : vector<16xf32>
        %max3A_253 = arith.constant 0.000000e+00 : f32
        %max3A_254 = vector.broadcast %max3A_253 : f32 to vector<16xf32>
        %max3A_255 = arith.maximumf %add3A_252, %max3A_254 : vector<16xf32>
        %swap3A_256 = arith.index_cast %scan3A_109 : i32 to index
        %swap3A_257 = arith.constant 96 : index
        %swap3A_258 = tpu.vector_load %arg18[%swap3A_256, %swap3A_257] {strides = array<i32>} : memref<64x128xf32, #tpu.memory_space<vmem>>, vector<1x16xf32>,
        %swap3A_259 = vector.shape_cast %swap3A_258 : vector<1x16xf32> to vector<16xf32>
        %swap3A_260 = vector.shape_cast %max3A_255 : vector<16xf32> to vector<1x16xf32>
        tpu.vector_store %arg18[%swap3A_256, %swap3A_257], %swap3A_260 {strides = array<i32>} : memref<64x128xf32, #tpu.memory_space<vmem>>, vector<1x16xf32>,
        %get3A_261 = arith.index_cast %scan3A_109 : i32 to index
        %get3A_262 = arith.constant 112 : index
        %get3A_263 = tpu.vector_load %arg14[%get3A_261, %get3A_262] {strides = array<i32>} : memref<64x128xf32, #tpu.memory_space<vmem>>, vector<1x16xf32>,
        %get3A_264 = vector.shape_cast %get3A_263 : vector<1x16xf32> to vector<16xf32>
        %get3A_265 = arith.index_cast %scan3A_109 : i32 to index
        %get3A_266 = arith.constant 112 : index
        %get3A_267 = tpu.vector_load %arg16[%get3A_265, %get3A_266] {strides = array<i32>} : memref<64x128xf32, #tpu.memory_space<vmem>>, vector<1x16xf32>,
        %get3A_268 = vector.shape_cast %get3A_267 : vector<1x16xf32> to vector<16xf32>
        %add3A_269 = arith.addf %get3A_264, %get3A_268 : vector<16xf32>
        %get3A_270 = arith.index_cast %scan3A_109 : i32 to index
        %get3A_271 = arith.constant 112 : index
        %get3A_272 = tpu.vector_load %arg18[%get3A_270, %get3A_271] {strides = array<i32>} : memref<64x128xf32, #tpu.memory_space<vmem>>, vector<1x16xf32>,
        %get3A_273 = vector.shape_cast %get3A_272 : vector<1x16xf32> to vector<16xf32>
        %add3A_274 = arith.addf %add3A_269, %get3A_273 : vector<16xf32>
        %max3A_275 = arith.constant 0.000000e+00 : f32
        %max3A_276 = vector.broadcast %max3A_275 : f32 to vector<16xf32>
        %max3A_277 = arith.maximumf %add3A_274, %max3A_276 : vector<16xf32>
        %swap3A_278 = arith.index_cast %scan3A_109 : i32 to index
        %swap3A_279 = arith.constant 112 : index
        %swap3A_280 = tpu.vector_load %arg18[%swap3A_278, %swap3A_279] {strides = array<i32>} : memref<64x128xf32, #tpu.memory_space<vmem>>, vector<1x16xf32>,
        %swap3A_281 = vector.shape_cast %swap3A_280 : vector<1x16xf32> to vector<16xf32>
        %swap3A_282 = vector.shape_cast %max3A_277 : vector<16xf32> to vector<1x16xf32>
        tpu.vector_store %arg18[%swap3A_278, %swap3A_279], %swap3A_282 {strides = array<i32>} : memref<64x128xf32, #tpu.memory_space<vmem>>, vector<1x16xf32>,
      }
      %scan3A_108 = arith.constant 64 : i32
      "tpu.region"() ({
        %run_scoped3A = tpu.sem_alloc : memref<!tpu.dma_semaphore, #tpu.memory_space<semaphore_mem>>
        %dma_start3A_109 = arith.constant 0 : i32
        %dma_start3A_110 = arith.constant 0 : i32
        %dma_start3A_111 = tpu.memref_slice %arg19[%dma_start3A_109, %dma_start3A_110] : memref<10008x128xf32, #tpu.memory_space<vmem_shared>> -> memref<10008x128xf32, #tpu.memory_space<vmem_shared>>
        tpu.enqueue_indirect_dma source(%arg18 : memref<64x128xf32, #tpu.memory_space<vmem>>) target(%dma_start3A_111 : memref<10008x128xf32, #tpu.memory_space<vmem_shared>>) offsets(%arg12 : memref<64xi32, #tpu.memory_space<vmem>>) semaphore(%run_scoped3A : memref<!tpu.dma_semaphore, #tpu.memory_space<semaphore_mem>>) {add = true}
        %dma_wait3A_112 = arith.constant 0 : i32
        %dma_wait3A_113 = arith.constant 0 : i32
        %dma_wait3A_114 = tpu.memref_slice %arg19[%dma_wait3A_112, %dma_wait3A_113] : memref<10008x128xf32, #tpu.memory_space<vmem_shared>> -> memref<10008x128xf32, #tpu.memory_space<vmem_shared>>
        tpu.wait_indirect_dma semaphore(%run_scoped3A : memref<!tpu.dma_semaphore, #tpu.memory_space<semaphore_mem>>) src(%arg18 : memref<64x128xf32, #tpu.memory_space<vmem>>) dst(%dma_wait3A_114 : memref<10008x128xf32, #tpu.memory_space<vmem_shared>>)
        tpu.yield
      }) : () -> ()
    }
    %scan3A_24 = arith.constant 40 : i32
    %barrier3A_25 = arith.constant 0 : index
    tpu.barrier barrier_id(%barrier3A_25)
    %lt3A_26 = arith.constant 15 : i32
    %lt3A_27 = arith.cmpi slt, %arg1, %lt3A_26 : i32
    %convert_element_type3A_28 = arith.extui %lt3A_27 : i1 to i32
    %cond3A_29 = arith.constant 0 : i32
    %cond3A_30 = arith.cmpi ne, %convert_element_type3A_28, %cond3A_29 : i32
    scf.if %cond3A_30 {
      %mul3A_36 = arith.constant 624 : i32
      %mul3A_37 = arith.muli %arg1, %mul3A_36 : i32
      %multiple_of3A_38 = tpu.assume_multiple %mul3A_37, 8 : i32
      "tpu.region"() ({
        %run_scoped3A = tpu.sem_alloc : memref<!tpu.dma_semaphore, #tpu.memory_space<semaphore_mem>>
        %dma_start3A_39 = arith.constant 0 : i32
        %dma_start3A_40 = tpu.memref_slice %arg8[%arg0, %multiple_of3A_38, %dma_start3A_39] : memref<2x10000x128xf32, #tpu.memory_space<hbm>> -> memref<1x624x128xf32, #tpu.memory_space<hbm>>
        %dma_start3A_41 = tpu.memref_squeeze %dma_start3A_40 : memref<1x624x128xf32, #tpu.memory_space<hbm>> -> memref<624x128xf32, #tpu.memory_space<hbm>>
        %dma_start3A_42 = arith.constant 0 : i32
        %dma_start3A_43 = tpu.memref_slice %arg19[%multiple_of3A_38, %dma_start3A_42] : memref<10008x128xf32, #tpu.memory_space<vmem_shared>> -> memref<624x128xf32, #tpu.memory_space<vmem_shared>>
        tpu.enqueue_dma source(%dma_start3A_43 : memref<624x128xf32, #tpu.memory_space<vmem_shared>>) target(%dma_start3A_41 : memref<624x128xf32, #tpu.memory_space<hbm>>) target_semaphore(%run_scoped3A : memref<!tpu.dma_semaphore, #tpu.memory_space<semaphore_mem>>)
        %dma_wait3A = arith.constant 0 : i32
        %dma_wait3A_44 = tpu.memref_slice %arg8[%arg0, %multiple_of3A_38, %dma_wait3A] : memref<2x10000x128xf32, #tpu.memory_space<hbm>> -> memref<1x624x128xf32, #tpu.memory_space<hbm>>
        %dma_wait3A_45 = tpu.memref_squeeze %dma_wait3A_44 : memref<1x624x128xf32, #tpu.memory_space<hbm>> -> memref<624x128xf32, #tpu.memory_space<hbm>>
        %dma_wait3A_46 = arith.constant 0 : i32
        %dma_wait3A_47 = tpu.memref_slice %arg19[%multiple_of3A_38, %dma_wait3A_46] : memref<10008x128xf32, #tpu.memory_space<vmem_shared>> -> memref<624x128xf32, #tpu.memory_space<vmem_shared>>
        tpu.wait_dma2 semaphore(%run_scoped3A : memref<!tpu.dma_semaphore, #tpu.memory_space<semaphore_mem>>) src(%dma_wait3A_47 : memref<624x128xf32, #tpu.memory_space<vmem_shared>>) dst(%dma_wait3A_45 : memref<624x128xf32, #tpu.memory_space<hbm>>)
        tpu.yield
      }) : () -> ()
    } else {
    }
    %eq3A_31 = arith.constant 15 : i32
    %eq3A_32 = arith.cmpi eq, %arg1, %eq3A_31 : i32
    %convert_element_type3A_33 = arith.extui %eq3A_32 : i1 to i32
    %cond3A_34 = arith.constant 0 : i32
    %cond3A_35 = arith.cmpi ne, %convert_element_type3A_33, %cond3A_34 : i32
    scf.if %cond3A_35 {
      "tpu.region"() ({
        %run_scoped3A = tpu.sem_alloc : memref<!tpu.dma_semaphore, #tpu.memory_space<semaphore_mem>>
        %dma_start3A_36 = arith.constant 9360 : i32
        %dma_start3A_37 = arith.constant 0 : i32
        %dma_start3A_38 = tpu.memref_slice %arg8[%arg0, %dma_start3A_36, %dma_start3A_37] : memref<2x10000x128xf32, #tpu.memory_space<hbm>> -> memref<1x640x128xf32, #tpu.memory_space<hbm>>
        %dma_start3A_39 = tpu.memref_squeeze %dma_start3A_38 : memref<1x640x128xf32, #tpu.memory_space<hbm>> -> memref<640x128xf32, #tpu.memory_space<hbm>>
        %dma_start3A_40 = arith.constant 9360 : i32
        %dma_start3A_41 = arith.constant 0 : i32
        %dma_start3A_42 = tpu.memref_slice %arg19[%dma_start3A_40, %dma_start3A_41] : memref<10008x128xf32, #tpu.memory_space<vmem_shared>> -> memref<640x128xf32, #tpu.memory_space<vmem_shared>>
        tpu.enqueue_dma source(%dma_start3A_42 : memref<640x128xf32, #tpu.memory_space<vmem_shared>>) target(%dma_start3A_39 : memref<640x128xf32, #tpu.memory_space<hbm>>) target_semaphore(%run_scoped3A : memref<!tpu.dma_semaphore, #tpu.memory_space<semaphore_mem>>)
        %dma_wait3A = arith.constant 9360 : i32
        %dma_wait3A_43 = arith.constant 0 : i32
        %dma_wait3A_44 = tpu.memref_slice %arg8[%arg0, %dma_wait3A, %dma_wait3A_43] : memref<2x10000x128xf32, #tpu.memory_space<hbm>> -> memref<1x640x128xf32, #tpu.memory_space<hbm>>
        %dma_wait3A_45 = tpu.memref_squeeze %dma_wait3A_44 : memref<1x640x128xf32, #tpu.memory_space<hbm>> -> memref<640x128xf32, #tpu.memory_space<hbm>>
        %dma_wait3A_46 = arith.constant 9360 : i32
        %dma_wait3A_47 = arith.constant 0 : i32
        %dma_wait3A_48 = tpu.memref_slice %arg19[%dma_wait3A_46, %dma_wait3A_47] : memref<10008x128xf32, #tpu.memory_space<vmem_shared>> -> memref<640x128xf32, #tpu.memory_space<vmem_shared>>
        tpu.wait_dma2 semaphore(%run_scoped3A : memref<!tpu.dma_semaphore, #tpu.memory_space<semaphore_mem>>) src(%dma_wait3A_48 : memref<640x128xf32, #tpu.memory_space<vmem_shared>>) dst(%dma_wait3A_45 : memref<640x128xf32, #tpu.memory_space<hbm>>)
        tpu.yield
      }) : () -> ()
    } else {
    }
    return
  }
}

#map = affine_map<(d0, d1) -> (0, 0)>
#map1 = affine_map<(d0, d1) -> (0)>
#map2 = affine_map<(d0, d1) -> (0, 0, 0)>
module attributes {stable_mosaic.version = 14 : i64} {
  func.func @_sc_body(%arg0: i32, %arg1: i32, %arg2: memref<10000x128xf32, #tpu.memory_space<hbm>>, %arg3: memref<10008x128xf32, #tpu.memory_space<hbm>>, %arg4: memref<163840x128xf32, #tpu.memory_space<hbm>>, %arg5: memref<163840xi32, #tpu.memory_space<hbm>>, %arg6: memref<163840xi32, #tpu.memory_space<hbm>>, %arg7: memref<10000x128xf32, #tpu.memory_space<hbm>>, %arg8: memref<2x10000x128xf32, #tpu.memory_space<hbm>>, %arg9: memref<64xi32, #tpu.memory_space<vmem>>, %arg10: memref<64xi32, #tpu.memory_space<vmem>>, %arg11: memref<64xi32, #tpu.memory_space<vmem>>, %arg12: memref<64xi32, #tpu.memory_space<vmem>>, %arg13: memref<64x128xf32, #tpu.memory_space<vmem>>, %arg14: memref<64x128xf32, #tpu.memory_space<vmem>>, %arg15: memref<64x128xf32, #tpu.memory_space<vmem>>, %arg16: memref<64x128xf32, #tpu.memory_space<vmem>>, %arg17: memref<64x128xf32, #tpu.memory_space<vmem>>, %arg18: memref<64x128xf32, #tpu.memory_space<vmem>>, %arg19: memref<10008x128xf32, #tpu.memory_space<vmem_shared>>, %arg20: memref<!tpu.dma_semaphore, #tpu.memory_space<semaphore_mem>>, %arg21: memref<!tpu.dma_semaphore, #tpu.memory_space<semaphore_mem>>, %arg22: memref<!tpu.dma_semaphore, #tpu.memory_space<semaphore_mem>>, %arg23: memref<!tpu.dma_semaphore, #tpu.memory_space<semaphore_mem>>, %arg24: memref<!tpu.dma_semaphore, #tpu.memory_space<semaphore_mem>>, %arg25: memref<!tpu.dma_semaphore, #tpu.memory_space<semaphore_mem>>) attributes {dimension_semantics = [#tpu.dimension_semantics<core_parallel>, #tpu.dimension_semantics<subcore_parallel>], iteration_bounds = array<i64: 2, 16>, scalar_prefetch = 0 : i64, scratch_operands = 17 : i64, tpu.core_type = #tpu.core_type<sc_vector_subcore>, window_params = [{transform_indices = #map}, {transform_indices = #map}, {transform_indices = #map}, {transform_indices = #map1}, {transform_indices = #map1}, {transform_indices = #map}, {transform_indices = #map2}]} {
    %mul3A = arith.constant 2 : i32
    %mul3A_0 = arith.muli %arg1, %mul3A : i32
    %add3A = arith.addi %mul3A_0, %arg0 : i32
    %lt3A = arith.constant 15 : i32
    %lt3A_1 = arith.cmpi slt, %arg1, %lt3A : i32
    %convert_element_type3A = arith.extui %lt3A_1 : i1 to i32
    %cond3A = arith.constant 0 : i32
    %cond3A_2 = arith.cmpi ne, %convert_element_type3A, %cond3A : i32
    scf.if %cond3A_2 {
      %mul3A_36 = arith.constant 624 : i32
      %mul3A_37 = arith.muli %arg1, %mul3A_36 : i32
      %multiple_of3A_38 = tpu.assume_multiple %mul3A_37, 8 : i32
      "tpu.region"() ({
        %run_scoped3A = tpu.sem_alloc : memref<!tpu.dma_semaphore, #tpu.memory_space<semaphore_mem>>
        %dma_start3A_39 = arith.constant 0 : i32
        %dma_start3A_40 = tpu.memref_slice %arg19[%multiple_of3A_38, %dma_start3A_39] : memref<10008x128xf32, #tpu.memory_space<vmem_shared>> -> memref<624x128xf32, #tpu.memory_space<vmem_shared>>
        %dma_start3A_41 = arith.constant 0 : i32
        %dma_start3A_42 = tpu.memref_slice %arg7[%multiple_of3A_38, %dma_start3A_41] : memref<10000x128xf32, #tpu.memory_space<hbm>> -> memref<624x128xf32, #tpu.memory_space<hbm>>
        tpu.enqueue_dma source(%dma_start3A_42 : memref<624x128xf32, #tpu.memory_space<hbm>>) target(%dma_start3A_40 : memref<624x128xf32, #tpu.memory_space<vmem_shared>>) target_semaphore(%run_scoped3A : memref<!tpu.dma_semaphore, #tpu.memory_space<semaphore_mem>>)
        %dma_wait3A = arith.constant 0 : i32
        %dma_wait3A_43 = tpu.memref_slice %arg19[%multiple_of3A_38, %dma_wait3A] : memref<10008x128xf32, #tpu.memory_space<vmem_shared>> -> memref<624x128xf32, #tpu.memory_space<vmem_shared>>
        %dma_wait3A_44 = arith.constant 0 : i32
        %dma_wait3A_45 = tpu.memref_slice %arg7[%multiple_of3A_38, %dma_wait3A_44] : memref<10000x128xf32, #tpu.memory_space<hbm>> -> memref<624x128xf32, #tpu.memory_space<hbm>>
        tpu.wait_dma2 semaphore(%run_scoped3A : memref<!tpu.dma_semaphore, #tpu.memory_space<semaphore_mem>>) src(%dma_wait3A_45 : memref<624x128xf32, #tpu.memory_space<hbm>>) dst(%dma_wait3A_43 : memref<624x128xf32, #tpu.memory_space<vmem_shared>>)
        tpu.yield
      }) : () -> ()
    } else {
    }
    %eq3A = arith.constant 15 : i32
    %eq3A_3 = arith.cmpi eq, %arg1, %eq3A : i32
    %convert_element_type3A_4 = arith.extui %eq3A_3 : i1 to i32
    %cond3A_5 = arith.constant 0 : i32
    %cond3A_6 = arith.cmpi ne, %convert_element_type3A_4, %cond3A_5 : i32
    scf.if %cond3A_6 {
      "tpu.region"() ({
        %run_scoped3A = tpu.sem_alloc : memref<!tpu.dma_semaphore, #tpu.memory_space<semaphore_mem>>
        %dma_start3A_36 = arith.constant 9360 : i32
        %dma_start3A_37 = arith.constant 0 : i32
        %dma_start3A_38 = tpu.memref_slice %arg19[%dma_start3A_36, %dma_start3A_37] : memref<10008x128xf32, #tpu.memory_space<vmem_shared>> -> memref<640x128xf32, #tpu.memory_space<vmem_shared>>
        %dma_start3A_39 = arith.constant 9360 : i32
        %dma_start3A_40 = arith.constant 0 : i32
        %dma_start3A_41 = tpu.memref_slice %arg7[%dma_start3A_39, %dma_start3A_40] : memref<10000x128xf32, #tpu.memory_space<hbm>> -> memref<640x128xf32, #tpu.memory_space<hbm>>
        tpu.enqueue_dma source(%dma_start3A_41 : memref<640x128xf32, #tpu.memory_space<hbm>>) target(%dma_start3A_38 : memref<640x128xf32, #tpu.memory_space<vmem_shared>>) target_semaphore(%run_scoped3A : memref<!tpu.dma_semaphore, #tpu.memory_space<semaphore_mem>>)
        %dma_wait3A = arith.constant 9360 : i32
        %dma_wait3A_42 = arith.constant 0 : i32
        %dma_wait3A_43 = tpu.memref_slice %arg19[%dma_wait3A, %dma_wait3A_42] : memref<10008x128xf32, #tpu.memory_space<vmem_shared>> -> memref<640x128xf32, #tpu.memory_space<vmem_shared>>
        %dma_wait3A_44 = arith.constant 9360 : i32
        %dma_wait3A_45 = arith.constant 0 : i32
        %dma_wait3A_46 = tpu.memref_slice %arg7[%dma_wait3A_44, %dma_wait3A_45] : memref<10000x128xf32, #tpu.memory_space<hbm>> -> memref<640x128xf32, #tpu.memory_space<hbm>>
        tpu.wait_dma2 semaphore(%run_scoped3A : memref<!tpu.dma_semaphore, #tpu.memory_space<semaphore_mem>>) src(%dma_wait3A_46 : memref<640x128xf32, #tpu.memory_space<hbm>>) dst(%dma_wait3A_43 : memref<640x128xf32, #tpu.memory_space<vmem_shared>>)
        tpu.yield
      }) : () -> ()
    } else {
    }
    %barrier3A = arith.constant 0 : index
    tpu.barrier barrier_id(%barrier3A)
    %mul3A_7 = arith.constant 5120 : i32
    %mul3A_8 = arith.muli %add3A, %mul3A_7 : i32
    %add3A_9 = arith.constant 0 : i32
    %add3A_10 = arith.addi %mul3A_8, %add3A_9 : i32
    %multiple_of3A = tpu.assume_multiple %add3A_10, 64 : i32
    "tpu.region"() ({
      %run_scoped3A = tpu.sem_alloc : memref<!tpu.dma_semaphore, #tpu.memory_space<semaphore_mem>>
      %dma_start3A_36 = tpu.memref_slice %arg5[%multiple_of3A] : memref<163840xi32, #tpu.memory_space<hbm>> -> memref<64xi32, #tpu.memory_space<hbm>>
      %dma_start3A_37 = tpu.memref_slice %arg5[%multiple_of3A] : memref<163840xi32, #tpu.memory_space<hbm>> -> memref<64xi32, #tpu.memory_space<hbm>>
      tpu.enqueue_dma source(%dma_start3A_37 : memref<64xi32, #tpu.memory_space<hbm>>) target(%arg9 : memref<64xi32, #tpu.memory_space<vmem>>) target_semaphore(%run_scoped3A : memref<!tpu.dma_semaphore, #tpu.memory_space<semaphore_mem>>)
      %dma_wait3A = tpu.memref_slice %arg5[%multiple_of3A] : memref<163840xi32, #tpu.memory_space<hbm>> -> memref<64xi32, #tpu.memory_space<hbm>>
      %dma_wait3A_38 = tpu.memref_slice %arg5[%multiple_of3A] : memref<163840xi32, #tpu.memory_space<hbm>> -> memref<64xi32, #tpu.memory_space<hbm>>
      tpu.wait_dma2 semaphore(%run_scoped3A : memref<!tpu.dma_semaphore, #tpu.memory_space<semaphore_mem>>) src(%dma_wait3A_38 : memref<64xi32, #tpu.memory_space<hbm>>) dst(%arg9 : memref<64xi32, #tpu.memory_space<vmem>>)
      tpu.yield
    }) : () -> ()
    "tpu.region"() ({
      %run_scoped3A = tpu.sem_alloc : memref<!tpu.dma_semaphore, #tpu.memory_space<semaphore_mem>>
      %dma_start3A_36 = tpu.memref_slice %arg6[%multiple_of3A] : memref<163840xi32, #tpu.memory_space<hbm>> -> memref<64xi32, #tpu.memory_space<hbm>>
      %dma_start3A_37 = tpu.memref_slice %arg6[%multiple_of3A] : memref<163840xi32, #tpu.memory_space<hbm>> -> memref<64xi32, #tpu.memory_space<hbm>>
      tpu.enqueue_dma source(%dma_start3A_37 : memref<64xi32, #tpu.memory_space<hbm>>) target(%arg11 : memref<64xi32, #tpu.memory_space<vmem>>) target_semaphore(%run_scoped3A : memref<!tpu.dma_semaphore, #tpu.memory_space<semaphore_mem>>)
      %dma_wait3A = tpu.memref_slice %arg6[%multiple_of3A] : memref<163840xi32, #tpu.memory_space<hbm>> -> memref<64xi32, #tpu.memory_space<hbm>>
      %dma_wait3A_38 = tpu.memref_slice %arg6[%multiple_of3A] : memref<163840xi32, #tpu.memory_space<hbm>> -> memref<64xi32, #tpu.memory_space<hbm>>
      tpu.wait_dma2 semaphore(%run_scoped3A : memref<!tpu.dma_semaphore, #tpu.memory_space<semaphore_mem>>) src(%dma_wait3A_38 : memref<64xi32, #tpu.memory_space<hbm>>) dst(%arg11 : memref<64xi32, #tpu.memory_space<vmem>>)
      tpu.yield
    }) : () -> ()
    %dma_start3A = arith.constant 0 : i32
    %dma_start3A_11 = arith.constant 0 : i32
    %dma_start3A_12 = tpu.memref_slice %arg2[%dma_start3A, %dma_start3A_11] : memref<10000x128xf32, #tpu.memory_space<hbm>> -> memref<10000x128xf32, #tpu.memory_space<hbm>>
    tpu.enqueue_indirect_dma source(%dma_start3A_12 : memref<10000x128xf32, #tpu.memory_space<hbm>>) target(%arg13 : memref<64x128xf32, #tpu.memory_space<vmem>>) offsets(%arg9 : memref<64xi32, #tpu.memory_space<vmem>>) semaphore(%arg20 : memref<!tpu.dma_semaphore, #tpu.memory_space<semaphore_mem>>)
    %dma_start3A_13 = arith.constant 0 : i32
    %dma_start3A_14 = arith.constant 0 : i32
    %dma_start3A_15 = tpu.memref_slice %arg3[%dma_start3A_13, %dma_start3A_14] : memref<10008x128xf32, #tpu.memory_space<hbm>> -> memref<10008x128xf32, #tpu.memory_space<hbm>>
    tpu.enqueue_indirect_dma source(%dma_start3A_15 : memref<10008x128xf32, #tpu.memory_space<hbm>>) target(%arg15 : memref<64x128xf32, #tpu.memory_space<vmem>>) offsets(%arg11 : memref<64xi32, #tpu.memory_space<vmem>>) semaphore(%arg22 : memref<!tpu.dma_semaphore, #tpu.memory_space<semaphore_mem>>)
    %dma_start3A_16 = arith.constant 0 : i32
    %dma_start3A_17 = tpu.memref_slice %arg4[%multiple_of3A, %dma_start3A_16] : memref<163840x128xf32, #tpu.memory_space<hbm>> -> memref<64x128xf32, #tpu.memory_space<hbm>>
    %dma_start3A_18 = arith.constant 0 : i32
    %dma_start3A_19 = tpu.memref_slice %arg4[%multiple_of3A, %dma_start3A_18] : memref<163840x128xf32, #tpu.memory_space<hbm>> -> memref<64x128xf32, #tpu.memory_space<hbm>>
    tpu.enqueue_dma source(%dma_start3A_19 : memref<64x128xf32, #tpu.memory_space<hbm>>) target(%arg17 : memref<64x128xf32, #tpu.memory_space<vmem>>) target_semaphore(%arg24 : memref<!tpu.dma_semaphore, #tpu.memory_space<semaphore_mem>>)
    %scan3A = arith.constant 0 : i32
    %scan3A_20 = arith.constant 0 : i32
    %scan3A_21 = arith.constant 40 : i32
    %scan3A_22 = arith.addi %scan3A_20, %scan3A_21 : i32
    %scan3A_23 = arith.constant 1 : i32
    scf.for %scan3A_36 = %scan3A_20 to %scan3A_22 step %scan3A_23  : i32 {
      %mul3A_37 = arith.constant 2 : i32
      %mul3A_38 = arith.muli %scan3A_36, %mul3A_37 : i32
      %add3A_39 = arith.constant 1 : i32
      %add3A_40 = arith.addi %mul3A_38, %add3A_39 : i32
      %mul3A_41 = arith.constant 64 : i32
      %mul3A_42 = arith.muli %add3A_40, %mul3A_41 : i32
      %add3A_43 = arith.addi %mul3A_8, %mul3A_42 : i32
      %multiple_of3A_44 = tpu.assume_multiple %add3A_43, 64 : i32
      "tpu.region"() ({
        %run_scoped3A = tpu.sem_alloc : memref<!tpu.dma_semaphore, #tpu.memory_space<semaphore_mem>>
        %dma_start3A_109 = tpu.memref_slice %arg5[%multiple_of3A_44] : memref<163840xi32, #tpu.memory_space<hbm>> -> memref<64xi32, #tpu.memory_space<hbm>>
        %dma_start3A_110 = tpu.memref_slice %arg5[%multiple_of3A_44] : memref<163840xi32, #tpu.memory_space<hbm>> -> memref<64xi32, #tpu.memory_space<hbm>>
        tpu.enqueue_dma source(%dma_start3A_110 : memref<64xi32, #tpu.memory_space<hbm>>) target(%arg10 : memref<64xi32, #tpu.memory_space<vmem>>) target_semaphore(%run_scoped3A : memref<!tpu.dma_semaphore, #tpu.memory_space<semaphore_mem>>)
        %dma_wait3A_111 = tpu.memref_slice %arg5[%multiple_of3A_44] : memref<163840xi32, #tpu.memory_space<hbm>> -> memref<64xi32, #tpu.memory_space<hbm>>
        %dma_wait3A_112 = tpu.memref_slice %arg5[%multiple_of3A_44] : memref<163840xi32, #tpu.memory_space<hbm>> -> memref<64xi32, #tpu.memory_space<hbm>>
        tpu.wait_dma2 semaphore(%run_scoped3A : memref<!tpu.dma_semaphore, #tpu.memory_space<semaphore_mem>>) src(%dma_wait3A_112 : memref<64xi32, #tpu.memory_space<hbm>>) dst(%arg10 : memref<64xi32, #tpu.memory_space<vmem>>)
        tpu.yield
      }) : () -> ()
      "tpu.region"() ({
        %run_scoped3A = tpu.sem_alloc : memref<!tpu.dma_semaphore, #tpu.memory_space<semaphore_mem>>
        %dma_start3A_109 = tpu.memref_slice %arg6[%multiple_of3A_44] : memref<163840xi32, #tpu.memory_space<hbm>> -> memref<64xi32, #tpu.memory_space<hbm>>
        %dma_start3A_110 = tpu.memref_slice %arg6[%multiple_of3A_44] : memref<163840xi32, #tpu.memory_space<hbm>> -> memref<64xi32, #tpu.memory_space<hbm>>
        tpu.enqueue_dma source(%dma_start3A_110 : memref<64xi32, #tpu.memory_space<hbm>>) target(%arg12 : memref<64xi32, #tpu.memory_space<vmem>>) target_semaphore(%run_scoped3A : memref<!tpu.dma_semaphore, #tpu.memory_space<semaphore_mem>>)
        %dma_wait3A_111 = tpu.memref_slice %arg6[%multiple_of3A_44] : memref<163840xi32, #tpu.memory_space<hbm>> -> memref<64xi32, #tpu.memory_space<hbm>>
        %dma_wait3A_112 = tpu.memref_slice %arg6[%multiple_of3A_44] : memref<163840xi32, #tpu.memory_space<hbm>> -> memref<64xi32, #tpu.memory_space<hbm>>
        tpu.wait_dma2 semaphore(%run_scoped3A : memref<!tpu.dma_semaphore, #tpu.memory_space<semaphore_mem>>) src(%dma_wait3A_112 : memref<64xi32, #tpu.memory_space<hbm>>) dst(%arg12 : memref<64xi32, #tpu.memory_space<vmem>>)
        tpu.yield
      }) : () -> ()
      %dma_start3A_45 = arith.constant 0 : i32
      %dma_start3A_46 = arith.constant 0 : i32
      %dma_start3A_47 = tpu.memref_slice %arg2[%dma_start3A_45, %dma_start3A_46] : memref<10000x128xf32, #tpu.memory_space<hbm>> -> memref<10000x128xf32, #tpu.memory_space<hbm>>
      tpu.enqueue_indirect_dma source(%dma_start3A_47 : memref<10000x128xf32, #tpu.memory_space<hbm>>) target(%arg14 : memref<64x128xf32, #tpu.memory_space<vmem>>) offsets(%arg10 : memref<64xi32, #tpu.memory_space<vmem>>) semaphore(%arg21 : memref<!tpu.dma_semaphore, #tpu.memory_space<semaphore_mem>>)
      %dma_start3A_48 = arith.constant 0 : i32
      %dma_start3A_49 = arith.constant 0 : i32
      %dma_start3A_50 = tpu.memref_slice %arg3[%dma_start3A_48, %dma_start3A_49] : memref<10008x128xf32, #tpu.memory_space<hbm>> -> memref<10008x128xf32, #tpu.memory_space<hbm>>
      tpu.enqueue_indirect_dma source(%dma_start3A_50 : memref<10008x128xf32, #tpu.memory_space<hbm>>) target(%arg16 : memref<64x128xf32, #tpu.memory_space<vmem>>) offsets(%arg12 : memref<64xi32, #tpu.memory_space<vmem>>) semaphore(%arg23 : memref<!tpu.dma_semaphore, #tpu.memory_space<semaphore_mem>>)
      %dma_start3A_51 = arith.constant 0 : i32
      %dma_start3A_52 = tpu.memref_slice %arg4[%multiple_of3A_44, %dma_start3A_51] : memref<163840x128xf32, #tpu.memory_space<hbm>> -> memref<64x128xf32, #tpu.memory_space<hbm>>
      %dma_start3A_53 = arith.constant 0 : i32
      %dma_start3A_54 = tpu.memref_slice %arg4[%multiple_of3A_44, %dma_start3A_53] : memref<163840x128xf32, #tpu.memory_space<hbm>> -> memref<64x128xf32, #tpu.memory_space<hbm>>
      tpu.enqueue_dma source(%dma_start3A_54 : memref<64x128xf32, #tpu.memory_space<hbm>>) target(%arg18 : memref<64x128xf32, #tpu.memory_space<vmem>>) target_semaphore(%arg25 : memref<!tpu.dma_semaphore, #tpu.memory_space<semaphore_mem>>)
      %dma_wait3A = arith.constant 0 : i32
      %dma_wait3A_55 = arith.constant 0 : i32
      %dma_wait3A_56 = tpu.memref_slice %arg4[%dma_wait3A, %dma_wait3A_55] : memref<163840x128xf32, #tpu.memory_space<hbm>> -> memref<64x128xf32, #tpu.memory_space<hbm>>
      %dma_wait3A_57 = arith.constant 0 : i32
      %dma_wait3A_58 = arith.constant 0 : i32
      %dma_wait3A_59 = tpu.memref_slice %arg4[%dma_wait3A_57, %dma_wait3A_58] : memref<163840x128xf32, #tpu.memory_space<hbm>> -> memref<64x128xf32, #tpu.memory_space<hbm>>
      tpu.wait_dma2 semaphore(%arg20 : memref<!tpu.dma_semaphore, #tpu.memory_space<semaphore_mem>>) src(%dma_wait3A_59 : memref<64x128xf32, #tpu.memory_space<hbm>>) dst(%arg13 : memref<64x128xf32, #tpu.memory_space<vmem>>)
      %dma_wait3A_60 = arith.constant 0 : i32
      %dma_wait3A_61 = arith.constant 0 : i32
      %dma_wait3A_62 = tpu.memref_slice %arg4[%dma_wait3A_60, %dma_wait3A_61] : memref<163840x128xf32, #tpu.memory_space<hbm>> -> memref<64x128xf32, #tpu.memory_space<hbm>>
      %dma_wait3A_63 = arith.constant 0 : i32
      %dma_wait3A_64 = arith.constant 0 : i32
      %dma_wait3A_65 = tpu.memref_slice %arg4[%dma_wait3A_63, %dma_wait3A_64] : memref<163840x128xf32, #tpu.memory_space<hbm>> -> memref<64x128xf32, #tpu.memory_space<hbm>>
      tpu.wait_dma2 semaphore(%arg22 : memref<!tpu.dma_semaphore, #tpu.memory_space<semaphore_mem>>) src(%dma_wait3A_65 : memref<64x128xf32, #tpu.memory_space<hbm>>) dst(%arg15 : memref<64x128xf32, #tpu.memory_space<vmem>>)
      %dma_wait3A_66 = arith.constant 0 : i32
      %dma_wait3A_67 = arith.constant 0 : i32
      %dma_wait3A_68 = tpu.memref_slice %arg4[%dma_wait3A_66, %dma_wait3A_67] : memref<163840x128xf32, #tpu.memory_space<hbm>> -> memref<64x128xf32, #tpu.memory_space<hbm>>
      %dma_wait3A_69 = arith.constant 0 : i32
      %dma_wait3A_70 = arith.constant 0 : i32
      %dma_wait3A_71 = tpu.memref_slice %arg4[%dma_wait3A_69, %dma_wait3A_70] : memref<163840x128xf32, #tpu.memory_space<hbm>> -> memref<64x128xf32, #tpu.memory_space<hbm>>
      tpu.wait_dma2 semaphore(%arg24 : memref<!tpu.dma_semaphore, #tpu.memory_space<semaphore_mem>>) src(%dma_wait3A_71 : memref<64x128xf32, #tpu.memory_space<hbm>>) dst(%arg17 : memref<64x128xf32, #tpu.memory_space<vmem>>)
      %scan3A_72 = arith.constant 0 : i32
      %scan3A_73 = arith.constant 0 : i32
      %scan3A_74 = arith.constant 64 : i32
      %scan3A_75 = arith.addi %scan3A_73, %scan3A_74 : i32
      %scan3A_76 = arith.constant 1 : i32
      scf.for %scan3A_109 = %scan3A_73 to %scan3A_75 step %scan3A_76  : i32 {
        %get3A = arith.index_cast %scan3A_109 : i32 to index
        %get3A_110 = arith.constant 0 : index
        %get3A_111 = tpu.vector_load %arg13[%get3A, %get3A_110] {strides = array<i32>} : memref<64x128xf32, #tpu.memory_space<vmem>>, vector<1x16xf32>,
        %get3A_112 = vector.shape_cast %get3A_111 : vector<1x16xf32> to vector<16xf32>
        %get3A_113 = arith.index_cast %scan3A_109 : i32 to index
        %get3A_114 = arith.constant 0 : index
        %get3A_115 = tpu.vector_load %arg15[%get3A_113, %get3A_114] {strides = array<i32>} : memref<64x128xf32, #tpu.memory_space<vmem>>, vector<1x16xf32>,
        %get3A_116 = vector.shape_cast %get3A_115 : vector<1x16xf32> to vector<16xf32>
        %add3A_117 = arith.addf %get3A_112, %get3A_116 : vector<16xf32>
        %get3A_118 = arith.index_cast %scan3A_109 : i32 to index
        %get3A_119 = arith.constant 0 : index
        %get3A_120 = tpu.vector_load %arg17[%get3A_118, %get3A_119] {strides = array<i32>} : memref<64x128xf32, #tpu.memory_space<vmem>>, vector<1x16xf32>,
        %get3A_121 = vector.shape_cast %get3A_120 : vector<1x16xf32> to vector<16xf32>
        %add3A_122 = arith.addf %add3A_117, %get3A_121 : vector<16xf32>
        %max3A = arith.constant 0.000000e+00 : f32
        %max3A_123 = vector.broadcast %max3A : f32 to vector<16xf32>
        %max3A_124 = arith.maximumf %add3A_122, %max3A_123 : vector<16xf32>
        %swap3A = arith.index_cast %scan3A_109 : i32 to index
        %swap3A_125 = arith.constant 0 : index
        %swap3A_126 = tpu.vector_load %arg17[%swap3A, %swap3A_125] {strides = array<i32>} : memref<64x128xf32, #tpu.memory_space<vmem>>, vector<1x16xf32>,
        %swap3A_127 = vector.shape_cast %swap3A_126 : vector<1x16xf32> to vector<16xf32>
        %swap3A_128 = vector.shape_cast %max3A_124 : vector<16xf32> to vector<1x16xf32>
        tpu.vector_store %arg17[%swap3A, %swap3A_125], %swap3A_128 {strides = array<i32>} : memref<64x128xf32, #tpu.memory_space<vmem>>, vector<1x16xf32>,
        %get3A_129 = arith.index_cast %scan3A_109 : i32 to index
        %get3A_130 = arith.constant 16 : index
        %get3A_131 = tpu.vector_load %arg13[%get3A_129, %get3A_130] {strides = array<i32>} : memref<64x128xf32, #tpu.memory_space<vmem>>, vector<1x16xf32>,
        %get3A_132 = vector.shape_cast %get3A_131 : vector<1x16xf32> to vector<16xf32>
        %get3A_133 = arith.index_cast %scan3A_109 : i32 to index
        %get3A_134 = arith.constant 16 : index
        %get3A_135 = tpu.vector_load %arg15[%get3A_133, %get3A_134] {strides = array<i32>} : memref<64x128xf32, #tpu.memory_space<vmem>>, vector<1x16xf32>,
        %get3A_136 = vector.shape_cast %get3A_135 : vector<1x16xf32> to vector<16xf32>
        %add3A_137 = arith.addf %get3A_132, %get3A_136 : vector<16xf32>
        %get3A_138 = arith.index_cast %scan3A_109 : i32 to index
        %get3A_139 = arith.constant 16 : index
        %get3A_140 = tpu.vector_load %arg17[%get3A_138, %get3A_139] {strides = array<i32>} : memref<64x128xf32, #tpu.memory_space<vmem>>, vector<1x16xf32>,
        %get3A_141 = vector.shape_cast %get3A_140 : vector<1x16xf32> to vector<16xf32>
        %add3A_142 = arith.addf %add3A_137, %get3A_141 : vector<16xf32>
        %max3A_143 = arith.constant 0.000000e+00 : f32
        %max3A_144 = vector.broadcast %max3A_143 : f32 to vector<16xf32>
        %max3A_145 = arith.maximumf %add3A_142, %max3A_144 : vector<16xf32>
        %swap3A_146 = arith.index_cast %scan3A_109 : i32 to index
        %swap3A_147 = arith.constant 16 : index
        %swap3A_148 = tpu.vector_load %arg17[%swap3A_146, %swap3A_147] {strides = array<i32>} : memref<64x128xf32, #tpu.memory_space<vmem>>, vector<1x16xf32>,
        %swap3A_149 = vector.shape_cast %swap3A_148 : vector<1x16xf32> to vector<16xf32>
        %swap3A_150 = vector.shape_cast %max3A_145 : vector<16xf32> to vector<1x16xf32>
        tpu.vector_store %arg17[%swap3A_146, %swap3A_147], %swap3A_150 {strides = array<i32>} : memref<64x128xf32, #tpu.memory_space<vmem>>, vector<1x16xf32>,
        %get3A_151 = arith.index_cast %scan3A_109 : i32 to index
        %get3A_152 = arith.constant 32 : index
        %get3A_153 = tpu.vector_load %arg13[%get3A_151, %get3A_152] {strides = array<i32>} : memref<64x128xf32, #tpu.memory_space<vmem>>, vector<1x16xf32>,
        %get3A_154 = vector.shape_cast %get3A_153 : vector<1x16xf32> to vector<16xf32>
        %get3A_155 = arith.index_cast %scan3A_109 : i32 to index
        %get3A_156 = arith.constant 32 : index
        %get3A_157 = tpu.vector_load %arg15[%get3A_155, %get3A_156] {strides = array<i32>} : memref<64x128xf32, #tpu.memory_space<vmem>>, vector<1x16xf32>,
        %get3A_158 = vector.shape_cast %get3A_157 : vector<1x16xf32> to vector<16xf32>
        %add3A_159 = arith.addf %get3A_154, %get3A_158 : vector<16xf32>
        %get3A_160 = arith.index_cast %scan3A_109 : i32 to index
        %get3A_161 = arith.constant 32 : index
        %get3A_162 = tpu.vector_load %arg17[%get3A_160, %get3A_161] {strides = array<i32>} : memref<64x128xf32, #tpu.memory_space<vmem>>, vector<1x16xf32>,
        %get3A_163 = vector.shape_cast %get3A_162 : vector<1x16xf32> to vector<16xf32>
        %add3A_164 = arith.addf %add3A_159, %get3A_163 : vector<16xf32>
        %max3A_165 = arith.constant 0.000000e+00 : f32
        %max3A_166 = vector.broadcast %max3A_165 : f32 to vector<16xf32>
        %max3A_167 = arith.maximumf %add3A_164, %max3A_166 : vector<16xf32>
        %swap3A_168 = arith.index_cast %scan3A_109 : i32 to index
        %swap3A_169 = arith.constant 32 : index
        %swap3A_170 = tpu.vector_load %arg17[%swap3A_168, %swap3A_169] {strides = array<i32>} : memref<64x128xf32, #tpu.memory_space<vmem>>, vector<1x16xf32>,
        %swap3A_171 = vector.shape_cast %swap3A_170 : vector<1x16xf32> to vector<16xf32>
        %swap3A_172 = vector.shape_cast %max3A_167 : vector<16xf32> to vector<1x16xf32>
        tpu.vector_store %arg17[%swap3A_168, %swap3A_169], %swap3A_172 {strides = array<i32>} : memref<64x128xf32, #tpu.memory_space<vmem>>, vector<1x16xf32>,
        %get3A_173 = arith.index_cast %scan3A_109 : i32 to index
        %get3A_174 = arith.constant 48 : index
        %get3A_175 = tpu.vector_load %arg13[%get3A_173, %get3A_174] {strides = array<i32>} : memref<64x128xf32, #tpu.memory_space<vmem>>, vector<1x16xf32>,
        %get3A_176 = vector.shape_cast %get3A_175 : vector<1x16xf32> to vector<16xf32>
        %get3A_177 = arith.index_cast %scan3A_109 : i32 to index
        %get3A_178 = arith.constant 48 : index
        %get3A_179 = tpu.vector_load %arg15[%get3A_177, %get3A_178] {strides = array<i32>} : memref<64x128xf32, #tpu.memory_space<vmem>>, vector<1x16xf32>,
        %get3A_180 = vector.shape_cast %get3A_179 : vector<1x16xf32> to vector<16xf32>
        %add3A_181 = arith.addf %get3A_176, %get3A_180 : vector<16xf32>
        %get3A_182 = arith.index_cast %scan3A_109 : i32 to index
        %get3A_183 = arith.constant 48 : index
        %get3A_184 = tpu.vector_load %arg17[%get3A_182, %get3A_183] {strides = array<i32>} : memref<64x128xf32, #tpu.memory_space<vmem>>, vector<1x16xf32>,
        %get3A_185 = vector.shape_cast %get3A_184 : vector<1x16xf32> to vector<16xf32>
        %add3A_186 = arith.addf %add3A_181, %get3A_185 : vector<16xf32>
        %max3A_187 = arith.constant 0.000000e+00 : f32
        %max3A_188 = vector.broadcast %max3A_187 : f32 to vector<16xf32>
        %max3A_189 = arith.maximumf %add3A_186, %max3A_188 : vector<16xf32>
        %swap3A_190 = arith.index_cast %scan3A_109 : i32 to index
        %swap3A_191 = arith.constant 48 : index
        %swap3A_192 = tpu.vector_load %arg17[%swap3A_190, %swap3A_191] {strides = array<i32>} : memref<64x128xf32, #tpu.memory_space<vmem>>, vector<1x16xf32>,
        %swap3A_193 = vector.shape_cast %swap3A_192 : vector<1x16xf32> to vector<16xf32>
        %swap3A_194 = vector.shape_cast %max3A_189 : vector<16xf32> to vector<1x16xf32>
        tpu.vector_store %arg17[%swap3A_190, %swap3A_191], %swap3A_194 {strides = array<i32>} : memref<64x128xf32, #tpu.memory_space<vmem>>, vector<1x16xf32>,
        %get3A_195 = arith.index_cast %scan3A_109 : i32 to index
        %get3A_196 = arith.constant 64 : index
        %get3A_197 = tpu.vector_load %arg13[%get3A_195, %get3A_196] {strides = array<i32>} : memref<64x128xf32, #tpu.memory_space<vmem>>, vector<1x16xf32>,
        %get3A_198 = vector.shape_cast %get3A_197 : vector<1x16xf32> to vector<16xf32>
        %get3A_199 = arith.index_cast %scan3A_109 : i32 to index
        %get3A_200 = arith.constant 64 : index
        %get3A_201 = tpu.vector_load %arg15[%get3A_199, %get3A_200] {strides = array<i32>} : memref<64x128xf32, #tpu.memory_space<vmem>>, vector<1x16xf32>,
        %get3A_202 = vector.shape_cast %get3A_201 : vector<1x16xf32> to vector<16xf32>
        %add3A_203 = arith.addf %get3A_198, %get3A_202 : vector<16xf32>
        %get3A_204 = arith.index_cast %scan3A_109 : i32 to index
        %get3A_205 = arith.constant 64 : index
        %get3A_206 = tpu.vector_load %arg17[%get3A_204, %get3A_205] {strides = array<i32>} : memref<64x128xf32, #tpu.memory_space<vmem>>, vector<1x16xf32>,
        %get3A_207 = vector.shape_cast %get3A_206 : vector<1x16xf32> to vector<16xf32>
        %add3A_208 = arith.addf %add3A_203, %get3A_207 : vector<16xf32>
        %max3A_209 = arith.constant 0.000000e+00 : f32
        %max3A_210 = vector.broadcast %max3A_209 : f32 to vector<16xf32>
        %max3A_211 = arith.maximumf %add3A_208, %max3A_210 : vector<16xf32>
        %swap3A_212 = arith.index_cast %scan3A_109 : i32 to index
        %swap3A_213 = arith.constant 64 : index
        %swap3A_214 = tpu.vector_load %arg17[%swap3A_212, %swap3A_213] {strides = array<i32>} : memref<64x128xf32, #tpu.memory_space<vmem>>, vector<1x16xf32>,
        %swap3A_215 = vector.shape_cast %swap3A_214 : vector<1x16xf32> to vector<16xf32>
        %swap3A_216 = vector.shape_cast %max3A_211 : vector<16xf32> to vector<1x16xf32>
        tpu.vector_store %arg17[%swap3A_212, %swap3A_213], %swap3A_216 {strides = array<i32>} : memref<64x128xf32, #tpu.memory_space<vmem>>, vector<1x16xf32>,
        %get3A_217 = arith.index_cast %scan3A_109 : i32 to index
        %get3A_218 = arith.constant 80 : index
        %get3A_219 = tpu.vector_load %arg13[%get3A_217, %get3A_218] {strides = array<i32>} : memref<64x128xf32, #tpu.memory_space<vmem>>, vector<1x16xf32>,
        %get3A_220 = vector.shape_cast %get3A_219 : vector<1x16xf32> to vector<16xf32>
        %get3A_221 = arith.index_cast %scan3A_109 : i32 to index
        %get3A_222 = arith.constant 80 : index
        %get3A_223 = tpu.vector_load %arg15[%get3A_221, %get3A_222] {strides = array<i32>} : memref<64x128xf32, #tpu.memory_space<vmem>>, vector<1x16xf32>,
        %get3A_224 = vector.shape_cast %get3A_223 : vector<1x16xf32> to vector<16xf32>
        %add3A_225 = arith.addf %get3A_220, %get3A_224 : vector<16xf32>
        %get3A_226 = arith.index_cast %scan3A_109 : i32 to index
        %get3A_227 = arith.constant 80 : index
        %get3A_228 = tpu.vector_load %arg17[%get3A_226, %get3A_227] {strides = array<i32>} : memref<64x128xf32, #tpu.memory_space<vmem>>, vector<1x16xf32>,
        %get3A_229 = vector.shape_cast %get3A_228 : vector<1x16xf32> to vector<16xf32>
        %add3A_230 = arith.addf %add3A_225, %get3A_229 : vector<16xf32>
        %max3A_231 = arith.constant 0.000000e+00 : f32
        %max3A_232 = vector.broadcast %max3A_231 : f32 to vector<16xf32>
        %max3A_233 = arith.maximumf %add3A_230, %max3A_232 : vector<16xf32>
        %swap3A_234 = arith.index_cast %scan3A_109 : i32 to index
        %swap3A_235 = arith.constant 80 : index
        %swap3A_236 = tpu.vector_load %arg17[%swap3A_234, %swap3A_235] {strides = array<i32>} : memref<64x128xf32, #tpu.memory_space<vmem>>, vector<1x16xf32>,
        %swap3A_237 = vector.shape_cast %swap3A_236 : vector<1x16xf32> to vector<16xf32>
        %swap3A_238 = vector.shape_cast %max3A_233 : vector<16xf32> to vector<1x16xf32>
        tpu.vector_store %arg17[%swap3A_234, %swap3A_235], %swap3A_238 {strides = array<i32>} : memref<64x128xf32, #tpu.memory_space<vmem>>, vector<1x16xf32>,
        %get3A_239 = arith.index_cast %scan3A_109 : i32 to index
        %get3A_240 = arith.constant 96 : index
        %get3A_241 = tpu.vector_load %arg13[%get3A_239, %get3A_240] {strides = array<i32>} : memref<64x128xf32, #tpu.memory_space<vmem>>, vector<1x16xf32>,
        %get3A_242 = vector.shape_cast %get3A_241 : vector<1x16xf32> to vector<16xf32>
        %get3A_243 = arith.index_cast %scan3A_109 : i32 to index
        %get3A_244 = arith.constant 96 : index
        %get3A_245 = tpu.vector_load %arg15[%get3A_243, %get3A_244] {strides = array<i32>} : memref<64x128xf32, #tpu.memory_space<vmem>>, vector<1x16xf32>,
        %get3A_246 = vector.shape_cast %get3A_245 : vector<1x16xf32> to vector<16xf32>
        %add3A_247 = arith.addf %get3A_242, %get3A_246 : vector<16xf32>
        %get3A_248 = arith.index_cast %scan3A_109 : i32 to index
        %get3A_249 = arith.constant 96 : index
        %get3A_250 = tpu.vector_load %arg17[%get3A_248, %get3A_249] {strides = array<i32>} : memref<64x128xf32, #tpu.memory_space<vmem>>, vector<1x16xf32>,
        %get3A_251 = vector.shape_cast %get3A_250 : vector<1x16xf32> to vector<16xf32>
        %add3A_252 = arith.addf %add3A_247, %get3A_251 : vector<16xf32>
        %max3A_253 = arith.constant 0.000000e+00 : f32
        %max3A_254 = vector.broadcast %max3A_253 : f32 to vector<16xf32>
        %max3A_255 = arith.maximumf %add3A_252, %max3A_254 : vector<16xf32>
        %swap3A_256 = arith.index_cast %scan3A_109 : i32 to index
        %swap3A_257 = arith.constant 96 : index
        %swap3A_258 = tpu.vector_load %arg17[%swap3A_256, %swap3A_257] {strides = array<i32>} : memref<64x128xf32, #tpu.memory_space<vmem>>, vector<1x16xf32>,
        %swap3A_259 = vector.shape_cast %swap3A_258 : vector<1x16xf32> to vector<16xf32>
        %swap3A_260 = vector.shape_cast %max3A_255 : vector<16xf32> to vector<1x16xf32>
        tpu.vector_store %arg17[%swap3A_256, %swap3A_257], %swap3A_260 {strides = array<i32>} : memref<64x128xf32, #tpu.memory_space<vmem>>, vector<1x16xf32>,
        %get3A_261 = arith.index_cast %scan3A_109 : i32 to index
        %get3A_262 = arith.constant 112 : index
        %get3A_263 = tpu.vector_load %arg13[%get3A_261, %get3A_262] {strides = array<i32>} : memref<64x128xf32, #tpu.memory_space<vmem>>, vector<1x16xf32>,
        %get3A_264 = vector.shape_cast %get3A_263 : vector<1x16xf32> to vector<16xf32>
        %get3A_265 = arith.index_cast %scan3A_109 : i32 to index
        %get3A_266 = arith.constant 112 : index
        %get3A_267 = tpu.vector_load %arg15[%get3A_265, %get3A_266] {strides = array<i32>} : memref<64x128xf32, #tpu.memory_space<vmem>>, vector<1x16xf32>,
        %get3A_268 = vector.shape_cast %get3A_267 : vector<1x16xf32> to vector<16xf32>
        %add3A_269 = arith.addf %get3A_264, %get3A_268 : vector<16xf32>
        %get3A_270 = arith.index_cast %scan3A_109 : i32 to index
        %get3A_271 = arith.constant 112 : index
        %get3A_272 = tpu.vector_load %arg17[%get3A_270, %get3A_271] {strides = array<i32>} : memref<64x128xf32, #tpu.memory_space<vmem>>, vector<1x16xf32>,
        %get3A_273 = vector.shape_cast %get3A_272 : vector<1x16xf32> to vector<16xf32>
        %add3A_274 = arith.addf %add3A_269, %get3A_273 : vector<16xf32>
        %max3A_275 = arith.constant 0.000000e+00 : f32
        %max3A_276 = vector.broadcast %max3A_275 : f32 to vector<16xf32>
        %max3A_277 = arith.maximumf %add3A_274, %max3A_276 : vector<16xf32>
        %swap3A_278 = arith.index_cast %scan3A_109 : i32 to index
        %swap3A_279 = arith.constant 112 : index
        %swap3A_280 = tpu.vector_load %arg17[%swap3A_278, %swap3A_279] {strides = array<i32>} : memref<64x128xf32, #tpu.memory_space<vmem>>, vector<1x16xf32>,
        %swap3A_281 = vector.shape_cast %swap3A_280 : vector<1x16xf32> to vector<16xf32>
        %swap3A_282 = vector.shape_cast %max3A_277 : vector<16xf32> to vector<1x16xf32>
        tpu.vector_store %arg17[%swap3A_278, %swap3A_279], %swap3A_282 {strides = array<i32>} : memref<64x128xf32, #tpu.memory_space<vmem>>, vector<1x16xf32>,
      }
      %scan3A_77 = arith.constant 64 : i32
      "tpu.region"() ({
        %run_scoped3A = tpu.sem_alloc : memref<!tpu.dma_semaphore, #tpu.memory_space<semaphore_mem>>
        %dma_start3A_109 = arith.constant 0 : i32
        %dma_start3A_110 = arith.constant 0 : i32
        %dma_start3A_111 = tpu.memref_slice %arg19[%dma_start3A_109, %dma_start3A_110] : memref<10008x128xf32, #tpu.memory_space<vmem_shared>> -> memref<10008x128xf32, #tpu.memory_space<vmem_shared>>
        tpu.enqueue_indirect_dma source(%arg17 : memref<64x128xf32, #tpu.memory_space<vmem>>) target(%dma_start3A_111 : memref<10008x128xf32, #tpu.memory_space<vmem_shared>>) offsets(%arg11 : memref<64xi32, #tpu.memory_space<vmem>>) semaphore(%run_scoped3A : memref<!tpu.dma_semaphore, #tpu.memory_space<semaphore_mem>>) {add = true}
        %dma_wait3A_112 = arith.constant 0 : i32
        %dma_wait3A_113 = arith.constant 0 : i32
        %dma_wait3A_114 = tpu.memref_slice %arg19[%dma_wait3A_112, %dma_wait3A_113] : memref<10008x128xf32, #tpu.memory_space<vmem_shared>> -> memref<10008x128xf32, #tpu.memory_space<vmem_shared>>
        tpu.wait_indirect_dma semaphore(%run_scoped3A : memref<!tpu.dma_semaphore, #tpu.memory_space<semaphore_mem>>) src(%arg17 : memref<64x128xf32, #tpu.memory_space<vmem>>) dst(%dma_wait3A_114 : memref<10008x128xf32, #tpu.memory_space<vmem_shared>>)
        tpu.yield
      }) : () -> ()
      %add3A_78 = arith.constant 2 : i32
      %add3A_79 = arith.addi %mul3A_38, %add3A_78 : i32
      %lt3A_80 = arith.constant 80 : i32
      %lt3A_81 = arith.cmpi slt, %add3A_79, %lt3A_80 : i32
      %convert_element_type3A_82 = arith.extui %lt3A_81 : i1 to i32
      %cond3A_83 = arith.constant 0 : i32
      %cond3A_84 = arith.cmpi ne, %convert_element_type3A_82, %cond3A_83 : i32
      scf.if %cond3A_84 {
        %add3A_109 = arith.constant 2 : i32
        %add3A_110 = arith.addi %mul3A_38, %add3A_109 : i32
        %mul3A_111 = arith.constant 64 : i32
        %mul3A_112 = arith.muli %add3A_110, %mul3A_111 : i32
        %add3A_113 = arith.addi %mul3A_8, %mul3A_112 : i32
        %multiple_of3A_114 = tpu.assume_multiple %add3A_113, 64 : i32
        "tpu.region"() ({
          %run_scoped3A = tpu.sem_alloc : memref<!tpu.dma_semaphore, #tpu.memory_space<semaphore_mem>>
          %dma_start3A_125 = tpu.memref_slice %arg5[%multiple_of3A_114] : memref<163840xi32, #tpu.memory_space<hbm>> -> memref<64xi32, #tpu.memory_space<hbm>>
          %dma_start3A_126 = tpu.memref_slice %arg5[%multiple_of3A_114] : memref<163840xi32, #tpu.memory_space<hbm>> -> memref<64xi32, #tpu.memory_space<hbm>>
          tpu.enqueue_dma source(%dma_start3A_126 : memref<64xi32, #tpu.memory_space<hbm>>) target(%arg9 : memref<64xi32, #tpu.memory_space<vmem>>) target_semaphore(%run_scoped3A : memref<!tpu.dma_semaphore, #tpu.memory_space<semaphore_mem>>)
          %dma_wait3A_127 = tpu.memref_slice %arg5[%multiple_of3A_114] : memref<163840xi32, #tpu.memory_space<hbm>> -> memref<64xi32, #tpu.memory_space<hbm>>
          %dma_wait3A_128 = tpu.memref_slice %arg5[%multiple_of3A_114] : memref<163840xi32, #tpu.memory_space<hbm>> -> memref<64xi32, #tpu.memory_space<hbm>>
          tpu.wait_dma2 semaphore(%run_scoped3A : memref<!tpu.dma_semaphore, #tpu.memory_space<semaphore_mem>>) src(%dma_wait3A_128 : memref<64xi32, #tpu.memory_space<hbm>>) dst(%arg9 : memref<64xi32, #tpu.memory_space<vmem>>)
          tpu.yield
        }) : () -> ()
        "tpu.region"() ({
          %run_scoped3A = tpu.sem_alloc : memref<!tpu.dma_semaphore, #tpu.memory_space<semaphore_mem>>
          %dma_start3A_125 = tpu.memref_slice %arg6[%multiple_of3A_114] : memref<163840xi32, #tpu.memory_space<hbm>> -> memref<64xi32, #tpu.memory_space<hbm>>
          %dma_start3A_126 = tpu.memref_slice %arg6[%multiple_of3A_114] : memref<163840xi32, #tpu.memory_space<hbm>> -> memref<64xi32, #tpu.memory_space<hbm>>
          tpu.enqueue_dma source(%dma_start3A_126 : memref<64xi32, #tpu.memory_space<hbm>>) target(%arg11 : memref<64xi32, #tpu.memory_space<vmem>>) target_semaphore(%run_scoped3A : memref<!tpu.dma_semaphore, #tpu.memory_space<semaphore_mem>>)
          %dma_wait3A_127 = tpu.memref_slice %arg6[%multiple_of3A_114] : memref<163840xi32, #tpu.memory_space<hbm>> -> memref<64xi32, #tpu.memory_space<hbm>>
          %dma_wait3A_128 = tpu.memref_slice %arg6[%multiple_of3A_114] : memref<163840xi32, #tpu.memory_space<hbm>> -> memref<64xi32, #tpu.memory_space<hbm>>
          tpu.wait_dma2 semaphore(%run_scoped3A : memref<!tpu.dma_semaphore, #tpu.memory_space<semaphore_mem>>) src(%dma_wait3A_128 : memref<64xi32, #tpu.memory_space<hbm>>) dst(%arg11 : memref<64xi32, #tpu.memory_space<vmem>>)
          tpu.yield
        }) : () -> ()
        %dma_start3A_115 = arith.constant 0 : i32
        %dma_start3A_116 = arith.constant 0 : i32
        %dma_start3A_117 = tpu.memref_slice %arg2[%dma_start3A_115, %dma_start3A_116] : memref<10000x128xf32, #tpu.memory_space<hbm>> -> memref<10000x128xf32, #tpu.memory_space<hbm>>
        tpu.enqueue_indirect_dma source(%dma_start3A_117 : memref<10000x128xf32, #tpu.memory_space<hbm>>) target(%arg13 : memref<64x128xf32, #tpu.memory_space<vmem>>) offsets(%arg9 : memref<64xi32, #tpu.memory_space<vmem>>) semaphore(%arg20 : memref<!tpu.dma_semaphore, #tpu.memory_space<semaphore_mem>>)
        %dma_start3A_118 = arith.constant 0 : i32
        %dma_start3A_119 = arith.constant 0 : i32
        %dma_start3A_120 = tpu.memref_slice %arg3[%dma_start3A_118, %dma_start3A_119] : memref<10008x128xf32, #tpu.memory_space<hbm>> -> memref<10008x128xf32, #tpu.memory_space<hbm>>
        tpu.enqueue_indirect_dma source(%dma_start3A_120 : memref<10008x128xf32, #tpu.memory_space<hbm>>) target(%arg15 : memref<64x128xf32, #tpu.memory_space<vmem>>) offsets(%arg11 : memref<64xi32, #tpu.memory_space<vmem>>) semaphore(%arg22 : memref<!tpu.dma_semaphore, #tpu.memory_space<semaphore_mem>>)
        %dma_start3A_121 = arith.constant 0 : i32
        %dma_start3A_122 = tpu.memref_slice %arg4[%multiple_of3A_114, %dma_start3A_121] : memref<163840x128xf32, #tpu.memory_space<hbm>> -> memref<64x128xf32, #tpu.memory_space<hbm>>
        %dma_start3A_123 = arith.constant 0 : i32
        %dma_start3A_124 = tpu.memref_slice %arg4[%multiple_of3A_114, %dma_start3A_123] : memref<163840x128xf32, #tpu.memory_space<hbm>> -> memref<64x128xf32, #tpu.memory_space<hbm>>
        tpu.enqueue_dma source(%dma_start3A_124 : memref<64x128xf32, #tpu.memory_space<hbm>>) target(%arg17 : memref<64x128xf32, #tpu.memory_space<vmem>>) target_semaphore(%arg24 : memref<!tpu.dma_semaphore, #tpu.memory_space<semaphore_mem>>)
      } else {
      }
      %dma_wait3A_85 = arith.constant 0 : i32
      %dma_wait3A_86 = arith.constant 0 : i32
      %dma_wait3A_87 = tpu.memref_slice %arg4[%dma_wait3A_85, %dma_wait3A_86] : memref<163840x128xf32, #tpu.memory_space<hbm>> -> memref<64x128xf32, #tpu.memory_space<hbm>>
      %dma_wait3A_88 = arith.constant 0 : i32
      %dma_wait3A_89 = arith.constant 0 : i32
      %dma_wait3A_90 = tpu.memref_slice %arg4[%dma_wait3A_88, %dma_wait3A_89] : memref<163840x128xf32, #tpu.memory_space<hbm>> -> memref<64x128xf32, #tpu.memory_space<hbm>>
      tpu.wait_dma2 semaphore(%arg21 : memref<!tpu.dma_semaphore, #tpu.memory_space<semaphore_mem>>) src(%dma_wait3A_90 : memref<64x128xf32, #tpu.memory_space<hbm>>) dst(%arg14 : memref<64x128xf32, #tpu.memory_space<vmem>>)
      %dma_wait3A_91 = arith.constant 0 : i32
      %dma_wait3A_92 = arith.constant 0 : i32
      %dma_wait3A_93 = tpu.memref_slice %arg4[%dma_wait3A_91, %dma_wait3A_92] : memref<163840x128xf32, #tpu.memory_space<hbm>> -> memref<64x128xf32, #tpu.memory_space<hbm>>
      %dma_wait3A_94 = arith.constant 0 : i32
      %dma_wait3A_95 = arith.constant 0 : i32
      %dma_wait3A_96 = tpu.memref_slice %arg4[%dma_wait3A_94, %dma_wait3A_95] : memref<163840x128xf32, #tpu.memory_space<hbm>> -> memref<64x128xf32, #tpu.memory_space<hbm>>
      tpu.wait_dma2 semaphore(%arg23 : memref<!tpu.dma_semaphore, #tpu.memory_space<semaphore_mem>>) src(%dma_wait3A_96 : memref<64x128xf32, #tpu.memory_space<hbm>>) dst(%arg16 : memref<64x128xf32, #tpu.memory_space<vmem>>)
      %dma_wait3A_97 = arith.constant 0 : i32
      %dma_wait3A_98 = arith.constant 0 : i32
      %dma_wait3A_99 = tpu.memref_slice %arg4[%dma_wait3A_97, %dma_wait3A_98] : memref<163840x128xf32, #tpu.memory_space<hbm>> -> memref<64x128xf32, #tpu.memory_space<hbm>>
      %dma_wait3A_100 = arith.constant 0 : i32
      %dma_wait3A_101 = arith.constant 0 : i32
      %dma_wait3A_102 = tpu.memref_slice %arg4[%dma_wait3A_100, %dma_wait3A_101] : memref<163840x128xf32, #tpu.memory_space<hbm>> -> memref<64x128xf32, #tpu.memory_space<hbm>>
      tpu.wait_dma2 semaphore(%arg25 : memref<!tpu.dma_semaphore, #tpu.memory_space<semaphore_mem>>) src(%dma_wait3A_102 : memref<64x128xf32, #tpu.memory_space<hbm>>) dst(%arg18 : memref<64x128xf32, #tpu.memory_space<vmem>>)
      %scan3A_103 = arith.constant 0 : i32
      %scan3A_104 = arith.constant 0 : i32
      %scan3A_105 = arith.constant 64 : i32
      %scan3A_106 = arith.addi %scan3A_104, %scan3A_105 : i32
      %scan3A_107 = arith.constant 1 : i32
      scf.for %scan3A_109 = %scan3A_104 to %scan3A_106 step %scan3A_107  : i32 {
        %get3A = arith.index_cast %scan3A_109 : i32 to index
        %get3A_110 = arith.constant 0 : index
        %get3A_111 = tpu.vector_load %arg14[%get3A, %get3A_110] {strides = array<i32>} : memref<64x128xf32, #tpu.memory_space<vmem>>, vector<1x16xf32>,
        %get3A_112 = vector.shape_cast %get3A_111 : vector<1x16xf32> to vector<16xf32>
        %get3A_113 = arith.index_cast %scan3A_109 : i32 to index
        %get3A_114 = arith.constant 0 : index
        %get3A_115 = tpu.vector_load %arg16[%get3A_113, %get3A_114] {strides = array<i32>} : memref<64x128xf32, #tpu.memory_space<vmem>>, vector<1x16xf32>,
        %get3A_116 = vector.shape_cast %get3A_115 : vector<1x16xf32> to vector<16xf32>
        %add3A_117 = arith.addf %get3A_112, %get3A_116 : vector<16xf32>
        %get3A_118 = arith.index_cast %scan3A_109 : i32 to index
        %get3A_119 = arith.constant 0 : index
        %get3A_120 = tpu.vector_load %arg18[%get3A_118, %get3A_119] {strides = array<i32>} : memref<64x128xf32, #tpu.memory_space<vmem>>, vector<1x16xf32>,
        %get3A_121 = vector.shape_cast %get3A_120 : vector<1x16xf32> to vector<16xf32>
        %add3A_122 = arith.addf %add3A_117, %get3A_121 : vector<16xf32>
        %max3A = arith.constant 0.000000e+00 : f32
        %max3A_123 = vector.broadcast %max3A : f32 to vector<16xf32>
        %max3A_124 = arith.maximumf %add3A_122, %max3A_123 : vector<16xf32>
        %swap3A = arith.index_cast %scan3A_109 : i32 to index
        %swap3A_125 = arith.constant 0 : index
        %swap3A_126 = tpu.vector_load %arg18[%swap3A, %swap3A_125] {strides = array<i32>} : memref<64x128xf32, #tpu.memory_space<vmem>>, vector<1x16xf32>,
        %swap3A_127 = vector.shape_cast %swap3A_126 : vector<1x16xf32> to vector<16xf32>
        %swap3A_128 = vector.shape_cast %max3A_124 : vector<16xf32> to vector<1x16xf32>
        tpu.vector_store %arg18[%swap3A, %swap3A_125], %swap3A_128 {strides = array<i32>} : memref<64x128xf32, #tpu.memory_space<vmem>>, vector<1x16xf32>,
        %get3A_129 = arith.index_cast %scan3A_109 : i32 to index
        %get3A_130 = arith.constant 16 : index
        %get3A_131 = tpu.vector_load %arg14[%get3A_129, %get3A_130] {strides = array<i32>} : memref<64x128xf32, #tpu.memory_space<vmem>>, vector<1x16xf32>,
        %get3A_132 = vector.shape_cast %get3A_131 : vector<1x16xf32> to vector<16xf32>
        %get3A_133 = arith.index_cast %scan3A_109 : i32 to index
        %get3A_134 = arith.constant 16 : index
        %get3A_135 = tpu.vector_load %arg16[%get3A_133, %get3A_134] {strides = array<i32>} : memref<64x128xf32, #tpu.memory_space<vmem>>, vector<1x16xf32>,
        %get3A_136 = vector.shape_cast %get3A_135 : vector<1x16xf32> to vector<16xf32>
        %add3A_137 = arith.addf %get3A_132, %get3A_136 : vector<16xf32>
        %get3A_138 = arith.index_cast %scan3A_109 : i32 to index
        %get3A_139 = arith.constant 16 : index
        %get3A_140 = tpu.vector_load %arg18[%get3A_138, %get3A_139] {strides = array<i32>} : memref<64x128xf32, #tpu.memory_space<vmem>>, vector<1x16xf32>,
        %get3A_141 = vector.shape_cast %get3A_140 : vector<1x16xf32> to vector<16xf32>
        %add3A_142 = arith.addf %add3A_137, %get3A_141 : vector<16xf32>
        %max3A_143 = arith.constant 0.000000e+00 : f32
        %max3A_144 = vector.broadcast %max3A_143 : f32 to vector<16xf32>
        %max3A_145 = arith.maximumf %add3A_142, %max3A_144 : vector<16xf32>
        %swap3A_146 = arith.index_cast %scan3A_109 : i32 to index
        %swap3A_147 = arith.constant 16 : index
        %swap3A_148 = tpu.vector_load %arg18[%swap3A_146, %swap3A_147] {strides = array<i32>} : memref<64x128xf32, #tpu.memory_space<vmem>>, vector<1x16xf32>,
        %swap3A_149 = vector.shape_cast %swap3A_148 : vector<1x16xf32> to vector<16xf32>
        %swap3A_150 = vector.shape_cast %max3A_145 : vector<16xf32> to vector<1x16xf32>
        tpu.vector_store %arg18[%swap3A_146, %swap3A_147], %swap3A_150 {strides = array<i32>} : memref<64x128xf32, #tpu.memory_space<vmem>>, vector<1x16xf32>,
        %get3A_151 = arith.index_cast %scan3A_109 : i32 to index
        %get3A_152 = arith.constant 32 : index
        %get3A_153 = tpu.vector_load %arg14[%get3A_151, %get3A_152] {strides = array<i32>} : memref<64x128xf32, #tpu.memory_space<vmem>>, vector<1x16xf32>,
        %get3A_154 = vector.shape_cast %get3A_153 : vector<1x16xf32> to vector<16xf32>
        %get3A_155 = arith.index_cast %scan3A_109 : i32 to index
        %get3A_156 = arith.constant 32 : index
        %get3A_157 = tpu.vector_load %arg16[%get3A_155, %get3A_156] {strides = array<i32>} : memref<64x128xf32, #tpu.memory_space<vmem>>, vector<1x16xf32>,
        %get3A_158 = vector.shape_cast %get3A_157 : vector<1x16xf32> to vector<16xf32>
        %add3A_159 = arith.addf %get3A_154, %get3A_158 : vector<16xf32>
        %get3A_160 = arith.index_cast %scan3A_109 : i32 to index
        %get3A_161 = arith.constant 32 : index
        %get3A_162 = tpu.vector_load %arg18[%get3A_160, %get3A_161] {strides = array<i32>} : memref<64x128xf32, #tpu.memory_space<vmem>>, vector<1x16xf32>,
        %get3A_163 = vector.shape_cast %get3A_162 : vector<1x16xf32> to vector<16xf32>
        %add3A_164 = arith.addf %add3A_159, %get3A_163 : vector<16xf32>
        %max3A_165 = arith.constant 0.000000e+00 : f32
        %max3A_166 = vector.broadcast %max3A_165 : f32 to vector<16xf32>
        %max3A_167 = arith.maximumf %add3A_164, %max3A_166 : vector<16xf32>
        %swap3A_168 = arith.index_cast %scan3A_109 : i32 to index
        %swap3A_169 = arith.constant 32 : index
        %swap3A_170 = tpu.vector_load %arg18[%swap3A_168, %swap3A_169] {strides = array<i32>} : memref<64x128xf32, #tpu.memory_space<vmem>>, vector<1x16xf32>,
        %swap3A_171 = vector.shape_cast %swap3A_170 : vector<1x16xf32> to vector<16xf32>
        %swap3A_172 = vector.shape_cast %max3A_167 : vector<16xf32> to vector<1x16xf32>
        tpu.vector_store %arg18[%swap3A_168, %swap3A_169], %swap3A_172 {strides = array<i32>} : memref<64x128xf32, #tpu.memory_space<vmem>>, vector<1x16xf32>,
        %get3A_173 = arith.index_cast %scan3A_109 : i32 to index
        %get3A_174 = arith.constant 48 : index
        %get3A_175 = tpu.vector_load %arg14[%get3A_173, %get3A_174] {strides = array<i32>} : memref<64x128xf32, #tpu.memory_space<vmem>>, vector<1x16xf32>,
        %get3A_176 = vector.shape_cast %get3A_175 : vector<1x16xf32> to vector<16xf32>
        %get3A_177 = arith.index_cast %scan3A_109 : i32 to index
        %get3A_178 = arith.constant 48 : index
        %get3A_179 = tpu.vector_load %arg16[%get3A_177, %get3A_178] {strides = array<i32>} : memref<64x128xf32, #tpu.memory_space<vmem>>, vector<1x16xf32>,
        %get3A_180 = vector.shape_cast %get3A_179 : vector<1x16xf32> to vector<16xf32>
        %add3A_181 = arith.addf %get3A_176, %get3A_180 : vector<16xf32>
        %get3A_182 = arith.index_cast %scan3A_109 : i32 to index
        %get3A_183 = arith.constant 48 : index
        %get3A_184 = tpu.vector_load %arg18[%get3A_182, %get3A_183] {strides = array<i32>} : memref<64x128xf32, #tpu.memory_space<vmem>>, vector<1x16xf32>,
        %get3A_185 = vector.shape_cast %get3A_184 : vector<1x16xf32> to vector<16xf32>
        %add3A_186 = arith.addf %add3A_181, %get3A_185 : vector<16xf32>
        %max3A_187 = arith.constant 0.000000e+00 : f32
        %max3A_188 = vector.broadcast %max3A_187 : f32 to vector<16xf32>
        %max3A_189 = arith.maximumf %add3A_186, %max3A_188 : vector<16xf32>
        %swap3A_190 = arith.index_cast %scan3A_109 : i32 to index
        %swap3A_191 = arith.constant 48 : index
        %swap3A_192 = tpu.vector_load %arg18[%swap3A_190, %swap3A_191] {strides = array<i32>} : memref<64x128xf32, #tpu.memory_space<vmem>>, vector<1x16xf32>,
        %swap3A_193 = vector.shape_cast %swap3A_192 : vector<1x16xf32> to vector<16xf32>
        %swap3A_194 = vector.shape_cast %max3A_189 : vector<16xf32> to vector<1x16xf32>
        tpu.vector_store %arg18[%swap3A_190, %swap3A_191], %swap3A_194 {strides = array<i32>} : memref<64x128xf32, #tpu.memory_space<vmem>>, vector<1x16xf32>,
        %get3A_195 = arith.index_cast %scan3A_109 : i32 to index
        %get3A_196 = arith.constant 64 : index
        %get3A_197 = tpu.vector_load %arg14[%get3A_195, %get3A_196] {strides = array<i32>} : memref<64x128xf32, #tpu.memory_space<vmem>>, vector<1x16xf32>,
        %get3A_198 = vector.shape_cast %get3A_197 : vector<1x16xf32> to vector<16xf32>
        %get3A_199 = arith.index_cast %scan3A_109 : i32 to index
        %get3A_200 = arith.constant 64 : index
        %get3A_201 = tpu.vector_load %arg16[%get3A_199, %get3A_200] {strides = array<i32>} : memref<64x128xf32, #tpu.memory_space<vmem>>, vector<1x16xf32>,
        %get3A_202 = vector.shape_cast %get3A_201 : vector<1x16xf32> to vector<16xf32>
        %add3A_203 = arith.addf %get3A_198, %get3A_202 : vector<16xf32>
        %get3A_204 = arith.index_cast %scan3A_109 : i32 to index
        %get3A_205 = arith.constant 64 : index
        %get3A_206 = tpu.vector_load %arg18[%get3A_204, %get3A_205] {strides = array<i32>} : memref<64x128xf32, #tpu.memory_space<vmem>>, vector<1x16xf32>,
        %get3A_207 = vector.shape_cast %get3A_206 : vector<1x16xf32> to vector<16xf32>
        %add3A_208 = arith.addf %add3A_203, %get3A_207 : vector<16xf32>
        %max3A_209 = arith.constant 0.000000e+00 : f32
        %max3A_210 = vector.broadcast %max3A_209 : f32 to vector<16xf32>
        %max3A_211 = arith.maximumf %add3A_208, %max3A_210 : vector<16xf32>
        %swap3A_212 = arith.index_cast %scan3A_109 : i32 to index
        %swap3A_213 = arith.constant 64 : index
        %swap3A_214 = tpu.vector_load %arg18[%swap3A_212, %swap3A_213] {strides = array<i32>} : memref<64x128xf32, #tpu.memory_space<vmem>>, vector<1x16xf32>,
        %swap3A_215 = vector.shape_cast %swap3A_214 : vector<1x16xf32> to vector<16xf32>
        %swap3A_216 = vector.shape_cast %max3A_211 : vector<16xf32> to vector<1x16xf32>
        tpu.vector_store %arg18[%swap3A_212, %swap3A_213], %swap3A_216 {strides = array<i32>} : memref<64x128xf32, #tpu.memory_space<vmem>>, vector<1x16xf32>,
        %get3A_217 = arith.index_cast %scan3A_109 : i32 to index
        %get3A_218 = arith.constant 80 : index
        %get3A_219 = tpu.vector_load %arg14[%get3A_217, %get3A_218] {strides = array<i32>} : memref<64x128xf32, #tpu.memory_space<vmem>>, vector<1x16xf32>,
        %get3A_220 = vector.shape_cast %get3A_219 : vector<1x16xf32> to vector<16xf32>
        %get3A_221 = arith.index_cast %scan3A_109 : i32 to index
        %get3A_222 = arith.constant 80 : index
        %get3A_223 = tpu.vector_load %arg16[%get3A_221, %get3A_222] {strides = array<i32>} : memref<64x128xf32, #tpu.memory_space<vmem>>, vector<1x16xf32>,
        %get3A_224 = vector.shape_cast %get3A_223 : vector<1x16xf32> to vector<16xf32>
        %add3A_225 = arith.addf %get3A_220, %get3A_224 : vector<16xf32>
        %get3A_226 = arith.index_cast %scan3A_109 : i32 to index
        %get3A_227 = arith.constant 80 : index
        %get3A_228 = tpu.vector_load %arg18[%get3A_226, %get3A_227] {strides = array<i32>} : memref<64x128xf32, #tpu.memory_space<vmem>>, vector<1x16xf32>,
        %get3A_229 = vector.shape_cast %get3A_228 : vector<1x16xf32> to vector<16xf32>
        %add3A_230 = arith.addf %add3A_225, %get3A_229 : vector<16xf32>
        %max3A_231 = arith.constant 0.000000e+00 : f32
        %max3A_232 = vector.broadcast %max3A_231 : f32 to vector<16xf32>
        %max3A_233 = arith.maximumf %add3A_230, %max3A_232 : vector<16xf32>
        %swap3A_234 = arith.index_cast %scan3A_109 : i32 to index
        %swap3A_235 = arith.constant 80 : index
        %swap3A_236 = tpu.vector_load %arg18[%swap3A_234, %swap3A_235] {strides = array<i32>} : memref<64x128xf32, #tpu.memory_space<vmem>>, vector<1x16xf32>,
        %swap3A_237 = vector.shape_cast %swap3A_236 : vector<1x16xf32> to vector<16xf32>
        %swap3A_238 = vector.shape_cast %max3A_233 : vector<16xf32> to vector<1x16xf32>
        tpu.vector_store %arg18[%swap3A_234, %swap3A_235], %swap3A_238 {strides = array<i32>} : memref<64x128xf32, #tpu.memory_space<vmem>>, vector<1x16xf32>,
        %get3A_239 = arith.index_cast %scan3A_109 : i32 to index
        %get3A_240 = arith.constant 96 : index
        %get3A_241 = tpu.vector_load %arg14[%get3A_239, %get3A_240] {strides = array<i32>} : memref<64x128xf32, #tpu.memory_space<vmem>>, vector<1x16xf32>,
        %get3A_242 = vector.shape_cast %get3A_241 : vector<1x16xf32> to vector<16xf32>
        %get3A_243 = arith.index_cast %scan3A_109 : i32 to index
        %get3A_244 = arith.constant 96 : index
        %get3A_245 = tpu.vector_load %arg16[%get3A_243, %get3A_244] {strides = array<i32>} : memref<64x128xf32, #tpu.memory_space<vmem>>, vector<1x16xf32>,
        %get3A_246 = vector.shape_cast %get3A_245 : vector<1x16xf32> to vector<16xf32>
        %add3A_247 = arith.addf %get3A_242, %get3A_246 : vector<16xf32>
        %get3A_248 = arith.index_cast %scan3A_109 : i32 to index
        %get3A_249 = arith.constant 96 : index
        %get3A_250 = tpu.vector_load %arg18[%get3A_248, %get3A_249] {strides = array<i32>} : memref<64x128xf32, #tpu.memory_space<vmem>>, vector<1x16xf32>,
        %get3A_251 = vector.shape_cast %get3A_250 : vector<1x16xf32> to vector<16xf32>
        %add3A_252 = arith.addf %add3A_247, %get3A_251 : vector<16xf32>
        %max3A_253 = arith.constant 0.000000e+00 : f32
        %max3A_254 = vector.broadcast %max3A_253 : f32 to vector<16xf32>
        %max3A_255 = arith.maximumf %add3A_252, %max3A_254 : vector<16xf32>
        %swap3A_256 = arith.index_cast %scan3A_109 : i32 to index
        %swap3A_257 = arith.constant 96 : index
        %swap3A_258 = tpu.vector_load %arg18[%swap3A_256, %swap3A_257] {strides = array<i32>} : memref<64x128xf32, #tpu.memory_space<vmem>>, vector<1x16xf32>,
        %swap3A_259 = vector.shape_cast %swap3A_258 : vector<1x16xf32> to vector<16xf32>
        %swap3A_260 = vector.shape_cast %max3A_255 : vector<16xf32> to vector<1x16xf32>
        tpu.vector_store %arg18[%swap3A_256, %swap3A_257], %swap3A_260 {strides = array<i32>} : memref<64x128xf32, #tpu.memory_space<vmem>>, vector<1x16xf32>,
        %get3A_261 = arith.index_cast %scan3A_109 : i32 to index
        %get3A_262 = arith.constant 112 : index
        %get3A_263 = tpu.vector_load %arg14[%get3A_261, %get3A_262] {strides = array<i32>} : memref<64x128xf32, #tpu.memory_space<vmem>>, vector<1x16xf32>,
        %get3A_264 = vector.shape_cast %get3A_263 : vector<1x16xf32> to vector<16xf32>
        %get3A_265 = arith.index_cast %scan3A_109 : i32 to index
        %get3A_266 = arith.constant 112 : index
        %get3A_267 = tpu.vector_load %arg16[%get3A_265, %get3A_266] {strides = array<i32>} : memref<64x128xf32, #tpu.memory_space<vmem>>, vector<1x16xf32>,
        %get3A_268 = vector.shape_cast %get3A_267 : vector<1x16xf32> to vector<16xf32>
        %add3A_269 = arith.addf %get3A_264, %get3A_268 : vector<16xf32>
        %get3A_270 = arith.index_cast %scan3A_109 : i32 to index
        %get3A_271 = arith.constant 112 : index
        %get3A_272 = tpu.vector_load %arg18[%get3A_270, %get3A_271] {strides = array<i32>} : memref<64x128xf32, #tpu.memory_space<vmem>>, vector<1x16xf32>,
        %get3A_273 = vector.shape_cast %get3A_272 : vector<1x16xf32> to vector<16xf32>
        %add3A_274 = arith.addf %add3A_269, %get3A_273 : vector<16xf32>
        %max3A_275 = arith.constant 0.000000e+00 : f32
        %max3A_276 = vector.broadcast %max3A_275 : f32 to vector<16xf32>
        %max3A_277 = arith.maximumf %add3A_274, %max3A_276 : vector<16xf32>
        %swap3A_278 = arith.index_cast %scan3A_109 : i32 to index
        %swap3A_279 = arith.constant 112 : index
        %swap3A_280 = tpu.vector_load %arg18[%swap3A_278, %swap3A_279] {strides = array<i32>} : memref<64x128xf32, #tpu.memory_space<vmem>>, vector<1x16xf32>,
        %swap3A_281 = vector.shape_cast %swap3A_280 : vector<1x16xf32> to vector<16xf32>
        %swap3A_282 = vector.shape_cast %max3A_277 : vector<16xf32> to vector<1x16xf32>
        tpu.vector_store %arg18[%swap3A_278, %swap3A_279], %swap3A_282 {strides = array<i32>} : memref<64x128xf32, #tpu.memory_space<vmem>>, vector<1x16xf32>,
      }
      %scan3A_108 = arith.constant 64 : i32
      "tpu.region"() ({
        %run_scoped3A = tpu.sem_alloc : memref<!tpu.dma_semaphore, #tpu.memory_space<semaphore_mem>>
        %dma_start3A_109 = arith.constant 0 : i32
        %dma_start3A_110 = arith.constant 0 : i32
        %dma_start3A_111 = tpu.memref_slice %arg19[%dma_start3A_109, %dma_start3A_110] : memref<10008x128xf32, #tpu.memory_space<vmem_shared>> -> memref<10008x128xf32, #tpu.memory_space<vmem_shared>>
        tpu.enqueue_indirect_dma source(%arg18 : memref<64x128xf32, #tpu.memory_space<vmem>>) target(%dma_start3A_111 : memref<10008x128xf32, #tpu.memory_space<vmem_shared>>) offsets(%arg12 : memref<64xi32, #tpu.memory_space<vmem>>) semaphore(%run_scoped3A : memref<!tpu.dma_semaphore, #tpu.memory_space<semaphore_mem>>) {add = true}
        %dma_wait3A_112 = arith.constant 0 : i32
        %dma_wait3A_113 = arith.constant 0 : i32
        %dma_wait3A_114 = tpu.memref_slice %arg19[%dma_wait3A_112, %dma_wait3A_113] : memref<10008x128xf32, #tpu.memory_space<vmem_shared>> -> memref<10008x128xf32, #tpu.memory_space<vmem_shared>>
        tpu.wait_indirect_dma semaphore(%run_scoped3A : memref<!tpu.dma_semaphore, #tpu.memory_space<semaphore_mem>>) src(%arg18 : memref<64x128xf32, #tpu.memory_space<vmem>>) dst(%dma_wait3A_114 : memref<10008x128xf32, #tpu.memory_space<vmem_shared>>)
        tpu.yield
      }) : () -> ()
    }
    %scan3A_24 = arith.constant 40 : i32
    %barrier3A_25 = arith.constant 0 : index
    tpu.barrier barrier_id(%barrier3A_25)
    %lt3A_26 = arith.constant 15 : i32
    %lt3A_27 = arith.cmpi slt, %arg1, %lt3A_26 : i32
    %convert_element_type3A_28 = arith.extui %lt3A_27 : i1 to i32
    %cond3A_29 = arith.constant 0 : i32
    %cond3A_30 = arith.cmpi ne, %convert_element_type3A_28, %cond3A_29 : i32
    scf.if %cond3A_30 {
      %mul3A_36 = arith.constant 624 : i32
      %mul3A_37 = arith.muli %arg1, %mul3A_36 : i32
      %multiple_of3A_38 = tpu.assume_multiple %mul3A_37, 8 : i32
      "tpu.region"() ({
        %run_scoped3A = tpu.sem_alloc : memref<!tpu.dma_semaphore, #tpu.memory_space<semaphore_mem>>
        %dma_start3A_39 = arith.constant 0 : i32
        %dma_start3A_40 = tpu.memref_slice %arg8[%arg0, %multiple_of3A_38, %dma_start3A_39] : memref<2x10000x128xf32, #tpu.memory_space<hbm>> -> memref<1x624x128xf32, #tpu.memory_space<hbm>>
        %dma_start3A_41 = tpu.memref_squeeze %dma_start3A_40 : memref<1x624x128xf32, #tpu.memory_space<hbm>> -> memref<624x128xf32, #tpu.memory_space<hbm>>
        %dma_start3A_42 = arith.constant 0 : i32
        %dma_start3A_43 = tpu.memref_slice %arg19[%multiple_of3A_38, %dma_start3A_42] : memref<10008x128xf32, #tpu.memory_space<vmem_shared>> -> memref<624x128xf32, #tpu.memory_space<vmem_shared>>
        tpu.enqueue_dma source(%dma_start3A_43 : memref<624x128xf32, #tpu.memory_space<vmem_shared>>) target(%dma_start3A_41 : memref<624x128xf32, #tpu.memory_space<hbm>>) target_semaphore(%run_scoped3A : memref<!tpu.dma_semaphore, #tpu.memory_space<semaphore_mem>>)
        %dma_wait3A = arith.constant 0 : i32
        %dma_wait3A_44 = tpu.memref_slice %arg8[%arg0, %multiple_of3A_38, %dma_wait3A] : memref<2x10000x128xf32, #tpu.memory_space<hbm>> -> memref<1x624x128xf32, #tpu.memory_space<hbm>>
        %dma_wait3A_45 = tpu.memref_squeeze %dma_wait3A_44 : memref<1x624x128xf32, #tpu.memory_space<hbm>> -> memref<624x128xf32, #tpu.memory_space<hbm>>
        %dma_wait3A_46 = arith.constant 0 : i32
        %dma_wait3A_47 = tpu.memref_slice %arg19[%multiple_of3A_38, %dma_wait3A_46] : memref<10008x128xf32, #tpu.memory_space<vmem_shared>> -> memref<624x128xf32, #tpu.memory_space<vmem_shared>>
        tpu.wait_dma2 semaphore(%run_scoped3A : memref<!tpu.dma_semaphore, #tpu.memory_space<semaphore_mem>>) src(%dma_wait3A_47 : memref<624x128xf32, #tpu.memory_space<vmem_shared>>) dst(%dma_wait3A_45 : memref<624x128xf32, #tpu.memory_space<hbm>>)
        tpu.yield
      }) : () -> ()
    } else {
    }
    %eq3A_31 = arith.constant 15 : i32
    %eq3A_32 = arith.cmpi eq, %arg1, %eq3A_31 : i32
    %convert_element_type3A_33 = arith.extui %eq3A_32 : i1 to i32
    %cond3A_34 = arith.constant 0 : i32
    %cond3A_35 = arith.cmpi ne, %convert_element_type3A_33, %cond3A_34 : i32
    scf.if %cond3A_35 {
      "tpu.region"() ({
        %run_scoped3A = tpu.sem_alloc : memref<!tpu.dma_semaphore, #tpu.memory_space<semaphore_mem>>
        %dma_start3A_36 = arith.constant 9360 : i32
        %dma_start3A_37 = arith.constant 0 : i32
        %dma_start3A_38 = tpu.memref_slice %arg8[%arg0, %dma_start3A_36, %dma_start3A_37] : memref<2x10000x128xf32, #tpu.memory_space<hbm>> -> memref<1x640x128xf32, #tpu.memory_space<hbm>>
        %dma_start3A_39 = tpu.memref_squeeze %dma_start3A_38 : memref<1x640x128xf32, #tpu.memory_space<hbm>> -> memref<640x128xf32, #tpu.memory_space<hbm>>
        %dma_start3A_40 = arith.constant 9360 : i32
        %dma_start3A_41 = arith.constant 0 : i32
        %dma_start3A_42 = tpu.memref_slice %arg19[%dma_start3A_40, %dma_start3A_41] : memref<10008x128xf32, #tpu.memory_space<vmem_shared>> -> memref<640x128xf32, #tpu.memory_space<vmem_shared>>
        tpu.enqueue_dma source(%dma_start3A_42 : memref<640x128xf32, #tpu.memory_space<vmem_shared>>) target(%dma_start3A_39 : memref<640x128xf32, #tpu.memory_space<hbm>>) target_semaphore(%run_scoped3A : memref<!tpu.dma_semaphore, #tpu.memory_space<semaphore_mem>>)
        %dma_wait3A = arith.constant 9360 : i32
        %dma_wait3A_43 = arith.constant 0 : i32
        %dma_wait3A_44 = tpu.memref_slice %arg8[%arg0, %dma_wait3A, %dma_wait3A_43] : memref<2x10000x128xf32, #tpu.memory_space<hbm>> -> memref<1x640x128xf32, #tpu.memory_space<hbm>>
        %dma_wait3A_45 = tpu.memref_squeeze %dma_wait3A_44 : memref<1x640x128xf32, #tpu.memory_space<hbm>> -> memref<640x128xf32, #tpu.memory_space<hbm>>
        %dma_wait3A_46 = arith.constant 9360 : i32
        %dma_wait3A_47 = arith.constant 0 : i32
        %dma_wait3A_48 = tpu.memref_slice %arg19[%dma_wait3A_46, %dma_wait3A_47] : memref<10008x128xf32, #tpu.memory_space<vmem_shared>> -> memref<640x128xf32, #tpu.memory_space<vmem_shared>>
        tpu.wait_dma2 semaphore(%run_scoped3A : memref<!tpu.dma_semaphore, #tpu.memory_space<semaphore_mem>>) src(%dma_wait3A_48 : memref<640x128xf32, #tpu.memory_space<vmem_shared>>) dst(%dma_wait3A_45 : memref<640x128xf32, #tpu.memory_space<hbm>>)
        tpu.yield
      }) : () -> ()
    } else {
    }
    return
  }
}

#map = affine_map<(d0, d1) -> (0, 0)>
#map1 = affine_map<(d0, d1) -> (0)>
#map2 = affine_map<(d0, d1) -> (0, 0, 0)>
module attributes {stable_mosaic.version = 14 : i64} {
  func.func @_sc_body(%arg0: i32, %arg1: i32, %arg2: memref<10000x128xf32, #tpu.memory_space<hbm>>, %arg3: memref<10008x128xf32, #tpu.memory_space<hbm>>, %arg4: memref<163840x128xf32, #tpu.memory_space<hbm>>, %arg5: memref<163840xi32, #tpu.memory_space<hbm>>, %arg6: memref<163840xi32, #tpu.memory_space<hbm>>, %arg7: memref<10000x128xf32, #tpu.memory_space<hbm>>, %arg8: memref<2x10000x128xf32, #tpu.memory_space<hbm>>, %arg9: memref<64xi32, #tpu.memory_space<vmem>>, %arg10: memref<64xi32, #tpu.memory_space<vmem>>, %arg11: memref<64xi32, #tpu.memory_space<vmem>>, %arg12: memref<64xi32, #tpu.memory_space<vmem>>, %arg13: memref<64x128xf32, #tpu.memory_space<vmem>>, %arg14: memref<64x128xf32, #tpu.memory_space<vmem>>, %arg15: memref<64x128xf32, #tpu.memory_space<vmem>>, %arg16: memref<64x128xf32, #tpu.memory_space<vmem>>, %arg17: memref<64x128xf32, #tpu.memory_space<vmem>>, %arg18: memref<64x128xf32, #tpu.memory_space<vmem>>, %arg19: memref<10008x128xf32, #tpu.memory_space<vmem_shared>>, %arg20: memref<!tpu.dma_semaphore, #tpu.memory_space<semaphore_mem>>, %arg21: memref<!tpu.dma_semaphore, #tpu.memory_space<semaphore_mem>>, %arg22: memref<!tpu.dma_semaphore, #tpu.memory_space<semaphore_mem>>, %arg23: memref<!tpu.dma_semaphore, #tpu.memory_space<semaphore_mem>>, %arg24: memref<!tpu.dma_semaphore, #tpu.memory_space<semaphore_mem>>, %arg25: memref<!tpu.dma_semaphore, #tpu.memory_space<semaphore_mem>>) attributes {dimension_semantics = [#tpu.dimension_semantics<core_parallel>, #tpu.dimension_semantics<subcore_parallel>], iteration_bounds = array<i64: 2, 16>, scalar_prefetch = 0 : i64, scratch_operands = 17 : i64, tpu.core_type = #tpu.core_type<sc_vector_subcore>, window_params = [{transform_indices = #map}, {transform_indices = #map}, {transform_indices = #map}, {transform_indices = #map1}, {transform_indices = #map1}, {transform_indices = #map}, {transform_indices = #map2}]} {
    %mul3A = arith.constant 2 : i32
    %mul3A_0 = arith.muli %arg1, %mul3A : i32
    %add3A = arith.addi %mul3A_0, %arg0 : i32
    %lt3A = arith.constant 15 : i32
    %lt3A_1 = arith.cmpi slt, %arg1, %lt3A : i32
    %convert_element_type3A = arith.extui %lt3A_1 : i1 to i32
    %cond3A = arith.constant 0 : i32
    %cond3A_2 = arith.cmpi ne, %convert_element_type3A, %cond3A : i32
    scf.if %cond3A_2 {
      %mul3A_36 = arith.constant 624 : i32
      %mul3A_37 = arith.muli %arg1, %mul3A_36 : i32
      %multiple_of3A_38 = tpu.assume_multiple %mul3A_37, 8 : i32
      "tpu.region"() ({
        %run_scoped3A = tpu.sem_alloc : memref<!tpu.dma_semaphore, #tpu.memory_space<semaphore_mem>>
        %dma_start3A_39 = arith.constant 0 : i32
        %dma_start3A_40 = tpu.memref_slice %arg19[%multiple_of3A_38, %dma_start3A_39] : memref<10008x128xf32, #tpu.memory_space<vmem_shared>> -> memref<624x128xf32, #tpu.memory_space<vmem_shared>>
        %dma_start3A_41 = arith.constant 0 : i32
        %dma_start3A_42 = tpu.memref_slice %arg7[%multiple_of3A_38, %dma_start3A_41] : memref<10000x128xf32, #tpu.memory_space<hbm>> -> memref<624x128xf32, #tpu.memory_space<hbm>>
        tpu.enqueue_dma source(%dma_start3A_42 : memref<624x128xf32, #tpu.memory_space<hbm>>) target(%dma_start3A_40 : memref<624x128xf32, #tpu.memory_space<vmem_shared>>) target_semaphore(%run_scoped3A : memref<!tpu.dma_semaphore, #tpu.memory_space<semaphore_mem>>)
        %dma_wait3A = arith.constant 0 : i32
        %dma_wait3A_43 = tpu.memref_slice %arg19[%multiple_of3A_38, %dma_wait3A] : memref<10008x128xf32, #tpu.memory_space<vmem_shared>> -> memref<624x128xf32, #tpu.memory_space<vmem_shared>>
        %dma_wait3A_44 = arith.constant 0 : i32
        %dma_wait3A_45 = tpu.memref_slice %arg7[%multiple_of3A_38, %dma_wait3A_44] : memref<10000x128xf32, #tpu.memory_space<hbm>> -> memref<624x128xf32, #tpu.memory_space<hbm>>
        tpu.wait_dma2 semaphore(%run_scoped3A : memref<!tpu.dma_semaphore, #tpu.memory_space<semaphore_mem>>) src(%dma_wait3A_45 : memref<624x128xf32, #tpu.memory_space<hbm>>) dst(%dma_wait3A_43 : memref<624x128xf32, #tpu.memory_space<vmem_shared>>)
        tpu.yield
      }) : () -> ()
    } else {
    }
    %eq3A = arith.constant 15 : i32
    %eq3A_3 = arith.cmpi eq, %arg1, %eq3A : i32
    %convert_element_type3A_4 = arith.extui %eq3A_3 : i1 to i32
    %cond3A_5 = arith.constant 0 : i32
    %cond3A_6 = arith.cmpi ne, %convert_element_type3A_4, %cond3A_5 : i32
    scf.if %cond3A_6 {
      "tpu.region"() ({
        %run_scoped3A = tpu.sem_alloc : memref<!tpu.dma_semaphore, #tpu.memory_space<semaphore_mem>>
        %dma_start3A_36 = arith.constant 9360 : i32
        %dma_start3A_37 = arith.constant 0 : i32
        %dma_start3A_38 = tpu.memref_slice %arg19[%dma_start3A_36, %dma_start3A_37] : memref<10008x128xf32, #tpu.memory_space<vmem_shared>> -> memref<640x128xf32, #tpu.memory_space<vmem_shared>>
        %dma_start3A_39 = arith.constant 9360 : i32
        %dma_start3A_40 = arith.constant 0 : i32
        %dma_start3A_41 = tpu.memref_slice %arg7[%dma_start3A_39, %dma_start3A_40] : memref<10000x128xf32, #tpu.memory_space<hbm>> -> memref<640x128xf32, #tpu.memory_space<hbm>>
        tpu.enqueue_dma source(%dma_start3A_41 : memref<640x128xf32, #tpu.memory_space<hbm>>) target(%dma_start3A_38 : memref<640x128xf32, #tpu.memory_space<vmem_shared>>) target_semaphore(%run_scoped3A : memref<!tpu.dma_semaphore, #tpu.memory_space<semaphore_mem>>)
        %dma_wait3A = arith.constant 9360 : i32
        %dma_wait3A_42 = arith.constant 0 : i32
        %dma_wait3A_43 = tpu.memref_slice %arg19[%dma_wait3A, %dma_wait3A_42] : memref<10008x128xf32, #tpu.memory_space<vmem_shared>> -> memref<640x128xf32, #tpu.memory_space<vmem_shared>>
        %dma_wait3A_44 = arith.constant 9360 : i32
        %dma_wait3A_45 = arith.constant 0 : i32
        %dma_wait3A_46 = tpu.memref_slice %arg7[%dma_wait3A_44, %dma_wait3A_45] : memref<10000x128xf32, #tpu.memory_space<hbm>> -> memref<640x128xf32, #tpu.memory_space<hbm>>
        tpu.wait_dma2 semaphore(%run_scoped3A : memref<!tpu.dma_semaphore, #tpu.memory_space<semaphore_mem>>) src(%dma_wait3A_46 : memref<640x128xf32, #tpu.memory_space<hbm>>) dst(%dma_wait3A_43 : memref<640x128xf32, #tpu.memory_space<vmem_shared>>)
        tpu.yield
      }) : () -> ()
    } else {
    }
    %barrier3A = arith.constant 0 : index
    tpu.barrier barrier_id(%barrier3A)
    %mul3A_7 = arith.constant 5120 : i32
    %mul3A_8 = arith.muli %add3A, %mul3A_7 : i32
    %add3A_9 = arith.constant 0 : i32
    %add3A_10 = arith.addi %mul3A_8, %add3A_9 : i32
    %multiple_of3A = tpu.assume_multiple %add3A_10, 64 : i32
    "tpu.region"() ({
      %run_scoped3A = tpu.sem_alloc : memref<!tpu.dma_semaphore, #tpu.memory_space<semaphore_mem>>
      %dma_start3A_36 = tpu.memref_slice %arg5[%multiple_of3A] : memref<163840xi32, #tpu.memory_space<hbm>> -> memref<64xi32, #tpu.memory_space<hbm>>
      %dma_start3A_37 = tpu.memref_slice %arg5[%multiple_of3A] : memref<163840xi32, #tpu.memory_space<hbm>> -> memref<64xi32, #tpu.memory_space<hbm>>
      tpu.enqueue_dma source(%dma_start3A_37 : memref<64xi32, #tpu.memory_space<hbm>>) target(%arg9 : memref<64xi32, #tpu.memory_space<vmem>>) target_semaphore(%run_scoped3A : memref<!tpu.dma_semaphore, #tpu.memory_space<semaphore_mem>>)
      %dma_wait3A = tpu.memref_slice %arg5[%multiple_of3A] : memref<163840xi32, #tpu.memory_space<hbm>> -> memref<64xi32, #tpu.memory_space<hbm>>
      %dma_wait3A_38 = tpu.memref_slice %arg5[%multiple_of3A] : memref<163840xi32, #tpu.memory_space<hbm>> -> memref<64xi32, #tpu.memory_space<hbm>>
      tpu.wait_dma2 semaphore(%run_scoped3A : memref<!tpu.dma_semaphore, #tpu.memory_space<semaphore_mem>>) src(%dma_wait3A_38 : memref<64xi32, #tpu.memory_space<hbm>>) dst(%arg9 : memref<64xi32, #tpu.memory_space<vmem>>)
      tpu.yield
    }) : () -> ()
    "tpu.region"() ({
      %run_scoped3A = tpu.sem_alloc : memref<!tpu.dma_semaphore, #tpu.memory_space<semaphore_mem>>
      %dma_start3A_36 = tpu.memref_slice %arg6[%multiple_of3A] : memref<163840xi32, #tpu.memory_space<hbm>> -> memref<64xi32, #tpu.memory_space<hbm>>
      %dma_start3A_37 = tpu.memref_slice %arg6[%multiple_of3A] : memref<163840xi32, #tpu.memory_space<hbm>> -> memref<64xi32, #tpu.memory_space<hbm>>
      tpu.enqueue_dma source(%dma_start3A_37 : memref<64xi32, #tpu.memory_space<hbm>>) target(%arg11 : memref<64xi32, #tpu.memory_space<vmem>>) target_semaphore(%run_scoped3A : memref<!tpu.dma_semaphore, #tpu.memory_space<semaphore_mem>>)
      %dma_wait3A = tpu.memref_slice %arg6[%multiple_of3A] : memref<163840xi32, #tpu.memory_space<hbm>> -> memref<64xi32, #tpu.memory_space<hbm>>
      %dma_wait3A_38 = tpu.memref_slice %arg6[%multiple_of3A] : memref<163840xi32, #tpu.memory_space<hbm>> -> memref<64xi32, #tpu.memory_space<hbm>>
      tpu.wait_dma2 semaphore(%run_scoped3A : memref<!tpu.dma_semaphore, #tpu.memory_space<semaphore_mem>>) src(%dma_wait3A_38 : memref<64xi32, #tpu.memory_space<hbm>>) dst(%arg11 : memref<64xi32, #tpu.memory_space<vmem>>)
      tpu.yield
    }) : () -> ()
    %dma_start3A = arith.constant 0 : i32
    %dma_start3A_11 = arith.constant 0 : i32
    %dma_start3A_12 = tpu.memref_slice %arg2[%dma_start3A, %dma_start3A_11] : memref<10000x128xf32, #tpu.memory_space<hbm>> -> memref<10000x128xf32, #tpu.memory_space<hbm>>
    tpu.enqueue_indirect_dma source(%dma_start3A_12 : memref<10000x128xf32, #tpu.memory_space<hbm>>) target(%arg13 : memref<64x128xf32, #tpu.memory_space<vmem>>) offsets(%arg9 : memref<64xi32, #tpu.memory_space<vmem>>) semaphore(%arg20 : memref<!tpu.dma_semaphore, #tpu.memory_space<semaphore_mem>>)
    %dma_start3A_13 = arith.constant 0 : i32
    %dma_start3A_14 = arith.constant 0 : i32
    %dma_start3A_15 = tpu.memref_slice %arg3[%dma_start3A_13, %dma_start3A_14] : memref<10008x128xf32, #tpu.memory_space<hbm>> -> memref<10008x128xf32, #tpu.memory_space<hbm>>
    tpu.enqueue_indirect_dma source(%dma_start3A_15 : memref<10008x128xf32, #tpu.memory_space<hbm>>) target(%arg15 : memref<64x128xf32, #tpu.memory_space<vmem>>) offsets(%arg11 : memref<64xi32, #tpu.memory_space<vmem>>) semaphore(%arg22 : memref<!tpu.dma_semaphore, #tpu.memory_space<semaphore_mem>>)
    %dma_start3A_16 = arith.constant 0 : i32
    %dma_start3A_17 = tpu.memref_slice %arg4[%multiple_of3A, %dma_start3A_16] : memref<163840x128xf32, #tpu.memory_space<hbm>> -> memref<64x128xf32, #tpu.memory_space<hbm>>
    %dma_start3A_18 = arith.constant 0 : i32
    %dma_start3A_19 = tpu.memref_slice %arg4[%multiple_of3A, %dma_start3A_18] : memref<163840x128xf32, #tpu.memory_space<hbm>> -> memref<64x128xf32, #tpu.memory_space<hbm>>
    tpu.enqueue_dma source(%dma_start3A_19 : memref<64x128xf32, #tpu.memory_space<hbm>>) target(%arg17 : memref<64x128xf32, #tpu.memory_space<vmem>>) target_semaphore(%arg24 : memref<!tpu.dma_semaphore, #tpu.memory_space<semaphore_mem>>)
    %scan3A = arith.constant 0 : i32
    %scan3A_20 = arith.constant 0 : i32
    %scan3A_21 = arith.constant 40 : i32
    %scan3A_22 = arith.addi %scan3A_20, %scan3A_21 : i32
    %scan3A_23 = arith.constant 1 : i32
    scf.for %scan3A_36 = %scan3A_20 to %scan3A_22 step %scan3A_23  : i32 {
      %mul3A_37 = arith.constant 2 : i32
      %mul3A_38 = arith.muli %scan3A_36, %mul3A_37 : i32
      %add3A_39 = arith.constant 1 : i32
      %add3A_40 = arith.addi %mul3A_38, %add3A_39 : i32
      %mul3A_41 = arith.constant 64 : i32
      %mul3A_42 = arith.muli %add3A_40, %mul3A_41 : i32
      %add3A_43 = arith.addi %mul3A_8, %mul3A_42 : i32
      %multiple_of3A_44 = tpu.assume_multiple %add3A_43, 64 : i32
      "tpu.region"() ({
        %run_scoped3A = tpu.sem_alloc : memref<!tpu.dma_semaphore, #tpu.memory_space<semaphore_mem>>
        %dma_start3A_109 = tpu.memref_slice %arg5[%multiple_of3A_44] : memref<163840xi32, #tpu.memory_space<hbm>> -> memref<64xi32, #tpu.memory_space<hbm>>
        %dma_start3A_110 = tpu.memref_slice %arg5[%multiple_of3A_44] : memref<163840xi32, #tpu.memory_space<hbm>> -> memref<64xi32, #tpu.memory_space<hbm>>
        tpu.enqueue_dma source(%dma_start3A_110 : memref<64xi32, #tpu.memory_space<hbm>>) target(%arg10 : memref<64xi32, #tpu.memory_space<vmem>>) target_semaphore(%run_scoped3A : memref<!tpu.dma_semaphore, #tpu.memory_space<semaphore_mem>>)
        %dma_wait3A_111 = tpu.memref_slice %arg5[%multiple_of3A_44] : memref<163840xi32, #tpu.memory_space<hbm>> -> memref<64xi32, #tpu.memory_space<hbm>>
        %dma_wait3A_112 = tpu.memref_slice %arg5[%multiple_of3A_44] : memref<163840xi32, #tpu.memory_space<hbm>> -> memref<64xi32, #tpu.memory_space<hbm>>
        tpu.wait_dma2 semaphore(%run_scoped3A : memref<!tpu.dma_semaphore, #tpu.memory_space<semaphore_mem>>) src(%dma_wait3A_112 : memref<64xi32, #tpu.memory_space<hbm>>) dst(%arg10 : memref<64xi32, #tpu.memory_space<vmem>>)
        tpu.yield
      }) : () -> ()
      "tpu.region"() ({
        %run_scoped3A = tpu.sem_alloc : memref<!tpu.dma_semaphore, #tpu.memory_space<semaphore_mem>>
        %dma_start3A_109 = tpu.memref_slice %arg6[%multiple_of3A_44] : memref<163840xi32, #tpu.memory_space<hbm>> -> memref<64xi32, #tpu.memory_space<hbm>>
        %dma_start3A_110 = tpu.memref_slice %arg6[%multiple_of3A_44] : memref<163840xi32, #tpu.memory_space<hbm>> -> memref<64xi32, #tpu.memory_space<hbm>>
        tpu.enqueue_dma source(%dma_start3A_110 : memref<64xi32, #tpu.memory_space<hbm>>) target(%arg12 : memref<64xi32, #tpu.memory_space<vmem>>) target_semaphore(%run_scoped3A : memref<!tpu.dma_semaphore, #tpu.memory_space<semaphore_mem>>)
        %dma_wait3A_111 = tpu.memref_slice %arg6[%multiple_of3A_44] : memref<163840xi32, #tpu.memory_space<hbm>> -> memref<64xi32, #tpu.memory_space<hbm>>
        %dma_wait3A_112 = tpu.memref_slice %arg6[%multiple_of3A_44] : memref<163840xi32, #tpu.memory_space<hbm>> -> memref<64xi32, #tpu.memory_space<hbm>>
        tpu.wait_dma2 semaphore(%run_scoped3A : memref<!tpu.dma_semaphore, #tpu.memory_space<semaphore_mem>>) src(%dma_wait3A_112 : memref<64xi32, #tpu.memory_space<hbm>>) dst(%arg12 : memref<64xi32, #tpu.memory_space<vmem>>)
        tpu.yield
      }) : () -> ()
      %dma_start3A_45 = arith.constant 0 : i32
      %dma_start3A_46 = arith.constant 0 : i32
      %dma_start3A_47 = tpu.memref_slice %arg2[%dma_start3A_45, %dma_start3A_46] : memref<10000x128xf32, #tpu.memory_space<hbm>> -> memref<10000x128xf32, #tpu.memory_space<hbm>>
      tpu.enqueue_indirect_dma source(%dma_start3A_47 : memref<10000x128xf32, #tpu.memory_space<hbm>>) target(%arg14 : memref<64x128xf32, #tpu.memory_space<vmem>>) offsets(%arg10 : memref<64xi32, #tpu.memory_space<vmem>>) semaphore(%arg21 : memref<!tpu.dma_semaphore, #tpu.memory_space<semaphore_mem>>)
      %dma_start3A_48 = arith.constant 0 : i32
      %dma_start3A_49 = arith.constant 0 : i32
      %dma_start3A_50 = tpu.memref_slice %arg3[%dma_start3A_48, %dma_start3A_49] : memref<10008x128xf32, #tpu.memory_space<hbm>> -> memref<10008x128xf32, #tpu.memory_space<hbm>>
      tpu.enqueue_indirect_dma source(%dma_start3A_50 : memref<10008x128xf32, #tpu.memory_space<hbm>>) target(%arg16 : memref<64x128xf32, #tpu.memory_space<vmem>>) offsets(%arg12 : memref<64xi32, #tpu.memory_space<vmem>>) semaphore(%arg23 : memref<!tpu.dma_semaphore, #tpu.memory_space<semaphore_mem>>)
      %dma_start3A_51 = arith.constant 0 : i32
      %dma_start3A_52 = tpu.memref_slice %arg4[%multiple_of3A_44, %dma_start3A_51] : memref<163840x128xf32, #tpu.memory_space<hbm>> -> memref<64x128xf32, #tpu.memory_space<hbm>>
      %dma_start3A_53 = arith.constant 0 : i32
      %dma_start3A_54 = tpu.memref_slice %arg4[%multiple_of3A_44, %dma_start3A_53] : memref<163840x128xf32, #tpu.memory_space<hbm>> -> memref<64x128xf32, #tpu.memory_space<hbm>>
      tpu.enqueue_dma source(%dma_start3A_54 : memref<64x128xf32, #tpu.memory_space<hbm>>) target(%arg18 : memref<64x128xf32, #tpu.memory_space<vmem>>) target_semaphore(%arg25 : memref<!tpu.dma_semaphore, #tpu.memory_space<semaphore_mem>>)
      %dma_wait3A = arith.constant 0 : i32
      %dma_wait3A_55 = arith.constant 0 : i32
      %dma_wait3A_56 = tpu.memref_slice %arg4[%dma_wait3A, %dma_wait3A_55] : memref<163840x128xf32, #tpu.memory_space<hbm>> -> memref<64x128xf32, #tpu.memory_space<hbm>>
      %dma_wait3A_57 = arith.constant 0 : i32
      %dma_wait3A_58 = arith.constant 0 : i32
      %dma_wait3A_59 = tpu.memref_slice %arg4[%dma_wait3A_57, %dma_wait3A_58] : memref<163840x128xf32, #tpu.memory_space<hbm>> -> memref<64x128xf32, #tpu.memory_space<hbm>>
      tpu.wait_dma2 semaphore(%arg20 : memref<!tpu.dma_semaphore, #tpu.memory_space<semaphore_mem>>) src(%dma_wait3A_59 : memref<64x128xf32, #tpu.memory_space<hbm>>) dst(%arg13 : memref<64x128xf32, #tpu.memory_space<vmem>>)
      %dma_wait3A_60 = arith.constant 0 : i32
      %dma_wait3A_61 = arith.constant 0 : i32
      %dma_wait3A_62 = tpu.memref_slice %arg4[%dma_wait3A_60, %dma_wait3A_61] : memref<163840x128xf32, #tpu.memory_space<hbm>> -> memref<64x128xf32, #tpu.memory_space<hbm>>
      %dma_wait3A_63 = arith.constant 0 : i32
      %dma_wait3A_64 = arith.constant 0 : i32
      %dma_wait3A_65 = tpu.memref_slice %arg4[%dma_wait3A_63, %dma_wait3A_64] : memref<163840x128xf32, #tpu.memory_space<hbm>> -> memref<64x128xf32, #tpu.memory_space<hbm>>
      tpu.wait_dma2 semaphore(%arg22 : memref<!tpu.dma_semaphore, #tpu.memory_space<semaphore_mem>>) src(%dma_wait3A_65 : memref<64x128xf32, #tpu.memory_space<hbm>>) dst(%arg15 : memref<64x128xf32, #tpu.memory_space<vmem>>)
      %dma_wait3A_66 = arith.constant 0 : i32
      %dma_wait3A_67 = arith.constant 0 : i32
      %dma_wait3A_68 = tpu.memref_slice %arg4[%dma_wait3A_66, %dma_wait3A_67] : memref<163840x128xf32, #tpu.memory_space<hbm>> -> memref<64x128xf32, #tpu.memory_space<hbm>>
      %dma_wait3A_69 = arith.constant 0 : i32
      %dma_wait3A_70 = arith.constant 0 : i32
      %dma_wait3A_71 = tpu.memref_slice %arg4[%dma_wait3A_69, %dma_wait3A_70] : memref<163840x128xf32, #tpu.memory_space<hbm>> -> memref<64x128xf32, #tpu.memory_space<hbm>>
      tpu.wait_dma2 semaphore(%arg24 : memref<!tpu.dma_semaphore, #tpu.memory_space<semaphore_mem>>) src(%dma_wait3A_71 : memref<64x128xf32, #tpu.memory_space<hbm>>) dst(%arg17 : memref<64x128xf32, #tpu.memory_space<vmem>>)
      %scan3A_72 = arith.constant 0 : i32
      %scan3A_73 = arith.constant 0 : i32
      %scan3A_74 = arith.constant 64 : i32
      %scan3A_75 = arith.addi %scan3A_73, %scan3A_74 : i32
      %scan3A_76 = arith.constant 1 : i32
      scf.for %scan3A_109 = %scan3A_73 to %scan3A_75 step %scan3A_76  : i32 {
        %get3A = arith.index_cast %scan3A_109 : i32 to index
        %get3A_110 = arith.constant 0 : index
        %get3A_111 = tpu.vector_load %arg13[%get3A, %get3A_110] {strides = array<i32>} : memref<64x128xf32, #tpu.memory_space<vmem>>, vector<1x16xf32>,
        %get3A_112 = vector.shape_cast %get3A_111 : vector<1x16xf32> to vector<16xf32>
        %get3A_113 = arith.index_cast %scan3A_109 : i32 to index
        %get3A_114 = arith.constant 0 : index
        %get3A_115 = tpu.vector_load %arg15[%get3A_113, %get3A_114] {strides = array<i32>} : memref<64x128xf32, #tpu.memory_space<vmem>>, vector<1x16xf32>,
        %get3A_116 = vector.shape_cast %get3A_115 : vector<1x16xf32> to vector<16xf32>
        %add3A_117 = arith.addf %get3A_112, %get3A_116 : vector<16xf32>
        %get3A_118 = arith.index_cast %scan3A_109 : i32 to index
        %get3A_119 = arith.constant 0 : index
        %get3A_120 = tpu.vector_load %arg17[%get3A_118, %get3A_119] {strides = array<i32>} : memref<64x128xf32, #tpu.memory_space<vmem>>, vector<1x16xf32>,
        %get3A_121 = vector.shape_cast %get3A_120 : vector<1x16xf32> to vector<16xf32>
        %add3A_122 = arith.addf %add3A_117, %get3A_121 : vector<16xf32>
        %max3A = arith.constant 0.000000e+00 : f32
        %max3A_123 = vector.broadcast %max3A : f32 to vector<16xf32>
        %max3A_124 = arith.maximumf %add3A_122, %max3A_123 : vector<16xf32>
        %swap3A = arith.index_cast %scan3A_109 : i32 to index
        %swap3A_125 = arith.constant 0 : index
        %swap3A_126 = tpu.vector_load %arg17[%swap3A, %swap3A_125] {strides = array<i32>} : memref<64x128xf32, #tpu.memory_space<vmem>>, vector<1x16xf32>,
        %swap3A_127 = vector.shape_cast %swap3A_126 : vector<1x16xf32> to vector<16xf32>
        %swap3A_128 = vector.shape_cast %max3A_124 : vector<16xf32> to vector<1x16xf32>
        tpu.vector_store %arg17[%swap3A, %swap3A_125], %swap3A_128 {strides = array<i32>} : memref<64x128xf32, #tpu.memory_space<vmem>>, vector<1x16xf32>,
        %get3A_129 = arith.index_cast %scan3A_109 : i32 to index
        %get3A_130 = arith.constant 16 : index
        %get3A_131 = tpu.vector_load %arg13[%get3A_129, %get3A_130] {strides = array<i32>} : memref<64x128xf32, #tpu.memory_space<vmem>>, vector<1x16xf32>,
        %get3A_132 = vector.shape_cast %get3A_131 : vector<1x16xf32> to vector<16xf32>
        %get3A_133 = arith.index_cast %scan3A_109 : i32 to index
        %get3A_134 = arith.constant 16 : index
        %get3A_135 = tpu.vector_load %arg15[%get3A_133, %get3A_134] {strides = array<i32>} : memref<64x128xf32, #tpu.memory_space<vmem>>, vector<1x16xf32>,
        %get3A_136 = vector.shape_cast %get3A_135 : vector<1x16xf32> to vector<16xf32>
        %add3A_137 = arith.addf %get3A_132, %get3A_136 : vector<16xf32>
        %get3A_138 = arith.index_cast %scan3A_109 : i32 to index
        %get3A_139 = arith.constant 16 : index
        %get3A_140 = tpu.vector_load %arg17[%get3A_138, %get3A_139] {strides = array<i32>} : memref<64x128xf32, #tpu.memory_space<vmem>>, vector<1x16xf32>,
        %get3A_141 = vector.shape_cast %get3A_140 : vector<1x16xf32> to vector<16xf32>
        %add3A_142 = arith.addf %add3A_137, %get3A_141 : vector<16xf32>
        %max3A_143 = arith.constant 0.000000e+00 : f32
        %max3A_144 = vector.broadcast %max3A_143 : f32 to vector<16xf32>
        %max3A_145 = arith.maximumf %add3A_142, %max3A_144 : vector<16xf32>
        %swap3A_146 = arith.index_cast %scan3A_109 : i32 to index
        %swap3A_147 = arith.constant 16 : index
        %swap3A_148 = tpu.vector_load %arg17[%swap3A_146, %swap3A_147] {strides = array<i32>} : memref<64x128xf32, #tpu.memory_space<vmem>>, vector<1x16xf32>,
        %swap3A_149 = vector.shape_cast %swap3A_148 : vector<1x16xf32> to vector<16xf32>
        %swap3A_150 = vector.shape_cast %max3A_145 : vector<16xf32> to vector<1x16xf32>
        tpu.vector_store %arg17[%swap3A_146, %swap3A_147], %swap3A_150 {strides = array<i32>} : memref<64x128xf32, #tpu.memory_space<vmem>>, vector<1x16xf32>,
        %get3A_151 = arith.index_cast %scan3A_109 : i32 to index
        %get3A_152 = arith.constant 32 : index
        %get3A_153 = tpu.vector_load %arg13[%get3A_151, %get3A_152] {strides = array<i32>} : memref<64x128xf32, #tpu.memory_space<vmem>>, vector<1x16xf32>,
        %get3A_154 = vector.shape_cast %get3A_153 : vector<1x16xf32> to vector<16xf32>
        %get3A_155 = arith.index_cast %scan3A_109 : i32 to index
        %get3A_156 = arith.constant 32 : index
        %get3A_157 = tpu.vector_load %arg15[%get3A_155, %get3A_156] {strides = array<i32>} : memref<64x128xf32, #tpu.memory_space<vmem>>, vector<1x16xf32>,
        %get3A_158 = vector.shape_cast %get3A_157 : vector<1x16xf32> to vector<16xf32>
        %add3A_159 = arith.addf %get3A_154, %get3A_158 : vector<16xf32>
        %get3A_160 = arith.index_cast %scan3A_109 : i32 to index
        %get3A_161 = arith.constant 32 : index
        %get3A_162 = tpu.vector_load %arg17[%get3A_160, %get3A_161] {strides = array<i32>} : memref<64x128xf32, #tpu.memory_space<vmem>>, vector<1x16xf32>,
        %get3A_163 = vector.shape_cast %get3A_162 : vector<1x16xf32> to vector<16xf32>
        %add3A_164 = arith.addf %add3A_159, %get3A_163 : vector<16xf32>
        %max3A_165 = arith.constant 0.000000e+00 : f32
        %max3A_166 = vector.broadcast %max3A_165 : f32 to vector<16xf32>
        %max3A_167 = arith.maximumf %add3A_164, %max3A_166 : vector<16xf32>
        %swap3A_168 = arith.index_cast %scan3A_109 : i32 to index
        %swap3A_169 = arith.constant 32 : index
        %swap3A_170 = tpu.vector_load %arg17[%swap3A_168, %swap3A_169] {strides = array<i32>} : memref<64x128xf32, #tpu.memory_space<vmem>>, vector<1x16xf32>,
        %swap3A_171 = vector.shape_cast %swap3A_170 : vector<1x16xf32> to vector<16xf32>
        %swap3A_172 = vector.shape_cast %max3A_167 : vector<16xf32> to vector<1x16xf32>
        tpu.vector_store %arg17[%swap3A_168, %swap3A_169], %swap3A_172 {strides = array<i32>} : memref<64x128xf32, #tpu.memory_space<vmem>>, vector<1x16xf32>,
        %get3A_173 = arith.index_cast %scan3A_109 : i32 to index
        %get3A_174 = arith.constant 48 : index
        %get3A_175 = tpu.vector_load %arg13[%get3A_173, %get3A_174] {strides = array<i32>} : memref<64x128xf32, #tpu.memory_space<vmem>>, vector<1x16xf32>,
        %get3A_176 = vector.shape_cast %get3A_175 : vector<1x16xf32> to vector<16xf32>
        %get3A_177 = arith.index_cast %scan3A_109 : i32 to index
        %get3A_178 = arith.constant 48 : index
        %get3A_179 = tpu.vector_load %arg15[%get3A_177, %get3A_178] {strides = array<i32>} : memref<64x128xf32, #tpu.memory_space<vmem>>, vector<1x16xf32>,
        %get3A_180 = vector.shape_cast %get3A_179 : vector<1x16xf32> to vector<16xf32>
        %add3A_181 = arith.addf %get3A_176, %get3A_180 : vector<16xf32>
        %get3A_182 = arith.index_cast %scan3A_109 : i32 to index
        %get3A_183 = arith.constant 48 : index
        %get3A_184 = tpu.vector_load %arg17[%get3A_182, %get3A_183] {strides = array<i32>} : memref<64x128xf32, #tpu.memory_space<vmem>>, vector<1x16xf32>,
        %get3A_185 = vector.shape_cast %get3A_184 : vector<1x16xf32> to vector<16xf32>
        %add3A_186 = arith.addf %add3A_181, %get3A_185 : vector<16xf32>
        %max3A_187 = arith.constant 0.000000e+00 : f32
        %max3A_188 = vector.broadcast %max3A_187 : f32 to vector<16xf32>
        %max3A_189 = arith.maximumf %add3A_186, %max3A_188 : vector<16xf32>
        %swap3A_190 = arith.index_cast %scan3A_109 : i32 to index
        %swap3A_191 = arith.constant 48 : index
        %swap3A_192 = tpu.vector_load %arg17[%swap3A_190, %swap3A_191] {strides = array<i32>} : memref<64x128xf32, #tpu.memory_space<vmem>>, vector<1x16xf32>,
        %swap3A_193 = vector.shape_cast %swap3A_192 : vector<1x16xf32> to vector<16xf32>
        %swap3A_194 = vector.shape_cast %max3A_189 : vector<16xf32> to vector<1x16xf32>
        tpu.vector_store %arg17[%swap3A_190, %swap3A_191], %swap3A_194 {strides = array<i32>} : memref<64x128xf32, #tpu.memory_space<vmem>>, vector<1x16xf32>,
        %get3A_195 = arith.index_cast %scan3A_109 : i32 to index
        %get3A_196 = arith.constant 64 : index
        %get3A_197 = tpu.vector_load %arg13[%get3A_195, %get3A_196] {strides = array<i32>} : memref<64x128xf32, #tpu.memory_space<vmem>>, vector<1x16xf32>,
        %get3A_198 = vector.shape_cast %get3A_197 : vector<1x16xf32> to vector<16xf32>
        %get3A_199 = arith.index_cast %scan3A_109 : i32 to index
        %get3A_200 = arith.constant 64 : index
        %get3A_201 = tpu.vector_load %arg15[%get3A_199, %get3A_200] {strides = array<i32>} : memref<64x128xf32, #tpu.memory_space<vmem>>, vector<1x16xf32>,
        %get3A_202 = vector.shape_cast %get3A_201 : vector<1x16xf32> to vector<16xf32>
        %add3A_203 = arith.addf %get3A_198, %get3A_202 : vector<16xf32>
        %get3A_204 = arith.index_cast %scan3A_109 : i32 to index
        %get3A_205 = arith.constant 64 : index
        %get3A_206 = tpu.vector_load %arg17[%get3A_204, %get3A_205] {strides = array<i32>} : memref<64x128xf32, #tpu.memory_space<vmem>>, vector<1x16xf32>,
        %get3A_207 = vector.shape_cast %get3A_206 : vector<1x16xf32> to vector<16xf32>
        %add3A_208 = arith.addf %add3A_203, %get3A_207 : vector<16xf32>
        %max3A_209 = arith.constant 0.000000e+00 : f32
        %max3A_210 = vector.broadcast %max3A_209 : f32 to vector<16xf32>
        %max3A_211 = arith.maximumf %add3A_208, %max3A_210 : vector<16xf32>
        %swap3A_212 = arith.index_cast %scan3A_109 : i32 to index
        %swap3A_213 = arith.constant 64 : index
        %swap3A_214 = tpu.vector_load %arg17[%swap3A_212, %swap3A_213] {strides = array<i32>} : memref<64x128xf32, #tpu.memory_space<vmem>>, vector<1x16xf32>,
        %swap3A_215 = vector.shape_cast %swap3A_214 : vector<1x16xf32> to vector<16xf32>
        %swap3A_216 = vector.shape_cast %max3A_211 : vector<16xf32> to vector<1x16xf32>
        tpu.vector_store %arg17[%swap3A_212, %swap3A_213], %swap3A_216 {strides = array<i32>} : memref<64x128xf32, #tpu.memory_space<vmem>>, vector<1x16xf32>,
        %get3A_217 = arith.index_cast %scan3A_109 : i32 to index
        %get3A_218 = arith.constant 80 : index
        %get3A_219 = tpu.vector_load %arg13[%get3A_217, %get3A_218] {strides = array<i32>} : memref<64x128xf32, #tpu.memory_space<vmem>>, vector<1x16xf32>,
        %get3A_220 = vector.shape_cast %get3A_219 : vector<1x16xf32> to vector<16xf32>
        %get3A_221 = arith.index_cast %scan3A_109 : i32 to index
        %get3A_222 = arith.constant 80 : index
        %get3A_223 = tpu.vector_load %arg15[%get3A_221, %get3A_222] {strides = array<i32>} : memref<64x128xf32, #tpu.memory_space<vmem>>, vector<1x16xf32>,
        %get3A_224 = vector.shape_cast %get3A_223 : vector<1x16xf32> to vector<16xf32>
        %add3A_225 = arith.addf %get3A_220, %get3A_224 : vector<16xf32>
        %get3A_226 = arith.index_cast %scan3A_109 : i32 to index
        %get3A_227 = arith.constant 80 : index
        %get3A_228 = tpu.vector_load %arg17[%get3A_226, %get3A_227] {strides = array<i32>} : memref<64x128xf32, #tpu.memory_space<vmem>>, vector<1x16xf32>,
        %get3A_229 = vector.shape_cast %get3A_228 : vector<1x16xf32> to vector<16xf32>
        %add3A_230 = arith.addf %add3A_225, %get3A_229 : vector<16xf32>
        %max3A_231 = arith.constant 0.000000e+00 : f32
        %max3A_232 = vector.broadcast %max3A_231 : f32 to vector<16xf32>
        %max3A_233 = arith.maximumf %add3A_230, %max3A_232 : vector<16xf32>
        %swap3A_234 = arith.index_cast %scan3A_109 : i32 to index
        %swap3A_235 = arith.constant 80 : index
        %swap3A_236 = tpu.vector_load %arg17[%swap3A_234, %swap3A_235] {strides = array<i32>} : memref<64x128xf32, #tpu.memory_space<vmem>>, vector<1x16xf32>,
        %swap3A_237 = vector.shape_cast %swap3A_236 : vector<1x16xf32> to vector<16xf32>
        %swap3A_238 = vector.shape_cast %max3A_233 : vector<16xf32> to vector<1x16xf32>
        tpu.vector_store %arg17[%swap3A_234, %swap3A_235], %swap3A_238 {strides = array<i32>} : memref<64x128xf32, #tpu.memory_space<vmem>>, vector<1x16xf32>,
        %get3A_239 = arith.index_cast %scan3A_109 : i32 to index
        %get3A_240 = arith.constant 96 : index
        %get3A_241 = tpu.vector_load %arg13[%get3A_239, %get3A_240] {strides = array<i32>} : memref<64x128xf32, #tpu.memory_space<vmem>>, vector<1x16xf32>,
        %get3A_242 = vector.shape_cast %get3A_241 : vector<1x16xf32> to vector<16xf32>
        %get3A_243 = arith.index_cast %scan3A_109 : i32 to index
        %get3A_244 = arith.constant 96 : index
        %get3A_245 = tpu.vector_load %arg15[%get3A_243, %get3A_244] {strides = array<i32>} : memref<64x128xf32, #tpu.memory_space<vmem>>, vector<1x16xf32>,
        %get3A_246 = vector.shape_cast %get3A_245 : vector<1x16xf32> to vector<16xf32>
        %add3A_247 = arith.addf %get3A_242, %get3A_246 : vector<16xf32>
        %get3A_248 = arith.index_cast %scan3A_109 : i32 to index
        %get3A_249 = arith.constant 96 : index
        %get3A_250 = tpu.vector_load %arg17[%get3A_248, %get3A_249] {strides = array<i32>} : memref<64x128xf32, #tpu.memory_space<vmem>>, vector<1x16xf32>,
        %get3A_251 = vector.shape_cast %get3A_250 : vector<1x16xf32> to vector<16xf32>
        %add3A_252 = arith.addf %add3A_247, %get3A_251 : vector<16xf32>
        %max3A_253 = arith.constant 0.000000e+00 : f32
        %max3A_254 = vector.broadcast %max3A_253 : f32 to vector<16xf32>
        %max3A_255 = arith.maximumf %add3A_252, %max3A_254 : vector<16xf32>
        %swap3A_256 = arith.index_cast %scan3A_109 : i32 to index
        %swap3A_257 = arith.constant 96 : index
        %swap3A_258 = tpu.vector_load %arg17[%swap3A_256, %swap3A_257] {strides = array<i32>} : memref<64x128xf32, #tpu.memory_space<vmem>>, vector<1x16xf32>,
        %swap3A_259 = vector.shape_cast %swap3A_258 : vector<1x16xf32> to vector<16xf32>
        %swap3A_260 = vector.shape_cast %max3A_255 : vector<16xf32> to vector<1x16xf32>
        tpu.vector_store %arg17[%swap3A_256, %swap3A_257], %swap3A_260 {strides = array<i32>} : memref<64x128xf32, #tpu.memory_space<vmem>>, vector<1x16xf32>,
        %get3A_261 = arith.index_cast %scan3A_109 : i32 to index
        %get3A_262 = arith.constant 112 : index
        %get3A_263 = tpu.vector_load %arg13[%get3A_261, %get3A_262] {strides = array<i32>} : memref<64x128xf32, #tpu.memory_space<vmem>>, vector<1x16xf32>,
        %get3A_264 = vector.shape_cast %get3A_263 : vector<1x16xf32> to vector<16xf32>
        %get3A_265 = arith.index_cast %scan3A_109 : i32 to index
        %get3A_266 = arith.constant 112 : index
        %get3A_267 = tpu.vector_load %arg15[%get3A_265, %get3A_266] {strides = array<i32>} : memref<64x128xf32, #tpu.memory_space<vmem>>, vector<1x16xf32>,
        %get3A_268 = vector.shape_cast %get3A_267 : vector<1x16xf32> to vector<16xf32>
        %add3A_269 = arith.addf %get3A_264, %get3A_268 : vector<16xf32>
        %get3A_270 = arith.index_cast %scan3A_109 : i32 to index
        %get3A_271 = arith.constant 112 : index
        %get3A_272 = tpu.vector_load %arg17[%get3A_270, %get3A_271] {strides = array<i32>} : memref<64x128xf32, #tpu.memory_space<vmem>>, vector<1x16xf32>,
        %get3A_273 = vector.shape_cast %get3A_272 : vector<1x16xf32> to vector<16xf32>
        %add3A_274 = arith.addf %add3A_269, %get3A_273 : vector<16xf32>
        %max3A_275 = arith.constant 0.000000e+00 : f32
        %max3A_276 = vector.broadcast %max3A_275 : f32 to vector<16xf32>
        %max3A_277 = arith.maximumf %add3A_274, %max3A_276 : vector<16xf32>
        %swap3A_278 = arith.index_cast %scan3A_109 : i32 to index
        %swap3A_279 = arith.constant 112 : index
        %swap3A_280 = tpu.vector_load %arg17[%swap3A_278, %swap3A_279] {strides = array<i32>} : memref<64x128xf32, #tpu.memory_space<vmem>>, vector<1x16xf32>,
        %swap3A_281 = vector.shape_cast %swap3A_280 : vector<1x16xf32> to vector<16xf32>
        %swap3A_282 = vector.shape_cast %max3A_277 : vector<16xf32> to vector<1x16xf32>
        tpu.vector_store %arg17[%swap3A_278, %swap3A_279], %swap3A_282 {strides = array<i32>} : memref<64x128xf32, #tpu.memory_space<vmem>>, vector<1x16xf32>,
      }
      %scan3A_77 = arith.constant 64 : i32
      "tpu.region"() ({
        %run_scoped3A = tpu.sem_alloc : memref<!tpu.dma_semaphore, #tpu.memory_space<semaphore_mem>>
        %dma_start3A_109 = arith.constant 0 : i32
        %dma_start3A_110 = arith.constant 0 : i32
        %dma_start3A_111 = tpu.memref_slice %arg19[%dma_start3A_109, %dma_start3A_110] : memref<10008x128xf32, #tpu.memory_space<vmem_shared>> -> memref<10008x128xf32, #tpu.memory_space<vmem_shared>>
        tpu.enqueue_indirect_dma source(%arg17 : memref<64x128xf32, #tpu.memory_space<vmem>>) target(%dma_start3A_111 : memref<10008x128xf32, #tpu.memory_space<vmem_shared>>) offsets(%arg11 : memref<64xi32, #tpu.memory_space<vmem>>) semaphore(%run_scoped3A : memref<!tpu.dma_semaphore, #tpu.memory_space<semaphore_mem>>) {add = true}
        %dma_wait3A_112 = arith.constant 0 : i32
        %dma_wait3A_113 = arith.constant 0 : i32
        %dma_wait3A_114 = tpu.memref_slice %arg19[%dma_wait3A_112, %dma_wait3A_113] : memref<10008x128xf32, #tpu.memory_space<vmem_shared>> -> memref<10008x128xf32, #tpu.memory_space<vmem_shared>>
        tpu.wait_indirect_dma semaphore(%run_scoped3A : memref<!tpu.dma_semaphore, #tpu.memory_space<semaphore_mem>>) src(%arg17 : memref<64x128xf32, #tpu.memory_space<vmem>>) dst(%dma_wait3A_114 : memref<10008x128xf32, #tpu.memory_space<vmem_shared>>)
        tpu.yield
      }) : () -> ()
      %add3A_78 = arith.constant 2 : i32
      %add3A_79 = arith.addi %mul3A_38, %add3A_78 : i32
      %lt3A_80 = arith.constant 80 : i32
      %lt3A_81 = arith.cmpi slt, %add3A_79, %lt3A_80 : i32
      %convert_element_type3A_82 = arith.extui %lt3A_81 : i1 to i32
      %cond3A_83 = arith.constant 0 : i32
      %cond3A_84 = arith.cmpi ne, %convert_element_type3A_82, %cond3A_83 : i32
      scf.if %cond3A_84 {
        %add3A_109 = arith.constant 2 : i32
        %add3A_110 = arith.addi %mul3A_38, %add3A_109 : i32
        %mul3A_111 = arith.constant 64 : i32
        %mul3A_112 = arith.muli %add3A_110, %mul3A_111 : i32
        %add3A_113 = arith.addi %mul3A_8, %mul3A_112 : i32
        %multiple_of3A_114 = tpu.assume_multiple %add3A_113, 64 : i32
        "tpu.region"() ({
          %run_scoped3A = tpu.sem_alloc : memref<!tpu.dma_semaphore, #tpu.memory_space<semaphore_mem>>
          %dma_start3A_125 = tpu.memref_slice %arg5[%multiple_of3A_114] : memref<163840xi32, #tpu.memory_space<hbm>> -> memref<64xi32, #tpu.memory_space<hbm>>
          %dma_start3A_126 = tpu.memref_slice %arg5[%multiple_of3A_114] : memref<163840xi32, #tpu.memory_space<hbm>> -> memref<64xi32, #tpu.memory_space<hbm>>
          tpu.enqueue_dma source(%dma_start3A_126 : memref<64xi32, #tpu.memory_space<hbm>>) target(%arg9 : memref<64xi32, #tpu.memory_space<vmem>>) target_semaphore(%run_scoped3A : memref<!tpu.dma_semaphore, #tpu.memory_space<semaphore_mem>>)
          %dma_wait3A_127 = tpu.memref_slice %arg5[%multiple_of3A_114] : memref<163840xi32, #tpu.memory_space<hbm>> -> memref<64xi32, #tpu.memory_space<hbm>>
          %dma_wait3A_128 = tpu.memref_slice %arg5[%multiple_of3A_114] : memref<163840xi32, #tpu.memory_space<hbm>> -> memref<64xi32, #tpu.memory_space<hbm>>
          tpu.wait_dma2 semaphore(%run_scoped3A : memref<!tpu.dma_semaphore, #tpu.memory_space<semaphore_mem>>) src(%dma_wait3A_128 : memref<64xi32, #tpu.memory_space<hbm>>) dst(%arg9 : memref<64xi32, #tpu.memory_space<vmem>>)
          tpu.yield
        }) : () -> ()
        "tpu.region"() ({
          %run_scoped3A = tpu.sem_alloc : memref<!tpu.dma_semaphore, #tpu.memory_space<semaphore_mem>>
          %dma_start3A_125 = tpu.memref_slice %arg6[%multiple_of3A_114] : memref<163840xi32, #tpu.memory_space<hbm>> -> memref<64xi32, #tpu.memory_space<hbm>>
          %dma_start3A_126 = tpu.memref_slice %arg6[%multiple_of3A_114] : memref<163840xi32, #tpu.memory_space<hbm>> -> memref<64xi32, #tpu.memory_space<hbm>>
          tpu.enqueue_dma source(%dma_start3A_126 : memref<64xi32, #tpu.memory_space<hbm>>) target(%arg11 : memref<64xi32, #tpu.memory_space<vmem>>) target_semaphore(%run_scoped3A : memref<!tpu.dma_semaphore, #tpu.memory_space<semaphore_mem>>)
          %dma_wait3A_127 = tpu.memref_slice %arg6[%multiple_of3A_114] : memref<163840xi32, #tpu.memory_space<hbm>> -> memref<64xi32, #tpu.memory_space<hbm>>
          %dma_wait3A_128 = tpu.memref_slice %arg6[%multiple_of3A_114] : memref<163840xi32, #tpu.memory_space<hbm>> -> memref<64xi32, #tpu.memory_space<hbm>>
          tpu.wait_dma2 semaphore(%run_scoped3A : memref<!tpu.dma_semaphore, #tpu.memory_space<semaphore_mem>>) src(%dma_wait3A_128 : memref<64xi32, #tpu.memory_space<hbm>>) dst(%arg11 : memref<64xi32, #tpu.memory_space<vmem>>)
          tpu.yield
        }) : () -> ()
        %dma_start3A_115 = arith.constant 0 : i32
        %dma_start3A_116 = arith.constant 0 : i32
        %dma_start3A_117 = tpu.memref_slice %arg2[%dma_start3A_115, %dma_start3A_116] : memref<10000x128xf32, #tpu.memory_space<hbm>> -> memref<10000x128xf32, #tpu.memory_space<hbm>>
        tpu.enqueue_indirect_dma source(%dma_start3A_117 : memref<10000x128xf32, #tpu.memory_space<hbm>>) target(%arg13 : memref<64x128xf32, #tpu.memory_space<vmem>>) offsets(%arg9 : memref<64xi32, #tpu.memory_space<vmem>>) semaphore(%arg20 : memref<!tpu.dma_semaphore, #tpu.memory_space<semaphore_mem>>)
        %dma_start3A_118 = arith.constant 0 : i32
        %dma_start3A_119 = arith.constant 0 : i32
        %dma_start3A_120 = tpu.memref_slice %arg3[%dma_start3A_118, %dma_start3A_119] : memref<10008x128xf32, #tpu.memory_space<hbm>> -> memref<10008x128xf32, #tpu.memory_space<hbm>>
        tpu.enqueue_indirect_dma source(%dma_start3A_120 : memref<10008x128xf32, #tpu.memory_space<hbm>>) target(%arg15 : memref<64x128xf32, #tpu.memory_space<vmem>>) offsets(%arg11 : memref<64xi32, #tpu.memory_space<vmem>>) semaphore(%arg22 : memref<!tpu.dma_semaphore, #tpu.memory_space<semaphore_mem>>)
        %dma_start3A_121 = arith.constant 0 : i32
        %dma_start3A_122 = tpu.memref_slice %arg4[%multiple_of3A_114, %dma_start3A_121] : memref<163840x128xf32, #tpu.memory_space<hbm>> -> memref<64x128xf32, #tpu.memory_space<hbm>>
        %dma_start3A_123 = arith.constant 0 : i32
        %dma_start3A_124 = tpu.memref_slice %arg4[%multiple_of3A_114, %dma_start3A_123] : memref<163840x128xf32, #tpu.memory_space<hbm>> -> memref<64x128xf32, #tpu.memory_space<hbm>>
        tpu.enqueue_dma source(%dma_start3A_124 : memref<64x128xf32, #tpu.memory_space<hbm>>) target(%arg17 : memref<64x128xf32, #tpu.memory_space<vmem>>) target_semaphore(%arg24 : memref<!tpu.dma_semaphore, #tpu.memory_space<semaphore_mem>>)
      } else {
      }
      %dma_wait3A_85 = arith.constant 0 : i32
      %dma_wait3A_86 = arith.constant 0 : i32
      %dma_wait3A_87 = tpu.memref_slice %arg4[%dma_wait3A_85, %dma_wait3A_86] : memref<163840x128xf32, #tpu.memory_space<hbm>> -> memref<64x128xf32, #tpu.memory_space<hbm>>
      %dma_wait3A_88 = arith.constant 0 : i32
      %dma_wait3A_89 = arith.constant 0 : i32
      %dma_wait3A_90 = tpu.memref_slice %arg4[%dma_wait3A_88, %dma_wait3A_89] : memref<163840x128xf32, #tpu.memory_space<hbm>> -> memref<64x128xf32, #tpu.memory_space<hbm>>
      tpu.wait_dma2 semaphore(%arg21 : memref<!tpu.dma_semaphore, #tpu.memory_space<semaphore_mem>>) src(%dma_wait3A_90 : memref<64x128xf32, #tpu.memory_space<hbm>>) dst(%arg14 : memref<64x128xf32, #tpu.memory_space<vmem>>)
      %dma_wait3A_91 = arith.constant 0 : i32
      %dma_wait3A_92 = arith.constant 0 : i32
      %dma_wait3A_93 = tpu.memref_slice %arg4[%dma_wait3A_91, %dma_wait3A_92] : memref<163840x128xf32, #tpu.memory_space<hbm>> -> memref<64x128xf32, #tpu.memory_space<hbm>>
      %dma_wait3A_94 = arith.constant 0 : i32
      %dma_wait3A_95 = arith.constant 0 : i32
      %dma_wait3A_96 = tpu.memref_slice %arg4[%dma_wait3A_94, %dma_wait3A_95] : memref<163840x128xf32, #tpu.memory_space<hbm>> -> memref<64x128xf32, #tpu.memory_space<hbm>>
      tpu.wait_dma2 semaphore(%arg23 : memref<!tpu.dma_semaphore, #tpu.memory_space<semaphore_mem>>) src(%dma_wait3A_96 : memref<64x128xf32, #tpu.memory_space<hbm>>) dst(%arg16 : memref<64x128xf32, #tpu.memory_space<vmem>>)
      %dma_wait3A_97 = arith.constant 0 : i32
      %dma_wait3A_98 = arith.constant 0 : i32
      %dma_wait3A_99 = tpu.memref_slice %arg4[%dma_wait3A_97, %dma_wait3A_98] : memref<163840x128xf32, #tpu.memory_space<hbm>> -> memref<64x128xf32, #tpu.memory_space<hbm>>
      %dma_wait3A_100 = arith.constant 0 : i32
      %dma_wait3A_101 = arith.constant 0 : i32
      %dma_wait3A_102 = tpu.memref_slice %arg4[%dma_wait3A_100, %dma_wait3A_101] : memref<163840x128xf32, #tpu.memory_space<hbm>> -> memref<64x128xf32, #tpu.memory_space<hbm>>
      tpu.wait_dma2 semaphore(%arg25 : memref<!tpu.dma_semaphore, #tpu.memory_space<semaphore_mem>>) src(%dma_wait3A_102 : memref<64x128xf32, #tpu.memory_space<hbm>>) dst(%arg18 : memref<64x128xf32, #tpu.memory_space<vmem>>)
      %scan3A_103 = arith.constant 0 : i32
      %scan3A_104 = arith.constant 0 : i32
      %scan3A_105 = arith.constant 64 : i32
      %scan3A_106 = arith.addi %scan3A_104, %scan3A_105 : i32
      %scan3A_107 = arith.constant 1 : i32
      scf.for %scan3A_109 = %scan3A_104 to %scan3A_106 step %scan3A_107  : i32 {
        %get3A = arith.index_cast %scan3A_109 : i32 to index
        %get3A_110 = arith.constant 0 : index
        %get3A_111 = tpu.vector_load %arg14[%get3A, %get3A_110] {strides = array<i32>} : memref<64x128xf32, #tpu.memory_space<vmem>>, vector<1x16xf32>,
        %get3A_112 = vector.shape_cast %get3A_111 : vector<1x16xf32> to vector<16xf32>
        %get3A_113 = arith.index_cast %scan3A_109 : i32 to index
        %get3A_114 = arith.constant 0 : index
        %get3A_115 = tpu.vector_load %arg16[%get3A_113, %get3A_114] {strides = array<i32>} : memref<64x128xf32, #tpu.memory_space<vmem>>, vector<1x16xf32>,
        %get3A_116 = vector.shape_cast %get3A_115 : vector<1x16xf32> to vector<16xf32>
        %add3A_117 = arith.addf %get3A_112, %get3A_116 : vector<16xf32>
        %get3A_118 = arith.index_cast %scan3A_109 : i32 to index
        %get3A_119 = arith.constant 0 : index
        %get3A_120 = tpu.vector_load %arg18[%get3A_118, %get3A_119] {strides = array<i32>} : memref<64x128xf32, #tpu.memory_space<vmem>>, vector<1x16xf32>,
        %get3A_121 = vector.shape_cast %get3A_120 : vector<1x16xf32> to vector<16xf32>
        %add3A_122 = arith.addf %add3A_117, %get3A_121 : vector<16xf32>
        %max3A = arith.constant 0.000000e+00 : f32
        %max3A_123 = vector.broadcast %max3A : f32 to vector<16xf32>
        %max3A_124 = arith.maximumf %add3A_122, %max3A_123 : vector<16xf32>
        %swap3A = arith.index_cast %scan3A_109 : i32 to index
        %swap3A_125 = arith.constant 0 : index
        %swap3A_126 = tpu.vector_load %arg18[%swap3A, %swap3A_125] {strides = array<i32>} : memref<64x128xf32, #tpu.memory_space<vmem>>, vector<1x16xf32>,
        %swap3A_127 = vector.shape_cast %swap3A_126 : vector<1x16xf32> to vector<16xf32>
        %swap3A_128 = vector.shape_cast %max3A_124 : vector<16xf32> to vector<1x16xf32>
        tpu.vector_store %arg18[%swap3A, %swap3A_125], %swap3A_128 {strides = array<i32>} : memref<64x128xf32, #tpu.memory_space<vmem>>, vector<1x16xf32>,
        %get3A_129 = arith.index_cast %scan3A_109 : i32 to index
        %get3A_130 = arith.constant 16 : index
        %get3A_131 = tpu.vector_load %arg14[%get3A_129, %get3A_130] {strides = array<i32>} : memref<64x128xf32, #tpu.memory_space<vmem>>, vector<1x16xf32>,
        %get3A_132 = vector.shape_cast %get3A_131 : vector<1x16xf32> to vector<16xf32>
        %get3A_133 = arith.index_cast %scan3A_109 : i32 to index
        %get3A_134 = arith.constant 16 : index
        %get3A_135 = tpu.vector_load %arg16[%get3A_133, %get3A_134] {strides = array<i32>} : memref<64x128xf32, #tpu.memory_space<vmem>>, vector<1x16xf32>,
        %get3A_136 = vector.shape_cast %get3A_135 : vector<1x16xf32> to vector<16xf32>
        %add3A_137 = arith.addf %get3A_132, %get3A_136 : vector<16xf32>
        %get3A_138 = arith.index_cast %scan3A_109 : i32 to index
        %get3A_139 = arith.constant 16 : index
        %get3A_140 = tpu.vector_load %arg18[%get3A_138, %get3A_139] {strides = array<i32>} : memref<64x128xf32, #tpu.memory_space<vmem>>, vector<1x16xf32>,
        %get3A_141 = vector.shape_cast %get3A_140 : vector<1x16xf32> to vector<16xf32>
        %add3A_142 = arith.addf %add3A_137, %get3A_141 : vector<16xf32>
        %max3A_143 = arith.constant 0.000000e+00 : f32
        %max3A_144 = vector.broadcast %max3A_143 : f32 to vector<16xf32>
        %max3A_145 = arith.maximumf %add3A_142, %max3A_144 : vector<16xf32>
        %swap3A_146 = arith.index_cast %scan3A_109 : i32 to index
        %swap3A_147 = arith.constant 16 : index
        %swap3A_148 = tpu.vector_load %arg18[%swap3A_146, %swap3A_147] {strides = array<i32>} : memref<64x128xf32, #tpu.memory_space<vmem>>, vector<1x16xf32>,
        %swap3A_149 = vector.shape_cast %swap3A_148 : vector<1x16xf32> to vector<16xf32>
        %swap3A_150 = vector.shape_cast %max3A_145 : vector<16xf32> to vector<1x16xf32>
        tpu.vector_store %arg18[%swap3A_146, %swap3A_147], %swap3A_150 {strides = array<i32>} : memref<64x128xf32, #tpu.memory_space<vmem>>, vector<1x16xf32>,
        %get3A_151 = arith.index_cast %scan3A_109 : i32 to index
        %get3A_152 = arith.constant 32 : index
        %get3A_153 = tpu.vector_load %arg14[%get3A_151, %get3A_152] {strides = array<i32>} : memref<64x128xf32, #tpu.memory_space<vmem>>, vector<1x16xf32>,
        %get3A_154 = vector.shape_cast %get3A_153 : vector<1x16xf32> to vector<16xf32>
        %get3A_155 = arith.index_cast %scan3A_109 : i32 to index
        %get3A_156 = arith.constant 32 : index
        %get3A_157 = tpu.vector_load %arg16[%get3A_155, %get3A_156] {strides = array<i32>} : memref<64x128xf32, #tpu.memory_space<vmem>>, vector<1x16xf32>,
        %get3A_158 = vector.shape_cast %get3A_157 : vector<1x16xf32> to vector<16xf32>
        %add3A_159 = arith.addf %get3A_154, %get3A_158 : vector<16xf32>
        %get3A_160 = arith.index_cast %scan3A_109 : i32 to index
        %get3A_161 = arith.constant 32 : index
        %get3A_162 = tpu.vector_load %arg18[%get3A_160, %get3A_161] {strides = array<i32>} : memref<64x128xf32, #tpu.memory_space<vmem>>, vector<1x16xf32>,
        %get3A_163 = vector.shape_cast %get3A_162 : vector<1x16xf32> to vector<16xf32>
        %add3A_164 = arith.addf %add3A_159, %get3A_163 : vector<16xf32>
        %max3A_165 = arith.constant 0.000000e+00 : f32
        %max3A_166 = vector.broadcast %max3A_165 : f32 to vector<16xf32>
        %max3A_167 = arith.maximumf %add3A_164, %max3A_166 : vector<16xf32>
        %swap3A_168 = arith.index_cast %scan3A_109 : i32 to index
        %swap3A_169 = arith.constant 32 : index
        %swap3A_170 = tpu.vector_load %arg18[%swap3A_168, %swap3A_169] {strides = array<i32>} : memref<64x128xf32, #tpu.memory_space<vmem>>, vector<1x16xf32>,
        %swap3A_171 = vector.shape_cast %swap3A_170 : vector<1x16xf32> to vector<16xf32>
        %swap3A_172 = vector.shape_cast %max3A_167 : vector<16xf32> to vector<1x16xf32>
        tpu.vector_store %arg18[%swap3A_168, %swap3A_169], %swap3A_172 {strides = array<i32>} : memref<64x128xf32, #tpu.memory_space<vmem>>, vector<1x16xf32>,
        %get3A_173 = arith.index_cast %scan3A_109 : i32 to index
        %get3A_174 = arith.constant 48 : index
        %get3A_175 = tpu.vector_load %arg14[%get3A_173, %get3A_174] {strides = array<i32>} : memref<64x128xf32, #tpu.memory_space<vmem>>, vector<1x16xf32>,
        %get3A_176 = vector.shape_cast %get3A_175 : vector<1x16xf32> to vector<16xf32>
        %get3A_177 = arith.index_cast %scan3A_109 : i32 to index
        %get3A_178 = arith.constant 48 : index
        %get3A_179 = tpu.vector_load %arg16[%get3A_177, %get3A_178] {strides = array<i32>} : memref<64x128xf32, #tpu.memory_space<vmem>>, vector<1x16xf32>,
        %get3A_180 = vector.shape_cast %get3A_179 : vector<1x16xf32> to vector<16xf32>
        %add3A_181 = arith.addf %get3A_176, %get3A_180 : vector<16xf32>
        %get3A_182 = arith.index_cast %scan3A_109 : i32 to index
        %get3A_183 = arith.constant 48 : index
        %get3A_184 = tpu.vector_load %arg18[%get3A_182, %get3A_183] {strides = array<i32>} : memref<64x128xf32, #tpu.memory_space<vmem>>, vector<1x16xf32>,
        %get3A_185 = vector.shape_cast %get3A_184 : vector<1x16xf32> to vector<16xf32>
        %add3A_186 = arith.addf %add3A_181, %get3A_185 : vector<16xf32>
        %max3A_187 = arith.constant 0.000000e+00 : f32
        %max3A_188 = vector.broadcast %max3A_187 : f32 to vector<16xf32>
        %max3A_189 = arith.maximumf %add3A_186, %max3A_188 : vector<16xf32>
        %swap3A_190 = arith.index_cast %scan3A_109 : i32 to index
        %swap3A_191 = arith.constant 48 : index
        %swap3A_192 = tpu.vector_load %arg18[%swap3A_190, %swap3A_191] {strides = array<i32>} : memref<64x128xf32, #tpu.memory_space<vmem>>, vector<1x16xf32>,
        %swap3A_193 = vector.shape_cast %swap3A_192 : vector<1x16xf32> to vector<16xf32>
        %swap3A_194 = vector.shape_cast %max3A_189 : vector<16xf32> to vector<1x16xf32>
        tpu.vector_store %arg18[%swap3A_190, %swap3A_191], %swap3A_194 {strides = array<i32>} : memref<64x128xf32, #tpu.memory_space<vmem>>, vector<1x16xf32>,
        %get3A_195 = arith.index_cast %scan3A_109 : i32 to index
        %get3A_196 = arith.constant 64 : index
        %get3A_197 = tpu.vector_load %arg14[%get3A_195, %get3A_196] {strides = array<i32>} : memref<64x128xf32, #tpu.memory_space<vmem>>, vector<1x16xf32>,
        %get3A_198 = vector.shape_cast %get3A_197 : vector<1x16xf32> to vector<16xf32>
        %get3A_199 = arith.index_cast %scan3A_109 : i32 to index
        %get3A_200 = arith.constant 64 : index
        %get3A_201 = tpu.vector_load %arg16[%get3A_199, %get3A_200] {strides = array<i32>} : memref<64x128xf32, #tpu.memory_space<vmem>>, vector<1x16xf32>,
        %get3A_202 = vector.shape_cast %get3A_201 : vector<1x16xf32> to vector<16xf32>
        %add3A_203 = arith.addf %get3A_198, %get3A_202 : vector<16xf32>
        %get3A_204 = arith.index_cast %scan3A_109 : i32 to index
        %get3A_205 = arith.constant 64 : index
        %get3A_206 = tpu.vector_load %arg18[%get3A_204, %get3A_205] {strides = array<i32>} : memref<64x128xf32, #tpu.memory_space<vmem>>, vector<1x16xf32>,
        %get3A_207 = vector.shape_cast %get3A_206 : vector<1x16xf32> to vector<16xf32>
        %add3A_208 = arith.addf %add3A_203, %get3A_207 : vector<16xf32>
        %max3A_209 = arith.constant 0.000000e+00 : f32
        %max3A_210 = vector.broadcast %max3A_209 : f32 to vector<16xf32>
        %max3A_211 = arith.maximumf %add3A_208, %max3A_210 : vector<16xf32>
        %swap3A_212 = arith.index_cast %scan3A_109 : i32 to index
        %swap3A_213 = arith.constant 64 : index
        %swap3A_214 = tpu.vector_load %arg18[%swap3A_212, %swap3A_213] {strides = array<i32>} : memref<64x128xf32, #tpu.memory_space<vmem>>, vector<1x16xf32>,
        %swap3A_215 = vector.shape_cast %swap3A_214 : vector<1x16xf32> to vector<16xf32>
        %swap3A_216 = vector.shape_cast %max3A_211 : vector<16xf32> to vector<1x16xf32>
        tpu.vector_store %arg18[%swap3A_212, %swap3A_213], %swap3A_216 {strides = array<i32>} : memref<64x128xf32, #tpu.memory_space<vmem>>, vector<1x16xf32>,
        %get3A_217 = arith.index_cast %scan3A_109 : i32 to index
        %get3A_218 = arith.constant 80 : index
        %get3A_219 = tpu.vector_load %arg14[%get3A_217, %get3A_218] {strides = array<i32>} : memref<64x128xf32, #tpu.memory_space<vmem>>, vector<1x16xf32>,
        %get3A_220 = vector.shape_cast %get3A_219 : vector<1x16xf32> to vector<16xf32>
        %get3A_221 = arith.index_cast %scan3A_109 : i32 to index
        %get3A_222 = arith.constant 80 : index
        %get3A_223 = tpu.vector_load %arg16[%get3A_221, %get3A_222] {strides = array<i32>} : memref<64x128xf32, #tpu.memory_space<vmem>>, vector<1x16xf32>,
        %get3A_224 = vector.shape_cast %get3A_223 : vector<1x16xf32> to vector<16xf32>
        %add3A_225 = arith.addf %get3A_220, %get3A_224 : vector<16xf32>
        %get3A_226 = arith.index_cast %scan3A_109 : i32 to index
        %get3A_227 = arith.constant 80 : index
        %get3A_228 = tpu.vector_load %arg18[%get3A_226, %get3A_227] {strides = array<i32>} : memref<64x128xf32, #tpu.memory_space<vmem>>, vector<1x16xf32>,
        %get3A_229 = vector.shape_cast %get3A_228 : vector<1x16xf32> to vector<16xf32>
        %add3A_230 = arith.addf %add3A_225, %get3A_229 : vector<16xf32>
        %max3A_231 = arith.constant 0.000000e+00 : f32
        %max3A_232 = vector.broadcast %max3A_231 : f32 to vector<16xf32>
        %max3A_233 = arith.maximumf %add3A_230, %max3A_232 : vector<16xf32>
        %swap3A_234 = arith.index_cast %scan3A_109 : i32 to index
        %swap3A_235 = arith.constant 80 : index
        %swap3A_236 = tpu.vector_load %arg18[%swap3A_234, %swap3A_235] {strides = array<i32>} : memref<64x128xf32, #tpu.memory_space<vmem>>, vector<1x16xf32>,
        %swap3A_237 = vector.shape_cast %swap3A_236 : vector<1x16xf32> to vector<16xf32>
        %swap3A_238 = vector.shape_cast %max3A_233 : vector<16xf32> to vector<1x16xf32>
        tpu.vector_store %arg18[%swap3A_234, %swap3A_235], %swap3A_238 {strides = array<i32>} : memref<64x128xf32, #tpu.memory_space<vmem>>, vector<1x16xf32>,
        %get3A_239 = arith.index_cast %scan3A_109 : i32 to index
        %get3A_240 = arith.constant 96 : index
        %get3A_241 = tpu.vector_load %arg14[%get3A_239, %get3A_240] {strides = array<i32>} : memref<64x128xf32, #tpu.memory_space<vmem>>, vector<1x16xf32>,
        %get3A_242 = vector.shape_cast %get3A_241 : vector<1x16xf32> to vector<16xf32>
        %get3A_243 = arith.index_cast %scan3A_109 : i32 to index
        %get3A_244 = arith.constant 96 : index
        %get3A_245 = tpu.vector_load %arg16[%get3A_243, %get3A_244] {strides = array<i32>} : memref<64x128xf32, #tpu.memory_space<vmem>>, vector<1x16xf32>,
        %get3A_246 = vector.shape_cast %get3A_245 : vector<1x16xf32> to vector<16xf32>
        %add3A_247 = arith.addf %get3A_242, %get3A_246 : vector<16xf32>
        %get3A_248 = arith.index_cast %scan3A_109 : i32 to index
        %get3A_249 = arith.constant 96 : index
        %get3A_250 = tpu.vector_load %arg18[%get3A_248, %get3A_249] {strides = array<i32>} : memref<64x128xf32, #tpu.memory_space<vmem>>, vector<1x16xf32>,
        %get3A_251 = vector.shape_cast %get3A_250 : vector<1x16xf32> to vector<16xf32>
        %add3A_252 = arith.addf %add3A_247, %get3A_251 : vector<16xf32>
        %max3A_253 = arith.constant 0.000000e+00 : f32
        %max3A_254 = vector.broadcast %max3A_253 : f32 to vector<16xf32>
        %max3A_255 = arith.maximumf %add3A_252, %max3A_254 : vector<16xf32>
        %swap3A_256 = arith.index_cast %scan3A_109 : i32 to index
        %swap3A_257 = arith.constant 96 : index
        %swap3A_258 = tpu.vector_load %arg18[%swap3A_256, %swap3A_257] {strides = array<i32>} : memref<64x128xf32, #tpu.memory_space<vmem>>, vector<1x16xf32>,
        %swap3A_259 = vector.shape_cast %swap3A_258 : vector<1x16xf32> to vector<16xf32>
        %swap3A_260 = vector.shape_cast %max3A_255 : vector<16xf32> to vector<1x16xf32>
        tpu.vector_store %arg18[%swap3A_256, %swap3A_257], %swap3A_260 {strides = array<i32>} : memref<64x128xf32, #tpu.memory_space<vmem>>, vector<1x16xf32>,
        %get3A_261 = arith.index_cast %scan3A_109 : i32 to index
        %get3A_262 = arith.constant 112 : index
        %get3A_263 = tpu.vector_load %arg14[%get3A_261, %get3A_262] {strides = array<i32>} : memref<64x128xf32, #tpu.memory_space<vmem>>, vector<1x16xf32>,
        %get3A_264 = vector.shape_cast %get3A_263 : vector<1x16xf32> to vector<16xf32>
        %get3A_265 = arith.index_cast %scan3A_109 : i32 to index
        %get3A_266 = arith.constant 112 : index
        %get3A_267 = tpu.vector_load %arg16[%get3A_265, %get3A_266] {strides = array<i32>} : memref<64x128xf32, #tpu.memory_space<vmem>>, vector<1x16xf32>,
        %get3A_268 = vector.shape_cast %get3A_267 : vector<1x16xf32> to vector<16xf32>
        %add3A_269 = arith.addf %get3A_264, %get3A_268 : vector<16xf32>
        %get3A_270 = arith.index_cast %scan3A_109 : i32 to index
        %get3A_271 = arith.constant 112 : index
        %get3A_272 = tpu.vector_load %arg18[%get3A_270, %get3A_271] {strides = array<i32>} : memref<64x128xf32, #tpu.memory_space<vmem>>, vector<1x16xf32>,
        %get3A_273 = vector.shape_cast %get3A_272 : vector<1x16xf32> to vector<16xf32>
        %add3A_274 = arith.addf %add3A_269, %get3A_273 : vector<16xf32>
        %max3A_275 = arith.constant 0.000000e+00 : f32
        %max3A_276 = vector.broadcast %max3A_275 : f32 to vector<16xf32>
        %max3A_277 = arith.maximumf %add3A_274, %max3A_276 : vector<16xf32>
        %swap3A_278 = arith.index_cast %scan3A_109 : i32 to index
        %swap3A_279 = arith.constant 112 : index
        %swap3A_280 = tpu.vector_load %arg18[%swap3A_278, %swap3A_279] {strides = array<i32>} : memref<64x128xf32, #tpu.memory_space<vmem>>, vector<1x16xf32>,
        %swap3A_281 = vector.shape_cast %swap3A_280 : vector<1x16xf32> to vector<16xf32>
        %swap3A_282 = vector.shape_cast %max3A_277 : vector<16xf32> to vector<1x16xf32>
        tpu.vector_store %arg18[%swap3A_278, %swap3A_279], %swap3A_282 {strides = array<i32>} : memref<64x128xf32, #tpu.memory_space<vmem>>, vector<1x16xf32>,
      }
      %scan3A_108 = arith.constant 64 : i32
      "tpu.region"() ({
        %run_scoped3A = tpu.sem_alloc : memref<!tpu.dma_semaphore, #tpu.memory_space<semaphore_mem>>
        %dma_start3A_109 = arith.constant 0 : i32
        %dma_start3A_110 = arith.constant 0 : i32
        %dma_start3A_111 = tpu.memref_slice %arg19[%dma_start3A_109, %dma_start3A_110] : memref<10008x128xf32, #tpu.memory_space<vmem_shared>> -> memref<10008x128xf32, #tpu.memory_space<vmem_shared>>
        tpu.enqueue_indirect_dma source(%arg18 : memref<64x128xf32, #tpu.memory_space<vmem>>) target(%dma_start3A_111 : memref<10008x128xf32, #tpu.memory_space<vmem_shared>>) offsets(%arg12 : memref<64xi32, #tpu.memory_space<vmem>>) semaphore(%run_scoped3A : memref<!tpu.dma_semaphore, #tpu.memory_space<semaphore_mem>>) {add = true}
        %dma_wait3A_112 = arith.constant 0 : i32
        %dma_wait3A_113 = arith.constant 0 : i32
        %dma_wait3A_114 = tpu.memref_slice %arg19[%dma_wait3A_112, %dma_wait3A_113] : memref<10008x128xf32, #tpu.memory_space<vmem_shared>> -> memref<10008x128xf32, #tpu.memory_space<vmem_shared>>
        tpu.wait_indirect_dma semaphore(%run_scoped3A : memref<!tpu.dma_semaphore, #tpu.memory_space<semaphore_mem>>) src(%arg18 : memref<64x128xf32, #tpu.memory_space<vmem>>) dst(%dma_wait3A_114 : memref<10008x128xf32, #tpu.memory_space<vmem_shared>>)
        tpu.yield
      }) : () -> ()
    }
    %scan3A_24 = arith.constant 40 : i32
    %barrier3A_25 = arith.constant 0 : index
    tpu.barrier barrier_id(%barrier3A_25)
    %lt3A_26 = arith.constant 15 : i32
    %lt3A_27 = arith.cmpi slt, %arg1, %lt3A_26 : i32
    %convert_element_type3A_28 = arith.extui %lt3A_27 : i1 to i32
    %cond3A_29 = arith.constant 0 : i32
    %cond3A_30 = arith.cmpi ne, %convert_element_type3A_28, %cond3A_29 : i32
    scf.if %cond3A_30 {
      %mul3A_36 = arith.constant 624 : i32
      %mul3A_37 = arith.muli %arg1, %mul3A_36 : i32
      %multiple_of3A_38 = tpu.assume_multiple %mul3A_37, 8 : i32
      "tpu.region"() ({
        %run_scoped3A = tpu.sem_alloc : memref<!tpu.dma_semaphore, #tpu.memory_space<semaphore_mem>>
        %dma_start3A_39 = arith.constant 0 : i32
        %dma_start3A_40 = tpu.memref_slice %arg8[%arg0, %multiple_of3A_38, %dma_start3A_39] : memref<2x10000x128xf32, #tpu.memory_space<hbm>> -> memref<1x624x128xf32, #tpu.memory_space<hbm>>
        %dma_start3A_41 = tpu.memref_squeeze %dma_start3A_40 : memref<1x624x128xf32, #tpu.memory_space<hbm>> -> memref<624x128xf32, #tpu.memory_space<hbm>>
        %dma_start3A_42 = arith.constant 0 : i32
        %dma_start3A_43 = tpu.memref_slice %arg19[%multiple_of3A_38, %dma_start3A_42] : memref<10008x128xf32, #tpu.memory_space<vmem_shared>> -> memref<624x128xf32, #tpu.memory_space<vmem_shared>>
        tpu.enqueue_dma source(%dma_start3A_43 : memref<624x128xf32, #tpu.memory_space<vmem_shared>>) target(%dma_start3A_41 : memref<624x128xf32, #tpu.memory_space<hbm>>) target_semaphore(%run_scoped3A : memref<!tpu.dma_semaphore, #tpu.memory_space<semaphore_mem>>)
        %dma_wait3A = arith.constant 0 : i32
        %dma_wait3A_44 = tpu.memref_slice %arg8[%arg0, %multiple_of3A_38, %dma_wait3A] : memref<2x10000x128xf32, #tpu.memory_space<hbm>> -> memref<1x624x128xf32, #tpu.memory_space<hbm>>
        %dma_wait3A_45 = tpu.memref_squeeze %dma_wait3A_44 : memref<1x624x128xf32, #tpu.memory_space<hbm>> -> memref<624x128xf32, #tpu.memory_space<hbm>>
        %dma_wait3A_46 = arith.constant 0 : i32
        %dma_wait3A_47 = tpu.memref_slice %arg19[%multiple_of3A_38, %dma_wait3A_46] : memref<10008x128xf32, #tpu.memory_space<vmem_shared>> -> memref<624x128xf32, #tpu.memory_space<vmem_shared>>
        tpu.wait_dma2 semaphore(%run_scoped3A : memref<!tpu.dma_semaphore, #tpu.memory_space<semaphore_mem>>) src(%dma_wait3A_47 : memref<624x128xf32, #tpu.memory_space<vmem_shared>>) dst(%dma_wait3A_45 : memref<624x128xf32, #tpu.memory_space<hbm>>)
        tpu.yield
      }) : () -> ()
    } else {
    }
    %eq3A_31 = arith.constant 15 : i32
    %eq3A_32 = arith.cmpi eq, %arg1, %eq3A_31 : i32
    %convert_element_type3A_33 = arith.extui %eq3A_32 : i1 to i32
    %cond3A_34 = arith.constant 0 : i32
    %cond3A_35 = arith.cmpi ne, %convert_element_type3A_33, %cond3A_34 : i32
    scf.if %cond3A_35 {
      "tpu.region"() ({
        %run_scoped3A = tpu.sem_alloc : memref<!tpu.dma_semaphore, #tpu.memory_space<semaphore_mem>>
        %dma_start3A_36 = arith.constant 9360 : i32
        %dma_start3A_37 = arith.constant 0 : i32
        %dma_start3A_38 = tpu.memref_slice %arg8[%arg0, %dma_start3A_36, %dma_start3A_37] : memref<2x10000x128xf32, #tpu.memory_space<hbm>> -> memref<1x640x128xf32, #tpu.memory_space<hbm>>
        %dma_start3A_39 = tpu.memref_squeeze %dma_start3A_38 : memref<1x640x128xf32, #tpu.memory_space<hbm>> -> memref<640x128xf32, #tpu.memory_space<hbm>>
        %dma_start3A_40 = arith.constant 9360 : i32
        %dma_start3A_41 = arith.constant 0 : i32
        %dma_start3A_42 = tpu.memref_slice %arg19[%dma_start3A_40, %dma_start3A_41] : memref<10008x128xf32, #tpu.memory_space<vmem_shared>> -> memref<640x128xf32, #tpu.memory_space<vmem_shared>>
        tpu.enqueue_dma source(%dma_start3A_42 : memref<640x128xf32, #tpu.memory_space<vmem_shared>>) target(%dma_start3A_39 : memref<640x128xf32, #tpu.memory_space<hbm>>) target_semaphore(%run_scoped3A : memref<!tpu.dma_semaphore, #tpu.memory_space<semaphore_mem>>)
        %dma_wait3A = arith.constant 9360 : i32
        %dma_wait3A_43 = arith.constant 0 : i32
        %dma_wait3A_44 = tpu.memref_slice %arg8[%arg0, %dma_wait3A, %dma_wait3A_43] : memref<2x10000x128xf32, #tpu.memory_space<hbm>> -> memref<1x640x128xf32, #tpu.memory_space<hbm>>
        %dma_wait3A_45 = tpu.memref_squeeze %dma_wait3A_44 : memref<1x640x128xf32, #tpu.memory_space<hbm>> -> memref<640x128xf32, #tpu.memory_space<hbm>>
        %dma_wait3A_46 = arith.constant 9360 : i32
        %dma_wait3A_47 = arith.constant 0 : i32
        %dma_wait3A_48 = tpu.memref_slice %arg19[%dma_wait3A_46, %dma_wait3A_47] : memref<10008x128xf32, #tpu.memory_space<vmem_shared>> -> memref<640x128xf32, #tpu.memory_space<vmem_shared>>
        tpu.wait_dma2 semaphore(%run_scoped3A : memref<!tpu.dma_semaphore, #tpu.memory_space<semaphore_mem>>) src(%dma_wait3A_48 : memref<640x128xf32, #tpu.memory_space<vmem_shared>>) dst(%dma_wait3A_45 : memref<640x128xf32, #tpu.memory_space<hbm>>)
        tpu.yield
      }) : () -> ()
    } else {
    }
    return
  }
}

module attributes {stable_mosaic.version = 14 : i64} {
  func.func @_lin_body(%arg0: i32, %arg1: memref<1000x128xf32, #tpu.memory_space<vmem>>, %arg2: memref<128x128xf32, #tpu.memory_space<vmem>>, %arg3: memref<1x128xf32, #tpu.memory_space<vmem>>, %arg4: memref<1000x128xf32, #tpu.memory_space<vmem>>) attributes {dimension_semantics = [#tpu.dimension_semantics<arbitrary>], iteration_bounds = array<i64: 10>, scalar_prefetch = 0 : i64, scratch_operands = 0 : i64, tpu.core_type = #tpu.core_type<tc>, window_params = [{transform_indices = @transform_0, window_bounds = array<i64: 1000, 128>}, {pipeline_mode = #tpu.pipeline_mode<synchronous>, transform_indices = @transform_1, window_bounds = array<i64: 128, 128>}, {pipeline_mode = #tpu.pipeline_mode<synchronous>, transform_indices = @transform_2, window_bounds = array<i64: 1, 128>}, {transform_indices = @transform_3, window_bounds = array<i64: 1000, 128>}]} {
    %get3A = arith.constant 0 : index
    %get3A_0 = arith.constant 0 : index
    %get3A_1 = vector.load %arg1[%get3A, %get3A_0] : memref<1000x128xf32, #tpu.memory_space<vmem>>, vector<1000x128xf32>
    %get3A_2 = arith.constant 0 : index
    %get3A_3 = arith.constant 0 : index
    %get3A_4 = vector.load %arg2[%get3A_2, %get3A_3] : memref<128x128xf32, #tpu.memory_space<vmem>>, vector<128x128xf32>
    %dot_general3A = arith.constant dense<0.000000e+00> : vector<1000x128xf32>
    %dot_general3A_5 = tpu.matmul %get3A_1, %get3A_4, %dot_general3A {dimension_numbers = #tpu.dot_dimension_numbers<[1], [0], [0], [1], [0, 0, 1, 1], [], []>, transpose_lhs_hint = false} : vector<1000x128xf32>, vector<128x128xf32>, vector<1000x128xf32> -> vector<1000x128xf32>
    %get3A_6 = arith.constant 0 : index
    %get3A_7 = arith.constant 0 : index
    %get3A_8 = vector.load %arg3[%get3A_6, %get3A_7] : memref<1x128xf32, #tpu.memory_space<vmem>>, vector<1x128xf32>
    %add3A = vector.broadcast %get3A_8 : vector<1x128xf32> to vector<1000x128xf32>
    %add3A_9 = arith.addf %dot_general3A_5, %add3A : vector<1000x128xf32>
    %swap3A = arith.constant 0 : index
    %swap3A_10 = arith.constant 0 : index
    %swap3A_11 = vector.load %arg4[%swap3A, %swap3A_10] : memref<1000x128xf32, #tpu.memory_space<vmem>>, vector<1000x128xf32>
    tpu.vector_store %arg4[%swap3A, %swap3A_10], %add3A_9 {strides = array<i32>} : memref<1000x128xf32, #tpu.memory_space<vmem>>, vector<1000x128xf32>,
    return
  }
  func.func @transform_0(%arg0: i32) -> (i32, i32) {
    %c0_i32 = arith.constant 0 : i32
    %c0_i32_0 = arith.constant 0 : i32
    return %arg0, %c0_i32 : i32, i32
  }
  func.func @transform_1(%arg0: i32) -> (i32, i32) {
    %c0_i32 = arith.constant 0 : i32
    %c0_i32_0 = arith.constant 0 : i32
    %c0_i32_1 = arith.constant 0 : i32
    return %c0_i32, %c0_i32_0 : i32, i32
  }
  func.func @transform_2(%arg0: i32) -> (i32, i32) {
    %c0_i32 = arith.constant 0 : i32
    %c0_i32_0 = arith.constant 0 : i32
    %c0_i32_1 = arith.constant 0 : i32
    return %c0_i32, %c0_i32_0 : i32, i32
  }
  func.func @transform_3(%arg0: i32) -> (i32, i32) {
    %c0_i32 = arith.constant 0 : i32
    %c0_i32_0 = arith.constant 0 : i32
    return %arg0, %c0_i32 : i32, i32
  }
}

module attributes {stable_mosaic.version = 14 : i64} {
  func.func @_eb2_body(%arg0: i32, %arg1: memref<2048x16xf32, #tpu.memory_space<vmem>>, %arg2: memref<2048x1xi32, #tpu.memory_space<vmem>>, %arg3: memref<16x128xf32, #tpu.memory_space<vmem>>, %arg4: memref<8x128xf32, #tpu.memory_space<vmem>>, %arg5: memref<2048x128xf32, #tpu.memory_space<vmem>>) attributes {dimension_semantics = [#tpu.dimension_semantics<arbitrary>], iteration_bounds = array<i64: 80>, scalar_prefetch = 0 : i64, scratch_operands = 0 : i64, tpu.core_type = #tpu.core_type<tc>, window_params = [{transform_indices = @transform_0, window_bounds = array<i64: 2048, 16>}, {transform_indices = @transform_1, window_bounds = array<i64: 2048, 1>}, {pipeline_mode = #tpu.pipeline_mode<synchronous>, transform_indices = @transform_2, window_bounds = array<i64: 16, 128>}, {pipeline_mode = #tpu.pipeline_mode<synchronous>, transform_indices = @transform_3, window_bounds = array<i64: 8, 128>}, {transform_indices = @transform_4, window_bounds = array<i64: 2048, 128>}]} {
    %get3A = arith.constant 0 : index
    %get3A_0 = arith.constant 0 : index
    %get3A_1 = vector.load %arg2[%get3A, %get3A_0] : memref<2048x1xi32, #tpu.memory_space<vmem>>, vector<2048x1xi32>
    %iota3A = tpu.iota {dimensions = array<i32: 1>} : vector<1x8xi32>
    %eq3A = vector.broadcast %get3A_1 : vector<2048x1xi32> to vector<2048x8xi32>
    %eq3A_2 = vector.broadcast %iota3A : vector<1x8xi32> to vector<2048x8xi32>
    %eq3A_3 = arith.cmpi eq, %eq3A, %eq3A_2 : vector<2048x8xi32>
    %convert_element_type3A = arith.extui %eq3A_3 : vector<2048x8xi1> to vector<2048x8xi32>
    %convert_element_type3A_4 = arith.sitofp %convert_element_type3A : vector<2048x8xi32> to vector<2048x8xf32>
    %get3A_5 = arith.constant 0 : index
    %get3A_6 = arith.constant 0 : index
    %get3A_7 = vector.load %arg1[%get3A_5, %get3A_6] : memref<2048x16xf32, #tpu.memory_space<vmem>>, vector<2048x16xf32>
    %get3A_8 = arith.constant 0 : index
    %get3A_9 = arith.constant 0 : index
    %get3A_10 = vector.load %arg3[%get3A_8, %get3A_9] : memref<16x128xf32, #tpu.memory_space<vmem>>, vector<16x128xf32>
    %dot_general3A = arith.constant dense<0.000000e+00> : vector<2048x128xf32>
    %dot_general3A_11 = tpu.matmul %get3A_7, %get3A_10, %dot_general3A {dimension_numbers = #tpu.dot_dimension_numbers<[1], [0], [0], [1], [0, 0, 1, 1], [], []>, transpose_lhs_hint = false} : vector<2048x16xf32>, vector<16x128xf32>, vector<2048x128xf32> -> vector<2048x128xf32>
    %get3A_12 = arith.constant 0 : index
    %get3A_13 = arith.constant 0 : index
    %get3A_14 = vector.load %arg4[%get3A_12, %get3A_13] : memref<8x128xf32, #tpu.memory_space<vmem>>, vector<8x128xf32>
    %dot_general3A_15 = arith.constant dense<0.000000e+00> : vector<2048x128xf32>
    %dot_general3A_16 = tpu.matmul %convert_element_type3A_4, %get3A_14, %dot_general3A_15 {dimension_numbers = #tpu.dot_dimension_numbers<[1], [0], [0], [1], [0, 0, 1, 1], [], []>, precision = #tpu.contract_precision<fp32>, transpose_lhs_hint = false} : vector<2048x8xf32>, vector<8x128xf32>, vector<2048x128xf32> -> vector<2048x128xf32>
    %add3A = arith.addf %dot_general3A_11, %dot_general3A_16 : vector<2048x128xf32>
    %swap3A = arith.constant 0 : index
    %swap3A_17 = arith.constant 0 : index
    %swap3A_18 = vector.load %arg5[%swap3A, %swap3A_17] : memref<2048x128xf32, #tpu.memory_space<vmem>>, vector<2048x128xf32>
    tpu.vector_store %arg5[%swap3A, %swap3A_17], %add3A {strides = array<i32>} : memref<2048x128xf32, #tpu.memory_space<vmem>>, vector<2048x128xf32>,
    return
  }
  func.func @transform_0(%arg0: i32) -> (i32, i32) {
    %c0_i32 = arith.constant 0 : i32
    %c0_i32_0 = arith.constant 0 : i32
    return %arg0, %c0_i32 : i32, i32
  }
  func.func @transform_1(%arg0: i32) -> (i32, i32) {
    %c0_i32 = arith.constant 0 : i32
    %c0_i32_0 = arith.constant 0 : i32
    return %arg0, %c0_i32 : i32, i32
  }
  func.func @transform_2(%arg0: i32) -> (i32, i32) {
    %c0_i32 = arith.constant 0 : i32
    %c0_i32_0 = arith.constant 0 : i32
    %c0_i32_1 = arith.constant 0 : i32
    return %c0_i32, %c0_i32_0 : i32, i32
  }
  func.func @transform_3(%arg0: i32) -> (i32, i32) {
    %c0_i32 = arith.constant 0 : i32
    %c0_i32_0 = arith.constant 0 : i32
    %c0_i32_1 = arith.constant 0 : i32
    return %c0_i32, %c0_i32_0 : i32, i32
  }
  func.func @transform_4(%arg0: i32) -> (i32, i32) {
    %c0_i32 = arith.constant 0 : i32
    %c0_i32_0 = arith.constant 0 : i32
    return %arg0, %c0_i32 : i32, i32
  }
}

module attributes {stable_mosaic.version = 14 : i64} {
  func.func @_pre_body(%arg0: i32, %arg1: memref<1000x128xf32, #tpu.memory_space<vmem>>, %arg2: memref<1000x1xi32, #tpu.memory_space<vmem>>, %arg3: memref<128x128xf32, #tpu.memory_space<vmem>>, %arg4: memref<128x128xf32, #tpu.memory_space<vmem>>, %arg5: memref<64x16xf32, #tpu.memory_space<vmem>>, %arg6: memref<16x128xf32, #tpu.memory_space<vmem>>, %arg7: memref<1x128xf32, #tpu.memory_space<vmem>>, %arg8: memref<1000x128xf32, #tpu.memory_space<vmem>>, %arg9: memref<1000x128xf32, #tpu.memory_space<vmem>>) attributes {dimension_semantics = [#tpu.dimension_semantics<arbitrary>], iteration_bounds = array<i64: 10>, scalar_prefetch = 0 : i64, scratch_operands = 0 : i64, tpu.core_type = #tpu.core_type<tc>, window_params = [{transform_indices = @transform_0, window_bounds = array<i64: 1000, 128>}, {transform_indices = @transform_1, window_bounds = array<i64: 1000, 1>}, {pipeline_mode = #tpu.pipeline_mode<synchronous>, transform_indices = @transform_2, window_bounds = array<i64: 128, 128>}, {pipeline_mode = #tpu.pipeline_mode<synchronous>, transform_indices = @transform_3, window_bounds = array<i64: 128, 128>}, {pipeline_mode = #tpu.pipeline_mode<synchronous>, transform_indices = @transform_4, window_bounds = array<i64: 64, 16>}, {pipeline_mode = #tpu.pipeline_mode<synchronous>, transform_indices = @transform_5, window_bounds = array<i64: 16, 128>}, {pipeline_mode = #tpu.pipeline_mode<synchronous>, transform_indices = @transform_6, window_bounds = array<i64: 1, 128>}, {transform_indices = @transform_7, window_bounds = array<i64: 1000, 128>}, {transform_indices = @transform_8, window_bounds = array<i64: 1000, 128>}]} {
    %get3A = arith.constant 0 : index
    %get3A_0 = arith.constant 0 : index
    %get3A_1 = vector.load %arg1[%get3A, %get3A_0] : memref<1000x128xf32, #tpu.memory_space<vmem>>, vector<1000x128xf32>
    %get3A_2 = arith.constant 0 : index
    %get3A_3 = arith.constant 0 : index
    %get3A_4 = vector.load %arg3[%get3A_2, %get3A_3] : memref<128x128xf32, #tpu.memory_space<vmem>>, vector<128x128xf32>
    %dot_general3A = arith.constant dense<0.000000e+00> : vector<1000x128xf32>
    %dot_general3A_5 = tpu.matmul %get3A_1, %get3A_4, %dot_general3A {dimension_numbers = #tpu.dot_dimension_numbers<[1], [0], [0], [1], [0, 0, 1, 1], [], []>, transpose_lhs_hint = false} : vector<1000x128xf32>, vector<128x128xf32>, vector<1000x128xf32> -> vector<1000x128xf32>
    %swap3A = arith.constant 0 : index
    %swap3A_6 = arith.constant 0 : index
    %swap3A_7 = vector.load %arg8[%swap3A, %swap3A_6] : memref<1000x128xf32, #tpu.memory_space<vmem>>, vector<1000x128xf32>
    tpu.vector_store %arg8[%swap3A, %swap3A_6], %dot_general3A_5 {strides = array<i32>} : memref<1000x128xf32, #tpu.memory_space<vmem>>, vector<1000x128xf32>,
    %get3A_8 = arith.constant 0 : index
    %get3A_9 = arith.constant 0 : index
    %get3A_10 = vector.load %arg5[%get3A_8, %get3A_9] : memref<64x16xf32, #tpu.memory_space<vmem>>, vector<64x16xf32>
    %get3A_11 = arith.constant 0 : index
    %get3A_12 = arith.constant 0 : index
    %get3A_13 = vector.load %arg6[%get3A_11, %get3A_12] : memref<16x128xf32, #tpu.memory_space<vmem>>, vector<16x128xf32>
    %dot_general3A_14 = arith.constant dense<0.000000e+00> : vector<64x128xf32>
    %dot_general3A_15 = tpu.matmul %get3A_10, %get3A_13, %dot_general3A_14 {dimension_numbers = #tpu.dot_dimension_numbers<[1], [0], [0], [1], [0, 0, 1, 1], [], []>, transpose_lhs_hint = false} : vector<64x16xf32>, vector<16x128xf32>, vector<64x128xf32> -> vector<64x128xf32>
    %get3A_16 = arith.constant 0 : index
    %get3A_17 = arith.constant 0 : index
    %get3A_18 = vector.load %arg2[%get3A_16, %get3A_17] : memref<1000x1xi32, #tpu.memory_space<vmem>>, vector<1000x1xi32>
    %iota3A = tpu.iota {dimensions = array<i32: 1>} : vector<1x64xi32>
    %eq3A = vector.broadcast %get3A_18 : vector<1000x1xi32> to vector<1000x64xi32>
    %eq3A_19 = vector.broadcast %iota3A : vector<1x64xi32> to vector<1000x64xi32>
    %eq3A_20 = arith.cmpi eq, %eq3A, %eq3A_19 : vector<1000x64xi32>
    %convert_element_type3A = arith.extui %eq3A_20 : vector<1000x64xi1> to vector<1000x64xi32>
    %convert_element_type3A_21 = arith.sitofp %convert_element_type3A : vector<1000x64xi32> to vector<1000x64xf32>
    %get3A_22 = arith.constant 0 : index
    %get3A_23 = arith.constant 0 : index
    %get3A_24 = vector.load %arg4[%get3A_22, %get3A_23] : memref<128x128xf32, #tpu.memory_space<vmem>>, vector<128x128xf32>
    %dot_general3A_25 = arith.constant dense<0.000000e+00> : vector<1000x128xf32>
    %dot_general3A_26 = tpu.matmul %get3A_1, %get3A_24, %dot_general3A_25 {dimension_numbers = #tpu.dot_dimension_numbers<[1], [0], [0], [1], [0, 0, 1, 1], [], []>, transpose_lhs_hint = false} : vector<1000x128xf32>, vector<128x128xf32>, vector<1000x128xf32> -> vector<1000x128xf32>
    %dot_general3A_27 = arith.constant dense<0.000000e+00> : vector<1000x128xf32>
    %dot_general3A_28 = tpu.matmul %convert_element_type3A_21, %dot_general3A_15, %dot_general3A_27 {dimension_numbers = #tpu.dot_dimension_numbers<[1], [0], [0], [1], [0, 0, 1, 1], [], []>, precision = #tpu.contract_precision<fp32>, transpose_lhs_hint = false} : vector<1000x64xf32>, vector<64x128xf32>, vector<1000x128xf32> -> vector<1000x128xf32>
    %add3A = arith.addf %dot_general3A_26, %dot_general3A_28 : vector<1000x128xf32>
    %get3A_29 = arith.constant 0 : index
    %get3A_30 = arith.constant 0 : index
    %get3A_31 = vector.load %arg7[%get3A_29, %get3A_30] : memref<1x128xf32, #tpu.memory_space<vmem>>, vector<1x128xf32>
    %add3A_32 = vector.broadcast %get3A_31 : vector<1x128xf32> to vector<1000x128xf32>
    %add3A_33 = arith.addf %add3A, %add3A_32 : vector<1000x128xf32>
    %swap3A_34 = arith.constant 0 : index
    %swap3A_35 = arith.constant 0 : index
    %swap3A_36 = vector.load %arg9[%swap3A_34, %swap3A_35] : memref<1000x128xf32, #tpu.memory_space<vmem>>, vector<1000x128xf32>
    tpu.vector_store %arg9[%swap3A_34, %swap3A_35], %add3A_33 {strides = array<i32>} : memref<1000x128xf32, #tpu.memory_space<vmem>>, vector<1000x128xf32>,
    return
  }
  func.func @transform_0(%arg0: i32) -> (i32, i32) {
    %c0_i32 = arith.constant 0 : i32
    %c0_i32_0 = arith.constant 0 : i32
    return %arg0, %c0_i32 : i32, i32
  }
  func.func @transform_1(%arg0: i32) -> (i32, i32) {
    %c0_i32 = arith.constant 0 : i32
    %c0_i32_0 = arith.constant 0 : i32
    return %arg0, %c0_i32 : i32, i32
  }
  func.func @transform_2(%arg0: i32) -> (i32, i32) {
    %c0_i32 = arith.constant 0 : i32
    %c0_i32_0 = arith.constant 0 : i32
    %c0_i32_1 = arith.constant 0 : i32
    return %c0_i32, %c0_i32_0 : i32, i32
  }
  func.func @transform_3(%arg0: i32) -> (i32, i32) {
    %c0_i32 = arith.constant 0 : i32
    %c0_i32_0 = arith.constant 0 : i32
    %c0_i32_1 = arith.constant 0 : i32
    return %c0_i32, %c0_i32_0 : i32, i32
  }
  func.func @transform_4(%arg0: i32) -> (i32, i32) {
    %c0_i32 = arith.constant 0 : i32
    %c0_i32_0 = arith.constant 0 : i32
    %c0_i32_1 = arith.constant 0 : i32
    return %c0_i32, %c0_i32_0 : i32, i32
  }
  func.func @transform_5(%arg0: i32) -> (i32, i32) {
    %c0_i32 = arith.constant 0 : i32
    %c0_i32_0 = arith.constant 0 : i32
    %c0_i32_1 = arith.constant 0 : i32
    return %c0_i32, %c0_i32_0 : i32, i32
  }
  func.func @transform_6(%arg0: i32) -> (i32, i32) {
    %c0_i32 = arith.constant 0 : i32
    %c0_i32_0 = arith.constant 0 : i32
    %c0_i32_1 = arith.constant 0 : i32
    return %c0_i32, %c0_i32_0 : i32, i32
  }
  func.func @transform_7(%arg0: i32) -> (i32, i32) {
    %c0_i32 = arith.constant 0 : i32
    %c0_i32_0 = arith.constant 0 : i32
    return %arg0, %c0_i32 : i32, i32
  }
  func.func @transform_8(%arg0: i32) -> (i32, i32) {
    %c0_i32 = arith.constant 0 : i32
    %c0_i32_0 = arith.constant 0 : i32
    return %arg0, %c0_i32 : i32, i32
  }
}

module attributes {stable_mosaic.version = 14 : i64} {
  func.func @_upd_body(%arg0: i32, %arg1: memref<1000x128xf32, #tpu.memory_space<vmem>>, %arg2: memref<1000x128xf32, #tpu.memory_space<vmem>>, %arg3: memref<1000x128xf32, #tpu.memory_space<vmem>>, %arg4: memref<1000x128xf32, #tpu.memory_space<vmem>>, %arg5: memref<128x128xf32, #tpu.memory_space<vmem>>, %arg6: memref<128x128xf32, #tpu.memory_space<vmem>>, %arg7: memref<1x128xf32, #tpu.memory_space<vmem>>, %arg8: memref<1000x128xf32, #tpu.memory_space<vmem>>) attributes {dimension_semantics = [#tpu.dimension_semantics<arbitrary>], iteration_bounds = array<i64: 10>, scalar_prefetch = 0 : i64, scratch_operands = 0 : i64, tpu.core_type = #tpu.core_type<tc>, window_params = [{transform_indices = @transform_0, window_bounds = array<i64: 1000, 128>}, {transform_indices = @transform_1, window_bounds = array<i64: 1000, 128>}, {transform_indices = @transform_2, window_bounds = array<i64: 1000, 128>}, {transform_indices = @transform_3, window_bounds = array<i64: 1000, 128>}, {pipeline_mode = #tpu.pipeline_mode<synchronous>, transform_indices = @transform_4, window_bounds = array<i64: 128, 128>}, {pipeline_mode = #tpu.pipeline_mode<synchronous>, transform_indices = @transform_5, window_bounds = array<i64: 128, 128>}, {pipeline_mode = #tpu.pipeline_mode<synchronous>, transform_indices = @transform_6, window_bounds = array<i64: 1, 128>}, {transform_indices = @transform_7, window_bounds = array<i64: 1000, 128>}]} {
    %get3A = arith.constant 0 : index
    %get3A_0 = arith.constant 0 : index
    %get3A_1 = vector.load %arg2[%get3A, %get3A_0] : memref<1000x128xf32, #tpu.memory_space<vmem>>, vector<1000x128xf32>
    %get3A_2 = arith.constant 0 : index
    %get3A_3 = arith.constant 0 : index
    %get3A_4 = vector.load %arg3[%get3A_2, %get3A_3] : memref<1000x128xf32, #tpu.memory_space<vmem>>, vector<1000x128xf32>
    %add3A = arith.addf %get3A_1, %get3A_4 : vector<1000x128xf32>
    %get3A_5 = arith.constant 0 : index
    %get3A_6 = arith.constant 0 : index
    %get3A_7 = vector.load %arg1[%get3A_5, %get3A_6] : memref<1000x128xf32, #tpu.memory_space<vmem>>, vector<1000x128xf32>
    %get3A_8 = arith.constant 0 : index
    %get3A_9 = arith.constant 0 : index
    %get3A_10 = vector.load %arg5[%get3A_8, %get3A_9] : memref<128x128xf32, #tpu.memory_space<vmem>>, vector<128x128xf32>
    %dot_general3A = arith.constant dense<0.000000e+00> : vector<1000x128xf32>
    %dot_general3A_11 = tpu.matmul %get3A_7, %get3A_10, %dot_general3A {dimension_numbers = #tpu.dot_dimension_numbers<[1], [0], [0], [1], [0, 0, 1, 1], [], []>, transpose_lhs_hint = false} : vector<1000x128xf32>, vector<128x128xf32>, vector<1000x128xf32> -> vector<1000x128xf32>
    %get3A_12 = arith.constant 0 : index
    %get3A_13 = arith.constant 0 : index
    %get3A_14 = vector.load %arg6[%get3A_12, %get3A_13] : memref<128x128xf32, #tpu.memory_space<vmem>>, vector<128x128xf32>
    %dot_general3A_15 = arith.constant dense<0.000000e+00> : vector<1000x128xf32>
    %dot_general3A_16 = tpu.matmul %add3A, %get3A_14, %dot_general3A_15 {dimension_numbers = #tpu.dot_dimension_numbers<[1], [0], [0], [1], [0, 0, 1, 1], [], []>, transpose_lhs_hint = false} : vector<1000x128xf32>, vector<128x128xf32>, vector<1000x128xf32> -> vector<1000x128xf32>
    %add3A_17 = arith.addf %dot_general3A_11, %dot_general3A_16 : vector<1000x128xf32>
    %get3A_18 = arith.constant 0 : index
    %get3A_19 = arith.constant 0 : index
    %get3A_20 = vector.load %arg7[%get3A_18, %get3A_19] : memref<1x128xf32, #tpu.memory_space<vmem>>, vector<1x128xf32>
    %add3A_21 = vector.broadcast %get3A_20 : vector<1x128xf32> to vector<1000x128xf32>
    %add3A_22 = arith.addf %add3A_17, %add3A_21 : vector<1000x128xf32>
    %max3A = arith.constant 0.000000e+00 : f32
    %max3A_23 = vector.broadcast %max3A : f32 to vector<1000x128xf32>
    %max3A_24 = arith.maximumf %add3A_22, %max3A_23 : vector<1000x128xf32>
    %swap3A = arith.constant 0 : index
    %swap3A_25 = arith.constant 0 : index
    %swap3A_26 = vector.load %arg8[%swap3A, %swap3A_25] : memref<1000x128xf32, #tpu.memory_space<vmem>>, vector<1000x128xf32>
    tpu.vector_store %arg8[%swap3A, %swap3A_25], %max3A_24 {strides = array<i32>} : memref<1000x128xf32, #tpu.memory_space<vmem>>, vector<1000x128xf32>,
    return
  }
  func.func @transform_0(%arg0: i32) -> (i32, i32) {
    %c0_i32 = arith.constant 0 : i32
    %c0_i32_0 = arith.constant 0 : i32
    return %arg0, %c0_i32 : i32, i32
  }
  func.func @transform_1(%arg0: i32) -> (i32, i32) {
    %c0_i32 = arith.constant 0 : i32
    %c0_i32_0 = arith.constant 0 : i32
    return %arg0, %c0_i32 : i32, i32
  }
  func.func @transform_2(%arg0: i32) -> (i32, i32) {
    %c0_i32 = arith.constant 0 : i32
    %c0_i32_0 = arith.constant 0 : i32
    return %arg0, %c0_i32 : i32, i32
  }
  func.func @transform_3(%arg0: i32) -> (i32, i32) {
    %c0_i32 = arith.constant 0 : i32
    %c0_i32_0 = arith.constant 0 : i32
    return %arg0, %c0_i32 : i32, i32
  }
  func.func @transform_4(%arg0: i32) -> (i32, i32) {
    %c0_i32 = arith.constant 0 : i32
    %c0_i32_0 = arith.constant 0 : i32
    %c0_i32_1 = arith.constant 0 : i32
    return %c0_i32, %c0_i32_0 : i32, i32
  }
  func.func @transform_5(%arg0: i32) -> (i32, i32) {
    %c0_i32 = arith.constant 0 : i32
    %c0_i32_0 = arith.constant 0 : i32
    %c0_i32_1 = arith.constant 0 : i32
    return %c0_i32, %c0_i32_0 : i32, i32
  }
  func.func @transform_6(%arg0: i32) -> (i32, i32) {
    %c0_i32 = arith.constant 0 : i32
    %c0_i32_0 = arith.constant 0 : i32
    %c0_i32_1 = arith.constant 0 : i32
    return %c0_i32, %c0_i32_0 : i32, i32
  }
  func.func @transform_7(%arg0: i32) -> (i32, i32) {
    %c0_i32 = arith.constant 0 : i32
    %c0_i32_0 = arith.constant 0 : i32
    return %arg0, %c0_i32 : i32, i32
  }
}

module attributes {stable_mosaic.version = 14 : i64} {
  func.func @_upd_body(%arg0: i32, %arg1: memref<1000x128xf32, #tpu.memory_space<vmem>>, %arg2: memref<1000x128xf32, #tpu.memory_space<vmem>>, %arg3: memref<1000x128xf32, #tpu.memory_space<vmem>>, %arg4: memref<1000x128xf32, #tpu.memory_space<vmem>>, %arg5: memref<128x128xf32, #tpu.memory_space<vmem>>, %arg6: memref<128x128xf32, #tpu.memory_space<vmem>>, %arg7: memref<1x128xf32, #tpu.memory_space<vmem>>, %arg8: memref<1000x128xf32, #tpu.memory_space<vmem>>) attributes {dimension_semantics = [#tpu.dimension_semantics<arbitrary>], iteration_bounds = array<i64: 10>, scalar_prefetch = 0 : i64, scratch_operands = 0 : i64, tpu.core_type = #tpu.core_type<tc>, window_params = [{transform_indices = @transform_0, window_bounds = array<i64: 1000, 128>}, {transform_indices = @transform_1, window_bounds = array<i64: 1000, 128>}, {transform_indices = @transform_2, window_bounds = array<i64: 1000, 128>}, {transform_indices = @transform_3, window_bounds = array<i64: 1000, 128>}, {pipeline_mode = #tpu.pipeline_mode<synchronous>, transform_indices = @transform_4, window_bounds = array<i64: 128, 128>}, {pipeline_mode = #tpu.pipeline_mode<synchronous>, transform_indices = @transform_5, window_bounds = array<i64: 128, 128>}, {pipeline_mode = #tpu.pipeline_mode<synchronous>, transform_indices = @transform_6, window_bounds = array<i64: 1, 128>}, {transform_indices = @transform_7, window_bounds = array<i64: 1000, 128>}]} {
    %get3A = arith.constant 0 : index
    %get3A_0 = arith.constant 0 : index
    %get3A_1 = vector.load %arg2[%get3A, %get3A_0] : memref<1000x128xf32, #tpu.memory_space<vmem>>, vector<1000x128xf32>
    %get3A_2 = arith.constant 0 : index
    %get3A_3 = arith.constant 0 : index
    %get3A_4 = vector.load %arg3[%get3A_2, %get3A_3] : memref<1000x128xf32, #tpu.memory_space<vmem>>, vector<1000x128xf32>
    %add3A = arith.addf %get3A_1, %get3A_4 : vector<1000x128xf32>
    %get3A_5 = arith.constant 0 : index
    %get3A_6 = arith.constant 0 : index
    %get3A_7 = vector.load %arg1[%get3A_5, %get3A_6] : memref<1000x128xf32, #tpu.memory_space<vmem>>, vector<1000x128xf32>
    %get3A_8 = arith.constant 0 : index
    %get3A_9 = arith.constant 0 : index
    %get3A_10 = vector.load %arg5[%get3A_8, %get3A_9] : memref<128x128xf32, #tpu.memory_space<vmem>>, vector<128x128xf32>
    %dot_general3A = arith.constant dense<0.000000e+00> : vector<1000x128xf32>
    %dot_general3A_11 = tpu.matmul %get3A_7, %get3A_10, %dot_general3A {dimension_numbers = #tpu.dot_dimension_numbers<[1], [0], [0], [1], [0, 0, 1, 1], [], []>, transpose_lhs_hint = false} : vector<1000x128xf32>, vector<128x128xf32>, vector<1000x128xf32> -> vector<1000x128xf32>
    %get3A_12 = arith.constant 0 : index
    %get3A_13 = arith.constant 0 : index
    %get3A_14 = vector.load %arg6[%get3A_12, %get3A_13] : memref<128x128xf32, #tpu.memory_space<vmem>>, vector<128x128xf32>
    %dot_general3A_15 = arith.constant dense<0.000000e+00> : vector<1000x128xf32>
    %dot_general3A_16 = tpu.matmul %add3A, %get3A_14, %dot_general3A_15 {dimension_numbers = #tpu.dot_dimension_numbers<[1], [0], [0], [1], [0, 0, 1, 1], [], []>, transpose_lhs_hint = false} : vector<1000x128xf32>, vector<128x128xf32>, vector<1000x128xf32> -> vector<1000x128xf32>
    %add3A_17 = arith.addf %dot_general3A_11, %dot_general3A_16 : vector<1000x128xf32>
    %get3A_18 = arith.constant 0 : index
    %get3A_19 = arith.constant 0 : index
    %get3A_20 = vector.load %arg7[%get3A_18, %get3A_19] : memref<1x128xf32, #tpu.memory_space<vmem>>, vector<1x128xf32>
    %add3A_21 = vector.broadcast %get3A_20 : vector<1x128xf32> to vector<1000x128xf32>
    %add3A_22 = arith.addf %add3A_17, %add3A_21 : vector<1000x128xf32>
    %get3A_23 = arith.constant 0 : index
    %get3A_24 = arith.constant 0 : index
    %get3A_25 = vector.load %arg4[%get3A_23, %get3A_24] : memref<1000x128xf32, #tpu.memory_space<vmem>>, vector<1000x128xf32>
    %add3A_26 = arith.addf %add3A_22, %get3A_25 : vector<1000x128xf32>
    %max3A = arith.constant 0.000000e+00 : f32
    %max3A_27 = vector.broadcast %max3A : f32 to vector<1000x128xf32>
    %max3A_28 = arith.maximumf %add3A_26, %max3A_27 : vector<1000x128xf32>
    %swap3A = arith.constant 0 : index
    %swap3A_29 = arith.constant 0 : index
    %swap3A_30 = vector.load %arg8[%swap3A, %swap3A_29] : memref<1000x128xf32, #tpu.memory_space<vmem>>, vector<1000x128xf32>
    tpu.vector_store %arg8[%swap3A, %swap3A_29], %max3A_28 {strides = array<i32>} : memref<1000x128xf32, #tpu.memory_space<vmem>>, vector<1000x128xf32>,
    return
  }
  func.func @transform_0(%arg0: i32) -> (i32, i32) {
    %c0_i32 = arith.constant 0 : i32
    %c0_i32_0 = arith.constant 0 : i32
    return %arg0, %c0_i32 : i32, i32
  }
  func.func @transform_1(%arg0: i32) -> (i32, i32) {
    %c0_i32 = arith.constant 0 : i32
    %c0_i32_0 = arith.constant 0 : i32
    return %arg0, %c0_i32 : i32, i32
  }
  func.func @transform_2(%arg0: i32) -> (i32, i32) {
    %c0_i32 = arith.constant 0 : i32
    %c0_i32_0 = arith.constant 0 : i32
    return %arg0, %c0_i32 : i32, i32
  }
  func.func @transform_3(%arg0: i32) -> (i32, i32) {
    %c0_i32 = arith.constant 0 : i32
    %c0_i32_0 = arith.constant 0 : i32
    return %arg0, %c0_i32 : i32, i32
  }
  func.func @transform_4(%arg0: i32) -> (i32, i32) {
    %c0_i32 = arith.constant 0 : i32
    %c0_i32_0 = arith.constant 0 : i32
    %c0_i32_1 = arith.constant 0 : i32
    return %c0_i32, %c0_i32_0 : i32, i32
  }
  func.func @transform_5(%arg0: i32) -> (i32, i32) {
    %c0_i32 = arith.constant 0 : i32
    %c0_i32_0 = arith.constant 0 : i32
    %c0_i32_1 = arith.constant 0 : i32
    return %c0_i32, %c0_i32_0 : i32, i32
  }
  func.func @transform_6(%arg0: i32) -> (i32, i32) {
    %c0_i32 = arith.constant 0 : i32
    %c0_i32_0 = arith.constant 0 : i32
    %c0_i32_1 = arith.constant 0 : i32
    return %c0_i32, %c0_i32_0 : i32, i32
  }
  func.func @transform_7(%arg0: i32) -> (i32, i32) {
    %c0_i32 = arith.constant 0 : i32
    %c0_i32_0 = arith.constant 0 : i32
    return %arg0, %c0_i32 : i32, i32
  }
}

module attributes {stable_mosaic.version = 14 : i64} {
  func.func @_head_body(%arg0: i32, %arg1: memref<1000x128xf32, #tpu.memory_space<vmem>>, %arg2: memref<128x128xf32, #tpu.memory_space<vmem>>, %arg3: memref<1x128xf32, #tpu.memory_space<vmem>>, %arg4: memref<128x128xf32, #tpu.memory_space<vmem>>, %arg5: memref<1x128xf32, #tpu.memory_space<vmem>>, %arg6: memref<128x128xf32, #tpu.memory_space<vmem>>, %arg7: memref<128x128xf32, #tpu.memory_space<vmem>>, %arg8: memref<1x128xf32, #tpu.memory_space<vmem>>, %arg9: memref<128x128xf32, #tpu.memory_space<vmem>>, %arg10: memref<1x128xf32, #tpu.memory_space<vmem>>, %arg11: memref<128x128xf32, #tpu.memory_space<vmem>>, %arg12: memref<1000x128xf32, #tpu.memory_space<vmem>>, %arg13: memref<1000x128xf32, #tpu.memory_space<vmem>>) attributes {dimension_semantics = [#tpu.dimension_semantics<arbitrary>], iteration_bounds = array<i64: 10>, scalar_prefetch = 0 : i64, scratch_operands = 0 : i64, tpu.core_type = #tpu.core_type<tc>, window_params = [{transform_indices = @transform_0, window_bounds = array<i64: 1000, 128>}, {pipeline_mode = #tpu.pipeline_mode<synchronous>, transform_indices = @transform_1, window_bounds = array<i64: 128, 128>}, {pipeline_mode = #tpu.pipeline_mode<synchronous>, transform_indices = @transform_2, window_bounds = array<i64: 1, 128>}, {pipeline_mode = #tpu.pipeline_mode<synchronous>, transform_indices = @transform_3, window_bounds = array<i64: 128, 128>}, {pipeline_mode = #tpu.pipeline_mode<synchronous>, transform_indices = @transform_4, window_bounds = array<i64: 1, 128>}, {pipeline_mode = #tpu.pipeline_mode<synchronous>, transform_indices = @transform_5, window_bounds = array<i64: 128, 128>}, {pipeline_mode = #tpu.pipeline_mode<synchronous>, transform_indices = @transform_6, window_bounds = array<i64: 128, 128>}, {pipeline_mode = #tpu.pipeline_mode<synchronous>, transform_indices = @transform_7, window_bounds = array<i64: 1, 128>}, {pipeline_mode = #tpu.pipeline_mode<synchronous>, transform_indices = @transform_8, window_bounds = array<i64: 128, 128>}, {pipeline_mode = #tpu.pipeline_mode<synchronous>, transform_indices = @transform_9, window_bounds = array<i64: 1, 128>}, {pipeline_mode = #tpu.pipeline_mode<synchronous>, transform_indices = @transform_10, window_bounds = array<i64: 128, 128>}, {transform_indices = @transform_11, window_bounds = array<i64: 1000, 128>}, {transform_indices = @transform_12, window_bounds = array<i64: 1000, 128>}]} {
    %get3A = arith.constant 0 : index
    %get3A_0 = arith.constant 0 : index
    %get3A_1 = vector.load %arg1[%get3A, %get3A_0] : memref<1000x128xf32, #tpu.memory_space<vmem>>, vector<1000x128xf32>
    %get3A_2 = arith.constant 0 : index
    %get3A_3 = arith.constant 0 : index
    %get3A_4 = vector.load %arg2[%get3A_2, %get3A_3] : memref<128x128xf32, #tpu.memory_space<vmem>>, vector<128x128xf32>
    %dot_general3A = arith.constant dense<0.000000e+00> : vector<1000x128xf32>
    %dot_general3A_5 = tpu.matmul %get3A_1, %get3A_4, %dot_general3A {dimension_numbers = #tpu.dot_dimension_numbers<[1], [0], [0], [1], [0, 0, 1, 1], [], []>, transpose_lhs_hint = false} : vector<1000x128xf32>, vector<128x128xf32>, vector<1000x128xf32> -> vector<1000x128xf32>
    %get3A_6 = arith.constant 0 : index
    %get3A_7 = arith.constant 0 : index
    %get3A_8 = vector.load %arg3[%get3A_6, %get3A_7] : memref<1x128xf32, #tpu.memory_space<vmem>>, vector<1x128xf32>
    %add3A = vector.broadcast %get3A_8 : vector<1x128xf32> to vector<1000x128xf32>
    %add3A_9 = arith.addf %dot_general3A_5, %add3A : vector<1000x128xf32>
    %max3A = arith.constant 0.000000e+00 : f32
    %max3A_10 = vector.broadcast %max3A : f32 to vector<1000x128xf32>
    %max3A_11 = arith.maximumf %add3A_9, %max3A_10 : vector<1000x128xf32>
    %get3A_12 = arith.constant 0 : index
    %get3A_13 = arith.constant 0 : index
    %get3A_14 = vector.load %arg4[%get3A_12, %get3A_13] : memref<128x128xf32, #tpu.memory_space<vmem>>, vector<128x128xf32>
    %dot_general3A_15 = arith.constant dense<0.000000e+00> : vector<1000x128xf32>
    %dot_general3A_16 = tpu.matmul %max3A_11, %get3A_14, %dot_general3A_15 {dimension_numbers = #tpu.dot_dimension_numbers<[1], [0], [0], [1], [0, 0, 1, 1], [], []>, transpose_lhs_hint = false} : vector<1000x128xf32>, vector<128x128xf32>, vector<1000x128xf32> -> vector<1000x128xf32>
    %get3A_17 = arith.constant 0 : index
    %get3A_18 = arith.constant 0 : index
    %get3A_19 = vector.load %arg5[%get3A_17, %get3A_18] : memref<1x128xf32, #tpu.memory_space<vmem>>, vector<1x128xf32>
    %add3A_20 = vector.broadcast %get3A_19 : vector<1x128xf32> to vector<1000x128xf32>
    %add3A_21 = arith.addf %dot_general3A_16, %add3A_20 : vector<1000x128xf32>
    %max3A_22 = arith.constant 0.000000e+00 : f32
    %max3A_23 = vector.broadcast %max3A_22 : f32 to vector<1000x128xf32>
    %max3A_24 = arith.maximumf %add3A_21, %max3A_23 : vector<1000x128xf32>
    %get3A_25 = arith.constant 0 : index
    %get3A_26 = arith.constant 0 : index
    %get3A_27 = vector.load %arg6[%get3A_25, %get3A_26] : memref<128x128xf32, #tpu.memory_space<vmem>>, vector<128x128xf32>
    %dot_general3A_28 = arith.constant dense<0.000000e+00> : vector<1000x128xf32>
    %dot_general3A_29 = tpu.matmul %max3A_24, %get3A_27, %dot_general3A_28 {dimension_numbers = #tpu.dot_dimension_numbers<[1], [0], [0], [1], [0, 0, 1, 1], [], []>, transpose_lhs_hint = false} : vector<1000x128xf32>, vector<128x128xf32>, vector<1000x128xf32> -> vector<1000x128xf32>
    %swap3A = arith.constant 0 : index
    %swap3A_30 = arith.constant 0 : index
    %swap3A_31 = vector.load %arg12[%swap3A, %swap3A_30] : memref<1000x128xf32, #tpu.memory_space<vmem>>, vector<1000x128xf32>
    tpu.vector_store %arg12[%swap3A, %swap3A_30], %dot_general3A_29 {strides = array<i32>} : memref<1000x128xf32, #tpu.memory_space<vmem>>, vector<1000x128xf32>,
    %get3A_32 = arith.constant 0 : index
    %get3A_33 = arith.constant 0 : index
    %get3A_34 = vector.load %arg7[%get3A_32, %get3A_33] : memref<128x128xf32, #tpu.memory_space<vmem>>, vector<128x128xf32>
    %dot_general3A_35 = arith.constant dense<0.000000e+00> : vector<1000x128xf32>
    %dot_general3A_36 = tpu.matmul %get3A_1, %get3A_34, %dot_general3A_35 {dimension_numbers = #tpu.dot_dimension_numbers<[1], [0], [0], [1], [0, 0, 1, 1], [], []>, transpose_lhs_hint = false} : vector<1000x128xf32>, vector<128x128xf32>, vector<1000x128xf32> -> vector<1000x128xf32>
    %get3A_37 = arith.constant 0 : index
    %get3A_38 = arith.constant 0 : index
    %get3A_39 = vector.load %arg8[%get3A_37, %get3A_38] : memref<1x128xf32, #tpu.memory_space<vmem>>, vector<1x128xf32>
    %add3A_40 = vector.broadcast %get3A_39 : vector<1x128xf32> to vector<1000x128xf32>
    %add3A_41 = arith.addf %dot_general3A_36, %add3A_40 : vector<1000x128xf32>
    %max3A_42 = arith.constant 0.000000e+00 : f32
    %max3A_43 = vector.broadcast %max3A_42 : f32 to vector<1000x128xf32>
    %max3A_44 = arith.maximumf %add3A_41, %max3A_43 : vector<1000x128xf32>
    %get3A_45 = arith.constant 0 : index
    %get3A_46 = arith.constant 0 : index
    %get3A_47 = vector.load %arg9[%get3A_45, %get3A_46] : memref<128x128xf32, #tpu.memory_space<vmem>>, vector<128x128xf32>
    %dot_general3A_48 = arith.constant dense<0.000000e+00> : vector<1000x128xf32>
    %dot_general3A_49 = tpu.matmul %max3A_44, %get3A_47, %dot_general3A_48 {dimension_numbers = #tpu.dot_dimension_numbers<[1], [0], [0], [1], [0, 0, 1, 1], [], []>, transpose_lhs_hint = false} : vector<1000x128xf32>, vector<128x128xf32>, vector<1000x128xf32> -> vector<1000x128xf32>
    %get3A_50 = arith.constant 0 : index
    %get3A_51 = arith.constant 0 : index
    %get3A_52 = vector.load %arg10[%get3A_50, %get3A_51] : memref<1x128xf32, #tpu.memory_space<vmem>>, vector<1x128xf32>
    %add3A_53 = vector.broadcast %get3A_52 : vector<1x128xf32> to vector<1000x128xf32>
    %add3A_54 = arith.addf %dot_general3A_49, %add3A_53 : vector<1000x128xf32>
    %max3A_55 = arith.constant 0.000000e+00 : f32
    %max3A_56 = vector.broadcast %max3A_55 : f32 to vector<1000x128xf32>
    %max3A_57 = arith.maximumf %add3A_54, %max3A_56 : vector<1000x128xf32>
    %get3A_58 = arith.constant 0 : index
    %get3A_59 = arith.constant 0 : index
    %get3A_60 = vector.load %arg11[%get3A_58, %get3A_59] : memref<128x128xf32, #tpu.memory_space<vmem>>, vector<128x128xf32>
    %dot_general3A_61 = arith.constant dense<0.000000e+00> : vector<1000x128xf32>
    %dot_general3A_62 = tpu.matmul %max3A_57, %get3A_60, %dot_general3A_61 {dimension_numbers = #tpu.dot_dimension_numbers<[1], [0], [0], [1], [0, 0, 1, 1], [], []>, transpose_lhs_hint = false} : vector<1000x128xf32>, vector<128x128xf32>, vector<1000x128xf32> -> vector<1000x128xf32>
    %swap3A_63 = arith.constant 0 : index
    %swap3A_64 = arith.constant 0 : index
    %swap3A_65 = vector.load %arg13[%swap3A_63, %swap3A_64] : memref<1000x128xf32, #tpu.memory_space<vmem>>, vector<1000x128xf32>
    tpu.vector_store %arg13[%swap3A_63, %swap3A_64], %dot_general3A_62 {strides = array<i32>} : memref<1000x128xf32, #tpu.memory_space<vmem>>, vector<1000x128xf32>,
    return
  }
  func.func @transform_0(%arg0: i32) -> (i32, i32) {
    %c0_i32 = arith.constant 0 : i32
    %c0_i32_0 = arith.constant 0 : i32
    return %arg0, %c0_i32 : i32, i32
  }
  func.func @transform_1(%arg0: i32) -> (i32, i32) {
    %c0_i32 = arith.constant 0 : i32
    %c0_i32_0 = arith.constant 0 : i32
    %c0_i32_1 = arith.constant 0 : i32
    return %c0_i32, %c0_i32_0 : i32, i32
  }
  func.func @transform_2(%arg0: i32) -> (i32, i32) {
    %c0_i32 = arith.constant 0 : i32
    %c0_i32_0 = arith.constant 0 : i32
    %c0_i32_1 = arith.constant 0 : i32
    return %c0_i32, %c0_i32_0 : i32, i32
  }
  func.func @transform_3(%arg0: i32) -> (i32, i32) {
    %c0_i32 = arith.constant 0 : i32
    %c0_i32_0 = arith.constant 0 : i32
    %c0_i32_1 = arith.constant 0 : i32
    return %c0_i32, %c0_i32_0 : i32, i32
  }
  func.func @transform_4(%arg0: i32) -> (i32, i32) {
    %c0_i32 = arith.constant 0 : i32
    %c0_i32_0 = arith.constant 0 : i32
    %c0_i32_1 = arith.constant 0 : i32
    return %c0_i32, %c0_i32_0 : i32, i32
  }
  func.func @transform_5(%arg0: i32) -> (i32, i32) {
    %c0_i32 = arith.constant 0 : i32
    %c0_i32_0 = arith.constant 0 : i32
    %c0_i32_1 = arith.constant 0 : i32
    return %c0_i32, %c0_i32_0 : i32, i32
  }
  func.func @transform_6(%arg0: i32) -> (i32, i32) {
    %c0_i32 = arith.constant 0 : i32
    %c0_i32_0 = arith.constant 0 : i32
    %c0_i32_1 = arith.constant 0 : i32
    return %c0_i32, %c0_i32_0 : i32, i32
  }
  func.func @transform_7(%arg0: i32) -> (i32, i32) {
    %c0_i32 = arith.constant 0 : i32
    %c0_i32_0 = arith.constant 0 : i32
    %c0_i32_1 = arith.constant 0 : i32
    return %c0_i32, %c0_i32_0 : i32, i32
  }
  func.func @transform_8(%arg0: i32) -> (i32, i32) {
    %c0_i32 = arith.constant 0 : i32
    %c0_i32_0 = arith.constant 0 : i32
    %c0_i32_1 = arith.constant 0 : i32
    return %c0_i32, %c0_i32_0 : i32, i32
  }
  func.func @transform_9(%arg0: i32) -> (i32, i32) {
    %c0_i32 = arith.constant 0 : i32
    %c0_i32_0 = arith.constant 0 : i32
    %c0_i32_1 = arith.constant 0 : i32
    return %c0_i32, %c0_i32_0 : i32, i32
  }
  func.func @transform_10(%arg0: i32) -> (i32, i32) {
    %c0_i32 = arith.constant 0 : i32
    %c0_i32_0 = arith.constant 0 : i32
    %c0_i32_1 = arith.constant 0 : i32
    return %c0_i32, %c0_i32_0 : i32, i32
  }
  func.func @transform_11(%arg0: i32) -> (i32, i32) {
    %c0_i32 = arith.constant 0 : i32
    %c0_i32_0 = arith.constant 0 : i32
    return %arg0, %c0_i32 : i32, i32
  }
  func.func @transform_12(%arg0: i32) -> (i32, i32) {
    %c0_i32 = arith.constant 0 : i32
    %c0_i32_0 = arith.constant 0 : i32
    return %arg0, %c0_i32 : i32, i32
  }
}

module attributes {stable_mosaic.version = 14 : i64} {
  func.func @_pool_body(%arg0: i32, %arg1: i32, %arg2: memref<1000x128xf32, #tpu.memory_space<vmem>>, %arg3: memref<1000x128xf32, #tpu.memory_space<vmem>>, %arg4: memref<1000x1xi32, #tpu.memory_space<vmem>>, %arg5: memref<1x1xf32, #tpu.memory_space<vmem>>, %arg6: memref<1x1xf32, #tpu.memory_space<vmem>>, %arg7: memref<1x64xf32, #tpu.memory_space<vmem>>, %arg8: memref<1x64xf32, #tpu.memory_space<vmem>>, %arg9: memref<1x64xf32, #tpu.memory_space<vmem>>, %arg10: memref<1x64xf32, #tpu.memory_space<vmem>>) attributes {dimension_semantics = [#tpu.dimension_semantics<arbitrary>, #tpu.dimension_semantics<arbitrary>], iteration_bounds = array<i64: 2, 10>, scalar_prefetch = 0 : i64, scratch_operands = 3 : i64, tpu.core_type = #tpu.core_type<tc>, window_params = [{transform_indices = @transform_0, window_bounds = array<i64: 1000, 128>}, {transform_indices = @transform_1, window_bounds = array<i64: 1000, 128>}, {transform_indices = @transform_2, window_bounds = array<i64: 1000, 1>}, {pipeline_mode = #tpu.pipeline_mode<synchronous>, transform_indices = @transform_3, window_bounds = array<i64: 1, 1>}, {pipeline_mode = #tpu.pipeline_mode<synchronous>, transform_indices = @transform_4, window_bounds = array<i64: 1, 1>}, {pipeline_mode = #tpu.pipeline_mode<synchronous>, transform_indices = @transform_5, window_bounds = array<i64: 1, 64>}]} {
    %get3A = arith.constant 0 : index
    %get3A_0 = arith.constant 0 : index
    %get3A_1 = vector.load %arg4[%get3A, %get3A_0] : memref<1000x1xi32, #tpu.memory_space<vmem>>, vector<1000x1xi32>
    %iota3A = tpu.iota {dimensions = array<i32: 1>} : vector<1x64xi32>
    %eq3A = vector.broadcast %get3A_1 : vector<1000x1xi32> to vector<1000x64xi32>
    %eq3A_2 = vector.broadcast %iota3A : vector<1x64xi32> to vector<1000x64xi32>
    %eq3A_3 = arith.cmpi eq, %eq3A, %eq3A_2 : vector<1000x64xi32>
    %eq3A_4 = arith.constant 0 : i32
    %eq3A_5 = arith.cmpi eq, %arg0, %eq3A_4 : i32
    %eq3A_6 = arith.constant 0 : i32
    %eq3A_7 = arith.cmpi eq, %arg1, %eq3A_6 : i32
    %and3A = arith.andi %eq3A_5, %eq3A_7 : i1
    %convert_element_type3A = arith.extui %and3A : i1 to i32
    %cond3A = arith.constant 0 : i32
    %cond3A_8 = arith.cmpi ne, %convert_element_type3A, %cond3A : i32
    scf.if %cond3A_8 {
      %broadcast_in_dim3A = arith.constant -1.000000e+30 : f32
      %broadcast_in_dim3A_30 = vector.broadcast %broadcast_in_dim3A : f32 to vector<1x64xf32>
      %swap3A = arith.constant 0 : index
      %swap3A_31 = arith.constant 0 : index
      %swap3A_32 = vector.load %arg8[%swap3A, %swap3A_31] : memref<1x64xf32, #tpu.memory_space<vmem>>, vector<1x64xf32>
      tpu.vector_store %arg8[%swap3A, %swap3A_31], %broadcast_in_dim3A_30 {strides = array<i32>} : memref<1x64xf32, #tpu.memory_space<vmem>>, vector<1x64xf32>,
      %broadcast_in_dim3A_33 = arith.constant 0.000000e+00 : f32
      %broadcast_in_dim3A_34 = vector.broadcast %broadcast_in_dim3A_33 : f32 to vector<1x64xf32>
      %swap3A_35 = arith.constant 0 : index
      %swap3A_36 = arith.constant 0 : index
      %swap3A_37 = vector.load %arg9[%swap3A_35, %swap3A_36] : memref<1x64xf32, #tpu.memory_space<vmem>>, vector<1x64xf32>
      tpu.vector_store %arg9[%swap3A_35, %swap3A_36], %broadcast_in_dim3A_34 {strides = array<i32>} : memref<1x64xf32, #tpu.memory_space<vmem>>, vector<1x64xf32>,
      %broadcast_in_dim3A_38 = arith.constant 0.000000e+00 : f32
      %broadcast_in_dim3A_39 = vector.broadcast %broadcast_in_dim3A_38 : f32 to vector<1x64xf32>
      %swap3A_40 = arith.constant 0 : index
      %swap3A_41 = arith.constant 0 : index
      %swap3A_42 = vector.load %arg10[%swap3A_40, %swap3A_41] : memref<1x64xf32, #tpu.memory_space<vmem>>, vector<1x64xf32>
      tpu.vector_store %arg10[%swap3A_40, %swap3A_41], %broadcast_in_dim3A_39 {strides = array<i32>} : memref<1x64xf32, #tpu.memory_space<vmem>>, vector<1x64xf32>,
    } else {
    }
    %get3A_9 = arith.constant 0 : index
    %get3A_10 = arith.constant 0 : index
    %get3A_11 = vector.load %arg2[%get3A_9, %get3A_10] : memref<1000x128xf32, #tpu.memory_space<vmem>>, vector<1000x128xf32>
    %slice3A = vector.extract_strided_slice %get3A_11 {offsets = [0, 0], sizes = [1000, 1], strides = [1, 1]} : vector<1000x128xf32> to vector<1000x1xf32>
    %eq3A_12 = arith.constant 0 : i32
    %eq3A_13 = arith.cmpi eq, %arg0, %eq3A_12 : i32
    %convert_element_type3A_14 = arith.extui %eq3A_13 : i1 to i32
    %cond3A_15 = arith.constant 0 : i32
    %cond3A_16 = arith.cmpi ne, %convert_element_type3A_14, %cond3A_15 : i32
    scf.if %cond3A_16 {
      %jit3A = arith.constant -1.000000e+30 : f32
      %broadcast_in_dim3A = vector.shape_cast %slice3A : vector<1000x1xf32> to vector<1000x1xf32>
      %broadcast_in_dim3A_30 = vector.broadcast %broadcast_in_dim3A : vector<1000x1xf32> to vector<1000x64xf32>
      %broadcast_in_dim3A_31 = vector.broadcast %jit3A : f32 to vector<1000x64xf32>
      %select_n3A = arith.select %eq3A_3, %broadcast_in_dim3A_30, %broadcast_in_dim3A_31 : vector<1000x64xi1>, vector<1000x64xf32>
      %reduce_max3A = arith.constant dense<0xFF800000> : vector<64xf32>
      %reduce_max3A_32 = vector.multi_reduction <maximumf>, %select_n3A, %reduce_max3A [0] : vector<1000x64xf32> to vector<64xf32>
      %broadcast_in_dim3A_33 = vector.shape_cast %reduce_max3A_32 : vector<64xf32> to vector<1x64xf32>
      %get3A_34 = arith.constant 0 : index
      %get3A_35 = arith.constant 0 : index
      %get3A_36 = vector.load %arg8[%get3A_34, %get3A_35] : memref<1x64xf32, #tpu.memory_space<vmem>>, vector<1x64xf32>
      %max3A = arith.maximumf %get3A_36, %broadcast_in_dim3A_33 : vector<1x64xf32>
      %swap3A = arith.constant 0 : index
      %swap3A_37 = arith.constant 0 : index
      %swap3A_38 = vector.load %arg8[%swap3A, %swap3A_37] : memref<1x64xf32, #tpu.memory_space<vmem>>, vector<1x64xf32>
      tpu.vector_store %arg8[%swap3A, %swap3A_37], %max3A {strides = array<i32>} : memref<1x64xf32, #tpu.memory_space<vmem>>, vector<1x64xf32>,
    } else {
    }
    %eq3A_17 = arith.constant 1 : i32
    %eq3A_18 = arith.cmpi eq, %arg0, %eq3A_17 : i32
    %convert_element_type3A_19 = arith.extui %eq3A_18 : i1 to i32
    %cond3A_20 = arith.constant 0 : i32
    %cond3A_21 = arith.cmpi ne, %convert_element_type3A_19, %cond3A_20 : i32
    scf.if %cond3A_21 {
      %convert_element_type3A_30 = arith.extui %eq3A_3 : vector<1000x64xi1> to vector<1000x64xi32>
      %convert_element_type3A_31 = arith.sitofp %convert_element_type3A_30 : vector<1000x64xi32> to vector<1000x64xf32>
      %get3A_32 = arith.constant 0 : index
      %get3A_33 = arith.constant 0 : index
      %get3A_34 = vector.load %arg8[%get3A_32, %get3A_33] : memref<1x64xf32, #tpu.memory_space<vmem>>, vector<1x64xf32>
      %mul3A = vector.broadcast %get3A_34 : vector<1x64xf32> to vector<1000x64xf32>
      %mul3A_35 = arith.mulf %convert_element_type3A_31, %mul3A : vector<1000x64xf32>
      %reduce_sum3A = arith.constant dense<0.000000e+00> : vector<1000xf32>
      %reduce_sum3A_36 = vector.multi_reduction <add>, %mul3A_35, %reduce_sum3A [1] : vector<1000x64xf32> to vector<1000xf32>
      %broadcast_in_dim3A = vector.shape_cast %reduce_sum3A_36 : vector<1000xf32> to vector<1000x1xf32>
      %sub3A = arith.subf %slice3A, %broadcast_in_dim3A : vector<1000x1xf32>
      %exp3A = math.exp %sub3A : vector<1000x1xf32>
      %mul3A_37 = vector.broadcast %exp3A : vector<1000x1xf32> to vector<1000x64xf32>
      %mul3A_38 = arith.mulf %convert_element_type3A_31, %mul3A_37 : vector<1000x64xf32>
      %reduce_sum3A_39 = arith.constant dense<0.000000e+00> : vector<64xf32>
      %reduce_sum3A_40 = vector.multi_reduction <add>, %mul3A_38, %reduce_sum3A_39 [0] : vector<1000x64xf32> to vector<64xf32>
      %broadcast_in_dim3A_41 = vector.shape_cast %reduce_sum3A_40 : vector<64xf32> to vector<1x64xf32>
      %get3A_42 = arith.constant 0 : index
      %get3A_43 = arith.constant 0 : index
      %get3A_44 = vector.load %arg3[%get3A_42, %get3A_43] : memref<1000x128xf32, #tpu.memory_space<vmem>>, vector<1000x128xf32>
      %slice3A_45 = vector.extract_strided_slice %get3A_44 {offsets = [0, 0], sizes = [1000, 1], strides = [1, 1]} : vector<1000x128xf32> to vector<1000x1xf32>
      %mul3A_46 = arith.mulf %exp3A, %slice3A_45 : vector<1000x1xf32>
      %mul3A_47 = vector.broadcast %mul3A_46 : vector<1000x1xf32> to vector<1000x64xf32>
      %mul3A_48 = arith.mulf %convert_element_type3A_31, %mul3A_47 : vector<1000x64xf32>
      %reduce_sum3A_49 = arith.constant dense<0.000000e+00> : vector<64xf32>
      %reduce_sum3A_50 = vector.multi_reduction <add>, %mul3A_48, %reduce_sum3A_49 [0] : vector<1000x64xf32> to vector<64xf32>
      %broadcast_in_dim3A_51 = vector.shape_cast %reduce_sum3A_50 : vector<64xf32> to vector<1x64xf32>
      %get3A_52 = arith.constant 0 : index
      %get3A_53 = arith.constant 0 : index
      %get3A_54 = vector.load %arg9[%get3A_52, %get3A_53] : memref<1x64xf32, #tpu.memory_space<vmem>>, vector<1x64xf32>
      %add3A = arith.addf %get3A_54, %broadcast_in_dim3A_51 : vector<1x64xf32>
      %swap3A = arith.constant 0 : index
      %swap3A_55 = arith.constant 0 : index
      %swap3A_56 = vector.load %arg9[%swap3A, %swap3A_55] : memref<1x64xf32, #tpu.memory_space<vmem>>, vector<1x64xf32>
      tpu.vector_store %arg9[%swap3A, %swap3A_55], %add3A {strides = array<i32>} : memref<1x64xf32, #tpu.memory_space<vmem>>, vector<1x64xf32>,
      %get3A_57 = arith.constant 0 : index
      %get3A_58 = arith.constant 0 : index
      %get3A_59 = vector.load %arg10[%get3A_57, %get3A_58] : memref<1x64xf32, #tpu.memory_space<vmem>>, vector<1x64xf32>
      %add3A_60 = arith.addf %get3A_59, %broadcast_in_dim3A_41 : vector<1x64xf32>
      %swap3A_61 = arith.constant 0 : index
      %swap3A_62 = arith.constant 0 : index
      %swap3A_63 = vector.load %arg10[%swap3A_61, %swap3A_62] : memref<1x64xf32, #tpu.memory_space<vmem>>, vector<1x64xf32>
      tpu.vector_store %arg10[%swap3A_61, %swap3A_62], %add3A_60 {strides = array<i32>} : memref<1x64xf32, #tpu.memory_space<vmem>>, vector<1x64xf32>,
    } else {
    }
    %eq3A_22 = arith.constant 1 : i32
    %eq3A_23 = arith.cmpi eq, %arg0, %eq3A_22 : i32
    %eq3A_24 = arith.constant 9 : i32
    %eq3A_25 = arith.cmpi eq, %arg1, %eq3A_24 : i32
    %and3A_26 = arith.andi %eq3A_23, %eq3A_25 : i1
    %convert_element_type3A_27 = arith.extui %and3A_26 : i1 to i32
    %cond3A_28 = arith.constant 0 : i32
    %cond3A_29 = arith.cmpi ne, %convert_element_type3A_27, %cond3A_28 : i32
    scf.if %cond3A_29 {
      %get3A_30 = arith.constant 0 : index
      %get3A_31 = arith.constant 0 : index
      %get3A_32 = vector.load %arg10[%get3A_30, %get3A_31] : memref<1x64xf32, #tpu.memory_space<vmem>>, vector<1x64xf32>
      %gt3A = arith.constant 5.000000e-01 : f32
      %gt3A_33 = vector.broadcast %gt3A : f32 to vector<1x64xf32>
      %gt3A_34 = arith.cmpf ogt, %get3A_32, %gt3A_33 : vector<1x64xf32>
      %get3A_35 = arith.constant 0 : index
      %get3A_36 = arith.constant 0 : index
      %get3A_37 = vector.load %arg9[%get3A_35, %get3A_36] : memref<1x64xf32, #tpu.memory_space<vmem>>, vector<1x64xf32>
      %max3A = arith.constant 9.99999968E-21 : f32
      %max3A_38 = vector.broadcast %max3A : f32 to vector<1x64xf32>
      %max3A_39 = arith.maximumf %get3A_32, %max3A_38 : vector<1x64xf32>
      %div3A = arith.divf %get3A_37, %max3A_39 : vector<1x64xf32>
      %get3A_40 = arith.constant 0 : index
      %get3A_41 = arith.constant 0 : index
      %get3A_42 = vector.load %arg6[%get3A_40, %get3A_41] : memref<1x1xf32, #tpu.memory_space<vmem>>, vector<1x1xf32>
      %add3A = vector.broadcast %get3A_42 : vector<1x1xf32> to vector<1x64xf32>
      %add3A_43 = arith.addf %div3A, %add3A : vector<1x64xf32>
      %get3A_44 = arith.constant 0 : index
      %get3A_45 = arith.constant 0 : index
      %get3A_46 = vector.load %arg5[%get3A_44, %get3A_45] : memref<1x1xf32, #tpu.memory_space<vmem>>, vector<1x1xf32>
      %mul3A = arith.constant 0.000000e+00 : f32
      %mul3A_47 = vector.broadcast %mul3A : f32 to vector<1x1xf32>
      %mul3A_48 = arith.mulf %get3A_46, %mul3A_47 : vector<1x1xf32>
      %add3A_49 = vector.broadcast %mul3A_48 : vector<1x1xf32> to vector<1x64xf32>
      %add3A_50 = arith.addf %add3A_43, %add3A_49 : vector<1x64xf32>
      %jit3A = arith.constant 0.000000e+00 : f32
      %broadcast_in_dim3A = vector.broadcast %jit3A : f32 to vector<1x64xf32>
      %select_n3A = arith.select %gt3A_34, %add3A_50, %broadcast_in_dim3A : vector<1x64xi1>, vector<1x64xf32>
      %swap3A = arith.constant 0 : index
      %swap3A_51 = arith.constant 0 : index
      %swap3A_52 = vector.load %arg7[%swap3A, %swap3A_51] : memref<1x64xf32, #tpu.memory_space<vmem>>, vector<1x64xf32>
      tpu.vector_store %arg7[%swap3A, %swap3A_51], %select_n3A {strides = array<i32>} : memref<1x64xf32, #tpu.memory_space<vmem>>, vector<1x64xf32>,
    } else {
    }
    return
  }
  func.func @transform_0(%arg0: i32, %arg1: i32) -> (i32, i32) {
    %c0_i32 = arith.constant 0 : i32
    %c0_i32_0 = arith.constant 0 : i32
    return %arg1, %c0_i32 : i32, i32
  }
  func.func @transform_1(%arg0: i32, %arg1: i32) -> (i32, i32) {
    %c0_i32 = arith.constant 0 : i32
    %c0_i32_0 = arith.constant 0 : i32
    return %arg1, %c0_i32 : i32, i32
  }
  func.func @transform_2(%arg0: i32, %arg1: i32) -> (i32, i32) {
    %c0_i32 = arith.constant 0 : i32
    %c0_i32_0 = arith.constant 0 : i32
    return %arg1, %c0_i32 : i32, i32
  }
  func.func @transform_3(%arg0: i32, %arg1: i32) -> (i32, i32) {
    %c0_i32 = arith.constant 0 : i32
    %c0_i32_0 = arith.constant 0 : i32
    %c0_i32_1 = arith.constant 0 : i32
    return %c0_i32, %c0_i32_0 : i32, i32
  }
  func.func @transform_4(%arg0: i32, %arg1: i32) -> (i32, i32) {
    %c0_i32 = arith.constant 0 : i32
    %c0_i32_0 = arith.constant 0 : i32
    %c0_i32_1 = arith.constant 0 : i32
    return %c0_i32, %c0_i32_0 : i32, i32
  }
  func.func @transform_5(%arg0: i32, %arg1: i32) -> (i32, i32) {
    %c0_i32 = arith.constant 0 : i32
    %c0_i32_0 = arith.constant 0 : i32
    %c0_i32_1 = arith.constant 0 : i32
    return %c0_i32, %c0_i32_0 : i32, i32
  }
}

</mosaic_0001>

<sc_bundles>
// kernel: kernel.21.cloned.1.call-start
scs
__scs_entry_jumppad:
0x0: {  	(pc) =	sbr.rel $0x88, $3  }
0x1: {  	(tag) =	ssettag $0x0;
	lr =	simm.s32 $0x1  }
0x2: {  	[smem:$0x3F88] =	sst lr;
	_ =	strace $0xD0000000  }
0x3: {  	_ = 	snop  }
0x4: {  	_ = 	snop  }
0x5: {  	_ = 	snop  }
0x6: {  	_ = 	snop  }
0x7: {  	_ = 	snop  }
__scs_overlays_trampoline_lowered:
0x8: {  	[smem:$0x3F97] =	sst s0  }
0x9: {  	[smem:$0x3F98] =	sst s1  }
0xa: {  	[smem:$0x3F99] =	sst s2  }
0xb: {  	[smem:$0x3F9A] =	sst s3  }
0xc: {  	[smem:$0x3F9B] =	sst s4  }
0xd: {  	[smem:$0x3F9C] =	sst s5  }
0xe: {  	[smem:$0x3F9D] =	sst s6  }
0xf: {  	[smem:$0x3F9E] =	sst s7  }
0x10: {  	[smem:$0x3F9F] =	sst s8  }
0x11: {  	[smem:$0x3FA0] =	sst s9;
	s0 =	simm.s32 @!p0 $0x0  }
0x12: {  	s1 =	sld [smem:$0x3F86];
	s0 =	simm.s32 @p0 $0x1  }
0x13: {  	[smem:$0x3FA1] =	sst s0;
	s0 =	simm.s32 @!p1 $0x0  }
0x14: {  	s2 =	sld [smem:$0x3F85];
	s0 =	simm.s32 @p1 $0x1  }
0x15: {  	[smem:$0x3FA2] =	sst s0;
	s0 =	simm.s32 @!p2 $0x0  }
0x16: {  	s3 =	sld [smem:$0x3FDB];
	s0 =	simm.s32 @p2 $0x1  }
0x17: {  	s4 =	simm.s32 $0x1BF5;
	[smem:$0x3FA4] =	sst s0  }
0x18: {  	s0 =	sld [smem:$0x3F87];
	_ =	swait.ge [sflag:s4], $0x0  }
0x19: {  	s7 =	sld [smem:$0x3F88]  }
0x1a: {  	s8 =	sadd.s32 $0xFFFFE003, lr  }
0x1b: {  	s9 =	sadd.s32 $0xFFFFFEF7, lr;
	s5 =	simm.s32 $0xFFFFFFFF;
	p2 =	slt.u32 s8, $0xFFFFF086  }
0x1c: {  	p1 =	slt.u32 s9, $0xF7A;
	s5 =	simm.s32 @!p2 $0x0  }
0x1d: {  	s5 =	simm.s32 @p1 $0x1;
	p0 =	seq.s32 s7, s2  }
0x1e: {  	s7 =	smul.u32 @!p0 $0xF7A, s2;
	p2 =	seq.s32 @!p0 s5, $0x0  }
0x1f: {  	s9 =	smul.u32 $0xF7A, s1;
	s8 =	simm.s32 @!p0 $0x1BF5;
	p2 =	por !p2, p0  }
0x20: {  	[sflag:s8] =	ssyncset.s32 @!p0 $0xFFFFF086;
	s6 =	sadd.s32 @!p0 s3, s7;
	s7 =	simm.s32 @!p0 $0x108  }
0x21: {  	s3 =	sadd.s32 s3, s9;
	s6 =	sadd.s32 @!p0 $0x88, s6;
	s7 =	simm.s32 @p2 $0x1082  }
0x22: {  	[simem:s7], [sflag:s8] =	dma.local @!p0 [hbm:s6], $0xF7A  }
0x23: {  	s9 =	sor.u32 $0xD0000000, s2;
	s6 =	simm.s32 $0x108;
	_ =	swait.ge @!p0 [sflag:s8], $0x0  }
0x24: {  	s3 =	sadd.s32 $0x88, s3;
	s6 =	simm.s32 @!p1 $0x1082;
	[sflag:s4] =	ssyncset.s32 $0xFFFFF086  }
0x25: {  	[simem:s6], [sflag:s4] =	dma.local [hbm:s3], $0xF7A  }
0x26: {  	[smem:$0x3F88] =	sst s1;
	(tag) =	ssettag s2;
	_ =	strace s9  }
0x27: {  	s1 =	sld [smem:$0x3F98]  }
0x28: {  	s2 =	sld [smem:$0x3F99]  }
0x29: {  	s4 =	sld [smem:$0x3F9B]  }
0x2a: {  	p0 =	seq.s32 s5, $0x0;
	s5 =	sld [smem:$0x3F9C]  }
0x2b: {  	s6 =	sld [smem:$0x3F9D]  }
0x2c: {  	s7 =	sld [smem:$0x3F9E]  }
0x2d: {  	s3 =	simm.s32 $0x108;
	s8 =	sld [smem:$0x3F9F]  }
0x2e: {  	s3 =	simm.s32 @!p0 $0x1082;
	s9 =	sld [smem:$0x3FA0]  }
0x2f: {  	lr =	sadd.s32 s0, s3;
	s0 =	sld [smem:$0x3F97]  }
0x30: {  	s3 =	sld [smem:$0x3F9A]  }
0x31: {  	[smem:$0x3FA3] =	sst s10  }
0x32: {  	s10 =	sld [smem:$0x3FA1];
	_ =	sdelay $0x3  }
0x33: {  	p0 =	seq.s32 s10, $0x1;
	s10 =	sld [smem:$0x3FA3];
	_ =	sdelay $0x3  }
0x34: {  	[smem:$0x3FA3] =	sst s10  }
0x35: {  	s10 =	sld [smem:$0x3FA2];
	_ =	sdelay $0x3  }
0x36: {  	p1 =	seq.s32 s10, $0x1;
	s10 =	sld [smem:$0x3FA3];
	_ =	sdelay $0x3  }
0x37: {  	[smem:$0x3FA3] =	sst s10  }
0x38: {  	s10 =	sld [smem:$0x3FA4]  }
0x39: {  	_ = 	snop;
	(pc) =	sbr.ind lr, $3  }
0x3a: {  	_ = 	snop  }
0x3b: {  	_ = 	snop  }
0x3c: {  	p2 =	seq.s32 s10, $0x1;
	s10 =	sld [smem:$0x3FA3]  }
0x3d: {  	_ =	shalt  }
0x3e: {  	_ =	shalt  }
0x3f: {  	_ =	shalt  }
0x40: {  	_ =	shalt  }
0x41: {  	_ =	shalt  }
0x42: {  	_ =	shalt  }
0x43: {  	_ =	shalt  }
0x44: {  	_ =	shalt  }
0x45: {  	_ =	shalt  }
0x46: {  	_ =	shalt  }
0x47: {  	_ =	shalt  }
0x48: {  	_ =	shalt  }
0x49: {  	_ =	shalt  }
0x4a: {  	_ =	shalt  }
0x4b: {  	_ =	shalt  }
0x4c: {  	_ =	shalt  }
0x4d: {  	_ =	shalt  }
0x4e: {  	_ =	shalt  }
0x4f: {  	_ =	shalt  }
0x50: {  	_ =	shalt  }
0x51: {  	_ =	shalt  }
0x52: {  	_ =	shalt  }
0x53: {  	_ =	shalt  }
0x54: {  	_ =	shalt  }
0x55: {  	_ =	shalt  }
0x56: {  	_ =	shalt  }
0x57: {  	_ =	shalt  }
0x58: {  	_ =	shalt  }
0x59: {  	_ =	shalt  }
0x5a: {  	_ =	shalt  }
0x5b: {  	_ =	shalt  }
0x5c: {  	_ =	shalt  }
0x5d: {  	_ =	shalt  }
0x5e: {  	_ =	shalt  }
0x5f: {  	_ =	shalt  }
0x60: {  	_ =	shalt  }
0x61: {  	_ =	shalt  }
0x62: {  	_ =	shalt  }
0x63: {  	_ =	shalt  }
0x64: {  	_ =	shalt  }
0x65: {  	_ =	shalt  }
0x66: {  	_ =	shalt  }
0x67: {  	_ =	shalt  }
0x68: {  	_ =	shalt  }
0x69: {  	_ =	shalt  }
0x6a: {  	_ =	shalt  }
0x6b: {  	_ =	shalt  }
0x6c: {  	_ =	shalt  }
0x6d: {  	_ =	shalt  }
0x6e: {  	_ =	shalt  }
0x6f: {  	_ =	shalt  }
0x70: {  	_ =	shalt  }
0x71: {  	_ =	shalt  }
0x72: {  	_ =	shalt  }
0x73: {  	_ =	shalt  }
0x74: {  	_ =	shalt  }
0x75: {  	_ =	shalt  }
0x76: {  	_ =	shalt  }
0x77: {  	_ =	shalt  }
0x78: {  	_ =	shalt  }
0x79: {  	_ =	shalt  }
0x7a: {  	_ =	shalt  }
0x7b: {  	_ =	shalt  }
0x7c: {  	_ =	shalt  }
0x7d: {  	_ =	shalt  }
0x7e: {  	_ =	shalt  }
0x7f: {  	_ =	shalt  }
0x80: {  	_ =	shalt  }
0x81: {  	_ =	shalt  }
0x82: {  	_ =	shalt  }
0x83: {  	_ =	shalt  }
0x84: {  	_ =	shalt  }
0x85: {  	_ =	shalt  }
0x86: {  	_ =	shalt  }
0x87: {  	_ =	shalt  }
.Lfunc_end0:
.L_simem_size_0:
called_computation_lowered:
.L_overlay_start_0:
0x88: {  	s2 =	sld [smem:$0x3FD9]  }
0x89: {  	s3 =	sld [smem:$0x3FFE];
	_ =	sdelay $0x1  }
0x8a: {  	s1 =	srdreg.scid  }
0x8b: {  	s0 =	sand.u32 $0x1, s1  }
0x8c: {  	s16 =	sshll.u32 s0, $0xA;
	s2 =	sadd.s32 s3, s2  }
0x8d: {  	s2 =	sadd.s32 s2, s16  }
0x8e: {  	[smem:$0x3FAF] =	sst s2  }
0x8f: {  	_ = 	snop  }
0x90: {  	(tm) =	ssettm $0x1  }
0x91: {  	s17 =	sld [smem:$0x3FFB];
	_ =	sdelay $0x3  }
0x92: {  	_ =	strace s17  }
0x93: {  	s2 =	sld [smem:$0x3FFC];
	_ =	sdelay $0x3  }
0x94: {  	_ =	strace s2  }
0x95: {  	s2 =	sld [smem:$0x3FFD];
	_ =	sdelay $0x3  }
0x96: {  	_ =	strace s2  }
0x97: {  	_ =	strace $0x8FFFFFFF  }
0x98: {  	s18 =	sld [smem:$0x3FDB];
	_ =	sdelay $0x1  }
0x99: {  	s19 =	simm.s32 $_scs_section_size  }
0x9a: {  	s4 =	simm.s32 $_size__tile_overlayer_lowered;
	s5 =	simm.s32 $_tile_overlayer_lowered  }
0x9b: {  	s22 =	simm.s32 $0x1BFF;
	s21 =	sshll.u32 s5, $0x1;
	s2 =	sadd.s32 s19, s18  }
0x9c: {  	s6 =	simm.s32 $0x0;
	s20 =	sshll.u32 s4, $0x1;
	s4 =	sadd.s32 s21, s2  }
0x9d: {  	[timem:s6], [sflag:s22] =	dma.local [hbm:s4], s20  }
0x9e: {  	_ =	swait.ge [sflag:s22], s20  }
0x9f: {  	s3 =	ssub.s32 $0x0, s20;
	[sflag:s22] =	ssyncset.done $0x0  }
0xa0: {  	[sflag:s22] =	ssyncadd.s32 s3;
	_ =	sdelay $0x1  }
0xa1: {  	s23 =	simm.s32 $0x1B8B  }
0xa2: {  	_ =	swait.ge [sflag:s23], $0x1  }
0xa3: {  	[sflag:s23] =	ssyncset.done $0x0  }
0xa4: {  	s25 =	simm.s32 $0x1B8E;
	s24 =	sld [smem:$0x3FFE];
	[sflag:s23] =	ssyncadd.s32 $0xFFFFFFFF  }
0xa5: {  	s26 =	simm.s32 $execute0_lowered;
	[smem:$0x3FD2] =	sst s25  }
0xa6: {  	s4 =	sshll.u32 s26, $0x1;
	_ =	strace $0x80000046;
	[dreg:$0x1] =	wrdreg $0xFFFFFFFF  }
0xa7: {  	s28 =	simm.s32 $_size_execute0_lowered;
	s2 =	sadd.s32 s2, s4;
	[dreg:$0x0] =	wrdreg $0x0  }
0xa8: {  	s4 =	sshll.u32 s28, $0x1;
	[dreg:$0x2] =	wrdreg s2  }
0xa9: {  	[dreg:$0x3] =	wrdreg s4  }
0xaa: {  	[dreg:$0x4] =	wrdreg $0xC0  }
0xab: {  	_ =	task [dreg:s6], $0x5FFFF  }
0xac: {  	[dreg:$0x1] =	wrdreg $0xFFFFFFFF  }
0xad: {  	[dreg:$0x0] =	wrdreg $0x60  }
0xae: {  	[dreg:$0x2] =	wrdreg s24  }
0xaf: {  	[dreg:$0x3] =	wrdreg $0xC2000  }
0xb0: {  	[dreg:$0x4] =	wrdreg $0x9  }
0xb1: {  	_ =	task.clear_ibuf [dreg:s6], $0x5FFFF;
	_ =	strace $0x90000046  }
0xb2: {  	s29 =	simm.s32 $0x9;
	_ =	strace $0x80000048  }
0xb3: {  	_ =	swait.ge [sflag:s29], $0x1  }
0xb4: {  	[sflag:s29] =	ssyncadd.s32 $0xFFFFFFFF  }
0xb5: {  	_ =	strace $0x90000048  }
0xb6: {  	_ =	sfence  }
0xb7: {  	s30 =	sld [smem:$0x0];
	_ =	sdelay $0x2  }
0xb8: {  	s31 =	sshll.u32 s1, $0xD;
	s1 =	sshrl.u32 s1, $0x2  }
0xb9: {  	s3 =	sand.u32 $0x4000, s31;
	s1 =	sadd.s32 s1, s30  }
0xba: {  	s0 =	sor.u32 s3, s0;
	s1 =	sshll.u32 s1, $0x11  }
0xbb: {  	s0 =	sor.u32 s1, s0  }
0xbc: {  	s0 =	sadd.s32 $0x8F2B, s0  }
0xbd: {  	[sflag:s0] =	ssyncadd.remote.s32 $0x1  }
0xbe: {  	_ =	sfence.sel $0xFFFF  }
0xbf: {  	[dreg:$0x0] =	wrdreg $0xFFFFFFFF;
	(pc) =	sbr.abs _section_cstart, $3  }
0xc0: {  	[dreg:$0x1] =	wrdreg $0xFFFFFFFF  }
0xc1: {  	_ =	task.clear_ibuf [dreg:s6], $0x2FFFF;
	_ =	strace $0x9FFFFFFF  }
0xc2: {  	(tm) =	ssettm $0x7FFFFFFF  }
0xc3: {  	_ =	shalt  }
tec
execute0_lowered:
.L_overlay_start_1:
0x0: {  	(tag) =	ssettag $0x1  }
0x1: {  	s0 =	rddreg [dreg:$0x0]  }
0x2: {  	s1 =	rddreg [dreg:$0x1]  }
0x3: {  	s2 =	simm.s32 $0x0;
	s17 =	stileid.u32;
	s3 =	srdreg.scid  }
0x4: {  	s28 =	simm.s32 $0x8200;
	s30 =	simm.s32 $0x180;
	s31 =	simm.s32 $0x2200  }
0x5: {  	[smem:$0x7FF] =	sst s2;
	s4 =	sadd.s32 $0x68A00, s0;
	s5 =	sadd.s32 $0x8FC00, s0  }
0x6: {  	s29 =	simm.s32 $0x80;
	s6 =	sadd.s32 $0x7B2E00, s0;
	s7 =	sadd.s32 $0x52DE00, s0  }
0x7: {  	s16 =	smul.u32 $0x2700, s17;
	s8 =	sadd.s32 $0x3C800, s0;
	s3 =	sand.u32 $0x1, s3  }
0x8: {  	s9 =	sshll.u32 s17, $0x1;
	s11 =	smul.u32 $0x4E000, s17;
	s12 =	sadd.s32 $0xDE000, s0  }
0x9: {  	s19 =	smul.u32 $0x13800, s17;
	p0 =	seq.s32 s17, $0xF;
	_ =	strace $0x80000047  }
0xa: {  	s10 =	sor.u32 s3, s9;
	s13 =	ssub.s32 $0x2, s3;
	s3 =	smul.u32 $0x138800, s3  }
0xb: {  	s2 =	sadd.s32 s16, s0;
	s9 =	smul.u32 $0x1400, s10;
	s14 =	sshrl.u32 s13, $0x1  }
0xc: {  	s11 =	sshrl.u32 s11, $0x2;
	s10 =	smul.u32 $0x14000, s10;
	s16 =	sadd.s32 $0x124800, s1  }
0xd: {  	s0 =	sadd.s32 $0xDB700, s0;
	s13 =	ssub.s32 s13, s14;
	s11 =	sadd.s32 s11, s1  }
0xe: {  	s2 =	sadd.s32 $0xB6E00, s2;
	[dreg:$0x4] =	wrdreg s0;
	s23 =	sadd.s32 s19, s3  }
0xf: {  	s24 =	sshrl.u32 s3, $0x3;
	s3 =	simm.s32 $0xA200;
	s14 =	simm.s32 $0x0  }
0x10: {  	[dreg:$0x3] =	wrdreg s2;
	s18 =	sshrl.u32 s9, $0x3;
	s22 =	sadd.s32 s6, s10  }
0x11: {  	s15 =	sor.u32 $0x80, s9;
	s0 =	sshrl.u32 s23, $0x3;
	s25 =	sadd.s32 s12, s24  }
0x12: {  	s26 =	smax.u32 s13, $0x1;
	s19 =	sshrl.u32 @!p0 s11, $0x3;
	s23 =	simm.s32 $0x100  }
0x13: {  	s24 =	simm.s32 $0x40;
	s10 =	simm.s32 $0x5;
	[dreg:$0x7] =	wrdreg s22  }
0x14: {  	s11 =	simm.s32 $0x2;
	s13 =	simm.s32 $0x6;
	[dreg:$0xa] =	wrdreg s26  }
0x15: {  	s20 =	sadd.s32 s7, s18;
	s21 =	sadd.s32 s8, s18;
	[dreg:$0xc] =	wrdreg s19  }
0x16: {  	s0 =	sadd.s32 s12, s0;
	s22 =	simm.s32 $0x7;
	[dreg:$0x5] =	wrdreg s20  }
0x17: {  	s26 =	simm.s32 $0x3;
	[dreg:$0x8] =	wrdreg s0;
	s0 =	sadd.s32 $0x24900, s25  }
0x18: {  	s12 =	simm.s32 $0x4;
	[dreg:$0x9] =	wrdreg s0;
	s0 =	sshll.u32 @!p0 s17, $0x6  }
0x19: {  	[dreg:$0x6] =	wrdreg s21;
	s25 =	simm.s32 $0x1;
	s18 =	sor.u32 @!p0 $0x1C07, s0  }
0x1a: {  	s17 =	sshrl.u32 @p0 s16, $0x3;
	s0 =	simm.s32 $0x6200;
	[dreg:$0xb] =	wrdreg s18  }
.LBB2_1:
0x1b: {  	s2 =	simm.s32 @p0 $0x1FC7;
	s16 =	rddreg [dreg:$0x4]  }
0x1c: {  	[spmem:s17], [sflag:s2] =	dma.local @p0 [hbm:s16], $0x2800  }
0x1d: {  	s2 =	simm.s32 @p0 $0x7  }
0x1e: {  	_ =	swait.ge @p0 [sflag:s2], $0x2800  }
0x1f: {  	[sflag:s2] =	ssyncset.done @p0 $0x0  }
0x20: {  	[sflag:s2] =	ssyncadd.s32 @p0 $0xFFFFD800;
	s2 =	rddreg [dreg:$0x3]  }
0x21: {  	[spmem:s19], [sflag:s18] =	dma.local @!p0 [hbm:s2], $0x2700  }
0x22: {  	s2 =	simm.s32 @!p0 $0x7  }
0x23: {  	_ =	swait.ge @!p0 [sflag:s2], $0x2700  }
0x24: {  	[sflag:s2] =	ssyncset.done @!p0 $0x0  }
0x25: {  	[sflag:s2] =	ssyncadd.s32 @!p0 $0xFFFFD900  }
0x26: {  	[bflag:$0x0] =	sbarrier.arrive $0xFFFF  }
0x27: {  	s2 =	simm.s32 $0x0;
	s20 =	rddreg [dreg:$0x5]  }
0x28: {  	[tilespmem:s2], [sflag:$0x7] =	stream.linear.gather [hbm4b:s20+s2], $0x40, $0x38;
	[tilespmem:$0x1FAC0] =	vst v63  }
0x29: {  	_ =	swait.ge [sflag:s22], $0x40  }
0x2a: {  	[sflag:s22] =	ssyncset.done $0x0  }
0x2b: {  	s21 =	smov.u32 s17;
	s17 =	rddreg [dreg:$0x6];
	[sflag:s22] =	ssyncadd.s32 $0xFFFFFFC0  }
0x2c: {  	[tilespmem:s23], [sflag:$0x7] =	stream.linear.gather [hbm4b:s17+s2], $0x40, $0x38;
	[tilespmem:$0x1FAC0] =	vst v63  }
0x2d: {  	_ =	swait.ge [sflag:s22], $0x40  }
0x2e: {  	[sflag:s22] =	ssyncset.done $0x0  }
0x2f: {  	s18 =	simm.s32 $0x200;
	[sflag:s22] =	ssyncadd.s32 $0xFFFFFFC0  }
0x30: {  	[tilespmem:s18], [sflag:$0x1] =	stream.indirect.gather [hbm4b:s4+s24], $0x80, s2, s24, $0xb8;
	[tilespmem:$0x1FAC0] =	vst v63  }
0x31: {  	s19 =	simm.s32 $0x4200  }
0x32: {  	[tilespmem:s19], [sflag:$0x3] =	stream.indirect.gather [hbm4b:s5+s24], $0x80, s23, s24, $0xb8;
	[tilespmem:$0x1FAC0] =	vst v63  }
0x33: {  	s16 =	simm.s32 $0x0;
	s20 =	rddreg [dreg:$0x7]  }
0x34: {  	[tilespmem:s28], [sflag:$0x5] =	stream.linear.gather [hbm4b:s20+s2], $0x2000, $0x38;
	[tilespmem:$0x1FAC0] =	vst v63  }
.LBB2_2:
0x35: {  	s17 =	sshll.u32 s16, $0x7  }
0x36: {  	s2 =	sadd.s32 s17, s9  }
0x37: {  	s2 =	sadd.s32 $0x40, s2  }
0x38: {  	s18 =	sshrl.u32 s2, $0x3  }
0x39: {  	s20 =	simm.s32 $0x0;
	s19 =	sadd.s32 s7, s18  }
0x3a: {  	[tilespmem:s29], [sflag:$0x7] =	stream.linear.gather [hbm4b:s19+s20], $0x40, $0x38;
	[tilespmem:$0x1FAC0] =	vst v63  }
0x3b: {  	_ =	swait.ge [sflag:s22], $0x40  }
0x3c: {  	[sflag:s22] =	ssyncset.done $0x0  }
0x3d: {  	s18 =	sadd.s32 s8, s18;
	[sflag:s22] =	ssyncadd.s32 $0xFFFFFFC0  }
0x3e: {  	[tilespmem:s30], [sflag:$0x7] =	stream.linear.gather [hbm4b:s18+s20], $0x40, $0x38;
	[tilespmem:$0x1FAC0] =	vst v63  }
0x3f: {  	_ =	swait.ge [sflag:s22], $0x40  }
0x40: {  	[sflag:s22] =	ssyncset.done $0x0  }
0x41: {  	[sflag:s22] =	ssyncadd.s32 $0xFFFFFFC0  }
0x42: {  	[tilespmem:s31], [sflag:$0x2] =	stream.indirect.gather [hbm4b:s4+s24], $0x80, s29, s24, $0xb8;
	[tilespmem:$0x1FAC0] =	vst v63  }
0x43: {  	s2 =	sshll.u32 s2, $0x4  }
0x44: {  	[tilespmem:s0], [sflag:$0x4] =	stream.indirect.gather [hbm4b:s5+s24], $0x80, s30, s24, $0xb8;
	[tilespmem:$0x1FAC0] =	vst v63  }
0x45: {  	s2 =	sadd.s32 s6, s2  }
0x46: {  	[tilespmem:s3], [sflag:$0x6] =	stream.linear.gather [hbm4b:s2+s20], $0x2000, $0x38;
	[tilespmem:$0x1FAC0] =	vst v63  }
0x47: {  	_ =	swait.ge [sflag:s25], $0x2000  }
0x48: {  	[sflag:s25] =	ssyncset.done $0x0  }
0x49: {  	[sflag:s25] =	ssyncadd.s32 $0xFFFFE000  }
0x4a: {  	_ =	swait.ge [sflag:s26], $0x2000  }
0x4b: {  	[sflag:s26] =	ssyncset.done $0x0  }
0x4c: {  	[sflag:s26] =	ssyncadd.s32 $0xFFFFE000  }
0x4d: {  	_ =	swait.ge [sflag:s10], $0x2000  }
0x4e: {  	[sflag:s10] =	ssyncset.done $0x0  }
0x4f: {  	s18 =	simm.s32 $0x0;
	[sflag:s10] =	ssyncadd.s32 $0xFFFFE000  }
0x50: {  	v12 =	vld [tilespmem:s18+$0x200]  }
0x51: {  	v17 =	vld [tilespmem:s18+$0x4200]  }
0x52: {  	v19 =	vld [tilespmem:s18+$0x210]  }
0x53: {  	v20 =	vld [tilespmem:s18+$0x4210]  }
0x54: {  	v5 =	vld [tilespmem:s18+$0x220]  }
0x55: {  	v9 =	vld [tilespmem:s18+$0x4220]  }
0x56: {  	v7 =	vld [tilespmem:s18+$0x230]  }
0x57: {  	v11 =	vld [tilespmem:s18+$0x4230]  }
0x58: {  	v8 =	vld [tilespmem:s18+$0x240]  }
0x59: {  	v10 =	vld [tilespmem:s18+$0x4240]  }
0x5a: {  	v4 =	vld [tilespmem:s18+$0x250]  }
0x5b: {  	v6 =	vld [tilespmem:s18+$0x4250]  }
0x5c: {  	v2 =	vld [tilespmem:s18+$0x260]  }
0x5d: {  	v3 =	vld [tilespmem:s18+$0x4260]  }
0x5e: {  	v0 =	vld [tilespmem:s18+$0x270]  }
0x5f: {  	v1 =	vld [tilespmem:s18+$0x4270]  }
0x60: {  	v16 =	vld [tilespmem:s18+$0x8200]  }
0x61: {  	v15 =	vld [tilespmem:s18+$0x8210]  }
0x62: {  	v14 =	vld [tilespmem:s18+$0x8220]  }
0x63: {  	v13 =	vld [tilespmem:s18+$0x8230];
	v18 =	vadd.f32 v17, v12  }
0x64: {  	s2 =	simm.s32 $0x200;
	v17 =	vadd.f32 v20, v19;
	v12 =	vld [tilespmem:s18+$0x8240]  }
.LBB2_3:
0x65: {  	p1 =	sne.s32 s2, $0x7E00;
	v16 =	vadd.f32 v16, v18;
	v5 =	vadd.f32 v9, v5;
	v9 =	vld [tilespmem:s18+$0x8250]  }
0x66: {  	v7 =	vadd.f32 v11, v7;
	v15 =	vadd.f32 v15, v17;
	v11 =	vld [tilespmem:s18+$0x8260]  }
0x67: {  	s19 =	sshra.s32 s2, $0x2;
	v8 =	vadd.f32 v10, v8;
	v16 =	vmax.f32 v16, $0.0e+00;
	v5 =	vadd.f32 v14, v5;
	v10 =	vld [tilespmem:s18+$0x8270]  }
0x68: {  	v4 =	vadd.f32 v6, v4;
	v17 =	vld [tilespmem:s19+$0x200];
	[tilespmem:s18+$0x8200] =	vst v16;
	v14 =	vmax.f32 v15, $0.0e+00;
	v7 =	vadd.f32 v13, v7  }
0x69: {  	v2 =	vadd.f32 v3, v2;
	v13 =	vld [tilespmem:s19+$0x4200];
	[tilespmem:s18+$0x8210] =	vst v14;
	v5 =	vmax.f32 v5, $0.0e+00;
	v6 =	vadd.f32 v12, v8  }
0x6a: {  	v0 =	vadd.f32 v1, v0;
	v12 =	vld [tilespmem:s19+$0x210];
	[tilespmem:s18+$0x8220] =	vst v5;
	v3 =	vmax.f32 v7, $0.0e+00;
	v4 =	vadd.f32 v9, v4  }
0x6b: {  	v19 =	vld [tilespmem:s19+$0x4210];
	[tilespmem:s18+$0x8230] =	vst v3;
	v1 =	vmax.f32 v6, $0.0e+00;
	v2 =	vadd.f32 v11, v2  }
0x6c: {  	v5 =	vld [tilespmem:s19+$0x220];
	[tilespmem:s18+$0x8240] =	vst v1;
	v1 =	vmax.f32 v4, $0.0e+00;
	v0 =	vadd.f32 v10, v0  }
0x6d: {  	v9 =	vld [tilespmem:s19+$0x4220];
	[tilespmem:s18+$0x8250] =	vst v1;
	v1 =	vmax.f32 v2, $0.0e+00  }
0x6e: {  	v7 =	vld [tilespmem:s19+$0x230];
	[tilespmem:s18+$0x8260] =	vst v1;
	v0 =	vmax.f32 v0, $0.0e+00  }
0x6f: {  	v11 =	vld [tilespmem:s19+$0x4230];
	[tilespmem:s18+$0x8270] =	vst v0;
	s18 =	smov.u32 s19  }
0x70: {  	v8 =	vld [tilespmem:s18+$0x240]  }
0x71: {  	v10 =	vld [tilespmem:s18+$0x4240]  }
0x72: {  	v4 =	vld [tilespmem:s18+$0x250]  }
0x73: {  	v6 =	vld [tilespmem:s18+$0x4250]  }
0x74: {  	v2 =	vld [tilespmem:s18+$0x260]  }
0x75: {  	v3 =	vld [tilespmem:s18+$0x4260]  }
0x76: {  	v0 =	vld [tilespmem:s18+$0x270]  }
0x77: {  	v1 =	vld [tilespmem:s18+$0x4270]  }
.Ltmp0:
0x78: {  	v16 =	vld [tilespmem:s18+$0x8200];
	(pc) =	sbr.rel @p1 .LBB2_3-.Ltmp0, $4  }
0x79: {  	v15 =	vld [tilespmem:s18+$0x8210]  }
0x7a: {  	v14 =	vld [tilespmem:s18+$0x8220]  }
0x7b: {  	v18 =	vadd.f32 v13, v17;
	v13 =	vld [tilespmem:s18+$0x8230]  }
0x7c: {  	s2 =	sadd.s32 $0x200, s2;
	v17 =	vadd.f32 v19, v12;
	v12 =	vld [tilespmem:s18+$0x8240]  }
0x7d: {  	v16 =	vadd.f32 v16, v18  }
0x7e: {  	v5 =	vadd.f32 v9, v5;
	v9 =	vld [tilespmem:s18+$0x8250];
	v7 =	vadd.f32 v11, v7  }
0x7f: {  	v8 =	vadd.f32 v10, v8;
	v10 =	vld [tilespmem:s18+$0x8270];
	v15 =	vadd.f32 v15, v17  }
0x80: {  	v11 =	vld [tilespmem:s18+$0x8260];
	v16 =	vmax.f32 v16, $0.0e+00;
	v5 =	vadd.f32 v14, v5  }
0x81: {  	v4 =	vadd.f32 v6, v4;
	[tilespmem:s18+$0x8200] =	vst v16;
	v14 =	vmax.f32 v15, $0.0e+00;
	v7 =	vadd.f32 v13, v7  }
0x82: {  	v0 =	vadd.f32 v1, v0;
	[tilespmem:s18+$0x8210] =	vst v14;
	v5 =	vmax.f32 v5, $0.0e+00;
	v6 =	vadd.f32 v12, v8  }
0x83: {  	v2 =	vadd.f32 v3, v2;
	[tilespmem:s18+$0x8220] =	vst v5;
	v3 =	vmax.f32 v7, $0.0e+00;
	v4 =	vadd.f32 v9, v4  }
0x84: {  	v0 =	vadd.f32 v10, v0;
	[tilespmem:s18+$0x8230] =	vst v3;
	v1 =	vmax.f32 v6, $0.0e+00  }
0x85: {  	v2 =	vadd.f32 v11, v2;
	[tilespmem:s18+$0x8240] =	vst v1;
	v1 =	vmax.f32 v4, $0.0e+00  }
0x86: {  	v0 =	vmax.f32 v0, $0.0e+00;
	[tilespmem:s18+$0x8250] =	vst v1  }
0x87: {  	v1 =	vmax.f32 v2, $0.0e+00;
	[tilespmem:s18+$0x8270] =	vst v0  }
0x88: {  	p1 =	seq.s32 s16, $0x27;
	[tilespmem:s18+$0x8260] =	vst v1  }
0x89: {  	[spmem:s1] =	stream.indirect.scatter.add.f32 [tilespmem:s28], [sflag:$0x7], $0x80, s23, s24, $0xb8;
	[tilespmem:$0x1FAC0] =	vst v63  }
0x8a: {  	s2 =	sadd.s32 @!p1 s17, s15;
	_ =	swait.ge [sflag:s22], $0x2000  }
0x8b: {  	s17 =	sshrl.u32 @!p1 s2, $0x3;
	[sflag:s22] =	ssyncset.done $0x0  }
0x8c: {  	s19 =	simm.s32 @!p1 $0x0;
	s18 =	sadd.s32 @!p1 s7, s17;
	[sflag:s22] =	ssyncadd.s32 $0xFFFFE000  }
0x8d: {  	[tilespmem:s19], [sflag:$0x7] =	stream.linear.gather @!p1 [hbm4b:s18+s19], $0x40, $0x38;
	[tilespmem:$0x1FAC0] =	vst v63  }
0x8e: {  	s18 =	simm.s32 @!p1 $0x7  }
0x8f: {  	_ =	swait.ge @!p1 [sflag:s18], $0x40  }
0x90: {  	[sflag:s18] =	ssyncset.done @!p1 $0x0  }
0x91: {  	s20 =	simm.s32 @!p1 $0x100;
	s17 =	sadd.s32 @!p1 s8, s17;
	[sflag:s18] =	ssyncadd.s32 @!p1 $0xFFFFFFC0  }
0x92: {  	[tilespmem:s20], [sflag:$0x7] =	stream.linear.gather @!p1 [hbm4b:s17+s19], $0x40, $0x38;
	[tilespmem:$0x1FAC0] =	vst v63  }
0x93: {  	_ =	swait.ge @!p1 [sflag:s18], $0x40  }
0x94: {  	[sflag:s18] =	ssyncset.done @!p1 $0x0  }
0x95: {  	s17 =	simm.s32 @!p1 $0x40;
	[sflag:s18] =	ssyncadd.s32 @!p1 $0xFFFFFFC0;
	s18 =	simm.s32 @!p1 $0x200  }
0x96: {  	[tilespmem:s18], [sflag:$0x1] =	stream.indirect.gather @!p1 [hbm4b:s4+s17], $0x80, s19, s17, $0xb8;
	[tilespmem:$0x1FAC0] =	vst v63  }
0x97: {  	s2 =	sshll.u32 @!p1 s2, $0x4;
	s18 =	simm.s32 @!p1 $0x4200  }
0x98: {  	[tilespmem:s18], [sflag:$0x3] =	stream.indirect.gather @!p1 [hbm4b:s5+s17], $0x80, s20, s17, $0xb8;
	[tilespmem:$0x1FAC0] =	vst v63  }
0x99: {  	s2 =	sadd.s32 @!p1 s6, s2;
	s17 =	simm.s32 @!p1 $0x8200  }
0x9a: {  	[tilespmem:s17], [sflag:$0x5] =	stream.linear.gather @!p1 [hbm4b:s2+s19], $0x2000, $0x38;
	[tilespmem:$0x1FAC0] =	vst v63  }
0x9b: {  	_ =	swait.ge [sflag:s11], $0x2000  }
0x9c: {  	[sflag:s11] =	ssyncset.done $0x0  }
0x9d: {  	[sflag:s11] =	ssyncadd.s32 $0xFFFFE000  }
0x9e: {  	_ =	swait.ge [sflag:s12], $0x2000  }
0x9f: {  	[sflag:s12] =	ssyncset.done $0x0  }
0xa0: {  	[sflag:s12] =	ssyncadd.s32 $0xFFFFE000  }
0xa1: {  	_ =	swait.ge [sflag:s13], $0x2000  }
0xa2: {  	[sflag:s13] =	ssyncset.done $0x0  }
0xa3: {  	s17 =	simm.s32 $0x0;
	[sflag:s13] =	ssyncadd.s32 $0xFFFFE000  }
0xa4: {  	v12 =	vld [tilespmem:s17+$0x2200]  }
0xa5: {  	v17 =	vld [tilespmem:s17+$0x6200]  }
0xa6: {  	v19 =	vld [tilespmem:s17+$0x2210]  }
0xa7: {  	v20 =	vld [tilespmem:s17+$0x6210]  }
0xa8: {  	v5 =	vld [tilespmem:s17+$0x2220]  }
0xa9: {  	v9 =	vld [tilespmem:s17+$0x6220]  }
0xaa: {  	v7 =	vld [tilespmem:s17+$0x2230]  }
0xab: {  	v11 =	vld [tilespmem:s17+$0x6230]  }
0xac: {  	v8 =	vld [tilespmem:s17+$0x2240]  }
0xad: {  	v10 =	vld [tilespmem:s17+$0x6240]  }
0xae: {  	v4 =	vld [tilespmem:s17+$0x2250]  }
0xaf: {  	v6 =	vld [tilespmem:s17+$0x6250]  }
0xb0: {  	v2 =	vld [tilespmem:s17+$0x2260]  }
0xb1: {  	v3 =	vld [tilespmem:s17+$0x6260]  }
0xb2: {  	v0 =	vld [tilespmem:s17+$0x2270]  }
0xb3: {  	v1 =	vld [tilespmem:s17+$0x6270]  }
0xb4: {  	v16 =	vld [tilespmem:s17+$0xA200]  }
0xb5: {  	v15 =	vld [tilespmem:s17+$0xA210]  }
0xb6: {  	v14 =	vld [tilespmem:s17+$0xA220]  }
0xb7: {  	v13 =	vld [tilespmem:s17+$0xA230];
	v18 =	vadd.f32 v17, v12  }
0xb8: {  	s2 =	simm.s32 $0x200;
	v17 =	vadd.f32 v20, v19;
	v12 =	vld [tilespmem:s17+$0xA240]  }
.LBB2_5:
0xb9: {  	p1 =	sne.s32 s2, $0x7E00;
	v16 =	vadd.f32 v16, v18;
	v5 =	vadd.f32 v9, v5;
	v9 =	vld [tilespmem:s17+$0xA250]  }
0xba: {  	v7 =	vadd.f32 v11, v7;
	v15 =	vadd.f32 v15, v17;
	v11 =	vld [tilespmem:s17+$0xA260]  }
0xbb: {  	s18 =	sshra.s32 s2, $0x2;
	v8 =	vadd.f32 v10, v8;
	v16 =	vmax.f32 v16, $0.0e+00;
	v5 =	vadd.f32 v14, v5;
	v10 =	vld [tilespmem:s17+$0xA270]  }
0xbc: {  	v4 =	vadd.f32 v6, v4;
	v17 =	vld [tilespmem:s18+$0x2200];
	[tilespmem:s17+$0xA200] =	vst v16;
	v14 =	vmax.f32 v15, $0.0e+00;
	v7 =	vadd.f32 v13, v7  }
0xbd: {  	v2 =	vadd.f32 v3, v2;
	v13 =	vld [tilespmem:s18+$0x6200];
	[tilespmem:s17+$0xA210] =	vst v14;
	v5 =	vmax.f32 v5, $0.0e+00;
	v6 =	vadd.f32 v12, v8  }
0xbe: {  	v0 =	vadd.f32 v1, v0;
	v12 =	vld [tilespmem:s18+$0x2210];
	[tilespmem:s17+$0xA220] =	vst v5;
	v3 =	vmax.f32 v7, $0.0e+00;
	v4 =	vadd.f32 v9, v4  }
0xbf: {  	v19 =	vld [tilespmem:s18+$0x6210];
	[tilespmem:s17+$0xA230] =	vst v3;
	v1 =	vmax.f32 v6, $0.0e+00;
	v2 =	vadd.f32 v11, v2  }
0xc0: {  	v5 =	vld [tilespmem:s18+$0x2220];
	[tilespmem:s17+$0xA240] =	vst v1;
	v1 =	vmax.f32 v4, $0.0e+00;
	v0 =	vadd.f32 v10, v0  }
0xc1: {  	v9 =	vld [tilespmem:s18+$0x6220];
	[tilespmem:s17+$0xA250] =	vst v1;
	v1 =	vmax.f32 v2, $0.0e+00  }
0xc2: {  	v7 =	vld [tilespmem:s18+$0x2230];
	[tilespmem:s17+$0xA260] =	vst v1;
	v0 =	vmax.f32 v0, $0.0e+00  }
0xc3: {  	v11 =	vld [tilespmem:s18+$0x6230];
	[tilespmem:s17+$0xA270] =	vst v0;
	s17 =	smov.u32 s18  }
0xc4: {  	v8 =	vld [tilespmem:s17+$0x2240]  }
0xc5: {  	v10 =	vld [tilespmem:s17+$0x6240]  }
0xc6: {  	v4 =	vld [tilespmem:s17+$0x2250]  }
0xc7: {  	v6 =	vld [tilespmem:s17+$0x6250]  }
0xc8: {  	v2 =	vld [tilespmem:s17+$0x2260]  }
0xc9: {  	v3 =	vld [tilespmem:s17+$0x6260]  }
0xca: {  	v0 =	vld [tilespmem:s17+$0x2270]  }
0xcb: {  	v1 =	vld [tilespmem:s17+$0x6270]  }
.Ltmp1:
0xcc: {  	v16 =	vld [tilespmem:s17+$0xA200];
	(pc) =	sbr.rel @p1 .LBB2_5-.Ltmp1, $4  }
0xcd: {  	v15 =	vld [tilespmem:s17+$0xA210]  }
0xce: {  	v14 =	vld [tilespmem:s17+$0xA220]  }
0xcf: {  	v18 =	vadd.f32 v13, v17;
	v13 =	vld [tilespmem:s17+$0xA230]  }
0xd0: {  	s2 =	sadd.s32 $0x200, s2;
	v17 =	vadd.f32 v19, v12;
	v12 =	vld [tilespmem:s17+$0xA240]  }
0xd1: {  	v16 =	vadd.f32 v16, v18;
	v5 =	vadd.f32 v9, v5;
	v55 =	vld [tilespmem:s17+$0xA250]  }
0xd2: {  	v7 =	vadd.f32 v11, v7;
	v56 =	vld [tilespmem:s17+$0xA260];
	v15 =	vadd.f32 v15, v17  }
0xd3: {  	v8 =	vadd.f32 v10, v8;
	v57 =	vld [tilespmem:s17+$0xA270];
	v16 =	vmax.f32 v16, $0.0e+00;
	v5 =	vadd.f32 v14, v5  }
0xd4: {  	v4 =	vadd.f32 v6, v4;
	[tilespmem:s17+$0xA200] =	vst v16;
	v58 =	vmax.f32 v15, $0.0e+00;
	v7 =	vadd.f32 v13, v7  }
0xd5: {  	v2 =	vadd.f32 v3, v2;
	[tilespmem:s17+$0xA210] =	vst v58;
	v5 =	vmax.f32 v5, $0.0e+00;
	v59 =	vadd.f32 v12, v8  }
0xd6: {  	v0 =	vadd.f32 v1, v0;
	[tilespmem:s17+$0xA220] =	vst v5;
	v60 =	vmax.f32 v7, $0.0e+00;
	v4 =	vadd.f32 v55, v4  }
0xd7: {  	v2 =	vadd.f32 v56, v2;
	[tilespmem:s17+$0xA230] =	vst v60;
	v61 =	vmax.f32 v59, $0.0e+00  }
0xd8: {  	v0 =	vadd.f32 v57, v0;
	[tilespmem:s17+$0xA240] =	vst v61;
	v62 =	vmax.f32 v4, $0.0e+00  }
0xd9: {  	s16 =	sadd.s32 $0x1, s16;
	v63 =	vmax.f32 v2, $0.0e+00;
	[tilespmem:s17+$0xA250] =	vst v62  }
0xda: {  	p1 =	sne.s32 s16, $0x28;
	v0 =	vmax.f32 v0, $0.0e+00;
	[tilespmem:s17+$0xA260] =	vst v63  }
.Ltmp2:
0xdb: {  	[tilespmem:s17+$0xA270] =	vst v0;
	(pc) =	sbr.rel @p1 .LBB2_2-.Ltmp2, $4  }
0xdc: {  	[spmem:s1] =	stream.indirect.scatter.add.f32 [tilespmem:s3], [sflag:$0x7], $0x80, s30, s24, $0xb8;
	[tilespmem:$0x1FAC0] =	vst v63  }
0xdd: {  	_ =	swait.ge [sflag:s22], $0x2000  }
0xde: {  	[sflag:s22] =	ssyncset.done $0x0  }
0xdf: {  	[sflag:s22] =	ssyncadd.s32 $0xFFFFE000  }
0xe0: {  	[bflag:$0x0] =	sbarrier.arrive $0xFFFF  }
0xe1: {  	s2 =	simm.s32 @p0 $0x1FC7;
	s16 =	rddreg [dreg:$0x9]  }
0xe2: {  	[hbm:s16], [sflag:s2] =	dma.local @p0 [spmem:s21], $0x2800  }
0xe3: {  	s2 =	simm.s32 @p0 $0x7  }
0xe4: {  	_ =	swait.ge @p0 [sflag:s2], $0x2800  }
0xe5: {  	s18 =	rddreg [dreg:$0xb]  }
0xe6: {  	[sflag:s2] =	ssyncset.done @p0 $0x0;
	s19 =	rddreg [dreg:$0xc]  }
0xe7: {  	[sflag:s2] =	ssyncadd.s32 @p0 $0xFFFFD800;
	s2 =	rddreg [dreg:$0x8]  }
0xe8: {  	[hbm:s2], [sflag:s18] =	dma.local @!p0 [spmem:s19], $0x2700  }
0xe9: {  	s2 =	simm.s32 @!p0 $0x7  }
0xea: {  	_ =	swait.ge @!p0 [sflag:s2], $0x2700  }
0xeb: {  	s17 =	smov.u32 s21;
	s14 =	sadd.s32 $0x1, s14;
	s21 =	rddreg [dreg:$0xa]  }
0xec: {  	p1 =	sne.s32 s14, s21  }
.Ltmp3:
0xed: {  	_ = 	snop;
	(pc) =	sbr.rel @p1 .LBB2_1-.Ltmp3, $3  }
0xee: {  	_ =	sdelay $0x1  }
0xef: {  	[sflag:s2] =	ssyncset.done @!p0 $0x0  }
0xf0: {  	[sflag:s2] =	ssyncadd.s32 @!p0 $0xFFFFD900  }
0xf1: {  	_ =	sfence.sel $0x180000  }
0xf2: {  	[bflag:$0x0] =	sbarrier.arrive $0xFFFF  }
0xf3: {  	_ =	strace $0x90000047  }
0xf4: {  	s0 =	stileid.u32;
	[bflag:$0x2] =	sbarrier.arrive $0xFFFF  }
0xf5: {  	p0 =	sne.s32 s0, $0x0;
	s0 =	rddreg [dreg:$0x2]  }
0xf6: {  	s0 =	sadd.s32 @!p0 $0x100000, s0  }
0xf7: {  	[sflag:s0] =	ssyncadd.tile.s32 @!p0 $0x1;
	_ =	shalt  }
.Lfunc_end2:
_tile_overlayer_lowered:
.L_overlay_start_2:
0xf8: {  	(tag) =	ssettag $0x2  }
0xf9: {  	s0 =	rddreg [dreg:$0x0];
	s2 =	stileid.u32  }
0xfa: {  	s1 =	rddreg [dreg:$0x1];
	p0 =	sne.s32 s2, $0x0  }
0xfb: {  	s3 =	rddreg [dreg:$0x2];
	[bflag:$0x3] =	sbarrier.arrive $0xFFFF;
	s2 =	simm.s32 @!p0 $0x1C07  }
0xfc: {  	[timem:s3], [sflag:s2] =	dma.local @!p0 [hbm:s0], s1  }
0xfd: {  	s0 =	simm.s32 @!p0 $0x7  }
0xfe: {  	_ =	swait.ge @!p0 [sflag:s0], s1  }
0xff: {  	s1 =	ssub.s32 @!p0 $0x0, s1;
	[sflag:s0] =	ssyncset.done @!p0 $0x0  }
0x100: {  	[sflag:s0] =	ssyncadd.s32 @!p0 s1  }
0x101: {  	[bflag:$0x3] =	sbarrier.arrive $0xFFFF  }
0x102: {  	_ =	shalt  }

// kernel: kernel.24.cloned.1.call-start
scs
__scs_entry_jumppad:
0x0: {  	(pc) =	sbr.rel $0x88, $3  }
0x1: {  	(tag) =	ssettag $0x0;
	lr =	simm.s32 $0x1  }
0x2: {  	[smem:$0x3F88] =	sst lr;
	_ =	strace $0xD0000000  }
0x3: {  	_ = 	snop  }
0x4: {  	_ = 	snop  }
0x5: {  	_ = 	snop  }
0x6: {  	_ = 	snop  }
0x7: {  	_ = 	snop  }
__scs_overlays_trampoline_lowered:
0x8: {  	[smem:$0x3F97] =	sst s0  }
0x9: {  	[smem:$0x3F98] =	sst s1  }
0xa: {  	[smem:$0x3F99] =	sst s2  }
0xb: {  	[smem:$0x3F9A] =	sst s3  }
0xc: {  	[smem:$0x3F9B] =	sst s4  }
0xd: {  	[smem:$0x3F9C] =	sst s5  }
0xe: {  	[smem:$0x3F9D] =	sst s6  }
0xf: {  	[smem:$0x3F9E] =	sst s7  }
0x10: {  	[smem:$0x3F9F] =	sst s8  }
0x11: {  	[smem:$0x3FA0] =	sst s9;
	s0 =	simm.s32 @!p0 $0x0  }
0x12: {  	s1 =	sld [smem:$0x3F86];
	s0 =	simm.s32 @p0 $0x1  }
0x13: {  	[smem:$0x3FA1] =	sst s0;
	s0 =	simm.s32 @!p1 $0x0  }
0x14: {  	s2 =	sld [smem:$0x3F85];
	s0 =	simm.s32 @p1 $0x1  }
0x15: {  	[smem:$0x3FA2] =	sst s0;
	s0 =	simm.s32 @!p2 $0x0  }
0x16: {  	s3 =	sld [smem:$0x3FDB];
	s0 =	simm.s32 @p2 $0x1  }
0x17: {  	s4 =	simm.s32 $0x1BF5;
	[smem:$0x3FA4] =	sst s0  }
0x18: {  	s0 =	sld [smem:$0x3F87];
	_ =	swait.ge [sflag:s4], $0x0  }
0x19: {  	s7 =	sld [smem:$0x3F88]  }
0x1a: {  	s8 =	sadd.s32 $0xFFFFE003, lr  }
0x1b: {  	s9 =	sadd.s32 $0xFFFFFEF7, lr;
	s5 =	simm.s32 $0xFFFFFFFF;
	p2 =	slt.u32 s8, $0xFFFFF086  }
0x1c: {  	p1 =	slt.u32 s9, $0xF7A;
	s5 =	simm.s32 @!p2 $0x0  }
0x1d: {  	s5 =	simm.s32 @p1 $0x1;
	p0 =	seq.s32 s7, s2  }
0x1e: {  	s7 =	smul.u32 @!p0 $0xF7A, s2;
	p2 =	seq.s32 @!p0 s5, $0x0  }
0x1f: {  	s9 =	smul.u32 $0xF7A, s1;
	s8 =	simm.s32 @!p0 $0x1BF5;
	p2 =	por !p2, p0  }
0x20: {  	[sflag:s8] =	ssyncset.s32 @!p0 $0xFFFFF086;
	s6 =	sadd.s32 @!p0 s3, s7;
	s7 =	simm.s32 @!p0 $0x108  }
0x21: {  	s3 =	sadd.s32 s3, s9;
	s6 =	sadd.s32 @!p0 $0x88, s6;
	s7 =	simm.s32 @p2 $0x1082  }
0x22: {  	[simem:s7], [sflag:s8] =	dma.local @!p0 [hbm:s6], $0xF7A  }
0x23: {  	s9 =	sor.u32 $0xD0000000, s2;
	s6 =	simm.s32 $0x108;
	_ =	swait.ge @!p0 [sflag:s8], $0x0  }
0x24: {  	s3 =	sadd.s32 $0x88, s3;
	s6 =	simm.s32 @!p1 $0x1082;
	[sflag:s4] =	ssyncset.s32 $0xFFFFF086  }
0x25: {  	[simem:s6], [sflag:s4] =	dma.local [hbm:s3], $0xF7A  }
0x26: {  	[smem:$0x3F88] =	sst s1;
	(tag) =	ssettag s2;
	_ =	strace s9  }
0x27: {  	s1 =	sld [smem:$0x3F98]  }
0x28: {  	s2 =	sld [smem:$0x3F99]  }
0x29: {  	s4 =	sld [smem:$0x3F9B]  }
0x2a: {  	p0 =	seq.s32 s5, $0x0;
	s5 =	sld [smem:$0x3F9C]  }
0x2b: {  	s6 =	sld [smem:$0x3F9D]  }
0x2c: {  	s7 =	sld [smem:$0x3F9E]  }
0x2d: {  	s3 =	simm.s32 $0x108;
	s8 =	sld [smem:$0x3F9F]  }
0x2e: {  	s3 =	simm.s32 @!p0 $0x1082;
	s9 =	sld [smem:$0x3FA0]  }
0x2f: {  	lr =	sadd.s32 s0, s3;
	s0 =	sld [smem:$0x3F97]  }
0x30: {  	s3 =	sld [smem:$0x3F9A]  }
0x31: {  	[smem:$0x3FA3] =	sst s10  }
0x32: {  	s10 =	sld [smem:$0x3FA1];
	_ =	sdelay $0x3  }
0x33: {  	p0 =	seq.s32 s10, $0x1;
	s10 =	sld [smem:$0x3FA3];
	_ =	sdelay $0x3  }
0x34: {  	[smem:$0x3FA3] =	sst s10  }
0x35: {  	s10 =	sld [smem:$0x3FA2];
	_ =	sdelay $0x3  }
0x36: {  	p1 =	seq.s32 s10, $0x1;
	s10 =	sld [smem:$0x3FA3];
	_ =	sdelay $0x3  }
0x37: {  	[smem:$0x3FA3] =	sst s10  }
0x38: {  	s10 =	sld [smem:$0x3FA4]  }
0x39: {  	_ = 	snop;
	(pc) =	sbr.ind lr, $3  }
0x3a: {  	_ = 	snop  }
0x3b: {  	_ = 	snop  }
0x3c: {  	p2 =	seq.s32 s10, $0x1;
	s10 =	sld [smem:$0x3FA3]  }
0x3d: {  	_ =	shalt  }
0x3e: {  	_ =	shalt  }
0x3f: {  	_ =	shalt  }
0x40: {  	_ =	shalt  }
0x41: {  	_ =	shalt  }
0x42: {  	_ =	shalt  }
0x43: {  	_ =	shalt  }
0x44: {  	_ =	shalt  }
0x45: {  	_ =	shalt  }
0x46: {  	_ =	shalt  }
0x47: {  	_ =	shalt  }
0x48: {  	_ =	shalt  }
0x49: {  	_ =	shalt  }
0x4a: {  	_ =	shalt  }
0x4b: {  	_ =	shalt  }
0x4c: {  	_ =	shalt  }
0x4d: {  	_ =	shalt  }
0x4e: {  	_ =	shalt  }
0x4f: {  	_ =	shalt  }
0x50: {  	_ =	shalt  }
0x51: {  	_ =	shalt  }
0x52: {  	_ =	shalt  }
0x53: {  	_ =	shalt  }
0x54: {  	_ =	shalt  }
0x55: {  	_ =	shalt  }
0x56: {  	_ =	shalt  }
0x57: {  	_ =	shalt  }
0x58: {  	_ =	shalt  }
0x59: {  	_ =	shalt  }
0x5a: {  	_ =	shalt  }
0x5b: {  	_ =	shalt  }
0x5c: {  	_ =	shalt  }
0x5d: {  	_ =	shalt  }
0x5e: {  	_ =	shalt  }
0x5f: {  	_ =	shalt  }
0x60: {  	_ =	shalt  }
0x61: {  	_ =	shalt  }
0x62: {  	_ =	shalt  }
0x63: {  	_ =	shalt  }
0x64: {  	_ =	shalt  }
0x65: {  	_ =	shalt  }
0x66: {  	_ =	shalt  }
0x67: {  	_ =	shalt  }
0x68: {  	_ =	shalt  }
0x69: {  	_ =	shalt  }
0x6a: {  	_ =	shalt  }
0x6b: {  	_ =	shalt  }
0x6c: {  	_ =	shalt  }
0x6d: {  	_ =	shalt  }
0x6e: {  	_ =	shalt  }
0x6f: {  	_ =	shalt  }
0x70: {  	_ =	shalt  }
0x71: {  	_ =	shalt  }
0x72: {  	_ =	shalt  }
0x73: {  	_ =	shalt  }
0x74: {  	_ =	shalt  }
0x75: {  	_ =	shalt  }
0x76: {  	_ =	shalt  }
0x77: {  	_ =	shalt  }
0x78: {  	_ =	shalt  }
0x79: {  	_ =	shalt  }
0x7a: {  	_ =	shalt  }
0x7b: {  	_ =	shalt  }
0x7c: {  	_ =	shalt  }
0x7d: {  	_ =	shalt  }
0x7e: {  	_ =	shalt  }
0x7f: {  	_ =	shalt  }
0x80: {  	_ =	shalt  }
0x81: {  	_ =	shalt  }
0x82: {  	_ =	shalt  }
0x83: {  	_ =	shalt  }
0x84: {  	_ =	shalt  }
0x85: {  	_ =	shalt  }
0x86: {  	_ =	shalt  }
0x87: {  	_ =	shalt  }
.Lfunc_end0:
.L_simem_size_0:
called_computation.1_lowered:
.L_overlay_start_0:
0x88: {  	s2 =	sld [smem:$0x3FD9]  }
0x89: {  	s3 =	sld [smem:$0x3FFE];
	_ =	sdelay $0x1  }
0x8a: {  	s1 =	srdreg.scid  }
0x8b: {  	s0 =	sand.u32 $0x1, s1  }
0x8c: {  	s16 =	sshll.u32 s0, $0xA;
	s2 =	sadd.s32 s3, s2  }
0x8d: {  	s2 =	sadd.s32 s2, s16  }
0x8e: {  	[smem:$0x3FAF] =	sst s2  }
0x8f: {  	_ = 	snop  }
0x90: {  	(tm) =	ssettm $0x1  }
0x91: {  	s17 =	sld [smem:$0x3FFB];
	_ =	sdelay $0x3  }
0x92: {  	_ =	strace s17  }
0x93: {  	s2 =	sld [smem:$0x3FFC];
	_ =	sdelay $0x3  }
0x94: {  	_ =	strace s2  }
0x95: {  	s2 =	sld [smem:$0x3FFD];
	_ =	sdelay $0x3  }
0x96: {  	_ =	strace s2  }
0x97: {  	_ =	strace $0x8FFFFFFF  }
0x98: {  	s18 =	sld [smem:$0x3FDB];
	_ =	sdelay $0x1  }
0x99: {  	s19 =	simm.s32 $_scs_section_size  }
0x9a: {  	s4 =	simm.s32 $_size__tile_overlayer_lowered;
	s5 =	simm.s32 $_tile_overlayer_lowered  }
0x9b: {  	s22 =	simm.s32 $0x1BFF;
	s21 =	sshll.u32 s5, $0x1;
	s2 =	sadd.s32 s19, s18  }
0x9c: {  	s6 =	simm.s32 $0x0;
	s20 =	sshll.u32 s4, $0x1;
	s4 =	sadd.s32 s21, s2  }
0x9d: {  	[timem:s6], [sflag:s22] =	dma.local [hbm:s4], s20  }
0x9e: {  	_ =	swait.ge [sflag:s22], s20  }
0x9f: {  	s3 =	ssub.s32 $0x0, s20;
	[sflag:s22] =	ssyncset.done $0x0  }
0xa0: {  	[sflag:s22] =	ssyncadd.s32 s3;
	_ =	sdelay $0x1  }
0xa1: {  	s23 =	simm.s32 $0x1B8B  }
0xa2: {  	_ =	swait.ge [sflag:s23], $0x1  }
0xa3: {  	[sflag:s23] =	ssyncset.done $0x0  }
0xa4: {  	s25 =	simm.s32 $0x1B8E;
	s24 =	sld [smem:$0x3FFE];
	[sflag:s23] =	ssyncadd.s32 $0xFFFFFFFF  }
0xa5: {  	s26 =	simm.s32 $execute0_lowered;
	[smem:$0x3FD2] =	sst s25  }
0xa6: {  	s4 =	sshll.u32 s26, $0x1;
	_ =	strace $0x80000049;
	[dreg:$0x1] =	wrdreg $0xFFFFFFFF  }
0xa7: {  	s28 =	simm.s32 $_size_execute0_lowered;
	s2 =	sadd.s32 s2, s4;
	[dreg:$0x0] =	wrdreg $0x0  }
0xa8: {  	s4 =	sshll.u32 s28, $0x1;
	[dreg:$0x2] =	wrdreg s2  }
0xa9: {  	[dreg:$0x3] =	wrdreg s4  }
0xaa: {  	[dreg:$0x4] =	wrdreg $0xC0  }
0xab: {  	_ =	task [dreg:s6], $0x5FFFF  }
0xac: {  	[dreg:$0x1] =	wrdreg $0xFFFFFFFF  }
0xad: {  	[dreg:$0x0] =	wrdreg $0x60  }
0xae: {  	[dreg:$0x2] =	wrdreg s24  }
0xaf: {  	[dreg:$0x3] =	wrdreg $0xC2000  }
0xb0: {  	[dreg:$0x4] =	wrdreg $0x9  }
0xb1: {  	_ =	task.clear_ibuf [dreg:s6], $0x5FFFF;
	_ =	strace $0x90000049  }
0xb2: {  	s29 =	simm.s32 $0x9;
	_ =	strace $0x8000004B  }
0xb3: {  	_ =	swait.ge [sflag:s29], $0x1  }
0xb4: {  	[sflag:s29] =	ssyncadd.s32 $0xFFFFFFFF  }
0xb5: {  	_ =	strace $0x9000004B  }
0xb6: {  	_ =	sfence  }
0xb7: {  	s30 =	sld [smem:$0x0];
	_ =	sdelay $0x2  }
0xb8: {  	s31 =	sshll.u32 s1, $0xD;
	s1 =	sshrl.u32 s1, $0x2  }
0xb9: {  	s3 =	sand.u32 $0x4000, s31;
	s1 =	sadd.s32 s1, s30  }
0xba: {  	s0 =	sor.u32 s3, s0;
	s1 =	sshll.u32 s1, $0x11  }
0xbb: {  	s0 =	sor.u32 s1, s0  }
0xbc: {  	s0 =	sadd.s32 $0x8F2B, s0  }
0xbd: {  	[sflag:s0] =	ssyncadd.remote.s32 $0x1  }
0xbe: {  	_ =	sfence.sel $0xFFFF  }
0xbf: {  	[dreg:$0x0] =	wrdreg $0xFFFFFFFF;
	(pc) =	sbr.abs _section_cstart, $3  }
0xc0: {  	[dreg:$0x1] =	wrdreg $0xFFFFFFFF  }
0xc1: {  	_ =	task.clear_ibuf [dreg:s6], $0x2FFFF;
	_ =	strace $0x9FFFFFFF  }
0xc2: {  	(tm) =	ssettm $0x7FFFFFFF  }
0xc3: {  	_ =	shalt  }
tec
execute0_lowered:
.L_overlay_start_1:
0x0: {  	(tag) =	ssettag $0x1  }
0x1: {  	s0 =	rddreg [dreg:$0x0]  }
0x2: {  	s1 =	rddreg [dreg:$0x1]  }
0x3: {  	s2 =	simm.s32 $0x0;
	s17 =	stileid.u32;
	s3 =	srdreg.scid  }
0x4: {  	s28 =	simm.s32 $0x8200;
	s30 =	simm.s32 $0x180;
	s31 =	simm.s32 $0x2200  }
0x5: {  	[smem:$0x7FF] =	sst s2;
	s4 =	sadd.s32 $0x8FC00, s0;
	s5 =	sadd.s32 $0x68A00, s0  }
0x6: {  	s29 =	simm.s32 $0x80;
	s6 =	sadd.s32 $0xA32E00, s0;
	s7 =	sadd.s32 $0x52DE00, s0  }
0x7: {  	s16 =	smul.u32 $0x2700, s17;
	s8 =	sadd.s32 $0x3C800, s0;
	s3 =	sand.u32 $0x1, s3  }
0x8: {  	s9 =	sshll.u32 s17, $0x1;
	s11 =	smul.u32 $0x4E000, s17;
	s12 =	sadd.s32 $0x12EA00, s0  }
0x9: {  	s19 =	smul.u32 $0x13800, s17;
	p0 =	seq.s32 s17, $0xF;
	_ =	strace $0x8000004A  }
0xa: {  	s10 =	sor.u32 s3, s9;
	s13 =	ssub.s32 $0x2, s3;
	s3 =	smul.u32 $0x138800, s3  }
0xb: {  	s2 =	sadd.s32 s16, s0;
	s9 =	smul.u32 $0x1400, s10;
	s14 =	sshrl.u32 s13, $0x1  }
0xc: {  	s11 =	sshrl.u32 s11, $0x2;
	s10 =	smul.u32 $0x14000, s10;
	s16 =	sadd.s32 $0x124800, s1  }
0xd: {  	s0 =	sadd.s32 $0xDB700, s0;
	s13 =	ssub.s32 s13, s14;
	s11 =	sadd.s32 s11, s1  }
0xe: {  	s2 =	sadd.s32 $0xB6E00, s2;
	[dreg:$0x4] =	wrdreg s0;
	s23 =	sadd.s32 s19, s3  }
0xf: {  	s24 =	sshrl.u32 s3, $0x3;
	s3 =	simm.s32 $0xA200;
	s14 =	simm.s32 $0x0  }
0x10: {  	[dreg:$0x3] =	wrdreg s2;
	s18 =	sshrl.u32 s9, $0x3;
	s22 =	sadd.s32 s6, s10  }
0x11: {  	s15 =	sor.u32 $0x80, s9;
	s0 =	sshrl.u32 s23, $0x3;
	s25 =	sadd.s32 s12, s24  }
0x12: {  	s26 =	smax.u32 s13, $0x1;
	s19 =	sshrl.u32 @!p0 s11, $0x3;
	s23 =	simm.s32 $0x100  }
0x13: {  	s24 =	simm.s32 $0x40;
	s10 =	simm.s32 $0x5;
	[dreg:$0x7] =	wrdreg s22  }
0x14: {  	s11 =	simm.s32 $0x2;
	s13 =	simm.s32 $0x6;
	[dreg:$0xa] =	wrdreg s26  }
0x15: {  	s20 =	sadd.s32 s7, s18;
	s21 =	sadd.s32 s8, s18;
	[dreg:$0xc] =	wrdreg s19  }
0x16: {  	s0 =	sadd.s32 s12, s0;
	s22 =	simm.s32 $0x7;
	[dreg:$0x5] =	wrdreg s20  }
0x17: {  	s26 =	simm.s32 $0x3;
	[dreg:$0x8] =	wrdreg s0;
	s0 =	sadd.s32 $0x24900, s25  }
0x18: {  	s12 =	simm.s32 $0x4;
	[dreg:$0x9] =	wrdreg s0;
	s0 =	sshll.u32 @!p0 s17, $0x6  }
0x19: {  	[dreg:$0x6] =	wrdreg s21;
	s25 =	simm.s32 $0x1;
	s18 =	sor.u32 @!p0 $0x1C07, s0  }
0x1a: {  	s17 =	sshrl.u32 @p0 s16, $0x3;
	s0 =	simm.s32 $0x6200;
	[dreg:$0xb] =	wrdreg s18  }
.LBB2_1:
0x1b: {  	s2 =	simm.s32 @p0 $0x1FC7;
	s16 =	rddreg [dreg:$0x4]  }
0x1c: {  	[spmem:s17], [sflag:s2] =	dma.local @p0 [hbm:s16], $0x2800  }
0x1d: {  	s2 =	simm.s32 @p0 $0x7  }
0x1e: {  	_ =	swait.ge @p0 [sflag:s2], $0x2800  }
0x1f: {  	[sflag:s2] =	ssyncset.done @p0 $0x0  }
0x20: {  	[sflag:s2] =	ssyncadd.s32 @p0 $0xFFFFD800;
	s2 =	rddreg [dreg:$0x3]  }
0x21: {  	[spmem:s19], [sflag:s18] =	dma.local @!p0 [hbm:s2], $0x2700  }
0x22: {  	s2 =	simm.s32 @!p0 $0x7  }
0x23: {  	_ =	swait.ge @!p0 [sflag:s2], $0x2700  }
0x24: {  	[sflag:s2] =	ssyncset.done @!p0 $0x0  }
0x25: {  	[sflag:s2] =	ssyncadd.s32 @!p0 $0xFFFFD900  }
0x26: {  	[bflag:$0x0] =	sbarrier.arrive $0xFFFF  }
0x27: {  	s2 =	simm.s32 $0x0;
	s20 =	rddreg [dreg:$0x5]  }
0x28: {  	[tilespmem:s2], [sflag:$0x7] =	stream.linear.gather [hbm4b:s20+s2], $0x40, $0x38;
	[tilespmem:$0x1FAC0] =	vst v63  }
0x29: {  	_ =	swait.ge [sflag:s22], $0x40  }
0x2a: {  	[sflag:s22] =	ssyncset.done $0x0  }
0x2b: {  	s21 =	smov.u32 s17;
	s17 =	rddreg [dreg:$0x6];
	[sflag:s22] =	ssyncadd.s32 $0xFFFFFFC0  }
0x2c: {  	[tilespmem:s23], [sflag:$0x7] =	stream.linear.gather [hbm4b:s17+s2], $0x40, $0x38;
	[tilespmem:$0x1FAC0] =	vst v63  }
0x2d: {  	_ =	swait.ge [sflag:s22], $0x40  }
0x2e: {  	[sflag:s22] =	ssyncset.done $0x0  }
0x2f: {  	s18 =	simm.s32 $0x200;
	[sflag:s22] =	ssyncadd.s32 $0xFFFFFFC0  }
0x30: {  	[tilespmem:s18], [sflag:$0x1] =	stream.indirect.gather [hbm4b:s4+s24], $0x80, s2, s24, $0xb8;
	[tilespmem:$0x1FAC0] =	vst v63  }
0x31: {  	s19 =	simm.s32 $0x4200  }
0x32: {  	[tilespmem:s19], [sflag:$0x3] =	stream.indirect.gather [hbm4b:s5+s24], $0x80, s23, s24, $0xb8;
	[tilespmem:$0x1FAC0] =	vst v63  }
0x33: {  	s16 =	simm.s32 $0x0;
	s20 =	rddreg [dreg:$0x7]  }
0x34: {  	[tilespmem:s28], [sflag:$0x5] =	stream.linear.gather [hbm4b:s20+s2], $0x2000, $0x38;
	[tilespmem:$0x1FAC0] =	vst v63  }
.LBB2_2:
0x35: {  	s17 =	sshll.u32 s16, $0x7  }
0x36: {  	s2 =	sadd.s32 s17, s9  }
0x37: {  	s2 =	sadd.s32 $0x40, s2  }
0x38: {  	s18 =	sshrl.u32 s2, $0x3  }
0x39: {  	s20 =	simm.s32 $0x0;
	s19 =	sadd.s32 s7, s18  }
0x3a: {  	[tilespmem:s29], [sflag:$0x7] =	stream.linear.gather [hbm4b:s19+s20], $0x40, $0x38;
	[tilespmem:$0x1FAC0] =	vst v63  }
0x3b: {  	_ =	swait.ge [sflag:s22], $0x40  }
0x3c: {  	[sflag:s22] =	ssyncset.done $0x0  }
0x3d: {  	s18 =	sadd.s32 s8, s18;
	[sflag:s22] =	ssyncadd.s32 $0xFFFFFFC0  }
0x3e: {  	[tilespmem:s30], [sflag:$0x7] =	stream.linear.gather [hbm4b:s18+s20], $0x40, $0x38;
	[tilespmem:$0x1FAC0] =	vst v63  }
0x3f: {  	_ =	swait.ge [sflag:s22], $0x40  }
0x40: {  	[sflag:s22] =	ssyncset.done $0x0  }
0x41: {  	[sflag:s22] =	ssyncadd.s32 $0xFFFFFFC0  }
0x42: {  	[tilespmem:s31], [sflag:$0x2] =	stream.indirect.gather [hbm4b:s4+s24], $0x80, s29, s24, $0xb8;
	[tilespmem:$0x1FAC0] =	vst v63  }
0x43: {  	s2 =	sshll.u32 s2, $0x4  }
0x44: {  	[tilespmem:s0], [sflag:$0x4] =	stream.indirect.gather [hbm4b:s5+s24], $0x80, s30, s24, $0xb8;
	[tilespmem:$0x1FAC0] =	vst v63  }
0x45: {  	s2 =	sadd.s32 s6, s2  }
0x46: {  	[tilespmem:s3], [sflag:$0x6] =	stream.linear.gather [hbm4b:s2+s20], $0x2000, $0x38;
	[tilespmem:$0x1FAC0] =	vst v63  }
0x47: {  	_ =	swait.ge [sflag:s25], $0x2000  }
0x48: {  	[sflag:s25] =	ssyncset.done $0x0  }
0x49: {  	[sflag:s25] =	ssyncadd.s32 $0xFFFFE000  }
0x4a: {  	_ =	swait.ge [sflag:s26], $0x2000  }
0x4b: {  	[sflag:s26] =	ssyncset.done $0x0  }
0x4c: {  	[sflag:s26] =	ssyncadd.s32 $0xFFFFE000  }
0x4d: {  	_ =	swait.ge [sflag:s10], $0x2000  }
0x4e: {  	[sflag:s10] =	ssyncset.done $0x0  }
0x4f: {  	s18 =	simm.s32 $0x0;
	[sflag:s10] =	ssyncadd.s32 $0xFFFFE000  }
0x50: {  	v12 =	vld [tilespmem:s18+$0x200]  }
0x51: {  	v17 =	vld [tilespmem:s18+$0x4200]  }
0x52: {  	v19 =	vld [tilespmem:s18+$0x210]  }
0x53: {  	v20 =	vld [tilespmem:s18+$0x4210]  }
0x54: {  	v5 =	vld [tilespmem:s18+$0x220]  }
0x55: {  	v9 =	vld [tilespmem:s18+$0x4220]  }
0x56: {  	v7 =	vld [tilespmem:s18+$0x230]  }
0x57: {  	v11 =	vld [tilespmem:s18+$0x4230]  }
0x58: {  	v8 =	vld [tilespmem:s18+$0x240]  }
0x59: {  	v10 =	vld [tilespmem:s18+$0x4240]  }
0x5a: {  	v4 =	vld [tilespmem:s18+$0x250]  }
0x5b: {  	v6 =	vld [tilespmem:s18+$0x4250]  }
0x5c: {  	v2 =	vld [tilespmem:s18+$0x260]  }
0x5d: {  	v3 =	vld [tilespmem:s18+$0x4260]  }
0x5e: {  	v0 =	vld [tilespmem:s18+$0x270]  }
0x5f: {  	v1 =	vld [tilespmem:s18+$0x4270]  }
0x60: {  	v16 =	vld [tilespmem:s18+$0x8200]  }
0x61: {  	v15 =	vld [tilespmem:s18+$0x8210]  }
0x62: {  	v14 =	vld [tilespmem:s18+$0x8220]  }
0x63: {  	v13 =	vld [tilespmem:s18+$0x8230];
	v18 =	vadd.f32 v17, v12  }
0x64: {  	s2 =	simm.s32 $0x200;
	v17 =	vadd.f32 v20, v19;
	v12 =	vld [tilespmem:s18+$0x8240]  }
.LBB2_3:
0x65: {  	p1 =	sne.s32 s2, $0x7E00;
	v16 =	vadd.f32 v16, v18;
	v5 =	vadd.f32 v9, v5;
	v9 =	vld [tilespmem:s18+$0x8250]  }
0x66: {  	v7 =	vadd.f32 v11, v7;
	v15 =	vadd.f32 v15, v17;
	v11 =	vld [tilespmem:s18+$0x8260]  }
0x67: {  	s19 =	sshra.s32 s2, $0x2;
	v8 =	vadd.f32 v10, v8;
	v16 =	vmax.f32 v16, $0.0e+00;
	v5 =	vadd.f32 v14, v5;
	v10 =	vld [tilespmem:s18+$0x8270]  }
0x68: {  	v4 =	vadd.f32 v6, v4;
	v17 =	vld [tilespmem:s19+$0x200];
	[tilespmem:s18+$0x8200] =	vst v16;
	v14 =	vmax.f32 v15, $0.0e+00;
	v7 =	vadd.f32 v13, v7  }
0x69: {  	v2 =	vadd.f32 v3, v2;
	v13 =	vld [tilespmem:s19+$0x4200];
	[tilespmem:s18+$0x8210] =	vst v14;
	v5 =	vmax.f32 v5, $0.0e+00;
	v6 =	vadd.f32 v12, v8  }
0x6a: {  	v0 =	vadd.f32 v1, v0;
	v12 =	vld [tilespmem:s19+$0x210];
	[tilespmem:s18+$0x8220] =	vst v5;
	v3 =	vmax.f32 v7, $0.0e+00;
	v4 =	vadd.f32 v9, v4  }
0x6b: {  	v19 =	vld [tilespmem:s19+$0x4210];
	[tilespmem:s18+$0x8230] =	vst v3;
	v1 =	vmax.f32 v6, $0.0e+00;
	v2 =	vadd.f32 v11, v2  }
0x6c: {  	v5 =	vld [tilespmem:s19+$0x220];
	[tilespmem:s18+$0x8240] =	vst v1;
	v1 =	vmax.f32 v4, $0.0e+00;
	v0 =	vadd.f32 v10, v0  }
0x6d: {  	v9 =	vld [tilespmem:s19+$0x4220];
	[tilespmem:s18+$0x8250] =	vst v1;
	v1 =	vmax.f32 v2, $0.0e+00  }
0x6e: {  	v7 =	vld [tilespmem:s19+$0x230];
	[tilespmem:s18+$0x8260] =	vst v1;
	v0 =	vmax.f32 v0, $0.0e+00  }
0x6f: {  	v11 =	vld [tilespmem:s19+$0x4230];
	[tilespmem:s18+$0x8270] =	vst v0;
	s18 =	smov.u32 s19  }
0x70: {  	v8 =	vld [tilespmem:s18+$0x240]  }
0x71: {  	v10 =	vld [tilespmem:s18+$0x4240]  }
0x72: {  	v4 =	vld [tilespmem:s18+$0x250]  }
0x73: {  	v6 =	vld [tilespmem:s18+$0x4250]  }
0x74: {  	v2 =	vld [tilespmem:s18+$0x260]  }
0x75: {  	v3 =	vld [tilespmem:s18+$0x4260]  }
0x76: {  	v0 =	vld [tilespmem:s18+$0x270]  }
0x77: {  	v1 =	vld [tilespmem:s18+$0x4270]  }
.Ltmp0:
0x78: {  	v16 =	vld [tilespmem:s18+$0x8200];
	(pc) =	sbr.rel @p1 .LBB2_3-.Ltmp0, $4  }
0x79: {  	v15 =	vld [tilespmem:s18+$0x8210]  }
0x7a: {  	v14 =	vld [tilespmem:s18+$0x8220]  }
0x7b: {  	v18 =	vadd.f32 v13, v17;
	v13 =	vld [tilespmem:s18+$0x8230]  }
0x7c: {  	s2 =	sadd.s32 $0x200, s2;
	v17 =	vadd.f32 v19, v12;
	v12 =	vld [tilespmem:s18+$0x8240]  }
0x7d: {  	v16 =	vadd.f32 v16, v18  }
0x7e: {  	v5 =	vadd.f32 v9, v5;
	v9 =	vld [tilespmem:s18+$0x8250];
	v7 =	vadd.f32 v11, v7  }
0x7f: {  	v8 =	vadd.f32 v10, v8;
	v10 =	vld [tilespmem:s18+$0x8270];
	v15 =	vadd.f32 v15, v17  }
0x80: {  	v11 =	vld [tilespmem:s18+$0x8260];
	v16 =	vmax.f32 v16, $0.0e+00;
	v5 =	vadd.f32 v14, v5  }
0x81: {  	v4 =	vadd.f32 v6, v4;
	[tilespmem:s18+$0x8200] =	vst v16;
	v14 =	vmax.f32 v15, $0.0e+00;
	v7 =	vadd.f32 v13, v7  }
0x82: {  	v0 =	vadd.f32 v1, v0;
	[tilespmem:s18+$0x8210] =	vst v14;
	v5 =	vmax.f32 v5, $0.0e+00;
	v6 =	vadd.f32 v12, v8  }
0x83: {  	v2 =	vadd.f32 v3, v2;
	[tilespmem:s18+$0x8220] =	vst v5;
	v3 =	vmax.f32 v7, $0.0e+00;
	v4 =	vadd.f32 v9, v4  }
0x84: {  	v0 =	vadd.f32 v10, v0;
	[tilespmem:s18+$0x8230] =	vst v3;
	v1 =	vmax.f32 v6, $0.0e+00  }
0x85: {  	v2 =	vadd.f32 v11, v2;
	[tilespmem:s18+$0x8240] =	vst v1;
	v1 =	vmax.f32 v4, $0.0e+00  }
0x86: {  	v0 =	vmax.f32 v0, $0.0e+00;
	[tilespmem:s18+$0x8250] =	vst v1  }
0x87: {  	v1 =	vmax.f32 v2, $0.0e+00;
	[tilespmem:s18+$0x8270] =	vst v0  }
0x88: {  	p1 =	seq.s32 s16, $0x27;
	[tilespmem:s18+$0x8260] =	vst v1  }
0x89: {  	[spmem:s1] =	stream.indirect.scatter.add.f32 [tilespmem:s28], [sflag:$0x7], $0x80, s23, s24, $0xb8;
	[tilespmem:$0x1FAC0] =	vst v63  }
0x8a: {  	s2 =	sadd.s32 @!p1 s17, s15;
	_ =	swait.ge [sflag:s22], $0x2000  }
0x8b: {  	s17 =	sshrl.u32 @!p1 s2, $0x3;
	[sflag:s22] =	ssyncset.done $0x0  }
0x8c: {  	s19 =	simm.s32 @!p1 $0x0;
	s18 =	sadd.s32 @!p1 s7, s17;
	[sflag:s22] =	ssyncadd.s32 $0xFFFFE000  }
0x8d: {  	[tilespmem:s19], [sflag:$0x7] =	stream.linear.gather @!p1 [hbm4b:s18+s19], $0x40, $0x38;
	[tilespmem:$0x1FAC0] =	vst v63  }
0x8e: {  	s18 =	simm.s32 @!p1 $0x7  }
0x8f: {  	_ =	swait.ge @!p1 [sflag:s18], $0x40  }
0x90: {  	[sflag:s18] =	ssyncset.done @!p1 $0x0  }
0x91: {  	s20 =	simm.s32 @!p1 $0x100;
	s17 =	sadd.s32 @!p1 s8, s17;
	[sflag:s18] =	ssyncadd.s32 @!p1 $0xFFFFFFC0  }
0x92: {  	[tilespmem:s20], [sflag:$0x7] =	stream.linear.gather @!p1 [hbm4b:s17+s19], $0x40, $0x38;
	[tilespmem:$0x1FAC0] =	vst v63  }
0x93: {  	_ =	swait.ge @!p1 [sflag:s18], $0x40  }
0x94: {  	[sflag:s18] =	ssyncset.done @!p1 $0x0  }
0x95: {  	s17 =	simm.s32 @!p1 $0x40;
	[sflag:s18] =	ssyncadd.s32 @!p1 $0xFFFFFFC0;
	s18 =	simm.s32 @!p1 $0x200  }
0x96: {  	[tilespmem:s18], [sflag:$0x1] =	stream.indirect.gather @!p1 [hbm4b:s4+s17], $0x80, s19, s17, $0xb8;
	[tilespmem:$0x1FAC0] =	vst v63  }
0x97: {  	s2 =	sshll.u32 @!p1 s2, $0x4;
	s18 =	simm.s32 @!p1 $0x4200  }
0x98: {  	[tilespmem:s18], [sflag:$0x3] =	stream.indirect.gather @!p1 [hbm4b:s5+s17], $0x80, s20, s17, $0xb8;
	[tilespmem:$0x1FAC0] =	vst v63  }
0x99: {  	s2 =	sadd.s32 @!p1 s6, s2;
	s17 =	simm.s32 @!p1 $0x8200  }
0x9a: {  	[tilespmem:s17], [sflag:$0x5] =	stream.linear.gather @!p1 [hbm4b:s2+s19], $0x2000, $0x38;
	[tilespmem:$0x1FAC0] =	vst v63  }
0x9b: {  	_ =	swait.ge [sflag:s11], $0x2000  }
0x9c: {  	[sflag:s11] =	ssyncset.done $0x0  }
0x9d: {  	[sflag:s11] =	ssyncadd.s32 $0xFFFFE000  }
0x9e: {  	_ =	swait.ge [sflag:s12], $0x2000  }
0x9f: {  	[sflag:s12] =	ssyncset.done $0x0  }
0xa0: {  	[sflag:s12] =	ssyncadd.s32 $0xFFFFE000  }
0xa1: {  	_ =	swait.ge [sflag:s13], $0x2000  }
0xa2: {  	[sflag:s13] =	ssyncset.done $0x0  }
0xa3: {  	s17 =	simm.s32 $0x0;
	[sflag:s13] =	ssyncadd.s32 $0xFFFFE000  }
0xa4: {  	v12 =	vld [tilespmem:s17+$0x2200]  }
0xa5: {  	v17 =	vld [tilespmem:s17+$0x6200]  }
0xa6: {  	v19 =	vld [tilespmem:s17+$0x2210]  }
0xa7: {  	v20 =	vld [tilespmem:s17+$0x6210]  }
0xa8: {  	v5 =	vld [tilespmem:s17+$0x2220]  }
0xa9: {  	v9 =	vld [tilespmem:s17+$0x6220]  }
0xaa: {  	v7 =	vld [tilespmem:s17+$0x2230]  }
0xab: {  	v11 =	vld [tilespmem:s17+$0x6230]  }
0xac: {  	v8 =	vld [tilespmem:s17+$0x2240]  }
0xad: {  	v10 =	vld [tilespmem:s17+$0x6240]  }
0xae: {  	v4 =	vld [tilespmem:s17+$0x2250]  }
0xaf: {  	v6 =	vld [tilespmem:s17+$0x6250]  }
0xb0: {  	v2 =	vld [tilespmem:s17+$0x2260]  }
0xb1: {  	v3 =	vld [tilespmem:s17+$0x6260]  }
0xb2: {  	v0 =	vld [tilespmem:s17+$0x2270]  }
0xb3: {  	v1 =	vld [tilespmem:s17+$0x6270]  }
0xb4: {  	v16 =	vld [tilespmem:s17+$0xA200]  }
0xb5: {  	v15 =	vld [tilespmem:s17+$0xA210]  }
0xb6: {  	v14 =	vld [tilespmem:s17+$0xA220]  }
0xb7: {  	v13 =	vld [tilespmem:s17+$0xA230];
	v18 =	vadd.f32 v17, v12  }
0xb8: {  	s2 =	simm.s32 $0x200;
	v17 =	vadd.f32 v20, v19;
	v12 =	vld [tilespmem:s17+$0xA240]  }
.LBB2_5:
0xb9: {  	p1 =	sne.s32 s2, $0x7E00;
	v16 =	vadd.f32 v16, v18;
	v5 =	vadd.f32 v9, v5;
	v9 =	vld [tilespmem:s17+$0xA250]  }
0xba: {  	v7 =	vadd.f32 v11, v7;
	v15 =	vadd.f32 v15, v17;
	v11 =	vld [tilespmem:s17+$0xA260]  }
0xbb: {  	s18 =	sshra.s32 s2, $0x2;
	v8 =	vadd.f32 v10, v8;
	v16 =	vmax.f32 v16, $0.0e+00;
	v5 =	vadd.f32 v14, v5;
	v10 =	vld [tilespmem:s17+$0xA270]  }
0xbc: {  	v4 =	vadd.f32 v6, v4;
	v17 =	vld [tilespmem:s18+$0x2200];
	[tilespmem:s17+$0xA200] =	vst v16;
	v14 =	vmax.f32 v15, $0.0e+00;
	v7 =	vadd.f32 v13, v7  }
0xbd: {  	v2 =	vadd.f32 v3, v2;
	v13 =	vld [tilespmem:s18+$0x6200];
	[tilespmem:s17+$0xA210] =	vst v14;
	v5 =	vmax.f32 v5, $0.0e+00;
	v6 =	vadd.f32 v12, v8  }
0xbe: {  	v0 =	vadd.f32 v1, v0;
	v12 =	vld [tilespmem:s18+$0x2210];
	[tilespmem:s17+$0xA220] =	vst v5;
	v3 =	vmax.f32 v7, $0.0e+00;
	v4 =	vadd.f32 v9, v4  }
0xbf: {  	v19 =	vld [tilespmem:s18+$0x6210];
	[tilespmem:s17+$0xA230] =	vst v3;
	v1 =	vmax.f32 v6, $0.0e+00;
	v2 =	vadd.f32 v11, v2  }
0xc0: {  	v5 =	vld [tilespmem:s18+$0x2220];
	[tilespmem:s17+$0xA240] =	vst v1;
	v1 =	vmax.f32 v4, $0.0e+00;
	v0 =	vadd.f32 v10, v0  }
0xc1: {  	v9 =	vld [tilespmem:s18+$0x6220];
	[tilespmem:s17+$0xA250] =	vst v1;
	v1 =	vmax.f32 v2, $0.0e+00  }
0xc2: {  	v7 =	vld [tilespmem:s18+$0x2230];
	[tilespmem:s17+$0xA260] =	vst v1;
	v0 =	vmax.f32 v0, $0.0e+00  }
0xc3: {  	v11 =	vld [tilespmem:s18+$0x6230];
	[tilespmem:s17+$0xA270] =	vst v0;
	s17 =	smov.u32 s18  }
0xc4: {  	v8 =	vld [tilespmem:s17+$0x2240]  }
0xc5: {  	v10 =	vld [tilespmem:s17+$0x6240]  }
0xc6: {  	v4 =	vld [tilespmem:s17+$0x2250]  }
0xc7: {  	v6 =	vld [tilespmem:s17+$0x6250]  }
0xc8: {  	v2 =	vld [tilespmem:s17+$0x2260]  }
0xc9: {  	v3 =	vld [tilespmem:s17+$0x6260]  }
0xca: {  	v0 =	vld [tilespmem:s17+$0x2270]  }
0xcb: {  	v1 =	vld [tilespmem:s17+$0x6270]  }
.Ltmp1:
0xcc: {  	v16 =	vld [tilespmem:s17+$0xA200];
	(pc) =	sbr.rel @p1 .LBB2_5-.Ltmp1, $4  }
0xcd: {  	v15 =	vld [tilespmem:s17+$0xA210]  }
0xce: {  	v14 =	vld [tilespmem:s17+$0xA220]  }
0xcf: {  	v18 =	vadd.f32 v13, v17;
	v13 =	vld [tilespmem:s17+$0xA230]  }
0xd0: {  	s2 =	sadd.s32 $0x200, s2;
	v17 =	vadd.f32 v19, v12;
	v12 =	vld [tilespmem:s17+$0xA240]  }
0xd1: {  	v16 =	vadd.f32 v16, v18;
	v5 =	vadd.f32 v9, v5;
	v55 =	vld [tilespmem:s17+$0xA250]  }
0xd2: {  	v7 =	vadd.f32 v11, v7;
	v56 =	vld [tilespmem:s17+$0xA260];
	v15 =	vadd.f32 v15, v17  }
0xd3: {  	v8 =	vadd.f32 v10, v8;
	v57 =	vld [tilespmem:s17+$0xA270];
	v16 =	vmax.f32 v16, $0.0e+00;
	v5 =	vadd.f32 v14, v5  }
0xd4: {  	v4 =	vadd.f32 v6, v4;
	[tilespmem:s17+$0xA200] =	vst v16;
	v58 =	vmax.f32 v15, $0.0e+00;
	v7 =	vadd.f32 v13, v7  }
0xd5: {  	v2 =	vadd.f32 v3, v2;
	[tilespmem:s17+$0xA210] =	vst v58;
	v5 =	vmax.f32 v5, $0.0e+00;
	v59 =	vadd.f32 v12, v8  }
0xd6: {  	v0 =	vadd.f32 v1, v0;
	[tilespmem:s17+$0xA220] =	vst v5;
	v60 =	vmax.f32 v7, $0.0e+00;
	v4 =	vadd.f32 v55, v4  }
0xd7: {  	v2 =	vadd.f32 v56, v2;
	[tilespmem:s17+$0xA230] =	vst v60;
	v61 =	vmax.f32 v59, $0.0e+00  }
0xd8: {  	v0 =	vadd.f32 v57, v0;
	[tilespmem:s17+$0xA240] =	vst v61;
	v62 =	vmax.f32 v4, $0.0e+00  }
0xd9: {  	s16 =	sadd.s32 $0x1, s16;
	v63 =	vmax.f32 v2, $0.0e+00;
	[tilespmem:s17+$0xA250] =	vst v62  }
0xda: {  	p1 =	sne.s32 s16, $0x28;
	v0 =	vmax.f32 v0, $0.0e+00;
	[tilespmem:s17+$0xA260] =	vst v63  }
.Ltmp2:
0xdb: {  	[tilespmem:s17+$0xA270] =	vst v0;
	(pc) =	sbr.rel @p1 .LBB2_2-.Ltmp2, $4  }
0xdc: {  	[spmem:s1] =	stream.indirect.scatter.add.f32 [tilespmem:s3], [sflag:$0x7], $0x80, s30, s24, $0xb8;
	[tilespmem:$0x1FAC0] =	vst v63  }
0xdd: {  	_ =	swait.ge [sflag:s22], $0x2000  }
0xde: {  	[sflag:s22] =	ssyncset.done $0x0  }
0xdf: {  	[sflag:s22] =	ssyncadd.s32 $0xFFFFE000  }
0xe0: {  	[bflag:$0x0] =	sbarrier.arrive $0xFFFF  }
0xe1: {  	s2 =	simm.s32 @p0 $0x1FC7;
	s16 =	rddreg [dreg:$0x9]  }
0xe2: {  	[hbm:s16], [sflag:s2] =	dma.local @p0 [spmem:s21], $0x2800  }
0xe3: {  	s2 =	simm.s32 @p0 $0x7  }
0xe4: {  	_ =	swait.ge @p0 [sflag:s2], $0x2800  }
0xe5: {  	s18 =	rddreg [dreg:$0xb]  }
0xe6: {  	[sflag:s2] =	ssyncset.done @p0 $0x0;
	s19 =	rddreg [dreg:$0xc]  }
0xe7: {  	[sflag:s2] =	ssyncadd.s32 @p0 $0xFFFFD800;
	s2 =	rddreg [dreg:$0x8]  }
0xe8: {  	[hbm:s2], [sflag:s18] =	dma.local @!p0 [spmem:s19], $0x2700  }
0xe9: {  	s2 =	simm.s32 @!p0 $0x7  }
0xea: {  	_ =	swait.ge @!p0 [sflag:s2], $0x2700  }
0xeb: {  	s17 =	smov.u32 s21;
	s14 =	sadd.s32 $0x1, s14;
	s21 =	rddreg [dreg:$0xa]  }
0xec: {  	p1 =	sne.s32 s14, s21  }
.Ltmp3:
0xed: {  	_ = 	snop;
	(pc) =	sbr.rel @p1 .LBB2_1-.Ltmp3, $3  }
0xee: {  	_ =	sdelay $0x1  }
0xef: {  	[sflag:s2] =	ssyncset.done @!p0 $0x0  }
0xf0: {  	[sflag:s2] =	ssyncadd.s32 @!p0 $0xFFFFD900  }
0xf1: {  	_ =	sfence.sel $0x180000  }
0xf2: {  	[bflag:$0x0] =	sbarrier.arrive $0xFFFF  }
0xf3: {  	_ =	strace $0x9000004A  }
0xf4: {  	s0 =	stileid.u32;
	[bflag:$0x2] =	sbarrier.arrive $0xFFFF  }
0xf5: {  	p0 =	sne.s32 s0, $0x0;
	s0 =	rddreg [dreg:$0x2]  }
0xf6: {  	s0 =	sadd.s32 @!p0 $0x100000, s0  }
0xf7: {  	[sflag:s0] =	ssyncadd.tile.s32 @!p0 $0x1;
	_ =	shalt  }
.Lfunc_end2:
_tile_overlayer_lowered:
.L_overlay_start_2:
0xf8: {  	(tag) =	ssettag $0x2  }
0xf9: {  	s0 =	rddreg [dreg:$0x0];
	s2 =	stileid.u32  }
0xfa: {  	s1 =	rddreg [dreg:$0x1];
	p0 =	sne.s32 s2, $0x0  }
0xfb: {  	s3 =	rddreg [dreg:$0x2];
	[bflag:$0x3] =	sbarrier.arrive $0xFFFF;
	s2 =	simm.s32 @!p0 $0x1C07  }
0xfc: {  	[timem:s3], [sflag:s2] =	dma.local @!p0 [hbm:s0], s1  }
0xfd: {  	s0 =	simm.s32 @!p0 $0x7  }
0xfe: {  	_ =	swait.ge @!p0 [sflag:s0], s1  }
0xff: {  	s1 =	ssub.s32 @!p0 $0x0, s1;
	[sflag:s0] =	ssyncset.done @!p0 $0x0  }
0x100: {  	[sflag:s0] =	ssyncadd.s32 @!p0 s1  }
0x101: {  	[bflag:$0x3] =	sbarrier.arrive $0xFFFF  }
0x102: {  	_ =	shalt  }

// kernel: kernel.27.cloned.1.call-start
scs
__scs_entry_jumppad:
0x0: {  	(pc) =	sbr.rel $0x88, $3  }
0x1: {  	(tag) =	ssettag $0x0;
	lr =	simm.s32 $0x1  }
0x2: {  	[smem:$0x3F88] =	sst lr;
	_ =	strace $0xD0000000  }
0x3: {  	_ = 	snop  }
0x4: {  	_ = 	snop  }
0x5: {  	_ = 	snop  }
0x6: {  	_ = 	snop  }
0x7: {  	_ = 	snop  }
__scs_overlays_trampoline_lowered:
0x8: {  	[smem:$0x3F97] =	sst s0  }
0x9: {  	[smem:$0x3F98] =	sst s1  }
0xa: {  	[smem:$0x3F99] =	sst s2  }
0xb: {  	[smem:$0x3F9A] =	sst s3  }
0xc: {  	[smem:$0x3F9B] =	sst s4  }
0xd: {  	[smem:$0x3F9C] =	sst s5  }
0xe: {  	[smem:$0x3F9D] =	sst s6  }
0xf: {  	[smem:$0x3F9E] =	sst s7  }
0x10: {  	[smem:$0x3F9F] =	sst s8  }
0x11: {  	[smem:$0x3FA0] =	sst s9;
	s0 =	simm.s32 @!p0 $0x0  }
0x12: {  	s1 =	sld [smem:$0x3F86];
	s0 =	simm.s32 @p0 $0x1  }
0x13: {  	[smem:$0x3FA1] =	sst s0;
	s0 =	simm.s32 @!p1 $0x0  }
0x14: {  	s2 =	sld [smem:$0x3F85];
	s0 =	simm.s32 @p1 $0x1  }
0x15: {  	[smem:$0x3FA2] =	sst s0;
	s0 =	simm.s32 @!p2 $0x0  }
0x16: {  	s3 =	sld [smem:$0x3FDB];
	s0 =	simm.s32 @p2 $0x1  }
0x17: {  	s4 =	simm.s32 $0x1BF5;
	[smem:$0x3FA4] =	sst s0  }
0x18: {  	s0 =	sld [smem:$0x3F87];
	_ =	swait.ge [sflag:s4], $0x0  }
0x19: {  	s7 =	sld [smem:$0x3F88]  }
0x1a: {  	s8 =	sadd.s32 $0xFFFFE003, lr  }
0x1b: {  	s9 =	sadd.s32 $0xFFFFFEF7, lr;
	s5 =	simm.s32 $0xFFFFFFFF;
	p2 =	slt.u32 s8, $0xFFFFF086  }
0x1c: {  	p1 =	slt.u32 s9, $0xF7A;
	s5 =	simm.s32 @!p2 $0x0  }
0x1d: {  	s5 =	simm.s32 @p1 $0x1;
	p0 =	seq.s32 s7, s2  }
0x1e: {  	s7 =	smul.u32 @!p0 $0xF7A, s2;
	p2 =	seq.s32 @!p0 s5, $0x0  }
0x1f: {  	s9 =	smul.u32 $0xF7A, s1;
	s8 =	simm.s32 @!p0 $0x1BF5;
	p2 =	por !p2, p0  }
0x20: {  	[sflag:s8] =	ssyncset.s32 @!p0 $0xFFFFF086;
	s6 =	sadd.s32 @!p0 s3, s7;
	s7 =	simm.s32 @!p0 $0x108  }
0x21: {  	s3 =	sadd.s32 s3, s9;
	s6 =	sadd.s32 @!p0 $0x88, s6;
	s7 =	simm.s32 @p2 $0x1082  }
0x22: {  	[simem:s7], [sflag:s8] =	dma.local @!p0 [hbm:s6], $0xF7A  }
0x23: {  	s9 =	sor.u32 $0xD0000000, s2;
	s6 =	simm.s32 $0x108;
	_ =	swait.ge @!p0 [sflag:s8], $0x0  }
0x24: {  	s3 =	sadd.s32 $0x88, s3;
	s6 =	simm.s32 @!p1 $0x1082;
	[sflag:s4] =	ssyncset.s32 $0xFFFFF086  }
0x25: {  	[simem:s6], [sflag:s4] =	dma.local [hbm:s3], $0xF7A  }
0x26: {  	[smem:$0x3F88] =	sst s1;
	(tag) =	ssettag s2;
	_ =	strace s9  }
0x27: {  	s1 =	sld [smem:$0x3F98]  }
0x28: {  	s2 =	sld [smem:$0x3F99]  }
0x29: {  	s4 =	sld [smem:$0x3F9B]  }
0x2a: {  	p0 =	seq.s32 s5, $0x0;
	s5 =	sld [smem:$0x3F9C]  }
0x2b: {  	s6 =	sld [smem:$0x3F9D]  }
0x2c: {  	s7 =	sld [smem:$0x3F9E]  }
0x2d: {  	s3 =	simm.s32 $0x108;
	s8 =	sld [smem:$0x3F9F]  }
0x2e: {  	s3 =	simm.s32 @!p0 $0x1082;
	s9 =	sld [smem:$0x3FA0]  }
0x2f: {  	lr =	sadd.s32 s0, s3;
	s0 =	sld [smem:$0x3F97]  }
0x30: {  	s3 =	sld [smem:$0x3F9A]  }
0x31: {  	[smem:$0x3FA3] =	sst s10  }
0x32: {  	s10 =	sld [smem:$0x3FA1];
	_ =	sdelay $0x3  }
0x33: {  	p0 =	seq.s32 s10, $0x1;
	s10 =	sld [smem:$0x3FA3];
	_ =	sdelay $0x3  }
0x34: {  	[smem:$0x3FA3] =	sst s10  }
0x35: {  	s10 =	sld [smem:$0x3FA2];
	_ =	sdelay $0x3  }
0x36: {  	p1 =	seq.s32 s10, $0x1;
	s10 =	sld [smem:$0x3FA3];
	_ =	sdelay $0x3  }
0x37: {  	[smem:$0x3FA3] =	sst s10  }
0x38: {  	s10 =	sld [smem:$0x3FA4]  }
0x39: {  	_ = 	snop;
	(pc) =	sbr.ind lr, $3  }
0x3a: {  	_ = 	snop  }
0x3b: {  	_ = 	snop  }
0x3c: {  	p2 =	seq.s32 s10, $0x1;
	s10 =	sld [smem:$0x3FA3]  }
0x3d: {  	_ =	shalt  }
0x3e: {  	_ =	shalt  }
0x3f: {  	_ =	shalt  }
0x40: {  	_ =	shalt  }
0x41: {  	_ =	shalt  }
0x42: {  	_ =	shalt  }
0x43: {  	_ =	shalt  }
0x44: {  	_ =	shalt  }
0x45: {  	_ =	shalt  }
0x46: {  	_ =	shalt  }
0x47: {  	_ =	shalt  }
0x48: {  	_ =	shalt  }
0x49: {  	_ =	shalt  }
0x4a: {  	_ =	shalt  }
0x4b: {  	_ =	shalt  }
0x4c: {  	_ =	shalt  }
0x4d: {  	_ =	shalt  }
0x4e: {  	_ =	shalt  }
0x4f: {  	_ =	shalt  }
0x50: {  	_ =	shalt  }
0x51: {  	_ =	shalt  }
0x52: {  	_ =	shalt  }
0x53: {  	_ =	shalt  }
0x54: {  	_ =	shalt  }
0x55: {  	_ =	shalt  }
0x56: {  	_ =	shalt  }
0x57: {  	_ =	shalt  }
0x58: {  	_ =	shalt  }
0x59: {  	_ =	shalt  }
0x5a: {  	_ =	shalt  }
0x5b: {  	_ =	shalt  }
0x5c: {  	_ =	shalt  }
0x5d: {  	_ =	shalt  }
0x5e: {  	_ =	shalt  }
0x5f: {  	_ =	shalt  }
0x60: {  	_ =	shalt  }
0x61: {  	_ =	shalt  }
0x62: {  	_ =	shalt  }
0x63: {  	_ =	shalt  }
0x64: {  	_ =	shalt  }
0x65: {  	_ =	shalt  }
0x66: {  	_ =	shalt  }
0x67: {  	_ =	shalt  }
0x68: {  	_ =	shalt  }
0x69: {  	_ =	shalt  }
0x6a: {  	_ =	shalt  }
0x6b: {  	_ =	shalt  }
0x6c: {  	_ =	shalt  }
0x6d: {  	_ =	shalt  }
0x6e: {  	_ =	shalt  }
0x6f: {  	_ =	shalt  }
0x70: {  	_ =	shalt  }
0x71: {  	_ =	shalt  }
0x72: {  	_ =	shalt  }
0x73: {  	_ =	shalt  }
0x74: {  	_ =	shalt  }
0x75: {  	_ =	shalt  }
0x76: {  	_ =	shalt  }
0x77: {  	_ =	shalt  }
0x78: {  	_ =	shalt  }
0x79: {  	_ =	shalt  }
0x7a: {  	_ =	shalt  }
0x7b: {  	_ =	shalt  }
0x7c: {  	_ =	shalt  }
0x7d: {  	_ =	shalt  }
0x7e: {  	_ =	shalt  }
0x7f: {  	_ =	shalt  }
0x80: {  	_ =	shalt  }
0x81: {  	_ =	shalt  }
0x82: {  	_ =	shalt  }
0x83: {  	_ =	shalt  }
0x84: {  	_ =	shalt  }
0x85: {  	_ =	shalt  }
0x86: {  	_ =	shalt  }
0x87: {  	_ =	shalt  }
.Lfunc_end0:
.L_simem_size_0:
called_computation.2_lowered:
.L_overlay_start_0:
0x88: {  	s2 =	sld [smem:$0x3FD9]  }
0x89: {  	s3 =	sld [smem:$0x3FFE];
	_ =	sdelay $0x1  }
0x8a: {  	s1 =	srdreg.scid  }
0x8b: {  	s0 =	sand.u32 $0x1, s1  }
0x8c: {  	s16 =	sshll.u32 s0, $0xA;
	s2 =	sadd.s32 s3, s2  }
0x8d: {  	s2 =	sadd.s32 s2, s16  }
0x8e: {  	[smem:$0x3FAF] =	sst s2  }
0x8f: {  	_ = 	snop  }
0x90: {  	(tm) =	ssettm $0x1  }
0x91: {  	s17 =	sld [smem:$0x3FFB];
	_ =	sdelay $0x3  }
0x92: {  	_ =	strace s17  }
0x93: {  	s2 =	sld [smem:$0x3FFC];
	_ =	sdelay $0x3  }
0x94: {  	_ =	strace s2  }
0x95: {  	s2 =	sld [smem:$0x3FFD];
	_ =	sdelay $0x3  }
0x96: {  	_ =	strace s2  }
0x97: {  	_ =	strace $0x8FFFFFFF  }
0x98: {  	s18 =	sld [smem:$0x3FDB];
	_ =	sdelay $0x1  }
0x99: {  	s19 =	simm.s32 $_scs_section_size  }
0x9a: {  	s4 =	simm.s32 $_size__tile_overlayer_lowered;
	s5 =	simm.s32 $_tile_overlayer_lowered  }
0x9b: {  	s22 =	simm.s32 $0x1BFF;
	s21 =	sshll.u32 s5, $0x1;
	s2 =	sadd.s32 s19, s18  }
0x9c: {  	s6 =	simm.s32 $0x0;
	s20 =	sshll.u32 s4, $0x1;
	s4 =	sadd.s32 s21, s2  }
0x9d: {  	[timem:s6], [sflag:s22] =	dma.local [hbm:s4], s20  }
0x9e: {  	_ =	swait.ge [sflag:s22], s20  }
0x9f: {  	s3 =	ssub.s32 $0x0, s20;
	[sflag:s22] =	ssyncset.done $0x0  }
0xa0: {  	[sflag:s22] =	ssyncadd.s32 s3;
	_ =	sdelay $0x1  }
0xa1: {  	s23 =	simm.s32 $0x1B8B  }
0xa2: {  	_ =	swait.ge [sflag:s23], $0x1  }
0xa3: {  	[sflag:s23] =	ssyncset.done $0x0  }
0xa4: {  	s25 =	simm.s32 $0x1B8E;
	s24 =	sld [smem:$0x3FFE];
	[sflag:s23] =	ssyncadd.s32 $0xFFFFFFFF  }
0xa5: {  	s26 =	simm.s32 $execute0_lowered;
	[smem:$0x3FD2] =	sst s25  }
0xa6: {  	s4 =	sshll.u32 s26, $0x1;
	_ =	strace $0x8000004C;
	[dreg:$0x1] =	wrdreg $0xFFFFFFFF  }
0xa7: {  	s28 =	simm.s32 $_size_execute0_lowered;
	s2 =	sadd.s32 s2, s4;
	[dreg:$0x0] =	wrdreg $0x0  }
0xa8: {  	s4 =	sshll.u32 s28, $0x1;
	[dreg:$0x2] =	wrdreg s2  }
0xa9: {  	[dreg:$0x3] =	wrdreg s4  }
0xaa: {  	[dreg:$0x4] =	wrdreg $0xC0  }
0xab: {  	_ =	task [dreg:s6], $0x5FFFF  }
0xac: {  	[dreg:$0x1] =	wrdreg $0xFFFFFFFF  }
0xad: {  	[dreg:$0x0] =	wrdreg $0x60  }
0xae: {  	[dreg:$0x2] =	wrdreg s24  }
0xaf: {  	[dreg:$0x3] =	wrdreg $0xC2000  }
0xb0: {  	[dreg:$0x4] =	wrdreg $0x9  }
0xb1: {  	_ =	task.clear_ibuf [dreg:s6], $0x5FFFF;
	_ =	strace $0x9000004C  }
0xb2: {  	s29 =	simm.s32 $0x9;
	_ =	strace $0x8000004E  }
0xb3: {  	_ =	swait.ge [sflag:s29], $0x1  }
0xb4: {  	[sflag:s29] =	ssyncadd.s32 $0xFFFFFFFF  }
0xb5: {  	_ =	strace $0x9000004E  }
0xb6: {  	_ =	sfence  }
0xb7: {  	s30 =	sld [smem:$0x0];
	_ =	sdelay $0x2  }
0xb8: {  	s31 =	sshll.u32 s1, $0xD;
	s1 =	sshrl.u32 s1, $0x2  }
0xb9: {  	s3 =	sand.u32 $0x4000, s31;
	s1 =	sadd.s32 s1, s30  }
0xba: {  	s0 =	sor.u32 s3, s0;
	s1 =	sshll.u32 s1, $0x11  }
0xbb: {  	s0 =	sor.u32 s1, s0  }
0xbc: {  	s0 =	sadd.s32 $0x8F2B, s0  }
0xbd: {  	[sflag:s0] =	ssyncadd.remote.s32 $0x1  }
0xbe: {  	_ =	sfence.sel $0xFFFF  }
0xbf: {  	[dreg:$0x0] =	wrdreg $0xFFFFFFFF;
	(pc) =	sbr.abs _section_cstart, $3  }
0xc0: {  	[dreg:$0x1] =	wrdreg $0xFFFFFFFF  }
0xc1: {  	_ =	task.clear_ibuf [dreg:s6], $0x2FFFF;
	_ =	strace $0x9FFFFFFF  }
0xc2: {  	(tm) =	ssettm $0x7FFFFFFF  }
0xc3: {  	_ =	shalt  }
tec
execute0_lowered:
.L_overlay_start_1:
0x0: {  	(tag) =	ssettag $0x1  }
0x1: {  	s0 =	rddreg [dreg:$0x0]  }
0x2: {  	s1 =	rddreg [dreg:$0x1]  }
0x3: {  	s2 =	simm.s32 $0x0;
	s17 =	stileid.u32;
	s3 =	srdreg.scid  }
0x4: {  	s28 =	simm.s32 $0x8200;
	s30 =	simm.s32 $0x180;
	s31 =	simm.s32 $0x2200  }
0x5: {  	[smem:$0x7FF] =	sst s2;
	s4 =	sadd.s32 $0x68A00, s0;
	s5 =	sadd.s32 $0x41800, s0  }
0x6: {  	s29 =	simm.s32 $0x80;
	s6 =	sadd.s32 $0x7B2E00, s0;
	s7 =	sadd.s32 $0x52DE00, s0  }
0x7: {  	s16 =	smul.u32 $0x2700, s17;
	s8 =	sadd.s32 $0x3C800, s0;
	s3 =	sand.u32 $0x1, s3  }
0x8: {  	s9 =	sshll.u32 s17, $0x1;
	s11 =	smul.u32 $0x4E000, s17;
	s12 =	sadd.s32 $0x12EA00, s0  }
0x9: {  	s19 =	smul.u32 $0x13800, s17;
	p0 =	seq.s32 s17, $0xF;
	_ =	strace $0x8000004D  }
0xa: {  	s10 =	sor.u32 s3, s9;
	s13 =	ssub.s32 $0x2, s3;
	s3 =	smul.u32 $0x138800, s3  }
0xb: {  	s2 =	sadd.s32 s16, s0;
	s9 =	smul.u32 $0x1400, s10;
	s14 =	sshrl.u32 s13, $0x1  }
0xc: {  	s11 =	sshrl.u32 s11, $0x2;
	s10 =	smul.u32 $0x14000, s10;
	s16 =	sadd.s32 $0x124800, s1  }
0xd: {  	s0 =	sadd.s32 $0xDB700, s0;
	s13 =	ssub.s32 s13, s14;
	s11 =	sadd.s32 s11, s1  }
0xe: {  	s2 =	sadd.s32 $0xB6E00, s2;
	[dreg:$0x4] =	wrdreg s0;
	s23 =	sadd.s32 s19, s3  }
0xf: {  	s24 =	sshrl.u32 s3, $0x3;
	s3 =	simm.s32 $0xA200;
	s14 =	simm.s32 $0x0  }
0x10: {  	[dreg:$0x3] =	wrdreg s2;
	s18 =	sshrl.u32 s9, $0x3;
	s22 =	sadd.s32 s6, s10  }
0x11: {  	s15 =	sor.u32 $0x80, s9;
	s0 =	sshrl.u32 s23, $0x3;
	s25 =	sadd.s32 s12, s24  }
0x12: {  	s26 =	smax.u32 s13, $0x1;
	s19 =	sshrl.u32 @!p0 s11, $0x3;
	s23 =	simm.s32 $0x100  }
0x13: {  	s24 =	simm.s32 $0x40;
	s10 =	simm.s32 $0x5;
	[dreg:$0x7] =	wrdreg s22  }
0x14: {  	s11 =	simm.s32 $0x2;
	s13 =	simm.s32 $0x6;
	[dreg:$0xa] =	wrdreg s26  }
0x15: {  	s20 =	sadd.s32 s7, s18;
	s21 =	sadd.s32 s8, s18;
	[dreg:$0xc] =	wrdreg s19  }
0x16: {  	s0 =	sadd.s32 s12, s0;
	s22 =	simm.s32 $0x7;
	[dreg:$0x5] =	wrdreg s20  }
0x17: {  	s26 =	simm.s32 $0x3;
	[dreg:$0x8] =	wrdreg s0;
	s0 =	sadd.s32 $0x24900, s25  }
0x18: {  	s12 =	simm.s32 $0x4;
	[dreg:$0x9] =	wrdreg s0;
	s0 =	sshll.u32 @!p0 s17, $0x6  }
0x19: {  	[dreg:$0x6] =	wrdreg s21;
	s25 =	simm.s32 $0x1;
	s18 =	sor.u32 @!p0 $0x1C07, s0  }
0x1a: {  	s17 =	sshrl.u32 @p0 s16, $0x3;
	s0 =	simm.s32 $0x6200;
	[dreg:$0xb] =	wrdreg s18  }
.LBB2_1:
0x1b: {  	s2 =	simm.s32 @p0 $0x1FC7;
	s16 =	rddreg [dreg:$0x4]  }
0x1c: {  	[spmem:s17], [sflag:s2] =	dma.local @p0 [hbm:s16], $0x2800  }
0x1d: {  	s2 =	simm.s32 @p0 $0x7  }
0x1e: {  	_ =	swait.ge @p0 [sflag:s2], $0x2800  }
0x1f: {  	[sflag:s2] =	ssyncset.done @p0 $0x0  }
0x20: {  	[sflag:s2] =	ssyncadd.s32 @p0 $0xFFFFD800;
	s2 =	rddreg [dreg:$0x3]  }
0x21: {  	[spmem:s19], [sflag:s18] =	dma.local @!p0 [hbm:s2], $0x2700  }
0x22: {  	s2 =	simm.s32 @!p0 $0x7  }
0x23: {  	_ =	swait.ge @!p0 [sflag:s2], $0x2700  }
0x24: {  	[sflag:s2] =	ssyncset.done @!p0 $0x0  }
0x25: {  	[sflag:s2] =	ssyncadd.s32 @!p0 $0xFFFFD900  }
0x26: {  	[bflag:$0x0] =	sbarrier.arrive $0xFFFF  }
0x27: {  	s2 =	simm.s32 $0x0;
	s20 =	rddreg [dreg:$0x5]  }
0x28: {  	[tilespmem:s2], [sflag:$0x7] =	stream.linear.gather [hbm4b:s20+s2], $0x40, $0x38;
	[tilespmem:$0x1FAC0] =	vst v63  }
0x29: {  	_ =	swait.ge [sflag:s22], $0x40  }
0x2a: {  	[sflag:s22] =	ssyncset.done $0x0  }
0x2b: {  	s21 =	smov.u32 s17;
	s17 =	rddreg [dreg:$0x6];
	[sflag:s22] =	ssyncadd.s32 $0xFFFFFFC0  }
0x2c: {  	[tilespmem:s23], [sflag:$0x7] =	stream.linear.gather [hbm4b:s17+s2], $0x40, $0x38;
	[tilespmem:$0x1FAC0] =	vst v63  }
0x2d: {  	_ =	swait.ge [sflag:s22], $0x40  }
0x2e: {  	[sflag:s22] =	ssyncset.done $0x0  }
0x2f: {  	s18 =	simm.s32 $0x200;
	[sflag:s22] =	ssyncadd.s32 $0xFFFFFFC0  }
0x30: {  	[tilespmem:s18], [sflag:$0x1] =	stream.indirect.gather [hbm4b:s4+s24], $0x80, s2, s24, $0xb8;
	[tilespmem:$0x1FAC0] =	vst v63  }
0x31: {  	s19 =	simm.s32 $0x4200  }
0x32: {  	[tilespmem:s19], [sflag:$0x3] =	stream.indirect.gather [hbm4b:s5+s24], $0x80, s23, s24, $0xb8;
	[tilespmem:$0x1FAC0] =	vst v63  }
0x33: {  	s16 =	simm.s32 $0x0;
	s20 =	rddreg [dreg:$0x7]  }
0x34: {  	[tilespmem:s28], [sflag:$0x5] =	stream.linear.gather [hbm4b:s20+s2], $0x2000, $0x38;
	[tilespmem:$0x1FAC0] =	vst v63  }
.LBB2_2:
0x35: {  	s17 =	sshll.u32 s16, $0x7  }
0x36: {  	s2 =	sadd.s32 s17, s9  }
0x37: {  	s2 =	sadd.s32 $0x40, s2  }
0x38: {  	s18 =	sshrl.u32 s2, $0x3  }
0x39: {  	s20 =	simm.s32 $0x0;
	s19 =	sadd.s32 s7, s18  }
0x3a: {  	[tilespmem:s29], [sflag:$0x7] =	stream.linear.gather [hbm4b:s19+s20], $0x40, $0x38;
	[tilespmem:$0x1FAC0] =	vst v63  }
0x3b: {  	_ =	swait.ge [sflag:s22], $0x40  }
0x3c: {  	[sflag:s22] =	ssyncset.done $0x0  }
0x3d: {  	s18 =	sadd.s32 s8, s18;
	[sflag:s22] =	ssyncadd.s32 $0xFFFFFFC0  }
0x3e: {  	[tilespmem:s30], [sflag:$0x7] =	stream.linear.gather [hbm4b:s18+s20], $0x40, $0x38;
	[tilespmem:$0x1FAC0] =	vst v63  }
0x3f: {  	_ =	swait.ge [sflag:s22], $0x40  }
0x40: {  	[sflag:s22] =	ssyncset.done $0x0  }
0x41: {  	[sflag:s22] =	ssyncadd.s32 $0xFFFFFFC0  }
0x42: {  	[tilespmem:s31], [sflag:$0x2] =	stream.indirect.gather [hbm4b:s4+s24], $0x80, s29, s24, $0xb8;
	[tilespmem:$0x1FAC0] =	vst v63  }
0x43: {  	s2 =	sshll.u32 s2, $0x4  }
0x44: {  	[tilespmem:s0], [sflag:$0x4] =	stream.indirect.gather [hbm4b:s5+s24], $0x80, s30, s24, $0xb8;
	[tilespmem:$0x1FAC0] =	vst v63  }
0x45: {  	s2 =	sadd.s32 s6, s2  }
0x46: {  	[tilespmem:s3], [sflag:$0x6] =	stream.linear.gather [hbm4b:s2+s20], $0x2000, $0x38;
	[tilespmem:$0x1FAC0] =	vst v63  }
0x47: {  	_ =	swait.ge [sflag:s25], $0x2000  }
0x48: {  	[sflag:s25] =	ssyncset.done $0x0  }
0x49: {  	[sflag:s25] =	ssyncadd.s32 $0xFFFFE000  }
0x4a: {  	_ =	swait.ge [sflag:s26], $0x2000  }
0x4b: {  	[sflag:s26] =	ssyncset.done $0x0  }
0x4c: {  	[sflag:s26] =	ssyncadd.s32 $0xFFFFE000  }
0x4d: {  	_ =	swait.ge [sflag:s10], $0x2000  }
0x4e: {  	[sflag:s10] =	ssyncset.done $0x0  }
0x4f: {  	s18 =	simm.s32 $0x0;
	[sflag:s10] =	ssyncadd.s32 $0xFFFFE000  }
0x50: {  	v12 =	vld [tilespmem:s18+$0x200]  }
0x51: {  	v17 =	vld [tilespmem:s18+$0x4200]  }
0x52: {  	v19 =	vld [tilespmem:s18+$0x210]  }
0x53: {  	v20 =	vld [tilespmem:s18+$0x4210]  }
0x54: {  	v5 =	vld [tilespmem:s18+$0x220]  }
0x55: {  	v9 =	vld [tilespmem:s18+$0x4220]  }
0x56: {  	v7 =	vld [tilespmem:s18+$0x230]  }
0x57: {  	v11 =	vld [tilespmem:s18+$0x4230]  }
0x58: {  	v8 =	vld [tilespmem:s18+$0x240]  }
0x59: {  	v10 =	vld [tilespmem:s18+$0x4240]  }
0x5a: {  	v4 =	vld [tilespmem:s18+$0x250]  }
0x5b: {  	v6 =	vld [tilespmem:s18+$0x4250]  }
0x5c: {  	v2 =	vld [tilespmem:s18+$0x260]  }
0x5d: {  	v3 =	vld [tilespmem:s18+$0x4260]  }
0x5e: {  	v0 =	vld [tilespmem:s18+$0x270]  }
0x5f: {  	v1 =	vld [tilespmem:s18+$0x4270]  }
0x60: {  	v16 =	vld [tilespmem:s18+$0x8200]  }
0x61: {  	v15 =	vld [tilespmem:s18+$0x8210]  }
0x62: {  	v14 =	vld [tilespmem:s18+$0x8220]  }
0x63: {  	v13 =	vld [tilespmem:s18+$0x8230];
	v18 =	vadd.f32 v17, v12  }
0x64: {  	s2 =	simm.s32 $0x200;
	v17 =	vadd.f32 v20, v19;
	v12 =	vld [tilespmem:s18+$0x8240]  }
.LBB2_3:
0x65: {  	p1 =	sne.s32 s2, $0x7E00;
	v16 =	vadd.f32 v16, v18;
	v5 =	vadd.f32 v9, v5;
	v9 =	vld [tilespmem:s18+$0x8250]  }
0x66: {  	v7 =	vadd.f32 v11, v7;
	v15 =	vadd.f32 v15, v17;
	v11 =	vld [tilespmem:s18+$0x8260]  }
0x67: {  	s19 =	sshra.s32 s2, $0x2;
	v8 =	vadd.f32 v10, v8;
	v16 =	vmax.f32 v16, $0.0e+00;
	v5 =	vadd.f32 v14, v5;
	v10 =	vld [tilespmem:s18+$0x8270]  }
0x68: {  	v4 =	vadd.f32 v6, v4;
	v17 =	vld [tilespmem:s19+$0x200];
	[tilespmem:s18+$0x8200] =	vst v16;
	v14 =	vmax.f32 v15, $0.0e+00;
	v7 =	vadd.f32 v13, v7  }
0x69: {  	v2 =	vadd.f32 v3, v2;
	v13 =	vld [tilespmem:s19+$0x4200];
	[tilespmem:s18+$0x8210] =	vst v14;
	v5 =	vmax.f32 v5, $0.0e+00;
	v6 =	vadd.f32 v12, v8  }
0x6a: {  	v0 =	vadd.f32 v1, v0;
	v12 =	vld [tilespmem:s19+$0x210];
	[tilespmem:s18+$0x8220] =	vst v5;
	v3 =	vmax.f32 v7, $0.0e+00;
	v4 =	vadd.f32 v9, v4  }
0x6b: {  	v19 =	vld [tilespmem:s19+$0x4210];
	[tilespmem:s18+$0x8230] =	vst v3;
	v1 =	vmax.f32 v6, $0.0e+00;
	v2 =	vadd.f32 v11, v2  }
0x6c: {  	v5 =	vld [tilespmem:s19+$0x220];
	[tilespmem:s18+$0x8240] =	vst v1;
	v1 =	vmax.f32 v4, $0.0e+00;
	v0 =	vadd.f32 v10, v0  }
0x6d: {  	v9 =	vld [tilespmem:s19+$0x4220];
	[tilespmem:s18+$0x8250] =	vst v1;
	v1 =	vmax.f32 v2, $0.0e+00  }
0x6e: {  	v7 =	vld [tilespmem:s19+$0x230];
	[tilespmem:s18+$0x8260] =	vst v1;
	v0 =	vmax.f32 v0, $0.0e+00  }
0x6f: {  	v11 =	vld [tilespmem:s19+$0x4230];
	[tilespmem:s18+$0x8270] =	vst v0;
	s18 =	smov.u32 s19  }
0x70: {  	v8 =	vld [tilespmem:s18+$0x240]  }
0x71: {  	v10 =	vld [tilespmem:s18+$0x4240]  }
0x72: {  	v4 =	vld [tilespmem:s18+$0x250]  }
0x73: {  	v6 =	vld [tilespmem:s18+$0x4250]  }
0x74: {  	v2 =	vld [tilespmem:s18+$0x260]  }
0x75: {  	v3 =	vld [tilespmem:s18+$0x4260]  }
0x76: {  	v0 =	vld [tilespmem:s18+$0x270]  }
0x77: {  	v1 =	vld [tilespmem:s18+$0x4270]  }
.Ltmp0:
0x78: {  	v16 =	vld [tilespmem:s18+$0x8200];
	(pc) =	sbr.rel @p1 .LBB2_3-.Ltmp0, $4  }
0x79: {  	v15 =	vld [tilespmem:s18+$0x8210]  }
0x7a: {  	v14 =	vld [tilespmem:s18+$0x8220]  }
0x7b: {  	v18 =	vadd.f32 v13, v17;
	v13 =	vld [tilespmem:s18+$0x8230]  }
0x7c: {  	s2 =	sadd.s32 $0x200, s2;
	v17 =	vadd.f32 v19, v12;
	v12 =	vld [tilespmem:s18+$0x8240]  }
0x7d: {  	v16 =	vadd.f32 v16, v18  }
0x7e: {  	v5 =	vadd.f32 v9, v5;
	v9 =	vld [tilespmem:s18+$0x8250];
	v7 =	vadd.f32 v11, v7  }
0x7f: {  	v8 =	vadd.f32 v10, v8;
	v10 =	vld [tilespmem:s18+$0x8270];
	v15 =	vadd.f32 v15, v17  }
0x80: {  	v11 =	vld [tilespmem:s18+$0x8260];
	v16 =	vmax.f32 v16, $0.0e+00;
	v5 =	vadd.f32 v14, v5  }
0x81: {  	v4 =	vadd.f32 v6, v4;
	[tilespmem:s18+$0x8200] =	vst v16;
	v14 =	vmax.f32 v15, $0.0e+00;
	v7 =	vadd.f32 v13, v7  }
0x82: {  	v0 =	vadd.f32 v1, v0;
	[tilespmem:s18+$0x8210] =	vst v14;
	v5 =	vmax.f32 v5, $0.0e+00;
	v6 =	vadd.f32 v12, v8  }
0x83: {  	v2 =	vadd.f32 v3, v2;
	[tilespmem:s18+$0x8220] =	vst v5;
	v3 =	vmax.f32 v7, $0.0e+00;
	v4 =	vadd.f32 v9, v4  }
0x84: {  	v0 =	vadd.f32 v10, v0;
	[tilespmem:s18+$0x8230] =	vst v3;
	v1 =	vmax.f32 v6, $0.0e+00  }
0x85: {  	v2 =	vadd.f32 v11, v2;
	[tilespmem:s18+$0x8240] =	vst v1;
	v1 =	vmax.f32 v4, $0.0e+00  }
0x86: {  	v0 =	vmax.f32 v0, $0.0e+00;
	[tilespmem:s18+$0x8250] =	vst v1  }
0x87: {  	v1 =	vmax.f32 v2, $0.0e+00;
	[tilespmem:s18+$0x8270] =	vst v0  }
0x88: {  	p1 =	seq.s32 s16, $0x27;
	[tilespmem:s18+$0x8260] =	vst v1  }
0x89: {  	[spmem:s1] =	stream.indirect.scatter.add.f32 [tilespmem:s28], [sflag:$0x7], $0x80, s23, s24, $0xb8;
	[tilespmem:$0x1FAC0] =	vst v63  }
0x8a: {  	s2 =	sadd.s32 @!p1 s17, s15;
	_ =	swait.ge [sflag:s22], $0x2000  }
0x8b: {  	s17 =	sshrl.u32 @!p1 s2, $0x3;
	[sflag:s22] =	ssyncset.done $0x0  }
0x8c: {  	s19 =	simm.s32 @!p1 $0x0;
	s18 =	sadd.s32 @!p1 s7, s17;
	[sflag:s22] =	ssyncadd.s32 $0xFFFFE000  }
0x8d: {  	[tilespmem:s19], [sflag:$0x7] =	stream.linear.gather @!p1 [hbm4b:s18+s19], $0x40, $0x38;
	[tilespmem:$0x1FAC0] =	vst v63  }
0x8e: {  	s18 =	simm.s32 @!p1 $0x7  }
0x8f: {  	_ =	swait.ge @!p1 [sflag:s18], $0x40  }
0x90: {  	[sflag:s18] =	ssyncset.done @!p1 $0x0  }
0x91: {  	s20 =	simm.s32 @!p1 $0x100;
	s17 =	sadd.s32 @!p1 s8, s17;
	[sflag:s18] =	ssyncadd.s32 @!p1 $0xFFFFFFC0  }
0x92: {  	[tilespmem:s20], [sflag:$0x7] =	stream.linear.gather @!p1 [hbm4b:s17+s19], $0x40, $0x38;
	[tilespmem:$0x1FAC0] =	vst v63  }
0x93: {  	_ =	swait.ge @!p1 [sflag:s18], $0x40  }
0x94: {  	[sflag:s18] =	ssyncset.done @!p1 $0x0  }
0x95: {  	s17 =	simm.s32 @!p1 $0x40;
	[sflag:s18] =	ssyncadd.s32 @!p1 $0xFFFFFFC0;
	s18 =	simm.s32 @!p1 $0x200  }
0x96: {  	[tilespmem:s18], [sflag:$0x1] =	stream.indirect.gather @!p1 [hbm4b:s4+s17], $0x80, s19, s17, $0xb8;
	[tilespmem:$0x1FAC0] =	vst v63  }
0x97: {  	s2 =	sshll.u32 @!p1 s2, $0x4;
	s18 =	simm.s32 @!p1 $0x4200  }
0x98: {  	[tilespmem:s18], [sflag:$0x3] =	stream.indirect.gather @!p1 [hbm4b:s5+s17], $0x80, s20, s17, $0xb8;
	[tilespmem:$0x1FAC0] =	vst v63  }
0x99: {  	s2 =	sadd.s32 @!p1 s6, s2;
	s17 =	simm.s32 @!p1 $0x8200  }
0x9a: {  	[tilespmem:s17], [sflag:$0x5] =	stream.linear.gather @!p1 [hbm4b:s2+s19], $0x2000, $0x38;
	[tilespmem:$0x1FAC0] =	vst v63  }
0x9b: {  	_ =	swait.ge [sflag:s11], $0x2000  }
0x9c: {  	[sflag:s11] =	ssyncset.done $0x0  }
0x9d: {  	[sflag:s11] =	ssyncadd.s32 $0xFFFFE000  }
0x9e: {  	_ =	swait.ge [sflag:s12], $0x2000  }
0x9f: {  	[sflag:s12] =	ssyncset.done $0x0  }
0xa0: {  	[sflag:s12] =	ssyncadd.s32 $0xFFFFE000  }
0xa1: {  	_ =	swait.ge [sflag:s13], $0x2000  }
0xa2: {  	[sflag:s13] =	ssyncset.done $0x0  }
0xa3: {  	s17 =	simm.s32 $0x0;
	[sflag:s13] =	ssyncadd.s32 $0xFFFFE000  }
0xa4: {  	v12 =	vld [tilespmem:s17+$0x2200]  }
0xa5: {  	v17 =	vld [tilespmem:s17+$0x6200]  }
0xa6: {  	v19 =	vld [tilespmem:s17+$0x2210]  }
0xa7: {  	v20 =	vld [tilespmem:s17+$0x6210]  }
0xa8: {  	v5 =	vld [tilespmem:s17+$0x2220]  }
0xa9: {  	v9 =	vld [tilespmem:s17+$0x6220]  }
0xaa: {  	v7 =	vld [tilespmem:s17+$0x2230]  }
0xab: {  	v11 =	vld [tilespmem:s17+$0x6230]  }
0xac: {  	v8 =	vld [tilespmem:s17+$0x2240]  }
0xad: {  	v10 =	vld [tilespmem:s17+$0x6240]  }
0xae: {  	v4 =	vld [tilespmem:s17+$0x2250]  }
0xaf: {  	v6 =	vld [tilespmem:s17+$0x6250]  }
0xb0: {  	v2 =	vld [tilespmem:s17+$0x2260]  }
0xb1: {  	v3 =	vld [tilespmem:s17+$0x6260]  }
0xb2: {  	v0 =	vld [tilespmem:s17+$0x2270]  }
0xb3: {  	v1 =	vld [tilespmem:s17+$0x6270]  }
0xb4: {  	v16 =	vld [tilespmem:s17+$0xA200]  }
0xb5: {  	v15 =	vld [tilespmem:s17+$0xA210]  }
0xb6: {  	v14 =	vld [tilespmem:s17+$0xA220]  }
0xb7: {  	v13 =	vld [tilespmem:s17+$0xA230];
	v18 =	vadd.f32 v17, v12  }
0xb8: {  	s2 =	simm.s32 $0x200;
	v17 =	vadd.f32 v20, v19;
	v12 =	vld [tilespmem:s17+$0xA240]  }
.LBB2_5:
0xb9: {  	p1 =	sne.s32 s2, $0x7E00;
	v16 =	vadd.f32 v16, v18;
	v5 =	vadd.f32 v9, v5;
	v9 =	vld [tilespmem:s17+$0xA250]  }
0xba: {  	v7 =	vadd.f32 v11, v7;
	v15 =	vadd.f32 v15, v17;
	v11 =	vld [tilespmem:s17+$0xA260]  }
0xbb: {  	s18 =	sshra.s32 s2, $0x2;
	v8 =	vadd.f32 v10, v8;
	v16 =	vmax.f32 v16, $0.0e+00;
	v5 =	vadd.f32 v14, v5;
	v10 =	vld [tilespmem:s17+$0xA270]  }
0xbc: {  	v4 =	vadd.f32 v6, v4;
	v17 =	vld [tilespmem:s18+$0x2200];
	[tilespmem:s17+$0xA200] =	vst v16;
	v14 =	vmax.f32 v15, $0.0e+00;
	v7 =	vadd.f32 v13, v7  }
0xbd: {  	v2 =	vadd.f32 v3, v2;
	v13 =	vld [tilespmem:s18+$0x6200];
	[tilespmem:s17+$0xA210] =	vst v14;
	v5 =	vmax.f32 v5, $0.0e+00;
	v6 =	vadd.f32 v12, v8  }
0xbe: {  	v0 =	vadd.f32 v1, v0;
	v12 =	vld [tilespmem:s18+$0x2210];
	[tilespmem:s17+$0xA220] =	vst v5;
	v3 =	vmax.f32 v7, $0.0e+00;
	v4 =	vadd.f32 v9, v4  }
0xbf: {  	v19 =	vld [tilespmem:s18+$0x6210];
	[tilespmem:s17+$0xA230] =	vst v3;
	v1 =	vmax.f32 v6, $0.0e+00;
	v2 =	vadd.f32 v11, v2  }
0xc0: {  	v5 =	vld [tilespmem:s18+$0x2220];
	[tilespmem:s17+$0xA240] =	vst v1;
	v1 =	vmax.f32 v4, $0.0e+00;
	v0 =	vadd.f32 v10, v0  }
0xc1: {  	v9 =	vld [tilespmem:s18+$0x6220];
	[tilespmem:s17+$0xA250] =	vst v1;
	v1 =	vmax.f32 v2, $0.0e+00  }
0xc2: {  	v7 =	vld [tilespmem:s18+$0x2230];
	[tilespmem:s17+$0xA260] =	vst v1;
	v0 =	vmax.f32 v0, $0.0e+00  }
0xc3: {  	v11 =	vld [tilespmem:s18+$0x6230];
	[tilespmem:s17+$0xA270] =	vst v0;
	s17 =	smov.u32 s18  }
0xc4: {  	v8 =	vld [tilespmem:s17+$0x2240]  }
0xc5: {  	v10 =	vld [tilespmem:s17+$0x6240]  }
0xc6: {  	v4 =	vld [tilespmem:s17+$0x2250]  }
0xc7: {  	v6 =	vld [tilespmem:s17+$0x6250]  }
0xc8: {  	v2 =	vld [tilespmem:s17+$0x2260]  }
0xc9: {  	v3 =	vld [tilespmem:s17+$0x6260]  }
0xca: {  	v0 =	vld [tilespmem:s17+$0x2270]  }
0xcb: {  	v1 =	vld [tilespmem:s17+$0x6270]  }
.Ltmp1:
0xcc: {  	v16 =	vld [tilespmem:s17+$0xA200];
	(pc) =	sbr.rel @p1 .LBB2_5-.Ltmp1, $4  }
0xcd: {  	v15 =	vld [tilespmem:s17+$0xA210]  }
0xce: {  	v14 =	vld [tilespmem:s17+$0xA220]  }
0xcf: {  	v18 =	vadd.f32 v13, v17;
	v13 =	vld [tilespmem:s17+$0xA230]  }
0xd0: {  	s2 =	sadd.s32 $0x200, s2;
	v17 =	vadd.f32 v19, v12;
	v12 =	vld [tilespmem:s17+$0xA240]  }
0xd1: {  	v16 =	vadd.f32 v16, v18;
	v5 =	vadd.f32 v9, v5;
	v55 =	vld [tilespmem:s17+$0xA250]  }
0xd2: {  	v7 =	vadd.f32 v11, v7;
	v56 =	vld [tilespmem:s17+$0xA260];
	v15 =	vadd.f32 v15, v17  }
0xd3: {  	v8 =	vadd.f32 v10, v8;
	v57 =	vld [tilespmem:s17+$0xA270];
	v16 =	vmax.f32 v16, $0.0e+00;
	v5 =	vadd.f32 v14, v5  }
0xd4: {  	v4 =	vadd.f32 v6, v4;
	[tilespmem:s17+$0xA200] =	vst v16;
	v58 =	vmax.f32 v15, $0.0e+00;
	v7 =	vadd.f32 v13, v7  }
0xd5: {  	v2 =	vadd.f32 v3, v2;
	[tilespmem:s17+$0xA210] =	vst v58;
	v5 =	vmax.f32 v5, $0.0e+00;
	v59 =	vadd.f32 v12, v8  }
0xd6: {  	v0 =	vadd.f32 v1, v0;
	[tilespmem:s17+$0xA220] =	vst v5;
	v60 =	vmax.f32 v7, $0.0e+00;
	v4 =	vadd.f32 v55, v4  }
0xd7: {  	v2 =	vadd.f32 v56, v2;
	[tilespmem:s17+$0xA230] =	vst v60;
	v61 =	vmax.f32 v59, $0.0e+00  }
0xd8: {  	v0 =	vadd.f32 v57, v0;
	[tilespmem:s17+$0xA240] =	vst v61;
	v62 =	vmax.f32 v4, $0.0e+00  }
0xd9: {  	s16 =	sadd.s32 $0x1, s16;
	v63 =	vmax.f32 v2, $0.0e+00;
	[tilespmem:s17+$0xA250] =	vst v62  }
0xda: {  	p1 =	sne.s32 s16, $0x28;
	v0 =	vmax.f32 v0, $0.0e+00;
	[tilespmem:s17+$0xA260] =	vst v63  }
.Ltmp2:
0xdb: {  	[tilespmem:s17+$0xA270] =	vst v0;
	(pc) =	sbr.rel @p1 .LBB2_2-.Ltmp2, $4  }
0xdc: {  	[spmem:s1] =	stream.indirect.scatter.add.f32 [tilespmem:s3], [sflag:$0x7], $0x80, s30, s24, $0xb8;
	[tilespmem:$0x1FAC0] =	vst v63  }
0xdd: {  	_ =	swait.ge [sflag:s22], $0x2000  }
0xde: {  	[sflag:s22] =	ssyncset.done $0x0  }
0xdf: {  	[sflag:s22] =	ssyncadd.s32 $0xFFFFE000  }
0xe0: {  	[bflag:$0x0] =	sbarrier.arrive $0xFFFF  }
0xe1: {  	s2 =	simm.s32 @p0 $0x1FC7;
	s16 =	rddreg [dreg:$0x9]  }
0xe2: {  	[hbm:s16], [sflag:s2] =	dma.local @p0 [spmem:s21], $0x2800  }
0xe3: {  	s2 =	simm.s32 @p0 $0x7  }
0xe4: {  	_ =	swait.ge @p0 [sflag:s2], $0x2800  }
0xe5: {  	s18 =	rddreg [dreg:$0xb]  }
0xe6: {  	[sflag:s2] =	ssyncset.done @p0 $0x0;
	s19 =	rddreg [dreg:$0xc]  }
0xe7: {  	[sflag:s2] =	ssyncadd.s32 @p0 $0xFFFFD800;
	s2 =	rddreg [dreg:$0x8]  }
0xe8: {  	[hbm:s2], [sflag:s18] =	dma.local @!p0 [spmem:s19], $0x2700  }
0xe9: {  	s2 =	simm.s32 @!p0 $0x7  }
0xea: {  	_ =	swait.ge @!p0 [sflag:s2], $0x2700  }
0xeb: {  	s17 =	smov.u32 s21;
	s14 =	sadd.s32 $0x1, s14;
	s21 =	rddreg [dreg:$0xa]  }
0xec: {  	p1 =	sne.s32 s14, s21  }
.Ltmp3:
0xed: {  	_ = 	snop;
	(pc) =	sbr.rel @p1 .LBB2_1-.Ltmp3, $3  }
0xee: {  	_ =	sdelay $0x1  }
0xef: {  	[sflag:s2] =	ssyncset.done @!p0 $0x0  }
0xf0: {  	[sflag:s2] =	ssyncadd.s32 @!p0 $0xFFFFD900  }
0xf1: {  	_ =	sfence.sel $0x180000  }
0xf2: {  	[bflag:$0x0] =	sbarrier.arrive $0xFFFF  }
0xf3: {  	_ =	strace $0x9000004D  }
0xf4: {  	s0 =	stileid.u32;
	[bflag:$0x2] =	sbarrier.arrive $0xFFFF  }
0xf5: {  	p0 =	sne.s32 s0, $0x0;
	s0 =	rddreg [dreg:$0x2]  }
0xf6: {  	s0 =	sadd.s32 @!p0 $0x100000, s0  }
0xf7: {  	[sflag:s0] =	ssyncadd.tile.s32 @!p0 $0x1;
	_ =	shalt  }
.Lfunc_end2:
_tile_overlayer_lowered:
.L_overlay_start_2:
0xf8: {  	(tag) =	ssettag $0x2  }
0xf9: {  	s0 =	rddreg [dreg:$0x0];
	s2 =	stileid.u32  }
0xfa: {  	s1 =	rddreg [dreg:$0x1];
	p0 =	sne.s32 s2, $0x0  }
0xfb: {  	s3 =	rddreg [dreg:$0x2];
	[bflag:$0x3] =	sbarrier.arrive $0xFFFF;
	s2 =	simm.s32 @!p0 $0x1C07  }
0xfc: {  	[timem:s3], [sflag:s2] =	dma.local @!p0 [hbm:s0], s1  }
0xfd: {  	s0 =	simm.s32 @!p0 $0x7  }
0xfe: {  	_ =	swait.ge @!p0 [sflag:s0], s1  }
0xff: {  	s1 =	ssub.s32 @!p0 $0x0, s1;
	[sflag:s0] =	ssyncset.done @!p0 $0x0  }
0x100: {  	[sflag:s0] =	ssyncadd.s32 @!p0 s1  }
0x101: {  	[bflag:$0x3] =	sbarrier.arrive $0xFFFF  }
0x102: {  	_ =	shalt  }

// kernel: kernel.30.cloned.1.call-start
scs
__scs_entry_jumppad:
0x0: {  	(pc) =	sbr.rel $0x88, $3  }
0x1: {  	(tag) =	ssettag $0x0;
	lr =	simm.s32 $0x1  }
0x2: {  	[smem:$0x3F88] =	sst lr;
	_ =	strace $0xD0000000  }
0x3: {  	_ = 	snop  }
0x4: {  	_ = 	snop  }
0x5: {  	_ = 	snop  }
0x6: {  	_ = 	snop  }
0x7: {  	_ = 	snop  }
__scs_overlays_trampoline_lowered:
0x8: {  	[smem:$0x3F97] =	sst s0  }
0x9: {  	[smem:$0x3F98] =	sst s1  }
0xa: {  	[smem:$0x3F99] =	sst s2  }
0xb: {  	[smem:$0x3F9A] =	sst s3  }
0xc: {  	[smem:$0x3F9B] =	sst s4  }
0xd: {  	[smem:$0x3F9C] =	sst s5  }
0xe: {  	[smem:$0x3F9D] =	sst s6  }
0xf: {  	[smem:$0x3F9E] =	sst s7  }
0x10: {  	[smem:$0x3F9F] =	sst s8  }
0x11: {  	[smem:$0x3FA0] =	sst s9;
	s0 =	simm.s32 @!p0 $0x0  }
0x12: {  	s1 =	sld [smem:$0x3F86];
	s0 =	simm.s32 @p0 $0x1  }
0x13: {  	[smem:$0x3FA1] =	sst s0;
	s0 =	simm.s32 @!p1 $0x0  }
0x14: {  	s2 =	sld [smem:$0x3F85];
	s0 =	simm.s32 @p1 $0x1  }
0x15: {  	[smem:$0x3FA2] =	sst s0;
	s0 =	simm.s32 @!p2 $0x0  }
0x16: {  	s3 =	sld [smem:$0x3FDB];
	s0 =	simm.s32 @p2 $0x1  }
0x17: {  	s4 =	simm.s32 $0x1BF5;
	[smem:$0x3FA4] =	sst s0  }
0x18: {  	s0 =	sld [smem:$0x3F87];
	_ =	swait.ge [sflag:s4], $0x0  }
0x19: {  	s7 =	sld [smem:$0x3F88]  }
0x1a: {  	s8 =	sadd.s32 $0xFFFFE003, lr  }
0x1b: {  	s9 =	sadd.s32 $0xFFFFFEF7, lr;
	s5 =	simm.s32 $0xFFFFFFFF;
	p2 =	slt.u32 s8, $0xFFFFF086  }
0x1c: {  	p1 =	slt.u32 s9, $0xF7A;
	s5 =	simm.s32 @!p2 $0x0  }
0x1d: {  	s5 =	simm.s32 @p1 $0x1;
	p0 =	seq.s32 s7, s2  }
0x1e: {  	s7 =	smul.u32 @!p0 $0xF7A, s2;
	p2 =	seq.s32 @!p0 s5, $0x0  }
0x1f: {  	s9 =	smul.u32 $0xF7A, s1;
	s8 =	simm.s32 @!p0 $0x1BF5;
	p2 =	por !p2, p0  }
0x20: {  	[sflag:s8] =	ssyncset.s32 @!p0 $0xFFFFF086;
	s6 =	sadd.s32 @!p0 s3, s7;
	s7 =	simm.s32 @!p0 $0x108  }
0x21: {  	s3 =	sadd.s32 s3, s9;
	s6 =	sadd.s32 @!p0 $0x88, s6;
	s7 =	simm.s32 @p2 $0x1082  }
0x22: {  	[simem:s7], [sflag:s8] =	dma.local @!p0 [hbm:s6], $0xF7A  }
0x23: {  	s9 =	sor.u32 $0xD0000000, s2;
	s6 =	simm.s32 $0x108;
	_ =	swait.ge @!p0 [sflag:s8], $0x0  }
0x24: {  	s3 =	sadd.s32 $0x88, s3;
	s6 =	simm.s32 @!p1 $0x1082;
	[sflag:s4] =	ssyncset.s32 $0xFFFFF086  }
0x25: {  	[simem:s6], [sflag:s4] =	dma.local [hbm:s3], $0xF7A  }
0x26: {  	[smem:$0x3F88] =	sst s1;
	(tag) =	ssettag s2;
	_ =	strace s9  }
0x27: {  	s1 =	sld [smem:$0x3F98]  }
0x28: {  	s2 =	sld [smem:$0x3F99]  }
0x29: {  	s4 =	sld [smem:$0x3F9B]  }
0x2a: {  	p0 =	seq.s32 s5, $0x0;
	s5 =	sld [smem:$0x3F9C]  }
0x2b: {  	s6 =	sld [smem:$0x3F9D]  }
0x2c: {  	s7 =	sld [smem:$0x3F9E]  }
0x2d: {  	s3 =	simm.s32 $0x108;
	s8 =	sld [smem:$0x3F9F]  }
0x2e: {  	s3 =	simm.s32 @!p0 $0x1082;
	s9 =	sld [smem:$0x3FA0]  }
0x2f: {  	lr =	sadd.s32 s0, s3;
	s0 =	sld [smem:$0x3F97]  }
0x30: {  	s3 =	sld [smem:$0x3F9A]  }
0x31: {  	[smem:$0x3FA3] =	sst s10  }
0x32: {  	s10 =	sld [smem:$0x3FA1];
	_ =	sdelay $0x3  }
0x33: {  	p0 =	seq.s32 s10, $0x1;
	s10 =	sld [smem:$0x3FA3];
	_ =	sdelay $0x3  }
0x34: {  	[smem:$0x3FA3] =	sst s10  }
0x35: {  	s10 =	sld [smem:$0x3FA2];
	_ =	sdelay $0x3  }
0x36: {  	p1 =	seq.s32 s10, $0x1;
	s10 =	sld [smem:$0x3FA3];
	_ =	sdelay $0x3  }
0x37: {  	[smem:$0x3FA3] =	sst s10  }
0x38: {  	s10 =	sld [smem:$0x3FA4]  }
0x39: {  	_ = 	snop;
	(pc) =	sbr.ind lr, $3  }
0x3a: {  	_ = 	snop  }
0x3b: {  	_ = 	snop  }
0x3c: {  	p2 =	seq.s32 s10, $0x1;
	s10 =	sld [smem:$0x3FA3]  }
0x3d: {  	_ =	shalt  }
0x3e: {  	_ =	shalt  }
0x3f: {  	_ =	shalt  }
0x40: {  	_ =	shalt  }
0x41: {  	_ =	shalt  }
0x42: {  	_ =	shalt  }
0x43: {  	_ =	shalt  }
0x44: {  	_ =	shalt  }
0x45: {  	_ =	shalt  }
0x46: {  	_ =	shalt  }
0x47: {  	_ =	shalt  }
0x48: {  	_ =	shalt  }
0x49: {  	_ =	shalt  }
0x4a: {  	_ =	shalt  }
0x4b: {  	_ =	shalt  }
0x4c: {  	_ =	shalt  }
0x4d: {  	_ =	shalt  }
0x4e: {  	_ =	shalt  }
0x4f: {  	_ =	shalt  }
0x50: {  	_ =	shalt  }
0x51: {  	_ =	shalt  }
0x52: {  	_ =	shalt  }
0x53: {  	_ =	shalt  }
0x54: {  	_ =	shalt  }
0x55: {  	_ =	shalt  }
0x56: {  	_ =	shalt  }
0x57: {  	_ =	shalt  }
0x58: {  	_ =	shalt  }
0x59: {  	_ =	shalt  }
0x5a: {  	_ =	shalt  }
0x5b: {  	_ =	shalt  }
0x5c: {  	_ =	shalt  }
0x5d: {  	_ =	shalt  }
0x5e: {  	_ =	shalt  }
0x5f: {  	_ =	shalt  }
0x60: {  	_ =	shalt  }
0x61: {  	_ =	shalt  }
0x62: {  	_ =	shalt  }
0x63: {  	_ =	shalt  }
0x64: {  	_ =	shalt  }
0x65: {  	_ =	shalt  }
0x66: {  	_ =	shalt  }
0x67: {  	_ =	shalt  }
0x68: {  	_ =	shalt  }
0x69: {  	_ =	shalt  }
0x6a: {  	_ =	shalt  }
0x6b: {  	_ =	shalt  }
0x6c: {  	_ =	shalt  }
0x6d: {  	_ =	shalt  }
0x6e: {  	_ =	shalt  }
0x6f: {  	_ =	shalt  }
0x70: {  	_ =	shalt  }
0x71: {  	_ =	shalt  }
0x72: {  	_ =	shalt  }
0x73: {  	_ =	shalt  }
0x74: {  	_ =	shalt  }
0x75: {  	_ =	shalt  }
0x76: {  	_ =	shalt  }
0x77: {  	_ =	shalt  }
0x78: {  	_ =	shalt  }
0x79: {  	_ =	shalt  }
0x7a: {  	_ =	shalt  }
0x7b: {  	_ =	shalt  }
0x7c: {  	_ =	shalt  }
0x7d: {  	_ =	shalt  }
0x7e: {  	_ =	shalt  }
0x7f: {  	_ =	shalt  }
0x80: {  	_ =	shalt  }
0x81: {  	_ =	shalt  }
0x82: {  	_ =	shalt  }
0x83: {  	_ =	shalt  }
0x84: {  	_ =	shalt  }
0x85: {  	_ =	shalt  }
0x86: {  	_ =	shalt  }
0x87: {  	_ =	shalt  }
.Lfunc_end0:
.L_simem_size_0:
called_computation.3_lowered:
.L_overlay_start_0:
0x88: {  	s2 =	sld [smem:$0x3FD9]  }
0x89: {  	s3 =	sld [smem:$0x3FFE];
	_ =	sdelay $0x1  }
0x8a: {  	s1 =	srdreg.scid  }
0x8b: {  	s0 =	sand.u32 $0x1, s1  }
0x8c: {  	s16 =	sshll.u32 s0, $0xA;
	s2 =	sadd.s32 s3, s2  }
0x8d: {  	s2 =	sadd.s32 s2, s16  }
0x8e: {  	[smem:$0x3FAF] =	sst s2  }
0x8f: {  	_ = 	snop  }
0x90: {  	(tm) =	ssettm $0x1  }
0x91: {  	s17 =	sld [smem:$0x3FFB];
	_ =	sdelay $0x3  }
0x92: {  	_ =	strace s17  }
0x93: {  	s2 =	sld [smem:$0x3FFC];
	_ =	sdelay $0x3  }
0x94: {  	_ =	strace s2  }
0x95: {  	s2 =	sld [smem:$0x3FFD];
	_ =	sdelay $0x3  }
0x96: {  	_ =	strace s2  }
0x97: {  	_ =	strace $0x8FFFFFFF  }
0x98: {  	s18 =	sld [smem:$0x3FDB];
	_ =	sdelay $0x1  }
0x99: {  	s19 =	simm.s32 $_scs_section_size  }
0x9a: {  	s4 =	simm.s32 $_size__tile_overlayer_lowered;
	s5 =	simm.s32 $_tile_overlayer_lowered  }
0x9b: {  	s22 =	simm.s32 $0x1BFF;
	s21 =	sshll.u32 s5, $0x1;
	s2 =	sadd.s32 s19, s18  }
0x9c: {  	s6 =	simm.s32 $0x0;
	s20 =	sshll.u32 s4, $0x1;
	s4 =	sadd.s32 s21, s2  }
0x9d: {  	[timem:s6], [sflag:s22] =	dma.local [hbm:s4], s20  }
0x9e: {  	_ =	swait.ge [sflag:s22], s20  }
0x9f: {  	s3 =	ssub.s32 $0x0, s20;
	[sflag:s22] =	ssyncset.done $0x0  }
0xa0: {  	[sflag:s22] =	ssyncadd.s32 s3;
	_ =	sdelay $0x1  }
0xa1: {  	s23 =	simm.s32 $0x1B8B  }
0xa2: {  	_ =	swait.ge [sflag:s23], $0x1  }
0xa3: {  	[sflag:s23] =	ssyncset.done $0x0  }
0xa4: {  	s25 =	simm.s32 $0x1B8E;
	s24 =	sld [smem:$0x3FFE];
	[sflag:s23] =	ssyncadd.s32 $0xFFFFFFFF  }
0xa5: {  	s26 =	simm.s32 $execute0_lowered;
	[smem:$0x3FD2] =	sst s25  }
0xa6: {  	s4 =	sshll.u32 s26, $0x1;
	_ =	strace $0x8000004F;
	[dreg:$0x1] =	wrdreg $0xFFFFFFFF  }
0xa7: {  	s28 =	simm.s32 $_size_execute0_lowered;
	s2 =	sadd.s32 s2, s4;
	[dreg:$0x0] =	wrdreg $0x0  }
0xa8: {  	s4 =	sshll.u32 s28, $0x1;
	[dreg:$0x2] =	wrdreg s2  }
0xa9: {  	[dreg:$0x3] =	wrdreg s4  }
0xaa: {  	[dreg:$0x4] =	wrdreg $0xC0  }
0xab: {  	_ =	task [dreg:s6], $0x5FFFF  }
0xac: {  	[dreg:$0x1] =	wrdreg $0xFFFFFFFF  }
0xad: {  	[dreg:$0x0] =	wrdreg $0x60  }
0xae: {  	[dreg:$0x2] =	wrdreg s24  }
0xaf: {  	[dreg:$0x3] =	wrdreg $0xC2000  }
0xb0: {  	[dreg:$0x4] =	wrdreg $0x9  }
0xb1: {  	_ =	task.clear_ibuf [dreg:s6], $0x5FFFF;
	_ =	strace $0x9000004F  }
0xb2: {  	s29 =	simm.s32 $0x9;
	_ =	strace $0x80000051  }
0xb3: {  	_ =	swait.ge [sflag:s29], $0x1  }
0xb4: {  	[sflag:s29] =	ssyncadd.s32 $0xFFFFFFFF  }
0xb5: {  	_ =	strace $0x90000051  }
0xb6: {  	_ =	sfence  }
0xb7: {  	s30 =	sld [smem:$0x0];
	_ =	sdelay $0x2  }
0xb8: {  	s31 =	sshll.u32 s1, $0xD;
	s1 =	sshrl.u32 s1, $0x2  }
0xb9: {  	s3 =	sand.u32 $0x4000, s31;
	s1 =	sadd.s32 s1, s30  }
0xba: {  	s0 =	sor.u32 s3, s0;
	s1 =	sshll.u32 s1, $0x11  }
0xbb: {  	s0 =	sor.u32 s1, s0  }
0xbc: {  	s0 =	sadd.s32 $0x8F2B, s0  }
0xbd: {  	[sflag:s0] =	ssyncadd.remote.s32 $0x1  }
0xbe: {  	_ =	sfence.sel $0xFFFF  }
0xbf: {  	[dreg:$0x0] =	wrdreg $0xFFFFFFFF;
	(pc) =	sbr.abs _section_cstart, $3  }
0xc0: {  	[dreg:$0x1] =	wrdreg $0xFFFFFFFF  }
0xc1: {  	_ =	task.clear_ibuf [dreg:s6], $0x2FFFF;
	_ =	strace $0x9FFFFFFF  }
0xc2: {  	(tm) =	ssettm $0x7FFFFFFF  }
0xc3: {  	_ =	shalt  }
tec
execute0_lowered:
.L_overlay_start_1:
0x0: {  	(tag) =	ssettag $0x1  }
0x1: {  	s0 =	rddreg [dreg:$0x0]  }
0x2: {  	s1 =	rddreg [dreg:$0x1]  }
0x3: {  	s2 =	simm.s32 $0x0;
	s17 =	stileid.u32;
	s3 =	srdreg.scid  }
0x4: {  	s28 =	simm.s32 $0x8200;
	s30 =	simm.s32 $0x180;
	s31 =	simm.s32 $0x2200  }
0x5: {  	[smem:$0x7FF] =	sst s2;
	s4 =	sadd.s32 $0x41800, s0;
	s5 =	sadd.s32 $0x11E00, s0  }
0x6: {  	s29 =	simm.s32 $0x80;
	s6 =	sadd.s32 $0xA32E00, s0;
	s7 =	sadd.s32 $0x52DE00, s0  }
0x7: {  	s16 =	smul.u32 $0x2700, s17;
	s8 =	sadd.s32 $0x3C800, s0;
	s3 =	sand.u32 $0x1, s3  }
0x8: {  	s9 =	sshll.u32 s17, $0x1;
	s11 =	smul.u32 $0x4E000, s17;
	s12 =	sadd.s32 $0x68A00, s0  }
0x9: {  	s19 =	smul.u32 $0x13800, s17;
	p0 =	seq.s32 s17, $0xF;
	_ =	strace $0x80000050  }
0xa: {  	s10 =	sor.u32 s3, s9;
	s13 =	ssub.s32 $0x2, s3;
	s3 =	smul.u32 $0x138800, s3  }
0xb: {  	s2 =	sadd.s32 s16, s0;
	s9 =	smul.u32 $0x1400, s10;
	s14 =	sshrl.u32 s13, $0x1  }
0xc: {  	s11 =	sshrl.u32 s11, $0x2;
	s10 =	smul.u32 $0x14000, s10;
	s16 =	sadd.s32 $0x124800, s1  }
0xd: {  	s0 =	sadd.s32 $0xDB700, s0;
	s13 =	ssub.s32 s13, s14;
	s11 =	sadd.s32 s11, s1  }
0xe: {  	s2 =	sadd.s32 $0xB6E00, s2;
	[dreg:$0x4] =	wrdreg s0;
	s23 =	sadd.s32 s19, s3  }
0xf: {  	s24 =	sshrl.u32 s3, $0x3;
	s3 =	simm.s32 $0xA200;
	s14 =	simm.s32 $0x0  }
0x10: {  	[dreg:$0x3] =	wrdreg s2;
	s18 =	sshrl.u32 s9, $0x3;
	s22 =	sadd.s32 s6, s10  }
0x11: {  	s15 =	sor.u32 $0x80, s9;
	s0 =	sshrl.u32 s23, $0x3;
	s25 =	sadd.s32 s12, s24  }
0x12: {  	s26 =	smax.u32 s13, $0x1;
	s19 =	sshrl.u32 @!p0 s11, $0x3;
	s23 =	simm.s32 $0x100  }
0x13: {  	s24 =	simm.s32 $0x40;
	s10 =	simm.s32 $0x5;
	[dreg:$0x7] =	wrdreg s22  }
0x14: {  	s11 =	simm.s32 $0x2;
	s13 =	simm.s32 $0x6;
	[dreg:$0xa] =	wrdreg s26  }
0x15: {  	s20 =	sadd.s32 s7, s18;
	s21 =	sadd.s32 s8, s18;
	[dreg:$0xc] =	wrdreg s19  }
0x16: {  	s0 =	sadd.s32 s12, s0;
	s22 =	simm.s32 $0x7;
	[dreg:$0x5] =	wrdreg s20  }
0x17: {  	s26 =	simm.s32 $0x3;
	[dreg:$0x8] =	wrdreg s0;
	s0 =	sadd.s32 $0x24900, s25  }
0x18: {  	s12 =	simm.s32 $0x4;
	[dreg:$0x9] =	wrdreg s0;
	s0 =	sshll.u32 @!p0 s17, $0x6  }
0x19: {  	[dreg:$0x6] =	wrdreg s21;
	s25 =	simm.s32 $0x1;
	s18 =	sor.u32 @!p0 $0x1C07, s0  }
0x1a: {  	s17 =	sshrl.u32 @p0 s16, $0x3;
	s0 =	simm.s32 $0x6200;
	[dreg:$0xb] =	wrdreg s18  }
.LBB2_1:
0x1b: {  	s2 =	simm.s32 @p0 $0x1FC7;
	s16 =	rddreg [dreg:$0x4]  }
0x1c: {  	[spmem:s17], [sflag:s2] =	dma.local @p0 [hbm:s16], $0x2800  }
0x1d: {  	s2 =	simm.s32 @p0 $0x7  }
0x1e: {  	_ =	swait.ge @p0 [sflag:s2], $0x2800  }
0x1f: {  	[sflag:s2] =	ssyncset.done @p0 $0x0  }
0x20: {  	[sflag:s2] =	ssyncadd.s32 @p0 $0xFFFFD800;
	s2 =	rddreg [dreg:$0x3]  }
0x21: {  	[spmem:s19], [sflag:s18] =	dma.local @!p0 [hbm:s2], $0x2700  }
0x22: {  	s2 =	simm.s32 @!p0 $0x7  }
0x23: {  	_ =	swait.ge @!p0 [sflag:s2], $0x2700  }
0x24: {  	[sflag:s2] =	ssyncset.done @!p0 $0x0  }
0x25: {  	[sflag:s2] =	ssyncadd.s32 @!p0 $0xFFFFD900  }
0x26: {  	[bflag:$0x0] =	sbarrier.arrive $0xFFFF  }
0x27: {  	s2 =	simm.s32 $0x0;
	s20 =	rddreg [dreg:$0x5]  }
0x28: {  	[tilespmem:s2], [sflag:$0x7] =	stream.linear.gather [hbm4b:s20+s2], $0x40, $0x38;
	[tilespmem:$0x1FAC0] =	vst v63  }
0x29: {  	_ =	swait.ge [sflag:s22], $0x40  }
0x2a: {  	[sflag:s22] =	ssyncset.done $0x0  }
0x2b: {  	s21 =	smov.u32 s17;
	s17 =	rddreg [dreg:$0x6];
	[sflag:s22] =	ssyncadd.s32 $0xFFFFFFC0  }
0x2c: {  	[tilespmem:s23], [sflag:$0x7] =	stream.linear.gather [hbm4b:s17+s2], $0x40, $0x38;
	[tilespmem:$0x1FAC0] =	vst v63  }
0x2d: {  	_ =	swait.ge [sflag:s22], $0x40  }
0x2e: {  	[sflag:s22] =	ssyncset.done $0x0  }
0x2f: {  	s18 =	simm.s32 $0x200;
	[sflag:s22] =	ssyncadd.s32 $0xFFFFFFC0  }
0x30: {  	[tilespmem:s18], [sflag:$0x1] =	stream.indirect.gather [hbm4b:s4+s24], $0x80, s2, s24, $0xb8;
	[tilespmem:$0x1FAC0] =	vst v63  }
0x31: {  	s19 =	simm.s32 $0x4200  }
0x32: {  	[tilespmem:s19], [sflag:$0x3] =	stream.indirect.gather [hbm4b:s5+s24], $0x80, s23, s24, $0xb8;
	[tilespmem:$0x1FAC0] =	vst v63  }
0x33: {  	s16 =	simm.s32 $0x0;
	s20 =	rddreg [dreg:$0x7]  }
0x34: {  	[tilespmem:s28], [sflag:$0x5] =	stream.linear.gather [hbm4b:s20+s2], $0x2000, $0x38;
	[tilespmem:$0x1FAC0] =	vst v63  }
.LBB2_2:
0x35: {  	s17 =	sshll.u32 s16, $0x7  }
0x36: {  	s2 =	sadd.s32 s17, s9  }
0x37: {  	s2 =	sadd.s32 $0x40, s2  }
0x38: {  	s18 =	sshrl.u32 s2, $0x3  }
0x39: {  	s20 =	simm.s32 $0x0;
	s19 =	sadd.s32 s7, s18  }
0x3a: {  	[tilespmem:s29], [sflag:$0x7] =	stream.linear.gather [hbm4b:s19+s20], $0x40, $0x38;
	[tilespmem:$0x1FAC0] =	vst v63  }
0x3b: {  	_ =	swait.ge [sflag:s22], $0x40  }
0x3c: {  	[sflag:s22] =	ssyncset.done $0x0  }
0x3d: {  	s18 =	sadd.s32 s8, s18;
	[sflag:s22] =	ssyncadd.s32 $0xFFFFFFC0  }
0x3e: {  	[tilespmem:s30], [sflag:$0x7] =	stream.linear.gather [hbm4b:s18+s20], $0x40, $0x38;
	[tilespmem:$0x1FAC0] =	vst v63  }
0x3f: {  	_ =	swait.ge [sflag:s22], $0x40  }
0x40: {  	[sflag:s22] =	ssyncset.done $0x0  }
0x41: {  	[sflag:s22] =	ssyncadd.s32 $0xFFFFFFC0  }
0x42: {  	[tilespmem:s31], [sflag:$0x2] =	stream.indirect.gather [hbm4b:s4+s24], $0x80, s29, s24, $0xb8;
	[tilespmem:$0x1FAC0] =	vst v63  }
0x43: {  	s2 =	sshll.u32 s2, $0x4  }
0x44: {  	[tilespmem:s0], [sflag:$0x4] =	stream.indirect.gather [hbm4b:s5+s24], $0x80, s30, s24, $0xb8;
	[tilespmem:$0x1FAC0] =	vst v63  }
0x45: {  	s2 =	sadd.s32 s6, s2  }
0x46: {  	[tilespmem:s3], [sflag:$0x6] =	stream.linear.gather [hbm4b:s2+s20], $0x2000, $0x38;
	[tilespmem:$0x1FAC0] =	vst v63  }
0x47: {  	_ =	swait.ge [sflag:s25], $0x2000  }
0x48: {  	[sflag:s25] =	ssyncset.done $0x0  }
0x49: {  	[sflag:s25] =	ssyncadd.s32 $0xFFFFE000  }
0x4a: {  	_ =	swait.ge [sflag:s26], $0x2000  }
0x4b: {  	[sflag:s26] =	ssyncset.done $0x0  }
0x4c: {  	[sflag:s26] =	ssyncadd.s32 $0xFFFFE000  }
0x4d: {  	_ =	swait.ge [sflag:s10], $0x2000  }
0x4e: {  	[sflag:s10] =	ssyncset.done $0x0  }
0x4f: {  	s18 =	simm.s32 $0x0;
	[sflag:s10] =	ssyncadd.s32 $0xFFFFE000  }
0x50: {  	v12 =	vld [tilespmem:s18+$0x200]  }
0x51: {  	v17 =	vld [tilespmem:s18+$0x4200]  }
0x52: {  	v19 =	vld [tilespmem:s18+$0x210]  }
0x53: {  	v20 =	vld [tilespmem:s18+$0x4210]  }
0x54: {  	v5 =	vld [tilespmem:s18+$0x220]  }
0x55: {  	v9 =	vld [tilespmem:s18+$0x4220]  }
0x56: {  	v7 =	vld [tilespmem:s18+$0x230]  }
0x57: {  	v11 =	vld [tilespmem:s18+$0x4230]  }
0x58: {  	v8 =	vld [tilespmem:s18+$0x240]  }
0x59: {  	v10 =	vld [tilespmem:s18+$0x4240]  }
0x5a: {  	v4 =	vld [tilespmem:s18+$0x250]  }
0x5b: {  	v6 =	vld [tilespmem:s18+$0x4250]  }
0x5c: {  	v2 =	vld [tilespmem:s18+$0x260]  }
0x5d: {  	v3 =	vld [tilespmem:s18+$0x4260]  }
0x5e: {  	v0 =	vld [tilespmem:s18+$0x270]  }
0x5f: {  	v1 =	vld [tilespmem:s18+$0x4270]  }
0x60: {  	v16 =	vld [tilespmem:s18+$0x8200]  }
0x61: {  	v15 =	vld [tilespmem:s18+$0x8210]  }
0x62: {  	v14 =	vld [tilespmem:s18+$0x8220]  }
0x63: {  	v13 =	vld [tilespmem:s18+$0x8230];
	v18 =	vadd.f32 v17, v12  }
0x64: {  	s2 =	simm.s32 $0x200;
	v17 =	vadd.f32 v20, v19;
	v12 =	vld [tilespmem:s18+$0x8240]  }
.LBB2_3:
0x65: {  	p1 =	sne.s32 s2, $0x7E00;
	v16 =	vadd.f32 v16, v18;
	v5 =	vadd.f32 v9, v5;
	v9 =	vld [tilespmem:s18+$0x8250]  }
0x66: {  	v7 =	vadd.f32 v11, v7;
	v15 =	vadd.f32 v15, v17;
	v11 =	vld [tilespmem:s18+$0x8260]  }
0x67: {  	s19 =	sshra.s32 s2, $0x2;
	v8 =	vadd.f32 v10, v8;
	v16 =	vmax.f32 v16, $0.0e+00;
	v5 =	vadd.f32 v14, v5;
	v10 =	vld [tilespmem:s18+$0x8270]  }
0x68: {  	v4 =	vadd.f32 v6, v4;
	v17 =	vld [tilespmem:s19+$0x200];
	[tilespmem:s18+$0x8200] =	vst v16;
	v14 =	vmax.f32 v15, $0.0e+00;
	v7 =	vadd.f32 v13, v7  }
0x69: {  	v2 =	vadd.f32 v3, v2;
	v13 =	vld [tilespmem:s19+$0x4200];
	[tilespmem:s18+$0x8210] =	vst v14;
	v5 =	vmax.f32 v5, $0.0e+00;
	v6 =	vadd.f32 v12, v8  }
0x6a: {  	v0 =	vadd.f32 v1, v0;
	v12 =	vld [tilespmem:s19+$0x210];
	[tilespmem:s18+$0x8220] =	vst v5;
	v3 =	vmax.f32 v7, $0.0e+00;
	v4 =	vadd.f32 v9, v4  }
0x6b: {  	v19 =	vld [tilespmem:s19+$0x4210];
	[tilespmem:s18+$0x8230] =	vst v3;
	v1 =	vmax.f32 v6, $0.0e+00;
	v2 =	vadd.f32 v11, v2  }
0x6c: {  	v5 =	vld [tilespmem:s19+$0x220];
	[tilespmem:s18+$0x8240] =	vst v1;
	v1 =	vmax.f32 v4, $0.0e+00;
	v0 =	vadd.f32 v10, v0  }
0x6d: {  	v9 =	vld [tilespmem:s19+$0x4220];
	[tilespmem:s18+$0x8250] =	vst v1;
	v1 =	vmax.f32 v2, $0.0e+00  }
0x6e: {  	v7 =	vld [tilespmem:s19+$0x230];
	[tilespmem:s18+$0x8260] =	vst v1;
	v0 =	vmax.f32 v0, $0.0e+00  }
0x6f: {  	v11 =	vld [tilespmem:s19+$0x4230];
	[tilespmem:s18+$0x8270] =	vst v0;
	s18 =	smov.u32 s19  }
0x70: {  	v8 =	vld [tilespmem:s18+$0x240]  }
0x71: {  	v10 =	vld [tilespmem:s18+$0x4240]  }
0x72: {  	v4 =	vld [tilespmem:s18+$0x250]  }
0x73: {  	v6 =	vld [tilespmem:s18+$0x4250]  }
0x74: {  	v2 =	vld [tilespmem:s18+$0x260]  }
0x75: {  	v3 =	vld [tilespmem:s18+$0x4260]  }
0x76: {  	v0 =	vld [tilespmem:s18+$0x270]  }
0x77: {  	v1 =	vld [tilespmem:s18+$0x4270]  }
.Ltmp0:
0x78: {  	v16 =	vld [tilespmem:s18+$0x8200];
	(pc) =	sbr.rel @p1 .LBB2_3-.Ltmp0, $4  }
0x79: {  	v15 =	vld [tilespmem:s18+$0x8210]  }
0x7a: {  	v14 =	vld [tilespmem:s18+$0x8220]  }
0x7b: {  	v18 =	vadd.f32 v13, v17;
	v13 =	vld [tilespmem:s18+$0x8230]  }
0x7c: {  	s2 =	sadd.s32 $0x200, s2;
	v17 =	vadd.f32 v19, v12;
	v12 =	vld [tilespmem:s18+$0x8240]  }
0x7d: {  	v16 =	vadd.f32 v16, v18  }
0x7e: {  	v5 =	vadd.f32 v9, v5;
	v9 =	vld [tilespmem:s18+$0x8250];
	v7 =	vadd.f32 v11, v7  }
0x7f: {  	v8 =	vadd.f32 v10, v8;
	v10 =	vld [tilespmem:s18+$0x8270];
	v15 =	vadd.f32 v15, v17  }
0x80: {  	v11 =	vld [tilespmem:s18+$0x8260];
	v16 =	vmax.f32 v16, $0.0e+00;
	v5 =	vadd.f32 v14, v5  }
0x81: {  	v4 =	vadd.f32 v6, v4;
	[tilespmem:s18+$0x8200] =	vst v16;
	v14 =	vmax.f32 v15, $0.0e+00;
	v7 =	vadd.f32 v13, v7  }
0x82: {  	v0 =	vadd.f32 v1, v0;
	[tilespmem:s18+$0x8210] =	vst v14;
	v5 =	vmax.f32 v5, $0.0e+00;
	v6 =	vadd.f32 v12, v8  }
0x83: {  	v2 =	vadd.f32 v3, v2;
	[tilespmem:s18+$0x8220] =	vst v5;
	v3 =	vmax.f32 v7, $0.0e+00;
	v4 =	vadd.f32 v9, v4  }
0x84: {  	v0 =	vadd.f32 v10, v0;
	[tilespmem:s18+$0x8230] =	vst v3;
	v1 =	vmax.f32 v6, $0.0e+00  }
0x85: {  	v2 =	vadd.f32 v11, v2;
	[tilespmem:s18+$0x8240] =	vst v1;
	v1 =	vmax.f32 v4, $0.0e+00  }
0x86: {  	v0 =	vmax.f32 v0, $0.0e+00;
	[tilespmem:s18+$0x8250] =	vst v1  }
0x87: {  	v1 =	vmax.f32 v2, $0.0e+00;
	[tilespmem:s18+$0x8270] =	vst v0  }
0x88: {  	p1 =	seq.s32 s16, $0x27;
	[tilespmem:s18+$0x8260] =	vst v1  }
0x89: {  	[spmem:s1] =	stream.indirect.scatter.add.f32 [tilespmem:s28], [sflag:$0x7], $0x80, s23, s24, $0xb8;
	[tilespmem:$0x1FAC0] =	vst v63  }
0x8a: {  	s2 =	sadd.s32 @!p1 s17, s15;
	_ =	swait.ge [sflag:s22], $0x2000  }
0x8b: {  	s17 =	sshrl.u32 @!p1 s2, $0x3;
	[sflag:s22] =	ssyncset.done $0x0  }
0x8c: {  	s19 =	simm.s32 @!p1 $0x0;
	s18 =	sadd.s32 @!p1 s7, s17;
	[sflag:s22] =	ssyncadd.s32 $0xFFFFE000  }
0x8d: {  	[tilespmem:s19], [sflag:$0x7] =	stream.linear.gather @!p1 [hbm4b:s18+s19], $0x40, $0x38;
	[tilespmem:$0x1FAC0] =	vst v63  }
0x8e: {  	s18 =	simm.s32 @!p1 $0x7  }
0x8f: {  	_ =	swait.ge @!p1 [sflag:s18], $0x40  }
0x90: {  	[sflag:s18] =	ssyncset.done @!p1 $0x0  }
0x91: {  	s20 =	simm.s32 @!p1 $0x100;
	s17 =	sadd.s32 @!p1 s8, s17;
	[sflag:s18] =	ssyncadd.s32 @!p1 $0xFFFFFFC0  }
0x92: {  	[tilespmem:s20], [sflag:$0x7] =	stream.linear.gather @!p1 [hbm4b:s17+s19], $0x40, $0x38;
	[tilespmem:$0x1FAC0] =	vst v63  }
0x93: {  	_ =	swait.ge @!p1 [sflag:s18], $0x40  }
0x94: {  	[sflag:s18] =	ssyncset.done @!p1 $0x0  }
0x95: {  	s17 =	simm.s32 @!p1 $0x40;
	[sflag:s18] =	ssyncadd.s32 @!p1 $0xFFFFFFC0;
	s18 =	simm.s32 @!p1 $0x200  }
0x96: {  	[tilespmem:s18], [sflag:$0x1] =	stream.indirect.gather @!p1 [hbm4b:s4+s17], $0x80, s19, s17, $0xb8;
	[tilespmem:$0x1FAC0] =	vst v63  }
0x97: {  	s2 =	sshll.u32 @!p1 s2, $0x4;
	s18 =	simm.s32 @!p1 $0x4200  }
0x98: {  	[tilespmem:s18], [sflag:$0x3] =	stream.indirect.gather @!p1 [hbm4b:s5+s17], $0x80, s20, s17, $0xb8;
	[tilespmem:$0x1FAC0] =	vst v63  }
0x99: {  	s2 =	sadd.s32 @!p1 s6, s2;
	s17 =	simm.s32 @!p1 $0x8200  }
0x9a: {  	[tilespmem:s17], [sflag:$0x5] =	stream.linear.gather @!p1 [hbm4b:s2+s19], $0x2000, $0x38;
	[tilespmem:$0x1FAC0] =	vst v63  }
0x9b: {  	_ =	swait.ge [sflag:s11], $0x2000  }
0x9c: {  	[sflag:s11] =	ssyncset.done $0x0  }
0x9d: {  	[sflag:s11] =	ssyncadd.s32 $0xFFFFE000  }
0x9e: {  	_ =	swait.ge [sflag:s12], $0x2000  }
0x9f: {  	[sflag:s12] =	ssyncset.done $0x0  }
0xa0: {  	[sflag:s12] =	ssyncadd.s32 $0xFFFFE000  }
0xa1: {  	_ =	swait.ge [sflag:s13], $0x2000  }
0xa2: {  	[sflag:s13] =	ssyncset.done $0x0  }
0xa3: {  	s17 =	simm.s32 $0x0;
	[sflag:s13] =	ssyncadd.s32 $0xFFFFE000  }
0xa4: {  	v12 =	vld [tilespmem:s17+$0x2200]  }
0xa5: {  	v17 =	vld [tilespmem:s17+$0x6200]  }
0xa6: {  	v19 =	vld [tilespmem:s17+$0x2210]  }
0xa7: {  	v20 =	vld [tilespmem:s17+$0x6210]  }
0xa8: {  	v5 =	vld [tilespmem:s17+$0x2220]  }
0xa9: {  	v9 =	vld [tilespmem:s17+$0x6220]  }
0xaa: {  	v7 =	vld [tilespmem:s17+$0x2230]  }
0xab: {  	v11 =	vld [tilespmem:s17+$0x6230]  }
0xac: {  	v8 =	vld [tilespmem:s17+$0x2240]  }
0xad: {  	v10 =	vld [tilespmem:s17+$0x6240]  }
0xae: {  	v4 =	vld [tilespmem:s17+$0x2250]  }
0xaf: {  	v6 =	vld [tilespmem:s17+$0x6250]  }
0xb0: {  	v2 =	vld [tilespmem:s17+$0x2260]  }
0xb1: {  	v3 =	vld [tilespmem:s17+$0x6260]  }
0xb2: {  	v0 =	vld [tilespmem:s17+$0x2270]  }
0xb3: {  	v1 =	vld [tilespmem:s17+$0x6270]  }
0xb4: {  	v16 =	vld [tilespmem:s17+$0xA200]  }
0xb5: {  	v15 =	vld [tilespmem:s17+$0xA210]  }
0xb6: {  	v14 =	vld [tilespmem:s17+$0xA220]  }
0xb7: {  	v13 =	vld [tilespmem:s17+$0xA230];
	v18 =	vadd.f32 v17, v12  }
0xb8: {  	s2 =	simm.s32 $0x200;
	v17 =	vadd.f32 v20, v19;
	v12 =	vld [tilespmem:s17+$0xA240]  }
.LBB2_5:
0xb9: {  	p1 =	sne.s32 s2, $0x7E00;
	v16 =	vadd.f32 v16, v18;
	v5 =	vadd.f32 v9, v5;
	v9 =	vld [tilespmem:s17+$0xA250]  }
0xba: {  	v7 =	vadd.f32 v11, v7;
	v15 =	vadd.f32 v15, v17;
	v11 =	vld [tilespmem:s17+$0xA260]  }
0xbb: {  	s18 =	sshra.s32 s2, $0x2;
	v8 =	vadd.f32 v10, v8;
	v16 =	vmax.f32 v16, $0.0e+00;
	v5 =	vadd.f32 v14, v5;
	v10 =	vld [tilespmem:s17+$0xA270]  }
0xbc: {  	v4 =	vadd.f32 v6, v4;
	v17 =	vld [tilespmem:s18+$0x2200];
	[tilespmem:s17+$0xA200] =	vst v16;
	v14 =	vmax.f32 v15, $0.0e+00;
	v7 =	vadd.f32 v13, v7  }
0xbd: {  	v2 =	vadd.f32 v3, v2;
	v13 =	vld [tilespmem:s18+$0x6200];
	[tilespmem:s17+$0xA210] =	vst v14;
	v5 =	vmax.f32 v5, $0.0e+00;
	v6 =	vadd.f32 v12, v8  }
0xbe: {  	v0 =	vadd.f32 v1, v0;
	v12 =	vld [tilespmem:s18+$0x2210];
	[tilespmem:s17+$0xA220] =	vst v5;
	v3 =	vmax.f32 v7, $0.0e+00;
	v4 =	vadd.f32 v9, v4  }
0xbf: {  	v19 =	vld [tilespmem:s18+$0x6210];
	[tilespmem:s17+$0xA230] =	vst v3;
	v1 =	vmax.f32 v6, $0.0e+00;
	v2 =	vadd.f32 v11, v2  }
0xc0: {  	v5 =	vld [tilespmem:s18+$0x2220];
	[tilespmem:s17+$0xA240] =	vst v1;
	v1 =	vmax.f32 v4, $0.0e+00;
	v0 =	vadd.f32 v10, v0  }
0xc1: {  	v9 =	vld [tilespmem:s18+$0x6220];
	[tilespmem:s17+$0xA250] =	vst v1;
	v1 =	vmax.f32 v2, $0.0e+00  }
0xc2: {  	v7 =	vld [tilespmem:s18+$0x2230];
	[tilespmem:s17+$0xA260] =	vst v1;
	v0 =	vmax.f32 v0, $0.0e+00  }
0xc3: {  	v11 =	vld [tilespmem:s18+$0x6230];
	[tilespmem:s17+$0xA270] =	vst v0;
	s17 =	smov.u32 s18  }
0xc4: {  	v8 =	vld [tilespmem:s17+$0x2240]  }
0xc5: {  	v10 =	vld [tilespmem:s17+$0x6240]  }
0xc6: {  	v4 =	vld [tilespmem:s17+$0x2250]  }
0xc7: {  	v6 =	vld [tilespmem:s17+$0x6250]  }
0xc8: {  	v2 =	vld [tilespmem:s17+$0x2260]  }
0xc9: {  	v3 =	vld [tilespmem:s17+$0x6260]  }
0xca: {  	v0 =	vld [tilespmem:s17+$0x2270]  }
0xcb: {  	v1 =	vld [tilespmem:s17+$0x6270]  }
.Ltmp1:
0xcc: {  	v16 =	vld [tilespmem:s17+$0xA200];
	(pc) =	sbr.rel @p1 .LBB2_5-.Ltmp1, $4  }
0xcd: {  	v15 =	vld [tilespmem:s17+$0xA210]  }
0xce: {  	v14 =	vld [tilespmem:s17+$0xA220]  }
0xcf: {  	v18 =	vadd.f32 v13, v17;
	v13 =	vld [tilespmem:s17+$0xA230]  }
0xd0: {  	s2 =	sadd.s32 $0x200, s2;
	v17 =	vadd.f32 v19, v12;
	v12 =	vld [tilespmem:s17+$0xA240]  }
0xd1: {  	v16 =	vadd.f32 v16, v18;
	v5 =	vadd.f32 v9, v5;
	v55 =	vld [tilespmem:s17+$0xA250]  }
0xd2: {  	v7 =	vadd.f32 v11, v7;
	v56 =	vld [tilespmem:s17+$0xA260];
	v15 =	vadd.f32 v15, v17  }
0xd3: {  	v8 =	vadd.f32 v10, v8;
	v57 =	vld [tilespmem:s17+$0xA270];
	v16 =	vmax.f32 v16, $0.0e+00;
	v5 =	vadd.f32 v14, v5  }
0xd4: {  	v4 =	vadd.f32 v6, v4;
	[tilespmem:s17+$0xA200] =	vst v16;
	v58 =	vmax.f32 v15, $0.0e+00;
	v7 =	vadd.f32 v13, v7  }
0xd5: {  	v2 =	vadd.f32 v3, v2;
	[tilespmem:s17+$0xA210] =	vst v58;
	v5 =	vmax.f32 v5, $0.0e+00;
	v59 =	vadd.f32 v12, v8  }
0xd6: {  	v0 =	vadd.f32 v1, v0;
	[tilespmem:s17+$0xA220] =	vst v5;
	v60 =	vmax.f32 v7, $0.0e+00;
	v4 =	vadd.f32 v55, v4  }
0xd7: {  	v2 =	vadd.f32 v56, v2;
	[tilespmem:s17+$0xA230] =	vst v60;
	v61 =	vmax.f32 v59, $0.0e+00  }
0xd8: {  	v0 =	vadd.f32 v57, v0;
	[tilespmem:s17+$0xA240] =	vst v61;
	v62 =	vmax.f32 v4, $0.0e+00  }
0xd9: {  	s16 =	sadd.s32 $0x1, s16;
	v63 =	vmax.f32 v2, $0.0e+00;
	[tilespmem:s17+$0xA250] =	vst v62  }
0xda: {  	p1 =	sne.s32 s16, $0x28;
	v0 =	vmax.f32 v0, $0.0e+00;
	[tilespmem:s17+$0xA260] =	vst v63  }
.Ltmp2:
0xdb: {  	[tilespmem:s17+$0xA270] =	vst v0;
	(pc) =	sbr.rel @p1 .LBB2_2-.Ltmp2, $4  }
0xdc: {  	[spmem:s1] =	stream.indirect.scatter.add.f32 [tilespmem:s3], [sflag:$0x7], $0x80, s30, s24, $0xb8;
	[tilespmem:$0x1FAC0] =	vst v63  }
0xdd: {  	_ =	swait.ge [sflag:s22], $0x2000  }
0xde: {  	[sflag:s22] =	ssyncset.done $0x0  }
0xdf: {  	[sflag:s22] =	ssyncadd.s32 $0xFFFFE000  }
0xe0: {  	[bflag:$0x0] =	sbarrier.arrive $0xFFFF  }
0xe1: {  	s2 =	simm.s32 @p0 $0x1FC7;
	s16 =	rddreg [dreg:$0x9]  }
0xe2: {  	[hbm:s16], [sflag:s2] =	dma.local @p0 [spmem:s21], $0x2800  }
0xe3: {  	s2 =	simm.s32 @p0 $0x7  }
0xe4: {  	_ =	swait.ge @p0 [sflag:s2], $0x2800  }
0xe5: {  	s18 =	rddreg [dreg:$0xb]  }
0xe6: {  	[sflag:s2] =	ssyncset.done @p0 $0x0;
	s19 =	rddreg [dreg:$0xc]  }
0xe7: {  	[sflag:s2] =	ssyncadd.s32 @p0 $0xFFFFD800;
	s2 =	rddreg [dreg:$0x8]  }
0xe8: {  	[hbm:s2], [sflag:s18] =	dma.local @!p0 [spmem:s19], $0x2700  }
0xe9: {  	s2 =	simm.s32 @!p0 $0x7  }
0xea: {  	_ =	swait.ge @!p0 [sflag:s2], $0x2700  }
0xeb: {  	s17 =	smov.u32 s21;
	s14 =	sadd.s32 $0x1, s14;
	s21 =	rddreg [dreg:$0xa]  }
0xec: {  	p1 =	sne.s32 s14, s21  }
.Ltmp3:
0xed: {  	_ = 	snop;
	(pc) =	sbr.rel @p1 .LBB2_1-.Ltmp3, $3  }
0xee: {  	_ =	sdelay $0x1  }
0xef: {  	[sflag:s2] =	ssyncset.done @!p0 $0x0  }
0xf0: {  	[sflag:s2] =	ssyncadd.s32 @!p0 $0xFFFFD900  }
0xf1: {  	_ =	sfence.sel $0x180000  }
0xf2: {  	[bflag:$0x0] =	sbarrier.arrive $0xFFFF  }
0xf3: {  	_ =	strace $0x90000050  }
0xf4: {  	s0 =	stileid.u32;
	[bflag:$0x2] =	sbarrier.arrive $0xFFFF  }
0xf5: {  	p0 =	sne.s32 s0, $0x0;
	s0 =	rddreg [dreg:$0x2]  }
0xf6: {  	s0 =	sadd.s32 @!p0 $0x100000, s0  }
0xf7: {  	[sflag:s0] =	ssyncadd.tile.s32 @!p0 $0x1;
	_ =	shalt  }
.Lfunc_end2:
_tile_overlayer_lowered:
.L_overlay_start_2:
0xf8: {  	(tag) =	ssettag $0x2  }
0xf9: {  	s0 =	rddreg [dreg:$0x0];
	s2 =	stileid.u32  }
0xfa: {  	s1 =	rddreg [dreg:$0x1];
	p0 =	sne.s32 s2, $0x0  }
0xfb: {  	s3 =	rddreg [dreg:$0x2];
	[bflag:$0x3] =	sbarrier.arrive $0xFFFF;
	s2 =	simm.s32 @!p0 $0x1C07  }
0xfc: {  	[timem:s3], [sflag:s2] =	dma.local @!p0 [hbm:s0], s1  }
0xfd: {  	s0 =	simm.s32 @!p0 $0x7  }
0xfe: {  	_ =	swait.ge @!p0 [sflag:s0], s1  }
0xff: {  	s1 =	ssub.s32 @!p0 $0x0, s1;
	[sflag:s0] =	ssyncset.done @!p0 $0x0  }
0x100: {  	[sflag:s0] =	ssyncadd.s32 @!p0 s1  }
0x101: {  	[bflag:$0x3] =	sbarrier.arrive $0xFFFF  }
0x102: {  	_ =	shalt  }

</sc_bundles>
